<compile_context>
chip_gen: v7x
topology: tpu7x:2x2x1
jax: 0.10.2.dev20260603
libtpu: 0.0.44.dev20260713+nightly
codegen_flags: <defaults>
</compile_context>

<pallas_src>
import functools

import jax
import jax.numpy as jnp
from jax import lax
from jax.experimental import pallas as pl
from jax.experimental.pallas import tpu as pltpu
from jax.experimental.pallas import tpu_sc as plsc

B, ZCH, H, W_ = 16, 256, 32, 32
EMBED = 256
VOCAB = 8192
HW = H * W_
VC = 1024
NV = VOCAB // VC
WIN = ((0, 2736), (2736, 5472), (5472, VOCAB))


def _vq_kernel(x_ref, wpre_ref, bpre_ref, cbm2_ref, cnorm_ref, sumz_ref,
               tok_ref, z_s, sumz_s, wv0, wi0, wv1, wi1, wv2, wi2):
    v = pl.program_id(1)

    @pl.when(v == 0)
    def _():
        x_b = x_ref[0]
        z = jnp.dot(wpre_ref[...], x_b,
                    preferred_element_type=jnp.float32) + bpre_ref[...]
        z_s[...] = z
        sumz_s[...] = sumz_ref[0]
        for wv, wi in ((wv0, wi0), (wv1, wi1), (wv2, wi2)):
            wv[...] = jnp.full((1, HW), jnp.inf, jnp.float32)
            wi[...] = jnp.zeros((1, HW), jnp.int32)

    accs = ((wv0, wi0), (wv1, wi1), (wv2, wi2))
    BS = 16

    def _update(dw, base, wv, wi):
        n = dw.shape[0]
        accv = dw[:BS]
        acck = jnp.zeros((BS, HW), jnp.int32)
        for k in range(1, n // BS):
            blk = dw[k * BS:(k + 1) * BS]
            t = blk < accv
            accv = jnp.minimum(accv, blk)
            acck = jnp.where(t, k, acck)
        idx = acck * BS + jax.lax.broadcasted_iota(jnp.int32, (BS, HW), 0)
        cmin = jnp.min(accv, axis=0, keepdims=True)
        carg = jnp.min(jnp.where(accv == cmin, idx, VOCAB), axis=0,
                       keepdims=True) + base
        take = cmin < wv[...]
        wi[...] = jnp.where(take, carg, wi[...])
        wv[...] = jnp.where(take, cmin, wv[...])

    cbm2 = cbm2_ref[...]
    mm2 = jnp.dot(cbm2, z_s[...], preferred_element_type=jnp.float32)
    dist = (sumz_s[...] + cnorm_ref[...]) + mm2

    for c in range(NV):
        lo_c, hi_c = c * VC, (c + 1) * VC
        segs = [(w, max(lo, lo_c), min(hi, hi_c))
                for w, (lo, hi) in enumerate(WIN)
                if lo < hi_c and hi > lo_c]

        @pl.when(v == c)
        def _(c=c, segs=segs):
            for w, lo, hi in segs:
                _update(dist[lo - lo_c:hi - lo_c], lo, *accs[w])

    @pl.when(v == NV - 1)
    def _():
        acc_v = jnp.full((1, HW), jnp.inf, jnp.float32)
        acc_i = jnp.zeros((1, HW), jnp.int32)
        for wv, wi in ((wv0, wi0), (wv1, wi1), (wv2, wi2)):
            take = wv[...] < acc_v
            acc_i = jnp.where(take, wi[...], acc_i)
            acc_v = jnp.where(take, wv[...], acc_v)
            acc_v = acc_v.astype(jnp.bfloat16).astype(jnp.float32)
        tok_ref[0] = acc_i


def _vq_call(xr, W_pre, b_pre, cbm2, cnorm, sumz):
    return pl.pallas_call(
        _vq_kernel,
        grid=(B, NV),
        compiler_params=pltpu.CompilerParams(
            dimension_semantics=("parallel", "arbitrary")),
        in_specs=[
            pl.BlockSpec((1, ZCH, HW), lambda b, v: (b, 0, 0)),
            pl.BlockSpec((EMBED, ZCH), lambda b, v: (0, 0)),
            pl.BlockSpec((EMBED, 1), lambda b, v: (0, 0)),
            pl.BlockSpec((VC, EMBED), lambda b, v: (v, 0)),
            pl.BlockSpec((VC, 1), lambda b, v: (v, 0)),
            pl.BlockSpec((1, 1, HW), lambda b, v: (b, 0, 0)),
        ],
        out_specs=pl.BlockSpec((1, 1, HW), lambda b, v: (b, 0, 0)),
        out_shape=jax.ShapeDtypeStruct((B, 1, HW), jnp.int32),
        scratch_shapes=[pltpu.VMEM((EMBED, HW), jnp.float32)] +
                       [pltpu.VMEM((1, HW), t) for t in
                        (jnp.float32, jnp.float32, jnp.int32, jnp.float32,
                         jnp.int32, jnp.float32, jnp.int32)],
    )(xr, W_pre, b_pre.reshape(EMBED, 1), cbm2, cnorm, sumz)


def _post_table_kernel(cb_ref, wpost_ref, bpost_ref, out_ref, cbm2_ref,
                       cnorm_ref):
    cb = cb_ref[...]
    out_ref[...] = jnp.dot(cb, wpost_ref[...],
                           preferred_element_type=jnp.float32) + bpost_ref[...]
    cbm2 = -2.0 * cb
    cbm2_ref[...] = cbm2
    cnorm_ref[...] = 0.25 * jnp.sum(cbm2 * cbm2, axis=1, keepdims=True)


def _post_table(codebook, W_post, b_post):
    return pl.pallas_call(
        _post_table_kernel,
        grid=(NV,),
        in_specs=[
            pl.BlockSpec((VC, EMBED), lambda v: (v, 0)),
            pl.BlockSpec((EMBED, ZCH), lambda v: (0, 0)),
            pl.BlockSpec((1, ZCH), lambda v: (0, 0)),
        ],
        out_specs=[pl.BlockSpec((VC, ZCH), lambda v: (v, 0)),
                   pl.BlockSpec((VC, EMBED), lambda v: (v, 0)),
                   pl.BlockSpec((VC, 1), lambda v: (v, 0))],
        out_shape=[jax.ShapeDtypeStruct((VOCAB, ZCH), jnp.float32),
                   jax.ShapeDtypeStruct((VOCAB, EMBED), jnp.float32),
                   jax.ShapeDtypeStruct((VOCAB, 1), jnp.float32)],
    )(codebook, W_post.T, b_post.reshape(1, ZCH))


def _sc_gather2(codebook, table, tokens):
    info = plsc.get_sparse_core_info()
    nw = info.num_cores * info.num_subcores
    n = B * HW
    b_per_w = n // nw
    CH = 128
    mesh = plsc.VectorSubcoreMesh(core_axis_name="c", subcore_axis_name="s")

    @functools.partial(
        pl.kernel, mesh=mesh,
        out_type=[jax.ShapeDtypeStruct((n, EMBED), jnp.float32),
                  jax.ShapeDtypeStruct((n, ZCH), jnp.float32)],
        scratch_types=[
            pltpu.VMEM((CH,), jnp.int32),
            pltpu.VMEM((CH, EMBED), jnp.float32),
            pltpu.VMEM((CH, ZCH), jnp.float32),
            pltpu.SemaphoreType.DMA,
            pltpu.SemaphoreType.DMA,
        ],
    )
    def k(cb_hbm, tb_hbm, idx_hbm, zq_hbm, rec_hbm, idx_v, r1, r2, s1, s2):
        wid = lax.axis_index("s") * info.num_cores + lax.axis_index("c")
        base = wid * b_per_w

        def body(i, _):
            off = base + i * CH
            pltpu.sync_copy(idx_hbm.at[pl.ds(off, CH)], idx_v)
            c1 = pltpu.async_copy(cb_hbm.at[idx_v], r1, s1)
            c2 = pltpu.async_copy(tb_hbm.at[idx_v], r2, s2)
            c1.wait()
            c2.wait()
            pltpu.sync_copy(r1, zq_hbm.at[pl.ds(off, CH)])
            pltpu.sync_copy(r2, rec_hbm.at[pl.ds(off, CH)])
            return 0

        lax.fori_loop(0, b_per_w // CH, body, 0)

    return k(codebook, table, tokens)


def kernel(x, W_pre, b_pre, codebook, W_post, b_post):
    z_x = jnp.einsum('bchw,ec->behw', x, W_pre) + b_pre[None, :, None, None]
    z_flat = jnp.transpose(z_x, (0, 2, 3, 1)).reshape(-1, 256)
    sumz = jnp.sum(z_flat ** 2, axis=1)

    xr = x.reshape(B, ZCH, HW)
    table, cbm2, cnorm = _post_table(codebook, W_post, b_post)
    tok = _vq_call(xr, W_pre, b_pre, cbm2, cnorm, sumz.reshape(B, 1, HW))
    tokens = tok.reshape(B * HW)
    zq_flat, rec_flat = _sc_gather2(codebook, table, tokens)
    z_out = z_x
    z_q = zq_flat.reshape(B, H, W_, EMBED).transpose(0, 3, 1, 2)
    rec = rec_flat.reshape(B, H, W_, ZCH).transpose(0, 3, 1, 2)
    return (z_out, z_q, rec)

# --- scband reference (transcript-rebuilt; emitter-appended) ---
"""Pipeline reference for scband-tokenizer-1382979469374 (READ-ONLY COPY).

The authoritative reference and input builder live on the scoring server;
editing this copy changes nothing except your own understanding.
"""

import jax, jax.numpy as jnp
import numpy as np

VOCAB = 8192
EMBED = 256
ZCH = 256
B, H, W = 16, 32, 32

def setup_inputs(seed: int = 0) -> dict:
    key = jax.random.key(seed)
    k1, k2, k3, k4, k5 = jax.random.split(key, 5)
    x = jax.random.normal(k1, (B, ZCH, H, W), dtype=jnp.float32)
    W_pre = jax.random.normal(k2, (EMBED, ZCH), dtype=jnp.float32) * (1.0 / np.sqrt(ZCH))
    b_pre = jnp.zeros((EMBED,), dtype=jnp.float32)
    # embedding.weight.data.uniform_(-1/vocab, 1/vocab)
    codebook = jax.random.uniform(k3, (VOCAB, EMBED), dtype=jnp.float32, minval=-1.0 / VOCAB, maxval=1.0 / VOCAB)
    W_post = jax.random.normal(k4, (ZCH, EMBED), dtype=jnp.float32) * (1.0 / np.sqrt(EMBED))
    b_post = jnp.zeros((ZCH,), dtype=jnp.float32)
    return {"x": x, "W_pre": W_pre, "b_pre": b_pre, "codebook": codebook, "W_post": W_post, "b_post": b_post}

def reference(x, W_pre, b_pre, codebook, W_post, b_post):
    # encoder modeled as identity on latent feature map (external Encoder not provided)
    z_enc = x
    # pre_quant_conv: 1x1 Conv2d(z_channels -> embed_dim)
    z = jnp.einsum('bchw,ec->behw', z_enc, W_pre) + b_pre[None, :, None, None]
    b, e, h, w = z.shape
    # rearrange 'b e h w -> (b h w) e'
    z_flat = jnp.transpose(z, (0, 2, 3, 1)).reshape(-1, e)
    # squared L2 distance to every codebook vector
    dist = (jnp.sum(z_flat ** 2, axis=1, keepdims=True)
            + jnp.sum(codebook ** 2, axis=1)
            - 2.0 * jnp.matmul(z_flat, codebook.T))
    tokens = jnp.argmin(dist, axis=-1)
    # embedding lookup (gather) then rearrange back
    z_q = jnp.take(codebook, tokens, axis=0).reshape(b, h, w, e)
    z_q = jnp.transpose(z_q, (0, 3, 1, 2))
    # straight-through estimator
    decoder_input = z + jax.lax.stop_gradient(z_q - z)
    # post_quant_conv: 1x1 Conv2d(embed_dim -> z_channels); decoder modeled as identity
    rec = jnp.einsum('behw,ce->bchw', decoder_input, W_post) + b_post[None, :, None, None]
    return (z, z_q, rec)

if __name__ == "__main__":
    import jax
    _d = setup_inputs()
    print(jax.jit(kernel)(*tuple(_d.values())))

</pallas_src>

<mosaic_0001>
#map = affine_map<(d0, d1) -> (0, 0)>
#map1 = affine_map<(d0, d1) -> (0)>
module attributes {stable_mosaic.version = 14 : i64} {
  func.func @k(%arg0: i32, %arg1: i32, %arg2: memref<8192x256xf32, #tpu.memory_space<hbm>>, %arg3: memref<8192x256xf32, #tpu.memory_space<hbm>>, %arg4: memref<16384xi32, #tpu.memory_space<hbm>>, %arg5: memref<16384x256xf32, #tpu.memory_space<hbm>>, %arg6: memref<16384x256xf32, #tpu.memory_space<hbm>>, %arg7: memref<128xi32, #tpu.memory_space<vmem>>, %arg8: memref<128x256xf32, #tpu.memory_space<vmem>>, %arg9: memref<128x256xf32, #tpu.memory_space<vmem>>, %arg10: memref<!tpu.dma_semaphore, #tpu.memory_space<semaphore_mem>>, %arg11: memref<!tpu.dma_semaphore, #tpu.memory_space<semaphore_mem>>) attributes {dimension_semantics = [#tpu.dimension_semantics<core_parallel>, #tpu.dimension_semantics<subcore_parallel>], iteration_bounds = array<i64: 2, 16>, scalar_prefetch = 0 : i64, scratch_operands = 5 : i64, tpu.core_type = #tpu.core_type<sc_vector_subcore>, window_params = [{transform_indices = #map}, {transform_indices = #map}, {transform_indices = #map1}, {transform_indices = #map}, {transform_indices = #map}]} {
    %mul3A = arith.constant 2 : i32
    %mul3A_0 = arith.muli %arg1, %mul3A : i32
    %add3A = arith.addi %mul3A_0, %arg0 : i32
    %mul3A_1 = arith.constant 512 : i32
    %mul3A_2 = arith.muli %add3A, %mul3A_1 : i32
    %scan3A = arith.constant 0 : i32
    %scan3A_3 = arith.constant 0 : i32
    %scan3A_4 = arith.constant 4 : i32
    %scan3A_5 = arith.addi %scan3A_3, %scan3A_4 : i32
    %scan3A_6 = arith.constant 1 : i32
    %scan3A_7 = scf.for %scan3A_9 = %scan3A_3 to %scan3A_5 step %scan3A_6 iter_args(%scan3A_10 = %scan3A) -> (i32)  : i32 {
      %mul3A_11 = arith.constant 128 : i32
      %mul3A_12 = arith.muli %scan3A_9, %mul3A_11 : i32
      %add3A_13 = arith.addi %mul3A_2, %mul3A_12 : i32
      "tpu.region"() ({
        %run_scoped3A = tpu.sem_alloc : memref<!tpu.dma_semaphore, #tpu.memory_space<semaphore_mem>>
        %dma_start3A_25 = tpu.memref_slice %arg4[%add3A_13] : memref<16384xi32, #tpu.memory_space<hbm>> -> memref<128xi32, #tpu.memory_space<hbm>>
        %dma_start3A_26 = tpu.memref_slice %arg4[%add3A_13] : memref<16384xi32, #tpu.memory_space<hbm>> -> memref<128xi32, #tpu.memory_space<hbm>>
        tpu.enqueue_dma source(%dma_start3A_26 : memref<128xi32, #tpu.memory_space<hbm>>) target(%arg7 : memref<128xi32, #tpu.memory_space<vmem>>) target_semaphore(%run_scoped3A : memref<!tpu.dma_semaphore, #tpu.memory_space<semaphore_mem>>)
        %dma_wait3A_27 = tpu.memref_slice %arg4[%add3A_13] : memref<16384xi32, #tpu.memory_space<hbm>> -> memref<128xi32, #tpu.memory_space<hbm>>
        %dma_wait3A_28 = tpu.memref_slice %arg4[%add3A_13] : memref<16384xi32, #tpu.memory_space<hbm>> -> memref<128xi32, #tpu.memory_space<hbm>>
        tpu.wait_dma2 semaphore(%run_scoped3A : memref<!tpu.dma_semaphore, #tpu.memory_space<semaphore_mem>>) src(%dma_wait3A_28 : memref<128xi32, #tpu.memory_space<hbm>>) dst(%arg7 : memref<128xi32, #tpu.memory_space<vmem>>)
        tpu.yield
      }) : () -> ()
      %dma_start3A = arith.constant 0 : i32
      %dma_start3A_14 = arith.constant 0 : i32
      %dma_start3A_15 = tpu.memref_slice %arg2[%dma_start3A, %dma_start3A_14] : memref<8192x256xf32, #tpu.memory_space<hbm>> -> memref<8192x256xf32, #tpu.memory_space<hbm>>
      tpu.enqueue_indirect_dma source(%dma_start3A_15 : memref<8192x256xf32, #tpu.memory_space<hbm>>) target(%arg8 : memref<128x256xf32, #tpu.memory_space<vmem>>) offsets(%arg7 : memref<128xi32, #tpu.memory_space<vmem>>) semaphore(%arg10 : memref<!tpu.dma_semaphore, #tpu.memory_space<semaphore_mem>>)
      %dma_start3A_16 = arith.constant 0 : i32
      %dma_start3A_17 = arith.constant 0 : i32
      %dma_start3A_18 = tpu.memref_slice %arg3[%dma_start3A_16, %dma_start3A_17] : memref<8192x256xf32, #tpu.memory_space<hbm>> -> memref<8192x256xf32, #tpu.memory_space<hbm>>
      tpu.enqueue_indirect_dma source(%dma_start3A_18 : memref<8192x256xf32, #tpu.memory_space<hbm>>) target(%arg9 : memref<128x256xf32, #tpu.memory_space<vmem>>) offsets(%arg7 : memref<128xi32, #tpu.memory_space<vmem>>) semaphore(%arg11 : memref<!tpu.dma_semaphore, #tpu.memory_space<semaphore_mem>>)
      %dma_wait3A = arith.constant 0 : i32
      %dma_wait3A_19 = arith.constant 0 : i32
      %dma_wait3A_20 = tpu.memref_slice %arg2[%dma_wait3A, %dma_wait3A_19] : memref<8192x256xf32, #tpu.memory_space<hbm>> -> memref<8192x256xf32, #tpu.memory_space<hbm>>
      tpu.wait_indirect_dma semaphore(%arg10 : memref<!tpu.dma_semaphore, #tpu.memory_space<semaphore_mem>>) src(%dma_wait3A_20 : memref<8192x256xf32, #tpu.memory_space<hbm>>) dst(%arg8 : memref<128x256xf32, #tpu.memory_space<vmem>>)
      %dma_wait3A_21 = arith.constant 0 : i32
      %dma_wait3A_22 = arith.constant 0 : i32
      %dma_wait3A_23 = tpu.memref_slice %arg3[%dma_wait3A_21, %dma_wait3A_22] : memref<8192x256xf32, #tpu.memory_space<hbm>> -> memref<8192x256xf32, #tpu.memory_space<hbm>>
      tpu.wait_indirect_dma semaphore(%arg11 : memref<!tpu.dma_semaphore, #tpu.memory_space<semaphore_mem>>) src(%dma_wait3A_23 : memref<8192x256xf32, #tpu.memory_space<hbm>>) dst(%arg9 : memref<128x256xf32, #tpu.memory_space<vmem>>)
      "tpu.region"() ({
        %run_scoped3A = tpu.sem_alloc : memref<!tpu.dma_semaphore, #tpu.memory_space<semaphore_mem>>
        %dma_start3A_25 = arith.constant 0 : i32
        %dma_start3A_26 = tpu.memref_slice %arg5[%add3A_13, %dma_start3A_25] : memref<16384x256xf32, #tpu.memory_space<hbm>> -> memref<128x256xf32, #tpu.memory_space<hbm>>
        %dma_start3A_27 = arith.constant 0 : i32
        %dma_start3A_28 = tpu.memref_slice %arg5[%add3A_13, %dma_start3A_27] : memref<16384x256xf32, #tpu.memory_space<hbm>> -> memref<128x256xf32, #tpu.memory_space<hbm>>
        tpu.enqueue_dma source(%arg8 : memref<128x256xf32, #tpu.memory_space<vmem>>) target(%dma_start3A_28 : memref<128x256xf32, #tpu.memory_space<hbm>>) target_semaphore(%run_scoped3A : memref<!tpu.dma_semaphore, #tpu.memory_space<semaphore_mem>>)
        %dma_wait3A_29 = arith.constant 0 : i32
        %dma_wait3A_30 = tpu.memref_slice %arg5[%add3A_13, %dma_wait3A_29] : memref<16384x256xf32, #tpu.memory_space<hbm>> -> memref<128x256xf32, #tpu.memory_space<hbm>>
        %dma_wait3A_31 = arith.constant 0 : i32
        %dma_wait3A_32 = tpu.memref_slice %arg5[%add3A_13, %dma_wait3A_31] : memref<16384x256xf32, #tpu.memory_space<hbm>> -> memref<128x256xf32, #tpu.memory_space<hbm>>
        tpu.wait_dma2 semaphore(%run_scoped3A : memref<!tpu.dma_semaphore, #tpu.memory_space<semaphore_mem>>) src(%arg8 : memref<128x256xf32, #tpu.memory_space<vmem>>) dst(%dma_wait3A_32 : memref<128x256xf32, #tpu.memory_space<hbm>>)
        tpu.yield
      }) : () -> ()
      "tpu.region"() ({
        %run_scoped3A = tpu.sem_alloc : memref<!tpu.dma_semaphore, #tpu.memory_space<semaphore_mem>>
        %dma_start3A_25 = arith.constant 0 : i32
        %dma_start3A_26 = tpu.memref_slice %arg6[%add3A_13, %dma_start3A_25] : memref<16384x256xf32, #tpu.memory_space<hbm>> -> memref<128x256xf32, #tpu.memory_space<hbm>>
        %dma_start3A_27 = arith.constant 0 : i32
        %dma_start3A_28 = tpu.memref_slice %arg6[%add3A_13, %dma_start3A_27] : memref<16384x256xf32, #tpu.memory_space<hbm>> -> memref<128x256xf32, #tpu.memory_space<hbm>>
        tpu.enqueue_dma source(%arg9 : memref<128x256xf32, #tpu.memory_space<vmem>>) target(%dma_start3A_28 : memref<128x256xf32, #tpu.memory_space<hbm>>) target_semaphore(%run_scoped3A : memref<!tpu.dma_semaphore, #tpu.memory_space<semaphore_mem>>)
        %dma_wait3A_29 = arith.constant 0 : i32
        %dma_wait3A_30 = tpu.memref_slice %arg6[%add3A_13, %dma_wait3A_29] : memref<16384x256xf32, #tpu.memory_space<hbm>> -> memref<128x256xf32, #tpu.memory_space<hbm>>
        %dma_wait3A_31 = arith.constant 0 : i32
        %dma_wait3A_32 = tpu.memref_slice %arg6[%add3A_13, %dma_wait3A_31] : memref<16384x256xf32, #tpu.memory_space<hbm>> -> memref<128x256xf32, #tpu.memory_space<hbm>>
        tpu.wait_dma2 semaphore(%run_scoped3A : memref<!tpu.dma_semaphore, #tpu.memory_space<semaphore_mem>>) src(%arg9 : memref<128x256xf32, #tpu.memory_space<vmem>>) dst(%dma_wait3A_32 : memref<128x256xf32, #tpu.memory_space<hbm>>)
        tpu.yield
      }) : () -> ()
      %scan3A_24 = arith.constant 0 : i32
      scf.yield %scan3A_24 : i32
    }
    %scan3A_8 = arith.constant 4 : i32
    return
  }
}

module attributes {stable_mosaic.version = 14 : i64} {
  func.func @_post_table_kernel(%arg0: i32, %arg1: memref<1024x256xf32, #tpu.memory_space<vmem>>, %arg2: memref<256x256xf32, #tpu.memory_space<vmem>>, %arg3: memref<1x256xf32, #tpu.memory_space<vmem>>, %arg4: memref<1024x256xf32, #tpu.memory_space<vmem>>, %arg5: memref<1024x256xf32, #tpu.memory_space<vmem>>, %arg6: memref<1024x1xf32, #tpu.memory_space<vmem>>) attributes {dimension_semantics = [#tpu.dimension_semantics<arbitrary>], iteration_bounds = array<i64: 8>, scalar_prefetch = 0 : i64, scratch_operands = 0 : i64, tpu.core_type = #tpu.core_type<tc>, window_params = [{transform_indices = @transform_0, window_bounds = array<i64: 1024, 256>}, {pipeline_mode = #tpu.pipeline_mode<synchronous>, transform_indices = @transform_1, window_bounds = array<i64: 256, 256>}, {pipeline_mode = #tpu.pipeline_mode<synchronous>, transform_indices = @transform_2, window_bounds = array<i64: 1, 256>}, {transform_indices = @transform_3, window_bounds = array<i64: 1024, 256>}, {transform_indices = @transform_4, window_bounds = array<i64: 1024, 256>}, {transform_indices = @transform_5, window_bounds = array<i64: 1024, 1>}]} {
    %get3A = arith.constant 0 : index
    %get3A_0 = arith.constant 0 : index
    %get3A_1 = vector.load %arg1[%get3A, %get3A_0] : memref<1024x256xf32, #tpu.memory_space<vmem>>, vector<1024x256xf32>
    %get3A_2 = arith.constant 0 : index
    %get3A_3 = arith.constant 0 : index
    %get3A_4 = vector.load %arg2[%get3A_2, %get3A_3] : memref<256x256xf32, #tpu.memory_space<vmem>>, vector<256x256xf32>
    %dot_general3A = arith.constant dense<0.000000e+00> : vector<1024x256xf32>
    %dot_general3A_5 = tpu.matmul %get3A_1, %get3A_4, %dot_general3A {dimension_numbers = #tpu.dot_dimension_numbers<[1], [0], [0], [1], [0, 0, 1, 1], [], []>, transpose_lhs_hint = false} : vector<1024x256xf32>, vector<256x256xf32>, vector<1024x256xf32> -> vector<1024x256xf32>
    %get3A_6 = arith.constant 0 : index
    %get3A_7 = arith.constant 0 : index
    %get3A_8 = vector.load %arg3[%get3A_6, %get3A_7] : memref<1x256xf32, #tpu.memory_space<vmem>>, vector<1x256xf32>
    %add3A = vector.broadcast %get3A_8 : vector<1x256xf32> to vector<1024x256xf32>
    %add3A_9 = arith.addf %dot_general3A_5, %add3A : vector<1024x256xf32>
    %swap3A = arith.constant 0 : index
    %swap3A_10 = arith.constant 0 : index
    %swap3A_11 = vector.load %arg4[%swap3A, %swap3A_10] : memref<1024x256xf32, #tpu.memory_space<vmem>>, vector<1024x256xf32>
    tpu.vector_store %arg4[%swap3A, %swap3A_10], %add3A_9 {strides = array<i32>} : memref<1024x256xf32, #tpu.memory_space<vmem>>, vector<1024x256xf32>,
    %mul3A = arith.constant -2.000000e+00 : f32
    %mul3A_12 = vector.broadcast %mul3A : f32 to vector<1024x256xf32>
    %mul3A_13 = arith.mulf %mul3A_12, %get3A_1 : vector<1024x256xf32>
    %swap3A_14 = arith.constant 0 : index
    %swap3A_15 = arith.constant 0 : index
    %swap3A_16 = vector.load %arg5[%swap3A_14, %swap3A_15] : memref<1024x256xf32, #tpu.memory_space<vmem>>, vector<1024x256xf32>
    tpu.vector_store %arg5[%swap3A_14, %swap3A_15], %mul3A_13 {strides = array<i32>} : memref<1024x256xf32, #tpu.memory_space<vmem>>, vector<1024x256xf32>,
    %mul3A_17 = arith.mulf %mul3A_13, %mul3A_13 : vector<1024x256xf32>
    %reduce_sum3A = arith.constant dense<0.000000e+00> : vector<1024xf32>
    %reduce_sum3A_18 = vector.multi_reduction <add>, %mul3A_17, %reduce_sum3A [1] : vector<1024x256xf32> to vector<1024xf32>
    %broadcast_in_dim3A = vector.shape_cast %reduce_sum3A_18 : vector<1024xf32> to vector<1024x1xf32>
    %mul3A_19 = arith.constant 2.500000e-01 : f32
    %mul3A_20 = vector.broadcast %mul3A_19 : f32 to vector<1024x1xf32>
    %mul3A_21 = arith.mulf %mul3A_20, %broadcast_in_dim3A : vector<1024x1xf32>
    %swap3A_22 = arith.constant 0 : index
    %swap3A_23 = arith.constant 0 : index
    %swap3A_24 = vector.load %arg6[%swap3A_22, %swap3A_23] : memref<1024x1xf32, #tpu.memory_space<vmem>>, vector<1024x1xf32>
    tpu.vector_store %arg6[%swap3A_22, %swap3A_23], %mul3A_21 {strides = array<i32>} : memref<1024x1xf32, #tpu.memory_space<vmem>>, vector<1024x1xf32>,
    return
  }
  func.func @transform_0(%arg0: i32) -> (i32, i32) {
    %c0_i32 = arith.constant 0 : i32
    %c0_i32_0 = arith.constant 0 : i32
    return %arg0, %c0_i32 : i32, i32
  }
  func.func @transform_1(%arg0: i32) -> (i32, i32) {
    %c0_i32 = arith.constant 0 : i32
    %c0_i32_0 = arith.constant 0 : i32
    %c0_i32_1 = arith.constant 0 : i32
    return %c0_i32, %c0_i32_0 : i32, i32
  }
  func.func @transform_2(%arg0: i32) -> (i32, i32) {
    %c0_i32 = arith.constant 0 : i32
    %c0_i32_0 = arith.constant 0 : i32
    %c0_i32_1 = arith.constant 0 : i32
    return %c0_i32, %c0_i32_0 : i32, i32
  }
  func.func @transform_3(%arg0: i32) -> (i32, i32) {
    %c0_i32 = arith.constant 0 : i32
    %c0_i32_0 = arith.constant 0 : i32
    return %arg0, %c0_i32 : i32, i32
  }
  func.func @transform_4(%arg0: i32) -> (i32, i32) {
    %c0_i32 = arith.constant 0 : i32
    %c0_i32_0 = arith.constant 0 : i32
    return %arg0, %c0_i32 : i32, i32
  }
  func.func @transform_5(%arg0: i32) -> (i32, i32) {
    %c0_i32 = arith.constant 0 : i32
    %c0_i32_0 = arith.constant 0 : i32
    return %arg0, %c0_i32 : i32, i32
  }
}

module attributes {stable_mosaic.version = 14 : i64} {
  func.func @_vq_kernel(%arg0: i32, %arg1: i32, %arg2: memref<1x256x1024xf32, #tpu.memory_space<vmem>>, %arg3: memref<256x256xf32, #tpu.memory_space<vmem>>, %arg4: memref<256x1xf32, #tpu.memory_space<vmem>>, %arg5: memref<1024x256xf32, #tpu.memory_space<vmem>>, %arg6: memref<1024x1xf32, #tpu.memory_space<vmem>>, %arg7: memref<1x1x1024xf32, #tpu.memory_space<vmem>>, %arg8: memref<1x1x1024xi32, #tpu.memory_space<vmem>>, %arg9: memref<256x1024xf32, #tpu.memory_space<vmem>>, %arg10: memref<1x1024xf32, #tpu.memory_space<vmem>>, %arg11: memref<1x1024xf32, #tpu.memory_space<vmem>>, %arg12: memref<1x1024xi32, #tpu.memory_space<vmem>>, %arg13: memref<1x1024xf32, #tpu.memory_space<vmem>>, %arg14: memref<1x1024xi32, #tpu.memory_space<vmem>>, %arg15: memref<1x1024xf32, #tpu.memory_space<vmem>>, %arg16: memref<1x1024xi32, #tpu.memory_space<vmem>>) attributes {dimension_semantics = [#tpu.dimension_semantics<parallel>, #tpu.dimension_semantics<arbitrary>], iteration_bounds = array<i64: 16, 8>, scalar_prefetch = 0 : i64, scratch_operands = 8 : i64, tpu.core_type = #tpu.core_type<tc>, window_params = [{transform_indices = @transform_0, window_bounds = array<i64: 1, 256, 1024>}, {pipeline_mode = #tpu.pipeline_mode<synchronous>, transform_indices = @transform_1, window_bounds = array<i64: 256, 256>}, {pipeline_mode = #tpu.pipeline_mode<synchronous>, transform_indices = @transform_2, window_bounds = array<i64: 256, 1>}, {transform_indices = @transform_3, window_bounds = array<i64: 1024, 256>}, {transform_indices = @transform_4, window_bounds = array<i64: 1024, 1>}, {transform_indices = @transform_5, window_bounds = array<i64: 1, 1, 1024>}, {transform_indices = @transform_6, window_bounds = array<i64: 1, 1, 1024>}]} {
    %eq3A = arith.constant 0 : i32
    %eq3A_0 = arith.cmpi eq, %arg1, %eq3A : i32
    %convert_element_type3A = arith.extui %eq3A_0 : i1 to i32
    %cond3A = arith.constant 0 : i32
    %cond3A_1 = arith.cmpi ne, %convert_element_type3A, %cond3A : i32
    scf.if %cond3A_1 {
      %get3A_62 = arith.constant 0 : index
      %get3A_63 = arith.constant 0 : index
      %get3A_64 = arith.constant 0 : index
      %get3A_65 = vector.load %arg2[%get3A_62, %get3A_63, %get3A_64] : memref<1x256x1024xf32, #tpu.memory_space<vmem>>, vector<1x256x1024xf32>
      %get3A_66 = vector.shape_cast %get3A_65 : vector<1x256x1024xf32> to vector<256x1024xf32>
      %get3A_67 = arith.constant 0 : index
      %get3A_68 = arith.constant 0 : index
      %get3A_69 = vector.load %arg3[%get3A_67, %get3A_68] : memref<256x256xf32, #tpu.memory_space<vmem>>, vector<256x256xf32>
      %dot_general3A_70 = arith.constant dense<0.000000e+00> : vector<256x1024xf32>
      %dot_general3A_71 = tpu.matmul %get3A_69, %get3A_66, %dot_general3A_70 {dimension_numbers = #tpu.dot_dimension_numbers<[1], [0], [0], [1], [0, 0, 1, 1], [], []>, transpose_lhs_hint = false} : vector<256x256xf32>, vector<256x1024xf32>, vector<256x1024xf32> -> vector<256x1024xf32>
      %get3A_72 = arith.constant 0 : index
      %get3A_73 = arith.constant 0 : index
      %get3A_74 = vector.load %arg4[%get3A_72, %get3A_73] : memref<256x1xf32, #tpu.memory_space<vmem>>, vector<256x1xf32>
      %add3A_75 = vector.broadcast %get3A_74 : vector<256x1xf32> to vector<256x1024xf32>
      %add3A_76 = arith.addf %dot_general3A_71, %add3A_75 : vector<256x1024xf32>
      %swap3A = arith.constant 0 : index
      %swap3A_77 = arith.constant 0 : index
      %swap3A_78 = vector.load %arg9[%swap3A, %swap3A_77] : memref<256x1024xf32, #tpu.memory_space<vmem>>, vector<256x1024xf32>
      tpu.vector_store %arg9[%swap3A, %swap3A_77], %add3A_76 {strides = array<i32>} : memref<256x1024xf32, #tpu.memory_space<vmem>>, vector<256x1024xf32>,
      %get3A_79 = arith.constant 0 : index
      %get3A_80 = arith.constant 0 : index
      %get3A_81 = arith.constant 0 : index
      %get3A_82 = vector.load %arg7[%get3A_79, %get3A_80, %get3A_81] : memref<1x1x1024xf32, #tpu.memory_space<vmem>>, vector<1x1x1024xf32>
      %get3A_83 = vector.shape_cast %get3A_82 : vector<1x1x1024xf32> to vector<1x1024xf32>
      %swap3A_84 = arith.constant 0 : index
      %swap3A_85 = arith.constant 0 : index
      %swap3A_86 = vector.load %arg10[%swap3A_84, %swap3A_85] : memref<1x1024xf32, #tpu.memory_space<vmem>>, vector<1x1024xf32>
      tpu.vector_store %arg10[%swap3A_84, %swap3A_85], %get3A_83 {strides = array<i32>} : memref<1x1024xf32, #tpu.memory_space<vmem>>, vector<1x1024xf32>,
      %broadcast_in_dim3A = arith.constant 0x7F800000 : f32
      %broadcast_in_dim3A_87 = vector.broadcast %broadcast_in_dim3A : f32 to vector<1x1024xf32>
      %swap3A_88 = arith.constant 0 : index
      %swap3A_89 = arith.constant 0 : index
      %swap3A_90 = vector.load %arg11[%swap3A_88, %swap3A_89] : memref<1x1024xf32, #tpu.memory_space<vmem>>, vector<1x1024xf32>
      tpu.vector_store %arg11[%swap3A_88, %swap3A_89], %broadcast_in_dim3A_87 {strides = array<i32>} : memref<1x1024xf32, #tpu.memory_space<vmem>>, vector<1x1024xf32>,
      %broadcast_in_dim3A_91 = arith.constant 0 : i32
      %broadcast_in_dim3A_92 = vector.broadcast %broadcast_in_dim3A_91 : i32 to vector<1x1024xi32>
      %swap3A_93 = arith.constant 0 : index
      %swap3A_94 = arith.constant 0 : index
      %swap3A_95 = vector.load %arg12[%swap3A_93, %swap3A_94] : memref<1x1024xi32, #tpu.memory_space<vmem>>, vector<1x1024xi32>
      tpu.vector_store %arg12[%swap3A_93, %swap3A_94], %broadcast_in_dim3A_92 {strides = array<i32>} : memref<1x1024xi32, #tpu.memory_space<vmem>>, vector<1x1024xi32>,
      %broadcast_in_dim3A_96 = arith.constant 0x7F800000 : f32
      %broadcast_in_dim3A_97 = vector.broadcast %broadcast_in_dim3A_96 : f32 to vector<1x1024xf32>
      %swap3A_98 = arith.constant 0 : index
      %swap3A_99 = arith.constant 0 : index
      %swap3A_100 = vector.load %arg13[%swap3A_98, %swap3A_99] : memref<1x1024xf32, #tpu.memory_space<vmem>>, vector<1x1024xf32>
      tpu.vector_store %arg13[%swap3A_98, %swap3A_99], %broadcast_in_dim3A_97 {strides = array<i32>} : memref<1x1024xf32, #tpu.memory_space<vmem>>, vector<1x1024xf32>,
      %broadcast_in_dim3A_101 = arith.constant 0 : i32
      %broadcast_in_dim3A_102 = vector.broadcast %broadcast_in_dim3A_101 : i32 to vector<1x1024xi32>
      %swap3A_103 = arith.constant 0 : index
      %swap3A_104 = arith.constant 0 : index
      %swap3A_105 = vector.load %arg14[%swap3A_103, %swap3A_104] : memref<1x1024xi32, #tpu.memory_space<vmem>>, vector<1x1024xi32>
      tpu.vector_store %arg14[%swap3A_103, %swap3A_104], %broadcast_in_dim3A_102 {strides = array<i32>} : memref<1x1024xi32, #tpu.memory_space<vmem>>, vector<1x1024xi32>,
      %broadcast_in_dim3A_106 = arith.constant 0x7F800000 : f32
      %broadcast_in_dim3A_107 = vector.broadcast %broadcast_in_dim3A_106 : f32 to vector<1x1024xf32>
      %swap3A_108 = arith.constant 0 : index
      %swap3A_109 = arith.constant 0 : index
      %swap3A_110 = vector.load %arg15[%swap3A_108, %swap3A_109] : memref<1x1024xf32, #tpu.memory_space<vmem>>, vector<1x1024xf32>
      tpu.vector_store %arg15[%swap3A_108, %swap3A_109], %broadcast_in_dim3A_107 {strides = array<i32>} : memref<1x1024xf32, #tpu.memory_space<vmem>>, vector<1x1024xf32>,
      %broadcast_in_dim3A_111 = arith.constant 0 : i32
      %broadcast_in_dim3A_112 = vector.broadcast %broadcast_in_dim3A_111 : i32 to vector<1x1024xi32>
      %swap3A_113 = arith.constant 0 : index
      %swap3A_114 = arith.constant 0 : index
      %swap3A_115 = vector.load %arg16[%swap3A_113, %swap3A_114] : memref<1x1024xi32, #tpu.memory_space<vmem>>, vector<1x1024xi32>
      tpu.vector_store %arg16[%swap3A_113, %swap3A_114], %broadcast_in_dim3A_112 {strides = array<i32>} : memref<1x1024xi32, #tpu.memory_space<vmem>>, vector<1x1024xi32>,
    } else {
    }
    %get3A = arith.constant 0 : index
    %get3A_2 = arith.constant 0 : index
    %get3A_3 = vector.load %arg5[%get3A, %get3A_2] : memref<1024x256xf32, #tpu.memory_space<vmem>>, vector<1024x256xf32>
    %get3A_4 = arith.constant 0 : index
    %get3A_5 = arith.constant 0 : index
    %get3A_6 = vector.load %arg9[%get3A_4, %get3A_5] : memref<256x1024xf32, #tpu.memory_space<vmem>>, vector<256x1024xf32>
    %dot_general3A = arith.constant dense<0.000000e+00> : vector<1024x1024xf32>
    %dot_general3A_7 = tpu.matmul %get3A_3, %get3A_6, %dot_general3A {dimension_numbers = #tpu.dot_dimension_numbers<[1], [0], [0], [1], [0, 0, 1, 1], [], []>, transpose_lhs_hint = false} : vector<1024x256xf32>, vector<256x1024xf32>, vector<1024x1024xf32> -> vector<1024x1024xf32>
    %get3A_8 = arith.constant 0 : index
    %get3A_9 = arith.constant 0 : index
    %get3A_10 = vector.load %arg10[%get3A_8, %get3A_9] : memref<1x1024xf32, #tpu.memory_space<vmem>>, vector<1x1024xf32>
    %get3A_11 = arith.constant 0 : index
    %get3A_12 = arith.constant 0 : index
    %get3A_13 = vector.load %arg6[%get3A_11, %get3A_12] : memref<1024x1xf32, #tpu.memory_space<vmem>>, vector<1024x1xf32>
    %add3A = vector.broadcast %get3A_10 : vector<1x1024xf32> to vector<1024x1024xf32>
    %add3A_14 = vector.broadcast %get3A_13 : vector<1024x1xf32> to vector<1024x1024xf32>
    %add3A_15 = arith.addf %add3A, %add3A_14 : vector<1024x1024xf32>
    %add3A_16 = arith.addf %add3A_15, %dot_general3A_7 : vector<1024x1024xf32>
    %eq3A_17 = arith.constant 0 : i32
    %eq3A_18 = arith.cmpi eq, %arg1, %eq3A_17 : i32
    %convert_element_type3A_19 = arith.extui %eq3A_18 : i1 to i32
    %cond3A_20 = arith.constant 0 : i32
    %cond3A_21 = arith.cmpi ne, %convert_element_type3A_19, %cond3A_20 : i32
    scf.if %cond3A_21 {
      %slice3A = vector.extract_strided_slice %add3A_16 {offsets = [0, 0], sizes = [16, 1024], strides = [1, 1]} : vector<1024x1024xf32> to vector<16x1024xf32>
      %broadcast_in_dim3A = arith.constant 0 : i32
      %broadcast_in_dim3A_62 = vector.broadcast %broadcast_in_dim3A : i32 to vector<16x1024xi32>
      %slice3A_63 = vector.extract_strided_slice %add3A_16 {offsets = [16, 0], sizes = [16, 1024], strides = [1, 1]} : vector<1024x1024xf32> to vector<16x1024xf32>
      %lt3A = arith.cmpf olt, %slice3A_63, %slice3A : vector<16x1024xf32>
      %min3A = arith.minimumf %slice3A, %slice3A_63 : vector<16x1024xf32>
      %jit3A = arith.constant 1 : i32
      %broadcast_in_dim3A_64 = vector.broadcast %jit3A : i32 to vector<16x1024xi32>
      %select_n3A = arith.select %lt3A, %broadcast_in_dim3A_64, %broadcast_in_dim3A_62 : vector<16x1024xi1>, vector<16x1024xi32>
      %slice3A_65 = vector.extract_strided_slice %add3A_16 {offsets = [32, 0], sizes = [16, 1024], strides = [1, 1]} : vector<1024x1024xf32> to vector<16x1024xf32>
      %lt3A_66 = arith.cmpf olt, %slice3A_65, %min3A : vector<16x1024xf32>
      %min3A_67 = arith.minimumf %min3A, %slice3A_65 : vector<16x1024xf32>
      %jit3A_68 = arith.constant 2 : i32
      %broadcast_in_dim3A_69 = vector.broadcast %jit3A_68 : i32 to vector<16x1024xi32>
      %select_n3A_70 = arith.select %lt3A_66, %broadcast_in_dim3A_69, %select_n3A : vector<16x1024xi1>, vector<16x1024xi32>
      %slice3A_71 = vector.extract_strided_slice %add3A_16 {offsets = [48, 0], sizes = [16, 1024], strides = [1, 1]} : vector<1024x1024xf32> to vector<16x1024xf32>
      %lt3A_72 = arith.cmpf olt, %slice3A_71, %min3A_67 : vector<16x1024xf32>
      %min3A_73 = arith.minimumf %min3A_67, %slice3A_71 : vector<16x1024xf32>
      %jit3A_74 = arith.constant 3 : i32
      %broadcast_in_dim3A_75 = vector.broadcast %jit3A_74 : i32 to vector<16x1024xi32>
      %select_n3A_76 = arith.select %lt3A_72, %broadcast_in_dim3A_75, %select_n3A_70 : vector<16x1024xi1>, vector<16x1024xi32>
      %slice3A_77 = vector.extract_strided_slice %add3A_16 {offsets = [64, 0], sizes = [16, 1024], strides = [1, 1]} : vector<1024x1024xf32> to vector<16x1024xf32>
      %lt3A_78 = arith.cmpf olt, %slice3A_77, %min3A_73 : vector<16x1024xf32>
      %min3A_79 = arith.minimumf %min3A_73, %slice3A_77 : vector<16x1024xf32>
      %jit3A_80 = arith.constant 4 : i32
      %broadcast_in_dim3A_81 = vector.broadcast %jit3A_80 : i32 to vector<16x1024xi32>
      %select_n3A_82 = arith.select %lt3A_78, %broadcast_in_dim3A_81, %select_n3A_76 : vector<16x1024xi1>, vector<16x1024xi32>
      %slice3A_83 = vector.extract_strided_slice %add3A_16 {offsets = [80, 0], sizes = [16, 1024], strides = [1, 1]} : vector<1024x1024xf32> to vector<16x1024xf32>
      %lt3A_84 = arith.cmpf olt, %slice3A_83, %min3A_79 : vector<16x1024xf32>
      %min3A_85 = arith.minimumf %min3A_79, %slice3A_83 : vector<16x1024xf32>
      %jit3A_86 = arith.constant 5 : i32
      %broadcast_in_dim3A_87 = vector.broadcast %jit3A_86 : i32 to vector<16x1024xi32>
      %select_n3A_88 = arith.select %lt3A_84, %broadcast_in_dim3A_87, %select_n3A_82 : vector<16x1024xi1>, vector<16x1024xi32>
      %slice3A_89 = vector.extract_strided_slice %add3A_16 {offsets = [96, 0], sizes = [16, 1024], strides = [1, 1]} : vector<1024x1024xf32> to vector<16x1024xf32>
      %lt3A_90 = arith.cmpf olt, %slice3A_89, %min3A_85 : vector<16x1024xf32>
      %min3A_91 = arith.minimumf %min3A_85, %slice3A_89 : vector<16x1024xf32>
      %jit3A_92 = arith.constant 6 : i32
      %broadcast_in_dim3A_93 = vector.broadcast %jit3A_92 : i32 to vector<16x1024xi32>
      %select_n3A_94 = arith.select %lt3A_90, %broadcast_in_dim3A_93, %select_n3A_88 : vector<16x1024xi1>, vector<16x1024xi32>
      %slice3A_95 = vector.extract_strided_slice %add3A_16 {offsets = [112, 0], sizes = [16, 1024], strides = [1, 1]} : vector<1024x1024xf32> to vector<16x1024xf32>
      %lt3A_96 = arith.cmpf olt, %slice3A_95, %min3A_91 : vector<16x1024xf32>
      %min3A_97 = arith.minimumf %min3A_91, %slice3A_95 : vector<16x1024xf32>
      %jit3A_98 = arith.constant 7 : i32
      %broadcast_in_dim3A_99 = vector.broadcast %jit3A_98 : i32 to vector<16x1024xi32>
      %select_n3A_100 = arith.select %lt3A_96, %broadcast_in_dim3A_99, %select_n3A_94 : vector<16x1024xi1>, vector<16x1024xi32>
      %slice3A_101 = vector.extract_strided_slice %add3A_16 {offsets = [128, 0], sizes = [16, 1024], strides = [1, 1]} : vector<1024x1024xf32> to vector<16x1024xf32>
      %lt3A_102 = arith.cmpf olt, %slice3A_101, %min3A_97 : vector<16x1024xf32>
      %min3A_103 = arith.minimumf %min3A_97, %slice3A_101 : vector<16x1024xf32>
      %jit3A_104 = arith.constant 8 : i32
      %broadcast_in_dim3A_105 = vector.broadcast %jit3A_104 : i32 to vector<16x1024xi32>
      %select_n3A_106 = arith.select %lt3A_102, %broadcast_in_dim3A_105, %select_n3A_100 : vector<16x1024xi1>, vector<16x1024xi32>
      %slice3A_107 = vector.extract_strided_slice %add3A_16 {offsets = [144, 0], sizes = [16, 1024], strides = [1, 1]} : vector<1024x1024xf32> to vector<16x1024xf32>
      %lt3A_108 = arith.cmpf olt, %slice3A_107, %min3A_103 : vector<16x1024xf32>
      %min3A_109 = arith.minimumf %min3A_103, %slice3A_107 : vector<16x1024xf32>
      %jit3A_110 = arith.constant 9 : i32
      %broadcast_in_dim3A_111 = vector.broadcast %jit3A_110 : i32 to vector<16x1024xi32>
      %select_n3A_112 = arith.select %lt3A_108, %broadcast_in_dim3A_111, %select_n3A_106 : vector<16x1024xi1>, vector<16x1024xi32>
      %slice3A_113 = vector.extract_strided_slice %add3A_16 {offsets = [160, 0], sizes = [16, 1024], strides = [1, 1]} : vector<1024x1024xf32> to vector<16x1024xf32>
      %lt3A_114 = arith.cmpf olt, %slice3A_113, %min3A_109 : vector<16x1024xf32>
      %min3A_115 = arith.minimumf %min3A_109, %slice3A_113 : vector<16x1024xf32>
      %jit3A_116 = arith.constant 10 : i32
      %broadcast_in_dim3A_117 = vector.broadcast %jit3A_116 : i32 to vector<16x1024xi32>
      %select_n3A_118 = arith.select %lt3A_114, %broadcast_in_dim3A_117, %select_n3A_112 : vector<16x1024xi1>, vector<16x1024xi32>
      %slice3A_119 = vector.extract_strided_slice %add3A_16 {offsets = [176, 0], sizes = [16, 1024], strides = [1, 1]} : vector<1024x1024xf32> to vector<16x1024xf32>
      %lt3A_120 = arith.cmpf olt, %slice3A_119, %min3A_115 : vector<16x1024xf32>
      %min3A_121 = arith.minimumf %min3A_115, %slice3A_119 : vector<16x1024xf32>
      %jit3A_122 = arith.constant 11 : i32
      %broadcast_in_dim3A_123 = vector.broadcast %jit3A_122 : i32 to vector<16x1024xi32>
      %select_n3A_124 = arith.select %lt3A_120, %broadcast_in_dim3A_123, %select_n3A_118 : vector<16x1024xi1>, vector<16x1024xi32>
      %slice3A_125 = vector.extract_strided_slice %add3A_16 {offsets = [192, 0], sizes = [16, 1024], strides = [1, 1]} : vector<1024x1024xf32> to vector<16x1024xf32>
      %lt3A_126 = arith.cmpf olt, %slice3A_125, %min3A_121 : vector<16x1024xf32>
      %min3A_127 = arith.minimumf %min3A_121, %slice3A_125 : vector<16x1024xf32>
      %jit3A_128 = arith.constant 12 : i32
      %broadcast_in_dim3A_129 = vector.broadcast %jit3A_128 : i32 to vector<16x1024xi32>
      %select_n3A_130 = arith.select %lt3A_126, %broadcast_in_dim3A_129, %select_n3A_124 : vector<16x1024xi1>, vector<16x1024xi32>
      %slice3A_131 = vector.extract_strided_slice %add3A_16 {offsets = [208, 0], sizes = [16, 1024], strides = [1, 1]} : vector<1024x1024xf32> to vector<16x1024xf32>
      %lt3A_132 = arith.cmpf olt, %slice3A_131, %min3A_127 : vector<16x1024xf32>
      %min3A_133 = arith.minimumf %min3A_127, %slice3A_131 : vector<16x1024xf32>
      %jit3A_134 = arith.constant 13 : i32
      %broadcast_in_dim3A_135 = vector.broadcast %jit3A_134 : i32 to vector<16x1024xi32>
      %select_n3A_136 = arith.select %lt3A_132, %broadcast_in_dim3A_135, %select_n3A_130 : vector<16x1024xi1>, vector<16x1024xi32>
      %slice3A_137 = vector.extract_strided_slice %add3A_16 {offsets = [224, 0], sizes = [16, 1024], strides = [1, 1]} : vector<1024x1024xf32> to vector<16x1024xf32>
      %lt3A_138 = arith.cmpf olt, %slice3A_137, %min3A_133 : vector<16x1024xf32>
      %min3A_139 = arith.minimumf %min3A_133, %slice3A_137 : vector<16x1024xf32>
      %jit3A_140 = arith.constant 14 : i32
      %broadcast_in_dim3A_141 = vector.broadcast %jit3A_140 : i32 to vector<16x1024xi32>
      %select_n3A_142 = arith.select %lt3A_138, %broadcast_in_dim3A_141, %select_n3A_136 : vector<16x1024xi1>, vector<16x1024xi32>
      %slice3A_143 = vector.extract_strided_slice %add3A_16 {offsets = [240, 0], sizes = [16, 1024], strides = [1, 1]} : vector<1024x1024xf32> to vector<16x1024xf32>
      %lt3A_144 = arith.cmpf olt, %slice3A_143, %min3A_139 : vector<16x1024xf32>
      %min3A_145 = arith.minimumf %min3A_139, %slice3A_143 : vector<16x1024xf32>
      %jit3A_146 = arith.constant 15 : i32
      %broadcast_in_dim3A_147 = vector.broadcast %jit3A_146 : i32 to vector<16x1024xi32>
      %select_n3A_148 = arith.select %lt3A_144, %broadcast_in_dim3A_147, %select_n3A_142 : vector<16x1024xi1>, vector<16x1024xi32>
      %slice3A_149 = vector.extract_strided_slice %add3A_16 {offsets = [256, 0], sizes = [16, 1024], strides = [1, 1]} : vector<1024x1024xf32> to vector<16x1024xf32>
      %lt3A_150 = arith.cmpf olt, %slice3A_149, %min3A_145 : vector<16x1024xf32>
      %min3A_151 = arith.minimumf %min3A_145, %slice3A_149 : vector<16x1024xf32>
      %jit3A_152 = arith.constant 16 : i32
      %broadcast_in_dim3A_153 = vector.broadcast %jit3A_152 : i32 to vector<16x1024xi32>
      %select_n3A_154 = arith.select %lt3A_150, %broadcast_in_dim3A_153, %select_n3A_148 : vector<16x1024xi1>, vector<16x1024xi32>
      %slice3A_155 = vector.extract_strided_slice %add3A_16 {offsets = [272, 0], sizes = [16, 1024], strides = [1, 1]} : vector<1024x1024xf32> to vector<16x1024xf32>
      %lt3A_156 = arith.cmpf olt, %slice3A_155, %min3A_151 : vector<16x1024xf32>
      %min3A_157 = arith.minimumf %min3A_151, %slice3A_155 : vector<16x1024xf32>
      %jit3A_158 = arith.constant 17 : i32
      %broadcast_in_dim3A_159 = vector.broadcast %jit3A_158 : i32 to vector<16x1024xi32>
      %select_n3A_160 = arith.select %lt3A_156, %broadcast_in_dim3A_159, %select_n3A_154 : vector<16x1024xi1>, vector<16x1024xi32>
      %slice3A_161 = vector.extract_strided_slice %add3A_16 {offsets = [288, 0], sizes = [16, 1024], strides = [1, 1]} : vector<1024x1024xf32> to vector<16x1024xf32>
      %lt3A_162 = arith.cmpf olt, %slice3A_161, %min3A_157 : vector<16x1024xf32>
      %min3A_163 = arith.minimumf %min3A_157, %slice3A_161 : vector<16x1024xf32>
      %jit3A_164 = arith.constant 18 : i32
      %broadcast_in_dim3A_165 = vector.broadcast %jit3A_164 : i32 to vector<16x1024xi32>
      %select_n3A_166 = arith.select %lt3A_162, %broadcast_in_dim3A_165, %select_n3A_160 : vector<16x1024xi1>, vector<16x1024xi32>
      %slice3A_167 = vector.extract_strided_slice %add3A_16 {offsets = [304, 0], sizes = [16, 1024], strides = [1, 1]} : vector<1024x1024xf32> to vector<16x1024xf32>
      %lt3A_168 = arith.cmpf olt, %slice3A_167, %min3A_163 : vector<16x1024xf32>
      %min3A_169 = arith.minimumf %min3A_163, %slice3A_167 : vector<16x1024xf32>
      %jit3A_170 = arith.constant 19 : i32
      %broadcast_in_dim3A_171 = vector.broadcast %jit3A_170 : i32 to vector<16x1024xi32>
      %select_n3A_172 = arith.select %lt3A_168, %broadcast_in_dim3A_171, %select_n3A_166 : vector<16x1024xi1>, vector<16x1024xi32>
      %slice3A_173 = vector.extract_strided_slice %add3A_16 {offsets = [320, 0], sizes = [16, 1024], strides = [1, 1]} : vector<1024x1024xf32> to vector<16x1024xf32>
      %lt3A_174 = arith.cmpf olt, %slice3A_173, %min3A_169 : vector<16x1024xf32>
      %min3A_175 = arith.minimumf %min3A_169, %slice3A_173 : vector<16x1024xf32>
      %jit3A_176 = arith.constant 20 : i32
      %broadcast_in_dim3A_177 = vector.broadcast %jit3A_176 : i32 to vector<16x1024xi32>
      %select_n3A_178 = arith.select %lt3A_174, %broadcast_in_dim3A_177, %select_n3A_172 : vector<16x1024xi1>, vector<16x1024xi32>
      %slice3A_179 = vector.extract_strided_slice %add3A_16 {offsets = [336, 0], sizes = [16, 1024], strides = [1, 1]} : vector<1024x1024xf32> to vector<16x1024xf32>
      %lt3A_180 = arith.cmpf olt, %slice3A_179, %min3A_175 : vector<16x1024xf32>
      %min3A_181 = arith.minimumf %min3A_175, %slice3A_179 : vector<16x1024xf32>
      %jit3A_182 = arith.constant 21 : i32
      %broadcast_in_dim3A_183 = vector.broadcast %jit3A_182 : i32 to vector<16x1024xi32>
      %select_n3A_184 = arith.select %lt3A_180, %broadcast_in_dim3A_183, %select_n3A_178 : vector<16x1024xi1>, vector<16x1024xi32>
      %slice3A_185 = vector.extract_strided_slice %add3A_16 {offsets = [352, 0], sizes = [16, 1024], strides = [1, 1]} : vector<1024x1024xf32> to vector<16x1024xf32>
      %lt3A_186 = arith.cmpf olt, %slice3A_185, %min3A_181 : vector<16x1024xf32>
      %min3A_187 = arith.minimumf %min3A_181, %slice3A_185 : vector<16x1024xf32>
      %jit3A_188 = arith.constant 22 : i32
      %broadcast_in_dim3A_189 = vector.broadcast %jit3A_188 : i32 to vector<16x1024xi32>
      %select_n3A_190 = arith.select %lt3A_186, %broadcast_in_dim3A_189, %select_n3A_184 : vector<16x1024xi1>, vector<16x1024xi32>
      %slice3A_191 = vector.extract_strided_slice %add3A_16 {offsets = [368, 0], sizes = [16, 1024], strides = [1, 1]} : vector<1024x1024xf32> to vector<16x1024xf32>
      %lt3A_192 = arith.cmpf olt, %slice3A_191, %min3A_187 : vector<16x1024xf32>
      %min3A_193 = arith.minimumf %min3A_187, %slice3A_191 : vector<16x1024xf32>
      %jit3A_194 = arith.constant 23 : i32
      %broadcast_in_dim3A_195 = vector.broadcast %jit3A_194 : i32 to vector<16x1024xi32>
      %select_n3A_196 = arith.select %lt3A_192, %broadcast_in_dim3A_195, %select_n3A_190 : vector<16x1024xi1>, vector<16x1024xi32>
      %slice3A_197 = vector.extract_strided_slice %add3A_16 {offsets = [384, 0], sizes = [16, 1024], strides = [1, 1]} : vector<1024x1024xf32> to vector<16x1024xf32>
      %lt3A_198 = arith.cmpf olt, %slice3A_197, %min3A_193 : vector<16x1024xf32>
      %min3A_199 = arith.minimumf %min3A_193, %slice3A_197 : vector<16x1024xf32>
      %jit3A_200 = arith.constant 24 : i32
      %broadcast_in_dim3A_201 = vector.broadcast %jit3A_200 : i32 to vector<16x1024xi32>
      %select_n3A_202 = arith.select %lt3A_198, %broadcast_in_dim3A_201, %select_n3A_196 : vector<16x1024xi1>, vector<16x1024xi32>
      %slice3A_203 = vector.extract_strided_slice %add3A_16 {offsets = [400, 0], sizes = [16, 1024], strides = [1, 1]} : vector<1024x1024xf32> to vector<16x1024xf32>
      %lt3A_204 = arith.cmpf olt, %slice3A_203, %min3A_199 : vector<16x1024xf32>
      %min3A_205 = arith.minimumf %min3A_199, %slice3A_203 : vector<16x1024xf32>
      %jit3A_206 = arith.constant 25 : i32
      %broadcast_in_dim3A_207 = vector.broadcast %jit3A_206 : i32 to vector<16x1024xi32>
      %select_n3A_208 = arith.select %lt3A_204, %broadcast_in_dim3A_207, %select_n3A_202 : vector<16x1024xi1>, vector<16x1024xi32>
      %slice3A_209 = vector.extract_strided_slice %add3A_16 {offsets = [416, 0], sizes = [16, 1024], strides = [1, 1]} : vector<1024x1024xf32> to vector<16x1024xf32>
      %lt3A_210 = arith.cmpf olt, %slice3A_209, %min3A_205 : vector<16x1024xf32>
      %min3A_211 = arith.minimumf %min3A_205, %slice3A_209 : vector<16x1024xf32>
      %jit3A_212 = arith.constant 26 : i32
      %broadcast_in_dim3A_213 = vector.broadcast %jit3A_212 : i32 to vector<16x1024xi32>
      %select_n3A_214 = arith.select %lt3A_210, %broadcast_in_dim3A_213, %select_n3A_208 : vector<16x1024xi1>, vector<16x1024xi32>
      %slice3A_215 = vector.extract_strided_slice %add3A_16 {offsets = [432, 0], sizes = [16, 1024], strides = [1, 1]} : vector<1024x1024xf32> to vector<16x1024xf32>
      %lt3A_216 = arith.cmpf olt, %slice3A_215, %min3A_211 : vector<16x1024xf32>
      %min3A_217 = arith.minimumf %min3A_211, %slice3A_215 : vector<16x1024xf32>
      %jit3A_218 = arith.constant 27 : i32
      %broadcast_in_dim3A_219 = vector.broadcast %jit3A_218 : i32 to vector<16x1024xi32>
      %select_n3A_220 = arith.select %lt3A_216, %broadcast_in_dim3A_219, %select_n3A_214 : vector<16x1024xi1>, vector<16x1024xi32>
      %slice3A_221 = vector.extract_strided_slice %add3A_16 {offsets = [448, 0], sizes = [16, 1024], strides = [1, 1]} : vector<1024x1024xf32> to vector<16x1024xf32>
      %lt3A_222 = arith.cmpf olt, %slice3A_221, %min3A_217 : vector<16x1024xf32>
      %min3A_223 = arith.minimumf %min3A_217, %slice3A_221 : vector<16x1024xf32>
      %jit3A_224 = arith.constant 28 : i32
      %broadcast_in_dim3A_225 = vector.broadcast %jit3A_224 : i32 to vector<16x1024xi32>
      %select_n3A_226 = arith.select %lt3A_222, %broadcast_in_dim3A_225, %select_n3A_220 : vector<16x1024xi1>, vector<16x1024xi32>
      %slice3A_227 = vector.extract_strided_slice %add3A_16 {offsets = [464, 0], sizes = [16, 1024], strides = [1, 1]} : vector<1024x1024xf32> to vector<16x1024xf32>
      %lt3A_228 = arith.cmpf olt, %slice3A_227, %min3A_223 : vector<16x1024xf32>
      %min3A_229 = arith.minimumf %min3A_223, %slice3A_227 : vector<16x1024xf32>
      %jit3A_230 = arith.constant 29 : i32
      %broadcast_in_dim3A_231 = vector.broadcast %jit3A_230 : i32 to vector<16x1024xi32>
      %select_n3A_232 = arith.select %lt3A_228, %broadcast_in_dim3A_231, %select_n3A_226 : vector<16x1024xi1>, vector<16x1024xi32>
      %slice3A_233 = vector.extract_strided_slice %add3A_16 {offsets = [480, 0], sizes = [16, 1024], strides = [1, 1]} : vector<1024x1024xf32> to vector<16x1024xf32>
      %lt3A_234 = arith.cmpf olt, %slice3A_233, %min3A_229 : vector<16x1024xf32>
      %min3A_235 = arith.minimumf %min3A_229, %slice3A_233 : vector<16x1024xf32>
      %jit3A_236 = arith.constant 30 : i32
      %broadcast_in_dim3A_237 = vector.broadcast %jit3A_236 : i32 to vector<16x1024xi32>
      %select_n3A_238 = arith.select %lt3A_234, %broadcast_in_dim3A_237, %select_n3A_232 : vector<16x1024xi1>, vector<16x1024xi32>
      %slice3A_239 = vector.extract_strided_slice %add3A_16 {offsets = [496, 0], sizes = [16, 1024], strides = [1, 1]} : vector<1024x1024xf32> to vector<16x1024xf32>
      %lt3A_240 = arith.cmpf olt, %slice3A_239, %min3A_235 : vector<16x1024xf32>
      %min3A_241 = arith.minimumf %min3A_235, %slice3A_239 : vector<16x1024xf32>
      %jit3A_242 = arith.constant 31 : i32
      %broadcast_in_dim3A_243 = vector.broadcast %jit3A_242 : i32 to vector<16x1024xi32>
      %select_n3A_244 = arith.select %lt3A_240, %broadcast_in_dim3A_243, %select_n3A_238 : vector<16x1024xi1>, vector<16x1024xi32>
      %slice3A_245 = vector.extract_strided_slice %add3A_16 {offsets = [512, 0], sizes = [16, 1024], strides = [1, 1]} : vector<1024x1024xf32> to vector<16x1024xf32>
      %lt3A_246 = arith.cmpf olt, %slice3A_245, %min3A_241 : vector<16x1024xf32>
      %min3A_247 = arith.minimumf %min3A_241, %slice3A_245 : vector<16x1024xf32>
      %jit3A_248 = arith.constant 32 : i32
      %broadcast_in_dim3A_249 = vector.broadcast %jit3A_248 : i32 to vector<16x1024xi32>
      %select_n3A_250 = arith.select %lt3A_246, %broadcast_in_dim3A_249, %select_n3A_244 : vector<16x1024xi1>, vector<16x1024xi32>
      %slice3A_251 = vector.extract_strided_slice %add3A_16 {offsets = [528, 0], sizes = [16, 1024], strides = [1, 1]} : vector<1024x1024xf32> to vector<16x1024xf32>
      %lt3A_252 = arith.cmpf olt, %slice3A_251, %min3A_247 : vector<16x1024xf32>
      %min3A_253 = arith.minimumf %min3A_247, %slice3A_251 : vector<16x1024xf32>
      %jit3A_254 = arith.constant 33 : i32
      %broadcast_in_dim3A_255 = vector.broadcast %jit3A_254 : i32 to vector<16x1024xi32>
      %select_n3A_256 = arith.select %lt3A_252, %broadcast_in_dim3A_255, %select_n3A_250 : vector<16x1024xi1>, vector<16x1024xi32>
      %slice3A_257 = vector.extract_strided_slice %add3A_16 {offsets = [544, 0], sizes = [16, 1024], strides = [1, 1]} : vector<1024x1024xf32> to vector<16x1024xf32>
      %lt3A_258 = arith.cmpf olt, %slice3A_257, %min3A_253 : vector<16x1024xf32>
      %min3A_259 = arith.minimumf %min3A_253, %slice3A_257 : vector<16x1024xf32>
      %jit3A_260 = arith.constant 34 : i32
      %broadcast_in_dim3A_261 = vector.broadcast %jit3A_260 : i32 to vector<16x1024xi32>
      %select_n3A_262 = arith.select %lt3A_258, %broadcast_in_dim3A_261, %select_n3A_256 : vector<16x1024xi1>, vector<16x1024xi32>
      %slice3A_263 = vector.extract_strided_slice %add3A_16 {offsets = [560, 0], sizes = [16, 1024], strides = [1, 1]} : vector<1024x1024xf32> to vector<16x1024xf32>
      %lt3A_264 = arith.cmpf olt, %slice3A_263, %min3A_259 : vector<16x1024xf32>
      %min3A_265 = arith.minimumf %min3A_259, %slice3A_263 : vector<16x1024xf32>
      %jit3A_266 = arith.constant 35 : i32
      %broadcast_in_dim3A_267 = vector.broadcast %jit3A_266 : i32 to vector<16x1024xi32>
      %select_n3A_268 = arith.select %lt3A_264, %broadcast_in_dim3A_267, %select_n3A_262 : vector<16x1024xi1>, vector<16x1024xi32>
      %slice3A_269 = vector.extract_strided_slice %add3A_16 {offsets = [576, 0], sizes = [16, 1024], strides = [1, 1]} : vector<1024x1024xf32> to vector<16x1024xf32>
      %lt3A_270 = arith.cmpf olt, %slice3A_269, %min3A_265 : vector<16x1024xf32>
      %min3A_271 = arith.minimumf %min3A_265, %slice3A_269 : vector<16x1024xf32>
      %jit3A_272 = arith.constant 36 : i32
      %broadcast_in_dim3A_273 = vector.broadcast %jit3A_272 : i32 to vector<16x1024xi32>
      %select_n3A_274 = arith.select %lt3A_270, %broadcast_in_dim3A_273, %select_n3A_268 : vector<16x1024xi1>, vector<16x1024xi32>
      %slice3A_275 = vector.extract_strided_slice %add3A_16 {offsets = [592, 0], sizes = [16, 1024], strides = [1, 1]} : vector<1024x1024xf32> to vector<16x1024xf32>
      %lt3A_276 = arith.cmpf olt, %slice3A_275, %min3A_271 : vector<16x1024xf32>
      %min3A_277 = arith.minimumf %min3A_271, %slice3A_275 : vector<16x1024xf32>
      %jit3A_278 = arith.constant 37 : i32
      %broadcast_in_dim3A_279 = vector.broadcast %jit3A_278 : i32 to vector<16x1024xi32>
      %select_n3A_280 = arith.select %lt3A_276, %broadcast_in_dim3A_279, %select_n3A_274 : vector<16x1024xi1>, vector<16x1024xi32>
      %slice3A_281 = vector.extract_strided_slice %add3A_16 {offsets = [608, 0], sizes = [16, 1024], strides = [1, 1]} : vector<1024x1024xf32> to vector<16x1024xf32>
      %lt3A_282 = arith.cmpf olt, %slice3A_281, %min3A_277 : vector<16x1024xf32>
      %min3A_283 = arith.minimumf %min3A_277, %slice3A_281 : vector<16x1024xf32>
      %jit3A_284 = arith.constant 38 : i32
      %broadcast_in_dim3A_285 = vector.broadcast %jit3A_284 : i32 to vector<16x1024xi32>
      %select_n3A_286 = arith.select %lt3A_282, %broadcast_in_dim3A_285, %select_n3A_280 : vector<16x1024xi1>, vector<16x1024xi32>
      %slice3A_287 = vector.extract_strided_slice %add3A_16 {offsets = [624, 0], sizes = [16, 1024], strides = [1, 1]} : vector<1024x1024xf32> to vector<16x1024xf32>
      %lt3A_288 = arith.cmpf olt, %slice3A_287, %min3A_283 : vector<16x1024xf32>
      %min3A_289 = arith.minimumf %min3A_283, %slice3A_287 : vector<16x1024xf32>
      %jit3A_290 = arith.constant 39 : i32
      %broadcast_in_dim3A_291 = vector.broadcast %jit3A_290 : i32 to vector<16x1024xi32>
      %select_n3A_292 = arith.select %lt3A_288, %broadcast_in_dim3A_291, %select_n3A_286 : vector<16x1024xi1>, vector<16x1024xi32>
      %slice3A_293 = vector.extract_strided_slice %add3A_16 {offsets = [640, 0], sizes = [16, 1024], strides = [1, 1]} : vector<1024x1024xf32> to vector<16x1024xf32>
      %lt3A_294 = arith.cmpf olt, %slice3A_293, %min3A_289 : vector<16x1024xf32>
      %min3A_295 = arith.minimumf %min3A_289, %slice3A_293 : vector<16x1024xf32>
      %jit3A_296 = arith.constant 40 : i32
      %broadcast_in_dim3A_297 = vector.broadcast %jit3A_296 : i32 to vector<16x1024xi32>
      %select_n3A_298 = arith.select %lt3A_294, %broadcast_in_dim3A_297, %select_n3A_292 : vector<16x1024xi1>, vector<16x1024xi32>
      %slice3A_299 = vector.extract_strided_slice %add3A_16 {offsets = [656, 0], sizes = [16, 1024], strides = [1, 1]} : vector<1024x1024xf32> to vector<16x1024xf32>
      %lt3A_300 = arith.cmpf olt, %slice3A_299, %min3A_295 : vector<16x1024xf32>
      %min3A_301 = arith.minimumf %min3A_295, %slice3A_299 : vector<16x1024xf32>
      %jit3A_302 = arith.constant 41 : i32
      %broadcast_in_dim3A_303 = vector.broadcast %jit3A_302 : i32 to vector<16x1024xi32>
      %select_n3A_304 = arith.select %lt3A_300, %broadcast_in_dim3A_303, %select_n3A_298 : vector<16x1024xi1>, vector<16x1024xi32>
      %slice3A_305 = vector.extract_strided_slice %add3A_16 {offsets = [672, 0], sizes = [16, 1024], strides = [1, 1]} : vector<1024x1024xf32> to vector<16x1024xf32>
      %lt3A_306 = arith.cmpf olt, %slice3A_305, %min3A_301 : vector<16x1024xf32>
      %min3A_307 = arith.minimumf %min3A_301, %slice3A_305 : vector<16x1024xf32>
      %jit3A_308 = arith.constant 42 : i32
      %broadcast_in_dim3A_309 = vector.broadcast %jit3A_308 : i32 to vector<16x1024xi32>
      %select_n3A_310 = arith.select %lt3A_306, %broadcast_in_dim3A_309, %select_n3A_304 : vector<16x1024xi1>, vector<16x1024xi32>
      %slice3A_311 = vector.extract_strided_slice %add3A_16 {offsets = [688, 0], sizes = [16, 1024], strides = [1, 1]} : vector<1024x1024xf32> to vector<16x1024xf32>
      %lt3A_312 = arith.cmpf olt, %slice3A_311, %min3A_307 : vector<16x1024xf32>
      %min3A_313 = arith.minimumf %min3A_307, %slice3A_311 : vector<16x1024xf32>
      %jit3A_314 = arith.constant 43 : i32
      %broadcast_in_dim3A_315 = vector.broadcast %jit3A_314 : i32 to vector<16x1024xi32>
      %select_n3A_316 = arith.select %lt3A_312, %broadcast_in_dim3A_315, %select_n3A_310 : vector<16x1024xi1>, vector<16x1024xi32>
      %slice3A_317 = vector.extract_strided_slice %add3A_16 {offsets = [704, 0], sizes = [16, 1024], strides = [1, 1]} : vector<1024x1024xf32> to vector<16x1024xf32>
      %lt3A_318 = arith.cmpf olt, %slice3A_317, %min3A_313 : vector<16x1024xf32>
      %min3A_319 = arith.minimumf %min3A_313, %slice3A_317 : vector<16x1024xf32>
      %jit3A_320 = arith.constant 44 : i32
      %broadcast_in_dim3A_321 = vector.broadcast %jit3A_320 : i32 to vector<16x1024xi32>
      %select_n3A_322 = arith.select %lt3A_318, %broadcast_in_dim3A_321, %select_n3A_316 : vector<16x1024xi1>, vector<16x1024xi32>
      %slice3A_323 = vector.extract_strided_slice %add3A_16 {offsets = [720, 0], sizes = [16, 1024], strides = [1, 1]} : vector<1024x1024xf32> to vector<16x1024xf32>
      %lt3A_324 = arith.cmpf olt, %slice3A_323, %min3A_319 : vector<16x1024xf32>
      %min3A_325 = arith.minimumf %min3A_319, %slice3A_323 : vector<16x1024xf32>
      %jit3A_326 = arith.constant 45 : i32
      %broadcast_in_dim3A_327 = vector.broadcast %jit3A_326 : i32 to vector<16x1024xi32>
      %select_n3A_328 = arith.select %lt3A_324, %broadcast_in_dim3A_327, %select_n3A_322 : vector<16x1024xi1>, vector<16x1024xi32>
      %slice3A_329 = vector.extract_strided_slice %add3A_16 {offsets = [736, 0], sizes = [16, 1024], strides = [1, 1]} : vector<1024x1024xf32> to vector<16x1024xf32>
      %lt3A_330 = arith.cmpf olt, %slice3A_329, %min3A_325 : vector<16x1024xf32>
      %min3A_331 = arith.minimumf %min3A_325, %slice3A_329 : vector<16x1024xf32>
      %jit3A_332 = arith.constant 46 : i32
      %broadcast_in_dim3A_333 = vector.broadcast %jit3A_332 : i32 to vector<16x1024xi32>
      %select_n3A_334 = arith.select %lt3A_330, %broadcast_in_dim3A_333, %select_n3A_328 : vector<16x1024xi1>, vector<16x1024xi32>
      %slice3A_335 = vector.extract_strided_slice %add3A_16 {offsets = [752, 0], sizes = [16, 1024], strides = [1, 1]} : vector<1024x1024xf32> to vector<16x1024xf32>
      %lt3A_336 = arith.cmpf olt, %slice3A_335, %min3A_331 : vector<16x1024xf32>
      %min3A_337 = arith.minimumf %min3A_331, %slice3A_335 : vector<16x1024xf32>
      %jit3A_338 = arith.constant 47 : i32
      %broadcast_in_dim3A_339 = vector.broadcast %jit3A_338 : i32 to vector<16x1024xi32>
      %select_n3A_340 = arith.select %lt3A_336, %broadcast_in_dim3A_339, %select_n3A_334 : vector<16x1024xi1>, vector<16x1024xi32>
      %slice3A_341 = vector.extract_strided_slice %add3A_16 {offsets = [768, 0], sizes = [16, 1024], strides = [1, 1]} : vector<1024x1024xf32> to vector<16x1024xf32>
      %lt3A_342 = arith.cmpf olt, %slice3A_341, %min3A_337 : vector<16x1024xf32>
      %min3A_343 = arith.minimumf %min3A_337, %slice3A_341 : vector<16x1024xf32>
      %jit3A_344 = arith.constant 48 : i32
      %broadcast_in_dim3A_345 = vector.broadcast %jit3A_344 : i32 to vector<16x1024xi32>
      %select_n3A_346 = arith.select %lt3A_342, %broadcast_in_dim3A_345, %select_n3A_340 : vector<16x1024xi1>, vector<16x1024xi32>
      %slice3A_347 = vector.extract_strided_slice %add3A_16 {offsets = [784, 0], sizes = [16, 1024], strides = [1, 1]} : vector<1024x1024xf32> to vector<16x1024xf32>
      %lt3A_348 = arith.cmpf olt, %slice3A_347, %min3A_343 : vector<16x1024xf32>
      %min3A_349 = arith.minimumf %min3A_343, %slice3A_347 : vector<16x1024xf32>
      %jit3A_350 = arith.constant 49 : i32
      %broadcast_in_dim3A_351 = vector.broadcast %jit3A_350 : i32 to vector<16x1024xi32>
      %select_n3A_352 = arith.select %lt3A_348, %broadcast_in_dim3A_351, %select_n3A_346 : vector<16x1024xi1>, vector<16x1024xi32>
      %slice3A_353 = vector.extract_strided_slice %add3A_16 {offsets = [800, 0], sizes = [16, 1024], strides = [1, 1]} : vector<1024x1024xf32> to vector<16x1024xf32>
      %lt3A_354 = arith.cmpf olt, %slice3A_353, %min3A_349 : vector<16x1024xf32>
      %min3A_355 = arith.minimumf %min3A_349, %slice3A_353 : vector<16x1024xf32>
      %jit3A_356 = arith.constant 50 : i32
      %broadcast_in_dim3A_357 = vector.broadcast %jit3A_356 : i32 to vector<16x1024xi32>
      %select_n3A_358 = arith.select %lt3A_354, %broadcast_in_dim3A_357, %select_n3A_352 : vector<16x1024xi1>, vector<16x1024xi32>
      %slice3A_359 = vector.extract_strided_slice %add3A_16 {offsets = [816, 0], sizes = [16, 1024], strides = [1, 1]} : vector<1024x1024xf32> to vector<16x1024xf32>
      %lt3A_360 = arith.cmpf olt, %slice3A_359, %min3A_355 : vector<16x1024xf32>
      %min3A_361 = arith.minimumf %min3A_355, %slice3A_359 : vector<16x1024xf32>
      %jit3A_362 = arith.constant 51 : i32
      %broadcast_in_dim3A_363 = vector.broadcast %jit3A_362 : i32 to vector<16x1024xi32>
      %select_n3A_364 = arith.select %lt3A_360, %broadcast_in_dim3A_363, %select_n3A_358 : vector<16x1024xi1>, vector<16x1024xi32>
      %slice3A_365 = vector.extract_strided_slice %add3A_16 {offsets = [832, 0], sizes = [16, 1024], strides = [1, 1]} : vector<1024x1024xf32> to vector<16x1024xf32>
      %lt3A_366 = arith.cmpf olt, %slice3A_365, %min3A_361 : vector<16x1024xf32>
      %min3A_367 = arith.minimumf %min3A_361, %slice3A_365 : vector<16x1024xf32>
      %jit3A_368 = arith.constant 52 : i32
      %broadcast_in_dim3A_369 = vector.broadcast %jit3A_368 : i32 to vector<16x1024xi32>
      %select_n3A_370 = arith.select %lt3A_366, %broadcast_in_dim3A_369, %select_n3A_364 : vector<16x1024xi1>, vector<16x1024xi32>
      %slice3A_371 = vector.extract_strided_slice %add3A_16 {offsets = [848, 0], sizes = [16, 1024], strides = [1, 1]} : vector<1024x1024xf32> to vector<16x1024xf32>
      %lt3A_372 = arith.cmpf olt, %slice3A_371, %min3A_367 : vector<16x1024xf32>
      %min3A_373 = arith.minimumf %min3A_367, %slice3A_371 : vector<16x1024xf32>
      %jit3A_374 = arith.constant 53 : i32
      %broadcast_in_dim3A_375 = vector.broadcast %jit3A_374 : i32 to vector<16x1024xi32>
      %select_n3A_376 = arith.select %lt3A_372, %broadcast_in_dim3A_375, %select_n3A_370 : vector<16x1024xi1>, vector<16x1024xi32>
      %slice3A_377 = vector.extract_strided_slice %add3A_16 {offsets = [864, 0], sizes = [16, 1024], strides = [1, 1]} : vector<1024x1024xf32> to vector<16x1024xf32>
      %lt3A_378 = arith.cmpf olt, %slice3A_377, %min3A_373 : vector<16x1024xf32>
      %min3A_379 = arith.minimumf %min3A_373, %slice3A_377 : vector<16x1024xf32>
      %jit3A_380 = arith.constant 54 : i32
      %broadcast_in_dim3A_381 = vector.broadcast %jit3A_380 : i32 to vector<16x1024xi32>
      %select_n3A_382 = arith.select %lt3A_378, %broadcast_in_dim3A_381, %select_n3A_376 : vector<16x1024xi1>, vector<16x1024xi32>
      %slice3A_383 = vector.extract_strided_slice %add3A_16 {offsets = [880, 0], sizes = [16, 1024], strides = [1, 1]} : vector<1024x1024xf32> to vector<16x1024xf32>
      %lt3A_384 = arith.cmpf olt, %slice3A_383, %min3A_379 : vector<16x1024xf32>
      %min3A_385 = arith.minimumf %min3A_379, %slice3A_383 : vector<16x1024xf32>
      %jit3A_386 = arith.constant 55 : i32
      %broadcast_in_dim3A_387 = vector.broadcast %jit3A_386 : i32 to vector<16x1024xi32>
      %select_n3A_388 = arith.select %lt3A_384, %broadcast_in_dim3A_387, %select_n3A_382 : vector<16x1024xi1>, vector<16x1024xi32>
      %slice3A_389 = vector.extract_strided_slice %add3A_16 {offsets = [896, 0], sizes = [16, 1024], strides = [1, 1]} : vector<1024x1024xf32> to vector<16x1024xf32>
      %lt3A_390 = arith.cmpf olt, %slice3A_389, %min3A_385 : vector<16x1024xf32>
      %min3A_391 = arith.minimumf %min3A_385, %slice3A_389 : vector<16x1024xf32>
      %jit3A_392 = arith.constant 56 : i32
      %broadcast_in_dim3A_393 = vector.broadcast %jit3A_392 : i32 to vector<16x1024xi32>
      %select_n3A_394 = arith.select %lt3A_390, %broadcast_in_dim3A_393, %select_n3A_388 : vector<16x1024xi1>, vector<16x1024xi32>
      %slice3A_395 = vector.extract_strided_slice %add3A_16 {offsets = [912, 0], sizes = [16, 1024], strides = [1, 1]} : vector<1024x1024xf32> to vector<16x1024xf32>
      %lt3A_396 = arith.cmpf olt, %slice3A_395, %min3A_391 : vector<16x1024xf32>
      %min3A_397 = arith.minimumf %min3A_391, %slice3A_395 : vector<16x1024xf32>
      %jit3A_398 = arith.constant 57 : i32
      %broadcast_in_dim3A_399 = vector.broadcast %jit3A_398 : i32 to vector<16x1024xi32>
      %select_n3A_400 = arith.select %lt3A_396, %broadcast_in_dim3A_399, %select_n3A_394 : vector<16x1024xi1>, vector<16x1024xi32>
      %slice3A_401 = vector.extract_strided_slice %add3A_16 {offsets = [928, 0], sizes = [16, 1024], strides = [1, 1]} : vector<1024x1024xf32> to vector<16x1024xf32>
      %lt3A_402 = arith.cmpf olt, %slice3A_401, %min3A_397 : vector<16x1024xf32>
      %min3A_403 = arith.minimumf %min3A_397, %slice3A_401 : vector<16x1024xf32>
      %jit3A_404 = arith.constant 58 : i32
      %broadcast_in_dim3A_405 = vector.broadcast %jit3A_404 : i32 to vector<16x1024xi32>
      %select_n3A_406 = arith.select %lt3A_402, %broadcast_in_dim3A_405, %select_n3A_400 : vector<16x1024xi1>, vector<16x1024xi32>
      %slice3A_407 = vector.extract_strided_slice %add3A_16 {offsets = [944, 0], sizes = [16, 1024], strides = [1, 1]} : vector<1024x1024xf32> to vector<16x1024xf32>
      %lt3A_408 = arith.cmpf olt, %slice3A_407, %min3A_403 : vector<16x1024xf32>
      %min3A_409 = arith.minimumf %min3A_403, %slice3A_407 : vector<16x1024xf32>
      %jit3A_410 = arith.constant 59 : i32
      %broadcast_in_dim3A_411 = vector.broadcast %jit3A_410 : i32 to vector<16x1024xi32>
      %select_n3A_412 = arith.select %lt3A_408, %broadcast_in_dim3A_411, %select_n3A_406 : vector<16x1024xi1>, vector<16x1024xi32>
      %slice3A_413 = vector.extract_strided_slice %add3A_16 {offsets = [960, 0], sizes = [16, 1024], strides = [1, 1]} : vector<1024x1024xf32> to vector<16x1024xf32>
      %lt3A_414 = arith.cmpf olt, %slice3A_413, %min3A_409 : vector<16x1024xf32>
      %min3A_415 = arith.minimumf %min3A_409, %slice3A_413 : vector<16x1024xf32>
      %jit3A_416 = arith.constant 60 : i32
      %broadcast_in_dim3A_417 = vector.broadcast %jit3A_416 : i32 to vector<16x1024xi32>
      %select_n3A_418 = arith.select %lt3A_414, %broadcast_in_dim3A_417, %select_n3A_412 : vector<16x1024xi1>, vector<16x1024xi32>
      %slice3A_419 = vector.extract_strided_slice %add3A_16 {offsets = [976, 0], sizes = [16, 1024], strides = [1, 1]} : vector<1024x1024xf32> to vector<16x1024xf32>
      %lt3A_420 = arith.cmpf olt, %slice3A_419, %min3A_415 : vector<16x1024xf32>
      %min3A_421 = arith.minimumf %min3A_415, %slice3A_419 : vector<16x1024xf32>
      %jit3A_422 = arith.constant 61 : i32
      %broadcast_in_dim3A_423 = vector.broadcast %jit3A_422 : i32 to vector<16x1024xi32>
      %select_n3A_424 = arith.select %lt3A_420, %broadcast_in_dim3A_423, %select_n3A_418 : vector<16x1024xi1>, vector<16x1024xi32>
      %slice3A_425 = vector.extract_strided_slice %add3A_16 {offsets = [992, 0], sizes = [16, 1024], strides = [1, 1]} : vector<1024x1024xf32> to vector<16x1024xf32>
      %lt3A_426 = arith.cmpf olt, %slice3A_425, %min3A_421 : vector<16x1024xf32>
      %min3A_427 = arith.minimumf %min3A_421, %slice3A_425 : vector<16x1024xf32>
      %jit3A_428 = arith.constant 62 : i32
      %broadcast_in_dim3A_429 = vector.broadcast %jit3A_428 : i32 to vector<16x1024xi32>
      %select_n3A_430 = arith.select %lt3A_426, %broadcast_in_dim3A_429, %select_n3A_424 : vector<16x1024xi1>, vector<16x1024xi32>
      %slice3A_431 = vector.extract_strided_slice %add3A_16 {offsets = [1008, 0], sizes = [16, 1024], strides = [1, 1]} : vector<1024x1024xf32> to vector<16x1024xf32>
      %lt3A_432 = arith.cmpf olt, %slice3A_431, %min3A_427 : vector<16x1024xf32>
      %min3A_433 = arith.minimumf %min3A_427, %slice3A_431 : vector<16x1024xf32>
      %jit3A_434 = arith.constant 63 : i32
      %broadcast_in_dim3A_435 = vector.broadcast %jit3A_434 : i32 to vector<16x1024xi32>
      %select_n3A_436 = arith.select %lt3A_432, %broadcast_in_dim3A_435, %select_n3A_430 : vector<16x1024xi1>, vector<16x1024xi32>
      %mul3A = arith.constant 16 : i32
      %mul3A_437 = vector.broadcast %mul3A : i32 to vector<16x1024xi32>
      %mul3A_438 = arith.muli %select_n3A_436, %mul3A_437 : vector<16x1024xi32>
      %iota3A = tpu.iota {dimensions = array<i32: 0>} : vector<16x1024xi32>
      %add3A_439 = arith.addi %mul3A_438, %iota3A : vector<16x1024xi32>
      %reduce_min3A = arith.constant dense<0x7F800000> : vector<1024xf32>
      %reduce_min3A_440 = vector.multi_reduction <minimumf>, %min3A_433, %reduce_min3A [0] : vector<16x1024xf32> to vector<1024xf32>
      %broadcast_in_dim3A_441 = vector.shape_cast %reduce_min3A_440 : vector<1024xf32> to vector<1x1024xf32>
      %eq3A_442 = vector.broadcast %broadcast_in_dim3A_441 : vector<1x1024xf32> to vector<16x1024xf32>
      %eq3A_443 = arith.cmpf oeq, %min3A_433, %eq3A_442 : vector<16x1024xf32>
      %jit3A_444 = arith.constant 8192 : i32
      %broadcast_in_dim3A_445 = vector.broadcast %jit3A_444 : i32 to vector<16x1024xi32>
      %select_n3A_446 = arith.select %eq3A_443, %add3A_439, %broadcast_in_dim3A_445 : vector<16x1024xi1>, vector<16x1024xi32>
      %reduce_min3A_447 = arith.constant dense<2147483647> : vector<1024xi32>
      %reduce_min3A_448 = vector.multi_reduction <minsi>, %select_n3A_446, %reduce_min3A_447 [0] : vector<16x1024xi32> to vector<1024xi32>
      %broadcast_in_dim3A_449 = vector.shape_cast %reduce_min3A_448 : vector<1024xi32> to vector<1x1024xi32>
      %add3A_450 = arith.constant 0 : i32
      %add3A_451 = vector.broadcast %add3A_450 : i32 to vector<1x1024xi32>
      %add3A_452 = arith.addi %broadcast_in_dim3A_449, %add3A_451 : vector<1x1024xi32>
      %get3A_453 = arith.constant 0 : index
      %get3A_454 = arith.constant 0 : index
      %get3A_455 = vector.load %arg11[%get3A_453, %get3A_454] : memref<1x1024xf32, #tpu.memory_space<vmem>>, vector<1x1024xf32>
      %lt3A_456 = arith.cmpf olt, %broadcast_in_dim3A_441, %get3A_455 : vector<1x1024xf32>
      %get3A_457 = arith.constant 0 : index
      %get3A_458 = arith.constant 0 : index
      %get3A_459 = vector.load %arg12[%get3A_457, %get3A_458] : memref<1x1024xi32, #tpu.memory_space<vmem>>, vector<1x1024xi32>
      %select_n3A_460 = arith.select %lt3A_456, %add3A_452, %get3A_459 : vector<1x1024xi1>, vector<1x1024xi32>
      %swap3A = arith.constant 0 : index
      %swap3A_461 = arith.constant 0 : index
      %swap3A_462 = vector.load %arg12[%swap3A, %swap3A_461] : memref<1x1024xi32, #tpu.memory_space<vmem>>, vector<1x1024xi32>
      tpu.vector_store %arg12[%swap3A, %swap3A_461], %select_n3A_460 {strides = array<i32>} : memref<1x1024xi32, #tpu.memory_space<vmem>>, vector<1x1024xi32>,
      %get3A_463 = arith.constant 0 : index
      %get3A_464 = arith.constant 0 : index
      %get3A_465 = vector.load %arg11[%get3A_463, %get3A_464] : memref<1x1024xf32, #tpu.memory_space<vmem>>, vector<1x1024xf32>
      %select_n3A_466 = arith.select %lt3A_456, %broadcast_in_dim3A_441, %get3A_465 : vector<1x1024xi1>, vector<1x1024xf32>
      %swap3A_467 = arith.constant 0 : index
      %swap3A_468 = arith.constant 0 : index
      %swap3A_469 = vector.load %arg11[%swap3A_467, %swap3A_468] : memref<1x1024xf32, #tpu.memory_space<vmem>>, vector<1x1024xf32>
      tpu.vector_store %arg11[%swap3A_467, %swap3A_468], %select_n3A_466 {strides = array<i32>} : memref<1x1024xf32, #tpu.memory_space<vmem>>, vector<1x1024xf32>,
    } else {
    }
    %eq3A_22 = arith.constant 1 : i32
    %eq3A_23 = arith.cmpi eq, %arg1, %eq3A_22 : i32
    %convert_element_type3A_24 = arith.extui %eq3A_23 : i1 to i32
    %cond3A_25 = arith.constant 0 : i32
    %cond3A_26 = arith.cmpi ne, %convert_element_type3A_24, %cond3A_25 : i32
    scf.if %cond3A_26 {
      %slice3A = vector.extract_strided_slice %add3A_16 {offsets = [0, 0], sizes = [16, 1024], strides = [1, 1]} : vector<1024x1024xf32> to vector<16x1024xf32>
      %broadcast_in_dim3A = arith.constant 0 : i32
      %broadcast_in_dim3A_62 = vector.broadcast %broadcast_in_dim3A : i32 to vector<16x1024xi32>
      %slice3A_63 = vector.extract_strided_slice %add3A_16 {offsets = [16, 0], sizes = [16, 1024], strides = [1, 1]} : vector<1024x1024xf32> to vector<16x1024xf32>
      %lt3A = arith.cmpf olt, %slice3A_63, %slice3A : vector<16x1024xf32>
      %min3A = arith.minimumf %slice3A, %slice3A_63 : vector<16x1024xf32>
      %jit3A = arith.constant 1 : i32
      %broadcast_in_dim3A_64 = vector.broadcast %jit3A : i32 to vector<16x1024xi32>
      %select_n3A = arith.select %lt3A, %broadcast_in_dim3A_64, %broadcast_in_dim3A_62 : vector<16x1024xi1>, vector<16x1024xi32>
      %slice3A_65 = vector.extract_strided_slice %add3A_16 {offsets = [32, 0], sizes = [16, 1024], strides = [1, 1]} : vector<1024x1024xf32> to vector<16x1024xf32>
      %lt3A_66 = arith.cmpf olt, %slice3A_65, %min3A : vector<16x1024xf32>
      %min3A_67 = arith.minimumf %min3A, %slice3A_65 : vector<16x1024xf32>
      %jit3A_68 = arith.constant 2 : i32
      %broadcast_in_dim3A_69 = vector.broadcast %jit3A_68 : i32 to vector<16x1024xi32>
      %select_n3A_70 = arith.select %lt3A_66, %broadcast_in_dim3A_69, %select_n3A : vector<16x1024xi1>, vector<16x1024xi32>
      %slice3A_71 = vector.extract_strided_slice %add3A_16 {offsets = [48, 0], sizes = [16, 1024], strides = [1, 1]} : vector<1024x1024xf32> to vector<16x1024xf32>
      %lt3A_72 = arith.cmpf olt, %slice3A_71, %min3A_67 : vector<16x1024xf32>
      %min3A_73 = arith.minimumf %min3A_67, %slice3A_71 : vector<16x1024xf32>
      %jit3A_74 = arith.constant 3 : i32
      %broadcast_in_dim3A_75 = vector.broadcast %jit3A_74 : i32 to vector<16x1024xi32>
      %select_n3A_76 = arith.select %lt3A_72, %broadcast_in_dim3A_75, %select_n3A_70 : vector<16x1024xi1>, vector<16x1024xi32>
      %slice3A_77 = vector.extract_strided_slice %add3A_16 {offsets = [64, 0], sizes = [16, 1024], strides = [1, 1]} : vector<1024x1024xf32> to vector<16x1024xf32>
      %lt3A_78 = arith.cmpf olt, %slice3A_77, %min3A_73 : vector<16x1024xf32>
      %min3A_79 = arith.minimumf %min3A_73, %slice3A_77 : vector<16x1024xf32>
      %jit3A_80 = arith.constant 4 : i32
      %broadcast_in_dim3A_81 = vector.broadcast %jit3A_80 : i32 to vector<16x1024xi32>
      %select_n3A_82 = arith.select %lt3A_78, %broadcast_in_dim3A_81, %select_n3A_76 : vector<16x1024xi1>, vector<16x1024xi32>
      %slice3A_83 = vector.extract_strided_slice %add3A_16 {offsets = [80, 0], sizes = [16, 1024], strides = [1, 1]} : vector<1024x1024xf32> to vector<16x1024xf32>
      %lt3A_84 = arith.cmpf olt, %slice3A_83, %min3A_79 : vector<16x1024xf32>
      %min3A_85 = arith.minimumf %min3A_79, %slice3A_83 : vector<16x1024xf32>
      %jit3A_86 = arith.constant 5 : i32
      %broadcast_in_dim3A_87 = vector.broadcast %jit3A_86 : i32 to vector<16x1024xi32>
      %select_n3A_88 = arith.select %lt3A_84, %broadcast_in_dim3A_87, %select_n3A_82 : vector<16x1024xi1>, vector<16x1024xi32>
      %slice3A_89 = vector.extract_strided_slice %add3A_16 {offsets = [96, 0], sizes = [16, 1024], strides = [1, 1]} : vector<1024x1024xf32> to vector<16x1024xf32>
      %lt3A_90 = arith.cmpf olt, %slice3A_89, %min3A_85 : vector<16x1024xf32>
      %min3A_91 = arith.minimumf %min3A_85, %slice3A_89 : vector<16x1024xf32>
      %jit3A_92 = arith.constant 6 : i32
      %broadcast_in_dim3A_93 = vector.broadcast %jit3A_92 : i32 to vector<16x1024xi32>
      %select_n3A_94 = arith.select %lt3A_90, %broadcast_in_dim3A_93, %select_n3A_88 : vector<16x1024xi1>, vector<16x1024xi32>
      %slice3A_95 = vector.extract_strided_slice %add3A_16 {offsets = [112, 0], sizes = [16, 1024], strides = [1, 1]} : vector<1024x1024xf32> to vector<16x1024xf32>
      %lt3A_96 = arith.cmpf olt, %slice3A_95, %min3A_91 : vector<16x1024xf32>
      %min3A_97 = arith.minimumf %min3A_91, %slice3A_95 : vector<16x1024xf32>
      %jit3A_98 = arith.constant 7 : i32
      %broadcast_in_dim3A_99 = vector.broadcast %jit3A_98 : i32 to vector<16x1024xi32>
      %select_n3A_100 = arith.select %lt3A_96, %broadcast_in_dim3A_99, %select_n3A_94 : vector<16x1024xi1>, vector<16x1024xi32>
      %slice3A_101 = vector.extract_strided_slice %add3A_16 {offsets = [128, 0], sizes = [16, 1024], strides = [1, 1]} : vector<1024x1024xf32> to vector<16x1024xf32>
      %lt3A_102 = arith.cmpf olt, %slice3A_101, %min3A_97 : vector<16x1024xf32>
      %min3A_103 = arith.minimumf %min3A_97, %slice3A_101 : vector<16x1024xf32>
      %jit3A_104 = arith.constant 8 : i32
      %broadcast_in_dim3A_105 = vector.broadcast %jit3A_104 : i32 to vector<16x1024xi32>
      %select_n3A_106 = arith.select %lt3A_102, %broadcast_in_dim3A_105, %select_n3A_100 : vector<16x1024xi1>, vector<16x1024xi32>
      %slice3A_107 = vector.extract_strided_slice %add3A_16 {offsets = [144, 0], sizes = [16, 1024], strides = [1, 1]} : vector<1024x1024xf32> to vector<16x1024xf32>
      %lt3A_108 = arith.cmpf olt, %slice3A_107, %min3A_103 : vector<16x1024xf32>
      %min3A_109 = arith.minimumf %min3A_103, %slice3A_107 : vector<16x1024xf32>
      %jit3A_110 = arith.constant 9 : i32
      %broadcast_in_dim3A_111 = vector.broadcast %jit3A_110 : i32 to vector<16x1024xi32>
      %select_n3A_112 = arith.select %lt3A_108, %broadcast_in_dim3A_111, %select_n3A_106 : vector<16x1024xi1>, vector<16x1024xi32>
      %slice3A_113 = vector.extract_strided_slice %add3A_16 {offsets = [160, 0], sizes = [16, 1024], strides = [1, 1]} : vector<1024x1024xf32> to vector<16x1024xf32>
      %lt3A_114 = arith.cmpf olt, %slice3A_113, %min3A_109 : vector<16x1024xf32>
      %min3A_115 = arith.minimumf %min3A_109, %slice3A_113 : vector<16x1024xf32>
      %jit3A_116 = arith.constant 10 : i32
      %broadcast_in_dim3A_117 = vector.broadcast %jit3A_116 : i32 to vector<16x1024xi32>
      %select_n3A_118 = arith.select %lt3A_114, %broadcast_in_dim3A_117, %select_n3A_112 : vector<16x1024xi1>, vector<16x1024xi32>
      %slice3A_119 = vector.extract_strided_slice %add3A_16 {offsets = [176, 0], sizes = [16, 1024], strides = [1, 1]} : vector<1024x1024xf32> to vector<16x1024xf32>
      %lt3A_120 = arith.cmpf olt, %slice3A_119, %min3A_115 : vector<16x1024xf32>
      %min3A_121 = arith.minimumf %min3A_115, %slice3A_119 : vector<16x1024xf32>
      %jit3A_122 = arith.constant 11 : i32
      %broadcast_in_dim3A_123 = vector.broadcast %jit3A_122 : i32 to vector<16x1024xi32>
      %select_n3A_124 = arith.select %lt3A_120, %broadcast_in_dim3A_123, %select_n3A_118 : vector<16x1024xi1>, vector<16x1024xi32>
      %slice3A_125 = vector.extract_strided_slice %add3A_16 {offsets = [192, 0], sizes = [16, 1024], strides = [1, 1]} : vector<1024x1024xf32> to vector<16x1024xf32>
      %lt3A_126 = arith.cmpf olt, %slice3A_125, %min3A_121 : vector<16x1024xf32>
      %min3A_127 = arith.minimumf %min3A_121, %slice3A_125 : vector<16x1024xf32>
      %jit3A_128 = arith.constant 12 : i32
      %broadcast_in_dim3A_129 = vector.broadcast %jit3A_128 : i32 to vector<16x1024xi32>
      %select_n3A_130 = arith.select %lt3A_126, %broadcast_in_dim3A_129, %select_n3A_124 : vector<16x1024xi1>, vector<16x1024xi32>
      %slice3A_131 = vector.extract_strided_slice %add3A_16 {offsets = [208, 0], sizes = [16, 1024], strides = [1, 1]} : vector<1024x1024xf32> to vector<16x1024xf32>
      %lt3A_132 = arith.cmpf olt, %slice3A_131, %min3A_127 : vector<16x1024xf32>
      %min3A_133 = arith.minimumf %min3A_127, %slice3A_131 : vector<16x1024xf32>
      %jit3A_134 = arith.constant 13 : i32
      %broadcast_in_dim3A_135 = vector.broadcast %jit3A_134 : i32 to vector<16x1024xi32>
      %select_n3A_136 = arith.select %lt3A_132, %broadcast_in_dim3A_135, %select_n3A_130 : vector<16x1024xi1>, vector<16x1024xi32>
      %slice3A_137 = vector.extract_strided_slice %add3A_16 {offsets = [224, 0], sizes = [16, 1024], strides = [1, 1]} : vector<1024x1024xf32> to vector<16x1024xf32>
      %lt3A_138 = arith.cmpf olt, %slice3A_137, %min3A_133 : vector<16x1024xf32>
      %min3A_139 = arith.minimumf %min3A_133, %slice3A_137 : vector<16x1024xf32>
      %jit3A_140 = arith.constant 14 : i32
      %broadcast_in_dim3A_141 = vector.broadcast %jit3A_140 : i32 to vector<16x1024xi32>
      %select_n3A_142 = arith.select %lt3A_138, %broadcast_in_dim3A_141, %select_n3A_136 : vector<16x1024xi1>, vector<16x1024xi32>
      %slice3A_143 = vector.extract_strided_slice %add3A_16 {offsets = [240, 0], sizes = [16, 1024], strides = [1, 1]} : vector<1024x1024xf32> to vector<16x1024xf32>
      %lt3A_144 = arith.cmpf olt, %slice3A_143, %min3A_139 : vector<16x1024xf32>
      %min3A_145 = arith.minimumf %min3A_139, %slice3A_143 : vector<16x1024xf32>
      %jit3A_146 = arith.constant 15 : i32
      %broadcast_in_dim3A_147 = vector.broadcast %jit3A_146 : i32 to vector<16x1024xi32>
      %select_n3A_148 = arith.select %lt3A_144, %broadcast_in_dim3A_147, %select_n3A_142 : vector<16x1024xi1>, vector<16x1024xi32>
      %slice3A_149 = vector.extract_strided_slice %add3A_16 {offsets = [256, 0], sizes = [16, 1024], strides = [1, 1]} : vector<1024x1024xf32> to vector<16x1024xf32>
      %lt3A_150 = arith.cmpf olt, %slice3A_149, %min3A_145 : vector<16x1024xf32>
      %min3A_151 = arith.minimumf %min3A_145, %slice3A_149 : vector<16x1024xf32>
      %jit3A_152 = arith.constant 16 : i32
      %broadcast_in_dim3A_153 = vector.broadcast %jit3A_152 : i32 to vector<16x1024xi32>
      %select_n3A_154 = arith.select %lt3A_150, %broadcast_in_dim3A_153, %select_n3A_148 : vector<16x1024xi1>, vector<16x1024xi32>
      %slice3A_155 = vector.extract_strided_slice %add3A_16 {offsets = [272, 0], sizes = [16, 1024], strides = [1, 1]} : vector<1024x1024xf32> to vector<16x1024xf32>
      %lt3A_156 = arith.cmpf olt, %slice3A_155, %min3A_151 : vector<16x1024xf32>
      %min3A_157 = arith.minimumf %min3A_151, %slice3A_155 : vector<16x1024xf32>
      %jit3A_158 = arith.constant 17 : i32
      %broadcast_in_dim3A_159 = vector.broadcast %jit3A_158 : i32 to vector<16x1024xi32>
      %select_n3A_160 = arith.select %lt3A_156, %broadcast_in_dim3A_159, %select_n3A_154 : vector<16x1024xi1>, vector<16x1024xi32>
      %slice3A_161 = vector.extract_strided_slice %add3A_16 {offsets = [288, 0], sizes = [16, 1024], strides = [1, 1]} : vector<1024x1024xf32> to vector<16x1024xf32>
      %lt3A_162 = arith.cmpf olt, %slice3A_161, %min3A_157 : vector<16x1024xf32>
      %min3A_163 = arith.minimumf %min3A_157, %slice3A_161 : vector<16x1024xf32>
      %jit3A_164 = arith.constant 18 : i32
      %broadcast_in_dim3A_165 = vector.broadcast %jit3A_164 : i32 to vector<16x1024xi32>
      %select_n3A_166 = arith.select %lt3A_162, %broadcast_in_dim3A_165, %select_n3A_160 : vector<16x1024xi1>, vector<16x1024xi32>
      %slice3A_167 = vector.extract_strided_slice %add3A_16 {offsets = [304, 0], sizes = [16, 1024], strides = [1, 1]} : vector<1024x1024xf32> to vector<16x1024xf32>
      %lt3A_168 = arith.cmpf olt, %slice3A_167, %min3A_163 : vector<16x1024xf32>
      %min3A_169 = arith.minimumf %min3A_163, %slice3A_167 : vector<16x1024xf32>
      %jit3A_170 = arith.constant 19 : i32
      %broadcast_in_dim3A_171 = vector.broadcast %jit3A_170 : i32 to vector<16x1024xi32>
      %select_n3A_172 = arith.select %lt3A_168, %broadcast_in_dim3A_171, %select_n3A_166 : vector<16x1024xi1>, vector<16x1024xi32>
      %slice3A_173 = vector.extract_strided_slice %add3A_16 {offsets = [320, 0], sizes = [16, 1024], strides = [1, 1]} : vector<1024x1024xf32> to vector<16x1024xf32>
      %lt3A_174 = arith.cmpf olt, %slice3A_173, %min3A_169 : vector<16x1024xf32>
      %min3A_175 = arith.minimumf %min3A_169, %slice3A_173 : vector<16x1024xf32>
      %jit3A_176 = arith.constant 20 : i32
      %broadcast_in_dim3A_177 = vector.broadcast %jit3A_176 : i32 to vector<16x1024xi32>
      %select_n3A_178 = arith.select %lt3A_174, %broadcast_in_dim3A_177, %select_n3A_172 : vector<16x1024xi1>, vector<16x1024xi32>
      %slice3A_179 = vector.extract_strided_slice %add3A_16 {offsets = [336, 0], sizes = [16, 1024], strides = [1, 1]} : vector<1024x1024xf32> to vector<16x1024xf32>
      %lt3A_180 = arith.cmpf olt, %slice3A_179, %min3A_175 : vector<16x1024xf32>
      %min3A_181 = arith.minimumf %min3A_175, %slice3A_179 : vector<16x1024xf32>
      %jit3A_182 = arith.constant 21 : i32
      %broadcast_in_dim3A_183 = vector.broadcast %jit3A_182 : i32 to vector<16x1024xi32>
      %select_n3A_184 = arith.select %lt3A_180, %broadcast_in_dim3A_183, %select_n3A_178 : vector<16x1024xi1>, vector<16x1024xi32>
      %slice3A_185 = vector.extract_strided_slice %add3A_16 {offsets = [352, 0], sizes = [16, 1024], strides = [1, 1]} : vector<1024x1024xf32> to vector<16x1024xf32>
      %lt3A_186 = arith.cmpf olt, %slice3A_185, %min3A_181 : vector<16x1024xf32>
      %min3A_187 = arith.minimumf %min3A_181, %slice3A_185 : vector<16x1024xf32>
      %jit3A_188 = arith.constant 22 : i32
      %broadcast_in_dim3A_189 = vector.broadcast %jit3A_188 : i32 to vector<16x1024xi32>
      %select_n3A_190 = arith.select %lt3A_186, %broadcast_in_dim3A_189, %select_n3A_184 : vector<16x1024xi1>, vector<16x1024xi32>
      %slice3A_191 = vector.extract_strided_slice %add3A_16 {offsets = [368, 0], sizes = [16, 1024], strides = [1, 1]} : vector<1024x1024xf32> to vector<16x1024xf32>
      %lt3A_192 = arith.cmpf olt, %slice3A_191, %min3A_187 : vector<16x1024xf32>
      %min3A_193 = arith.minimumf %min3A_187, %slice3A_191 : vector<16x1024xf32>
      %jit3A_194 = arith.constant 23 : i32
      %broadcast_in_dim3A_195 = vector.broadcast %jit3A_194 : i32 to vector<16x1024xi32>
      %select_n3A_196 = arith.select %lt3A_192, %broadcast_in_dim3A_195, %select_n3A_190 : vector<16x1024xi1>, vector<16x1024xi32>
      %slice3A_197 = vector.extract_strided_slice %add3A_16 {offsets = [384, 0], sizes = [16, 1024], strides = [1, 1]} : vector<1024x1024xf32> to vector<16x1024xf32>
      %lt3A_198 = arith.cmpf olt, %slice3A_197, %min3A_193 : vector<16x1024xf32>
      %min3A_199 = arith.minimumf %min3A_193, %slice3A_197 : vector<16x1024xf32>
      %jit3A_200 = arith.constant 24 : i32
      %broadcast_in_dim3A_201 = vector.broadcast %jit3A_200 : i32 to vector<16x1024xi32>
      %select_n3A_202 = arith.select %lt3A_198, %broadcast_in_dim3A_201, %select_n3A_196 : vector<16x1024xi1>, vector<16x1024xi32>
      %slice3A_203 = vector.extract_strided_slice %add3A_16 {offsets = [400, 0], sizes = [16, 1024], strides = [1, 1]} : vector<1024x1024xf32> to vector<16x1024xf32>
      %lt3A_204 = arith.cmpf olt, %slice3A_203, %min3A_199 : vector<16x1024xf32>
      %min3A_205 = arith.minimumf %min3A_199, %slice3A_203 : vector<16x1024xf32>
      %jit3A_206 = arith.constant 25 : i32
      %broadcast_in_dim3A_207 = vector.broadcast %jit3A_206 : i32 to vector<16x1024xi32>
      %select_n3A_208 = arith.select %lt3A_204, %broadcast_in_dim3A_207, %select_n3A_202 : vector<16x1024xi1>, vector<16x1024xi32>
      %slice3A_209 = vector.extract_strided_slice %add3A_16 {offsets = [416, 0], sizes = [16, 1024], strides = [1, 1]} : vector<1024x1024xf32> to vector<16x1024xf32>
      %lt3A_210 = arith.cmpf olt, %slice3A_209, %min3A_205 : vector<16x1024xf32>
      %min3A_211 = arith.minimumf %min3A_205, %slice3A_209 : vector<16x1024xf32>
      %jit3A_212 = arith.constant 26 : i32
      %broadcast_in_dim3A_213 = vector.broadcast %jit3A_212 : i32 to vector<16x1024xi32>
      %select_n3A_214 = arith.select %lt3A_210, %broadcast_in_dim3A_213, %select_n3A_208 : vector<16x1024xi1>, vector<16x1024xi32>
      %slice3A_215 = vector.extract_strided_slice %add3A_16 {offsets = [432, 0], sizes = [16, 1024], strides = [1, 1]} : vector<1024x1024xf32> to vector<16x1024xf32>
      %lt3A_216 = arith.cmpf olt, %slice3A_215, %min3A_211 : vector<16x1024xf32>
      %min3A_217 = arith.minimumf %min3A_211, %slice3A_215 : vector<16x1024xf32>
      %jit3A_218 = arith.constant 27 : i32
      %broadcast_in_dim3A_219 = vector.broadcast %jit3A_218 : i32 to vector<16x1024xi32>
      %select_n3A_220 = arith.select %lt3A_216, %broadcast_in_dim3A_219, %select_n3A_214 : vector<16x1024xi1>, vector<16x1024xi32>
      %slice3A_221 = vector.extract_strided_slice %add3A_16 {offsets = [448, 0], sizes = [16, 1024], strides = [1, 1]} : vector<1024x1024xf32> to vector<16x1024xf32>
      %lt3A_222 = arith.cmpf olt, %slice3A_221, %min3A_217 : vector<16x1024xf32>
      %min3A_223 = arith.minimumf %min3A_217, %slice3A_221 : vector<16x1024xf32>
      %jit3A_224 = arith.constant 28 : i32
      %broadcast_in_dim3A_225 = vector.broadcast %jit3A_224 : i32 to vector<16x1024xi32>
      %select_n3A_226 = arith.select %lt3A_222, %broadcast_in_dim3A_225, %select_n3A_220 : vector<16x1024xi1>, vector<16x1024xi32>
      %slice3A_227 = vector.extract_strided_slice %add3A_16 {offsets = [464, 0], sizes = [16, 1024], strides = [1, 1]} : vector<1024x1024xf32> to vector<16x1024xf32>
      %lt3A_228 = arith.cmpf olt, %slice3A_227, %min3A_223 : vector<16x1024xf32>
      %min3A_229 = arith.minimumf %min3A_223, %slice3A_227 : vector<16x1024xf32>
      %jit3A_230 = arith.constant 29 : i32
      %broadcast_in_dim3A_231 = vector.broadcast %jit3A_230 : i32 to vector<16x1024xi32>
      %select_n3A_232 = arith.select %lt3A_228, %broadcast_in_dim3A_231, %select_n3A_226 : vector<16x1024xi1>, vector<16x1024xi32>
      %slice3A_233 = vector.extract_strided_slice %add3A_16 {offsets = [480, 0], sizes = [16, 1024], strides = [1, 1]} : vector<1024x1024xf32> to vector<16x1024xf32>
      %lt3A_234 = arith.cmpf olt, %slice3A_233, %min3A_229 : vector<16x1024xf32>
      %min3A_235 = arith.minimumf %min3A_229, %slice3A_233 : vector<16x1024xf32>
      %jit3A_236 = arith.constant 30 : i32
      %broadcast_in_dim3A_237 = vector.broadcast %jit3A_236 : i32 to vector<16x1024xi32>
      %select_n3A_238 = arith.select %lt3A_234, %broadcast_in_dim3A_237, %select_n3A_232 : vector<16x1024xi1>, vector<16x1024xi32>
      %slice3A_239 = vector.extract_strided_slice %add3A_16 {offsets = [496, 0], sizes = [16, 1024], strides = [1, 1]} : vector<1024x1024xf32> to vector<16x1024xf32>
      %lt3A_240 = arith.cmpf olt, %slice3A_239, %min3A_235 : vector<16x1024xf32>
      %min3A_241 = arith.minimumf %min3A_235, %slice3A_239 : vector<16x1024xf32>
      %jit3A_242 = arith.constant 31 : i32
      %broadcast_in_dim3A_243 = vector.broadcast %jit3A_242 : i32 to vector<16x1024xi32>
      %select_n3A_244 = arith.select %lt3A_240, %broadcast_in_dim3A_243, %select_n3A_238 : vector<16x1024xi1>, vector<16x1024xi32>
      %slice3A_245 = vector.extract_strided_slice %add3A_16 {offsets = [512, 0], sizes = [16, 1024], strides = [1, 1]} : vector<1024x1024xf32> to vector<16x1024xf32>
      %lt3A_246 = arith.cmpf olt, %slice3A_245, %min3A_241 : vector<16x1024xf32>
      %min3A_247 = arith.minimumf %min3A_241, %slice3A_245 : vector<16x1024xf32>
      %jit3A_248 = arith.constant 32 : i32
      %broadcast_in_dim3A_249 = vector.broadcast %jit3A_248 : i32 to vector<16x1024xi32>
      %select_n3A_250 = arith.select %lt3A_246, %broadcast_in_dim3A_249, %select_n3A_244 : vector<16x1024xi1>, vector<16x1024xi32>
      %slice3A_251 = vector.extract_strided_slice %add3A_16 {offsets = [528, 0], sizes = [16, 1024], strides = [1, 1]} : vector<1024x1024xf32> to vector<16x1024xf32>
      %lt3A_252 = arith.cmpf olt, %slice3A_251, %min3A_247 : vector<16x1024xf32>
      %min3A_253 = arith.minimumf %min3A_247, %slice3A_251 : vector<16x1024xf32>
      %jit3A_254 = arith.constant 33 : i32
      %broadcast_in_dim3A_255 = vector.broadcast %jit3A_254 : i32 to vector<16x1024xi32>
      %select_n3A_256 = arith.select %lt3A_252, %broadcast_in_dim3A_255, %select_n3A_250 : vector<16x1024xi1>, vector<16x1024xi32>
      %slice3A_257 = vector.extract_strided_slice %add3A_16 {offsets = [544, 0], sizes = [16, 1024], strides = [1, 1]} : vector<1024x1024xf32> to vector<16x1024xf32>
      %lt3A_258 = arith.cmpf olt, %slice3A_257, %min3A_253 : vector<16x1024xf32>
      %min3A_259 = arith.minimumf %min3A_253, %slice3A_257 : vector<16x1024xf32>
      %jit3A_260 = arith.constant 34 : i32
      %broadcast_in_dim3A_261 = vector.broadcast %jit3A_260 : i32 to vector<16x1024xi32>
      %select_n3A_262 = arith.select %lt3A_258, %broadcast_in_dim3A_261, %select_n3A_256 : vector<16x1024xi1>, vector<16x1024xi32>
      %slice3A_263 = vector.extract_strided_slice %add3A_16 {offsets = [560, 0], sizes = [16, 1024], strides = [1, 1]} : vector<1024x1024xf32> to vector<16x1024xf32>
      %lt3A_264 = arith.cmpf olt, %slice3A_263, %min3A_259 : vector<16x1024xf32>
      %min3A_265 = arith.minimumf %min3A_259, %slice3A_263 : vector<16x1024xf32>
      %jit3A_266 = arith.constant 35 : i32
      %broadcast_in_dim3A_267 = vector.broadcast %jit3A_266 : i32 to vector<16x1024xi32>
      %select_n3A_268 = arith.select %lt3A_264, %broadcast_in_dim3A_267, %select_n3A_262 : vector<16x1024xi1>, vector<16x1024xi32>
      %slice3A_269 = vector.extract_strided_slice %add3A_16 {offsets = [576, 0], sizes = [16, 1024], strides = [1, 1]} : vector<1024x1024xf32> to vector<16x1024xf32>
      %lt3A_270 = arith.cmpf olt, %slice3A_269, %min3A_265 : vector<16x1024xf32>
      %min3A_271 = arith.minimumf %min3A_265, %slice3A_269 : vector<16x1024xf32>
      %jit3A_272 = arith.constant 36 : i32
      %broadcast_in_dim3A_273 = vector.broadcast %jit3A_272 : i32 to vector<16x1024xi32>
      %select_n3A_274 = arith.select %lt3A_270, %broadcast_in_dim3A_273, %select_n3A_268 : vector<16x1024xi1>, vector<16x1024xi32>
      %slice3A_275 = vector.extract_strided_slice %add3A_16 {offsets = [592, 0], sizes = [16, 1024], strides = [1, 1]} : vector<1024x1024xf32> to vector<16x1024xf32>
      %lt3A_276 = arith.cmpf olt, %slice3A_275, %min3A_271 : vector<16x1024xf32>
      %min3A_277 = arith.minimumf %min3A_271, %slice3A_275 : vector<16x1024xf32>
      %jit3A_278 = arith.constant 37 : i32
      %broadcast_in_dim3A_279 = vector.broadcast %jit3A_278 : i32 to vector<16x1024xi32>
      %select_n3A_280 = arith.select %lt3A_276, %broadcast_in_dim3A_279, %select_n3A_274 : vector<16x1024xi1>, vector<16x1024xi32>
      %slice3A_281 = vector.extract_strided_slice %add3A_16 {offsets = [608, 0], sizes = [16, 1024], strides = [1, 1]} : vector<1024x1024xf32> to vector<16x1024xf32>
      %lt3A_282 = arith.cmpf olt, %slice3A_281, %min3A_277 : vector<16x1024xf32>
      %min3A_283 = arith.minimumf %min3A_277, %slice3A_281 : vector<16x1024xf32>
      %jit3A_284 = arith.constant 38 : i32
      %broadcast_in_dim3A_285 = vector.broadcast %jit3A_284 : i32 to vector<16x1024xi32>
      %select_n3A_286 = arith.select %lt3A_282, %broadcast_in_dim3A_285, %select_n3A_280 : vector<16x1024xi1>, vector<16x1024xi32>
      %slice3A_287 = vector.extract_strided_slice %add3A_16 {offsets = [624, 0], sizes = [16, 1024], strides = [1, 1]} : vector<1024x1024xf32> to vector<16x1024xf32>
      %lt3A_288 = arith.cmpf olt, %slice3A_287, %min3A_283 : vector<16x1024xf32>
      %min3A_289 = arith.minimumf %min3A_283, %slice3A_287 : vector<16x1024xf32>
      %jit3A_290 = arith.constant 39 : i32
      %broadcast_in_dim3A_291 = vector.broadcast %jit3A_290 : i32 to vector<16x1024xi32>
      %select_n3A_292 = arith.select %lt3A_288, %broadcast_in_dim3A_291, %select_n3A_286 : vector<16x1024xi1>, vector<16x1024xi32>
      %slice3A_293 = vector.extract_strided_slice %add3A_16 {offsets = [640, 0], sizes = [16, 1024], strides = [1, 1]} : vector<1024x1024xf32> to vector<16x1024xf32>
      %lt3A_294 = arith.cmpf olt, %slice3A_293, %min3A_289 : vector<16x1024xf32>
      %min3A_295 = arith.minimumf %min3A_289, %slice3A_293 : vector<16x1024xf32>
      %jit3A_296 = arith.constant 40 : i32
      %broadcast_in_dim3A_297 = vector.broadcast %jit3A_296 : i32 to vector<16x1024xi32>
      %select_n3A_298 = arith.select %lt3A_294, %broadcast_in_dim3A_297, %select_n3A_292 : vector<16x1024xi1>, vector<16x1024xi32>
      %slice3A_299 = vector.extract_strided_slice %add3A_16 {offsets = [656, 0], sizes = [16, 1024], strides = [1, 1]} : vector<1024x1024xf32> to vector<16x1024xf32>
      %lt3A_300 = arith.cmpf olt, %slice3A_299, %min3A_295 : vector<16x1024xf32>
      %min3A_301 = arith.minimumf %min3A_295, %slice3A_299 : vector<16x1024xf32>
      %jit3A_302 = arith.constant 41 : i32
      %broadcast_in_dim3A_303 = vector.broadcast %jit3A_302 : i32 to vector<16x1024xi32>
      %select_n3A_304 = arith.select %lt3A_300, %broadcast_in_dim3A_303, %select_n3A_298 : vector<16x1024xi1>, vector<16x1024xi32>
      %slice3A_305 = vector.extract_strided_slice %add3A_16 {offsets = [672, 0], sizes = [16, 1024], strides = [1, 1]} : vector<1024x1024xf32> to vector<16x1024xf32>
      %lt3A_306 = arith.cmpf olt, %slice3A_305, %min3A_301 : vector<16x1024xf32>
      %min3A_307 = arith.minimumf %min3A_301, %slice3A_305 : vector<16x1024xf32>
      %jit3A_308 = arith.constant 42 : i32
      %broadcast_in_dim3A_309 = vector.broadcast %jit3A_308 : i32 to vector<16x1024xi32>
      %select_n3A_310 = arith.select %lt3A_306, %broadcast_in_dim3A_309, %select_n3A_304 : vector<16x1024xi1>, vector<16x1024xi32>
      %slice3A_311 = vector.extract_strided_slice %add3A_16 {offsets = [688, 0], sizes = [16, 1024], strides = [1, 1]} : vector<1024x1024xf32> to vector<16x1024xf32>
      %lt3A_312 = arith.cmpf olt, %slice3A_311, %min3A_307 : vector<16x1024xf32>
      %min3A_313 = arith.minimumf %min3A_307, %slice3A_311 : vector<16x1024xf32>
      %jit3A_314 = arith.constant 43 : i32
      %broadcast_in_dim3A_315 = vector.broadcast %jit3A_314 : i32 to vector<16x1024xi32>
      %select_n3A_316 = arith.select %lt3A_312, %broadcast_in_dim3A_315, %select_n3A_310 : vector<16x1024xi1>, vector<16x1024xi32>
      %slice3A_317 = vector.extract_strided_slice %add3A_16 {offsets = [704, 0], sizes = [16, 1024], strides = [1, 1]} : vector<1024x1024xf32> to vector<16x1024xf32>
      %lt3A_318 = arith.cmpf olt, %slice3A_317, %min3A_313 : vector<16x1024xf32>
      %min3A_319 = arith.minimumf %min3A_313, %slice3A_317 : vector<16x1024xf32>
      %jit3A_320 = arith.constant 44 : i32
      %broadcast_in_dim3A_321 = vector.broadcast %jit3A_320 : i32 to vector<16x1024xi32>
      %select_n3A_322 = arith.select %lt3A_318, %broadcast_in_dim3A_321, %select_n3A_316 : vector<16x1024xi1>, vector<16x1024xi32>
      %slice3A_323 = vector.extract_strided_slice %add3A_16 {offsets = [720, 0], sizes = [16, 1024], strides = [1, 1]} : vector<1024x1024xf32> to vector<16x1024xf32>
      %lt3A_324 = arith.cmpf olt, %slice3A_323, %min3A_319 : vector<16x1024xf32>
      %min3A_325 = arith.minimumf %min3A_319, %slice3A_323 : vector<16x1024xf32>
      %jit3A_326 = arith.constant 45 : i32
      %broadcast_in_dim3A_327 = vector.broadcast %jit3A_326 : i32 to vector<16x1024xi32>
      %select_n3A_328 = arith.select %lt3A_324, %broadcast_in_dim3A_327, %select_n3A_322 : vector<16x1024xi1>, vector<16x1024xi32>
      %slice3A_329 = vector.extract_strided_slice %add3A_16 {offsets = [736, 0], sizes = [16, 1024], strides = [1, 1]} : vector<1024x1024xf32> to vector<16x1024xf32>
      %lt3A_330 = arith.cmpf olt, %slice3A_329, %min3A_325 : vector<16x1024xf32>
      %min3A_331 = arith.minimumf %min3A_325, %slice3A_329 : vector<16x1024xf32>
      %jit3A_332 = arith.constant 46 : i32
      %broadcast_in_dim3A_333 = vector.broadcast %jit3A_332 : i32 to vector<16x1024xi32>
      %select_n3A_334 = arith.select %lt3A_330, %broadcast_in_dim3A_333, %select_n3A_328 : vector<16x1024xi1>, vector<16x1024xi32>
      %slice3A_335 = vector.extract_strided_slice %add3A_16 {offsets = [752, 0], sizes = [16, 1024], strides = [1, 1]} : vector<1024x1024xf32> to vector<16x1024xf32>
      %lt3A_336 = arith.cmpf olt, %slice3A_335, %min3A_331 : vector<16x1024xf32>
      %min3A_337 = arith.minimumf %min3A_331, %slice3A_335 : vector<16x1024xf32>
      %jit3A_338 = arith.constant 47 : i32
      %broadcast_in_dim3A_339 = vector.broadcast %jit3A_338 : i32 to vector<16x1024xi32>
      %select_n3A_340 = arith.select %lt3A_336, %broadcast_in_dim3A_339, %select_n3A_334 : vector<16x1024xi1>, vector<16x1024xi32>
      %slice3A_341 = vector.extract_strided_slice %add3A_16 {offsets = [768, 0], sizes = [16, 1024], strides = [1, 1]} : vector<1024x1024xf32> to vector<16x1024xf32>
      %lt3A_342 = arith.cmpf olt, %slice3A_341, %min3A_337 : vector<16x1024xf32>
      %min3A_343 = arith.minimumf %min3A_337, %slice3A_341 : vector<16x1024xf32>
      %jit3A_344 = arith.constant 48 : i32
      %broadcast_in_dim3A_345 = vector.broadcast %jit3A_344 : i32 to vector<16x1024xi32>
      %select_n3A_346 = arith.select %lt3A_342, %broadcast_in_dim3A_345, %select_n3A_340 : vector<16x1024xi1>, vector<16x1024xi32>
      %slice3A_347 = vector.extract_strided_slice %add3A_16 {offsets = [784, 0], sizes = [16, 1024], strides = [1, 1]} : vector<1024x1024xf32> to vector<16x1024xf32>
      %lt3A_348 = arith.cmpf olt, %slice3A_347, %min3A_343 : vector<16x1024xf32>
      %min3A_349 = arith.minimumf %min3A_343, %slice3A_347 : vector<16x1024xf32>
      %jit3A_350 = arith.constant 49 : i32
      %broadcast_in_dim3A_351 = vector.broadcast %jit3A_350 : i32 to vector<16x1024xi32>
      %select_n3A_352 = arith.select %lt3A_348, %broadcast_in_dim3A_351, %select_n3A_346 : vector<16x1024xi1>, vector<16x1024xi32>
      %slice3A_353 = vector.extract_strided_slice %add3A_16 {offsets = [800, 0], sizes = [16, 1024], strides = [1, 1]} : vector<1024x1024xf32> to vector<16x1024xf32>
      %lt3A_354 = arith.cmpf olt, %slice3A_353, %min3A_349 : vector<16x1024xf32>
      %min3A_355 = arith.minimumf %min3A_349, %slice3A_353 : vector<16x1024xf32>
      %jit3A_356 = arith.constant 50 : i32
      %broadcast_in_dim3A_357 = vector.broadcast %jit3A_356 : i32 to vector<16x1024xi32>
      %select_n3A_358 = arith.select %lt3A_354, %broadcast_in_dim3A_357, %select_n3A_352 : vector<16x1024xi1>, vector<16x1024xi32>
      %slice3A_359 = vector.extract_strided_slice %add3A_16 {offsets = [816, 0], sizes = [16, 1024], strides = [1, 1]} : vector<1024x1024xf32> to vector<16x1024xf32>
      %lt3A_360 = arith.cmpf olt, %slice3A_359, %min3A_355 : vector<16x1024xf32>
      %min3A_361 = arith.minimumf %min3A_355, %slice3A_359 : vector<16x1024xf32>
      %jit3A_362 = arith.constant 51 : i32
      %broadcast_in_dim3A_363 = vector.broadcast %jit3A_362 : i32 to vector<16x1024xi32>
      %select_n3A_364 = arith.select %lt3A_360, %broadcast_in_dim3A_363, %select_n3A_358 : vector<16x1024xi1>, vector<16x1024xi32>
      %slice3A_365 = vector.extract_strided_slice %add3A_16 {offsets = [832, 0], sizes = [16, 1024], strides = [1, 1]} : vector<1024x1024xf32> to vector<16x1024xf32>
      %lt3A_366 = arith.cmpf olt, %slice3A_365, %min3A_361 : vector<16x1024xf32>
      %min3A_367 = arith.minimumf %min3A_361, %slice3A_365 : vector<16x1024xf32>
      %jit3A_368 = arith.constant 52 : i32
      %broadcast_in_dim3A_369 = vector.broadcast %jit3A_368 : i32 to vector<16x1024xi32>
      %select_n3A_370 = arith.select %lt3A_366, %broadcast_in_dim3A_369, %select_n3A_364 : vector<16x1024xi1>, vector<16x1024xi32>
      %slice3A_371 = vector.extract_strided_slice %add3A_16 {offsets = [848, 0], sizes = [16, 1024], strides = [1, 1]} : vector<1024x1024xf32> to vector<16x1024xf32>
      %lt3A_372 = arith.cmpf olt, %slice3A_371, %min3A_367 : vector<16x1024xf32>
      %min3A_373 = arith.minimumf %min3A_367, %slice3A_371 : vector<16x1024xf32>
      %jit3A_374 = arith.constant 53 : i32
      %broadcast_in_dim3A_375 = vector.broadcast %jit3A_374 : i32 to vector<16x1024xi32>
      %select_n3A_376 = arith.select %lt3A_372, %broadcast_in_dim3A_375, %select_n3A_370 : vector<16x1024xi1>, vector<16x1024xi32>
      %slice3A_377 = vector.extract_strided_slice %add3A_16 {offsets = [864, 0], sizes = [16, 1024], strides = [1, 1]} : vector<1024x1024xf32> to vector<16x1024xf32>
      %lt3A_378 = arith.cmpf olt, %slice3A_377, %min3A_373 : vector<16x1024xf32>
      %min3A_379 = arith.minimumf %min3A_373, %slice3A_377 : vector<16x1024xf32>
      %jit3A_380 = arith.constant 54 : i32
      %broadcast_in_dim3A_381 = vector.broadcast %jit3A_380 : i32 to vector<16x1024xi32>
      %select_n3A_382 = arith.select %lt3A_378, %broadcast_in_dim3A_381, %select_n3A_376 : vector<16x1024xi1>, vector<16x1024xi32>
      %slice3A_383 = vector.extract_strided_slice %add3A_16 {offsets = [880, 0], sizes = [16, 1024], strides = [1, 1]} : vector<1024x1024xf32> to vector<16x1024xf32>
      %lt3A_384 = arith.cmpf olt, %slice3A_383, %min3A_379 : vector<16x1024xf32>
      %min3A_385 = arith.minimumf %min3A_379, %slice3A_383 : vector<16x1024xf32>
      %jit3A_386 = arith.constant 55 : i32
      %broadcast_in_dim3A_387 = vector.broadcast %jit3A_386 : i32 to vector<16x1024xi32>
      %select_n3A_388 = arith.select %lt3A_384, %broadcast_in_dim3A_387, %select_n3A_382 : vector<16x1024xi1>, vector<16x1024xi32>
      %slice3A_389 = vector.extract_strided_slice %add3A_16 {offsets = [896, 0], sizes = [16, 1024], strides = [1, 1]} : vector<1024x1024xf32> to vector<16x1024xf32>
      %lt3A_390 = arith.cmpf olt, %slice3A_389, %min3A_385 : vector<16x1024xf32>
      %min3A_391 = arith.minimumf %min3A_385, %slice3A_389 : vector<16x1024xf32>
      %jit3A_392 = arith.constant 56 : i32
      %broadcast_in_dim3A_393 = vector.broadcast %jit3A_392 : i32 to vector<16x1024xi32>
      %select_n3A_394 = arith.select %lt3A_390, %broadcast_in_dim3A_393, %select_n3A_388 : vector<16x1024xi1>, vector<16x1024xi32>
      %slice3A_395 = vector.extract_strided_slice %add3A_16 {offsets = [912, 0], sizes = [16, 1024], strides = [1, 1]} : vector<1024x1024xf32> to vector<16x1024xf32>
      %lt3A_396 = arith.cmpf olt, %slice3A_395, %min3A_391 : vector<16x1024xf32>
      %min3A_397 = arith.minimumf %min3A_391, %slice3A_395 : vector<16x1024xf32>
      %jit3A_398 = arith.constant 57 : i32
      %broadcast_in_dim3A_399 = vector.broadcast %jit3A_398 : i32 to vector<16x1024xi32>
      %select_n3A_400 = arith.select %lt3A_396, %broadcast_in_dim3A_399, %select_n3A_394 : vector<16x1024xi1>, vector<16x1024xi32>
      %slice3A_401 = vector.extract_strided_slice %add3A_16 {offsets = [928, 0], sizes = [16, 1024], strides = [1, 1]} : vector<1024x1024xf32> to vector<16x1024xf32>
      %lt3A_402 = arith.cmpf olt, %slice3A_401, %min3A_397 : vector<16x1024xf32>
      %min3A_403 = arith.minimumf %min3A_397, %slice3A_401 : vector<16x1024xf32>
      %jit3A_404 = arith.constant 58 : i32
      %broadcast_in_dim3A_405 = vector.broadcast %jit3A_404 : i32 to vector<16x1024xi32>
      %select_n3A_406 = arith.select %lt3A_402, %broadcast_in_dim3A_405, %select_n3A_400 : vector<16x1024xi1>, vector<16x1024xi32>
      %slice3A_407 = vector.extract_strided_slice %add3A_16 {offsets = [944, 0], sizes = [16, 1024], strides = [1, 1]} : vector<1024x1024xf32> to vector<16x1024xf32>
      %lt3A_408 = arith.cmpf olt, %slice3A_407, %min3A_403 : vector<16x1024xf32>
      %min3A_409 = arith.minimumf %min3A_403, %slice3A_407 : vector<16x1024xf32>
      %jit3A_410 = arith.constant 59 : i32
      %broadcast_in_dim3A_411 = vector.broadcast %jit3A_410 : i32 to vector<16x1024xi32>
      %select_n3A_412 = arith.select %lt3A_408, %broadcast_in_dim3A_411, %select_n3A_406 : vector<16x1024xi1>, vector<16x1024xi32>
      %slice3A_413 = vector.extract_strided_slice %add3A_16 {offsets = [960, 0], sizes = [16, 1024], strides = [1, 1]} : vector<1024x1024xf32> to vector<16x1024xf32>
      %lt3A_414 = arith.cmpf olt, %slice3A_413, %min3A_409 : vector<16x1024xf32>
      %min3A_415 = arith.minimumf %min3A_409, %slice3A_413 : vector<16x1024xf32>
      %jit3A_416 = arith.constant 60 : i32
      %broadcast_in_dim3A_417 = vector.broadcast %jit3A_416 : i32 to vector<16x1024xi32>
      %select_n3A_418 = arith.select %lt3A_414, %broadcast_in_dim3A_417, %select_n3A_412 : vector<16x1024xi1>, vector<16x1024xi32>
      %slice3A_419 = vector.extract_strided_slice %add3A_16 {offsets = [976, 0], sizes = [16, 1024], strides = [1, 1]} : vector<1024x1024xf32> to vector<16x1024xf32>
      %lt3A_420 = arith.cmpf olt, %slice3A_419, %min3A_415 : vector<16x1024xf32>
      %min3A_421 = arith.minimumf %min3A_415, %slice3A_419 : vector<16x1024xf32>
      %jit3A_422 = arith.constant 61 : i32
      %broadcast_in_dim3A_423 = vector.broadcast %jit3A_422 : i32 to vector<16x1024xi32>
      %select_n3A_424 = arith.select %lt3A_420, %broadcast_in_dim3A_423, %select_n3A_418 : vector<16x1024xi1>, vector<16x1024xi32>
      %slice3A_425 = vector.extract_strided_slice %add3A_16 {offsets = [992, 0], sizes = [16, 1024], strides = [1, 1]} : vector<1024x1024xf32> to vector<16x1024xf32>
      %lt3A_426 = arith.cmpf olt, %slice3A_425, %min3A_421 : vector<16x1024xf32>
      %min3A_427 = arith.minimumf %min3A_421, %slice3A_425 : vector<16x1024xf32>
      %jit3A_428 = arith.constant 62 : i32
      %broadcast_in_dim3A_429 = vector.broadcast %jit3A_428 : i32 to vector<16x1024xi32>
      %select_n3A_430 = arith.select %lt3A_426, %broadcast_in_dim3A_429, %select_n3A_424 : vector<16x1024xi1>, vector<16x1024xi32>
      %slice3A_431 = vector.extract_strided_slice %add3A_16 {offsets = [1008, 0], sizes = [16, 1024], strides = [1, 1]} : vector<1024x1024xf32> to vector<16x1024xf32>
      %lt3A_432 = arith.cmpf olt, %slice3A_431, %min3A_427 : vector<16x1024xf32>
      %min3A_433 = arith.minimumf %min3A_427, %slice3A_431 : vector<16x1024xf32>
      %jit3A_434 = arith.constant 63 : i32
      %broadcast_in_dim3A_435 = vector.broadcast %jit3A_434 : i32 to vector<16x1024xi32>
      %select_n3A_436 = arith.select %lt3A_432, %broadcast_in_dim3A_435, %select_n3A_430 : vector<16x1024xi1>, vector<16x1024xi32>
      %mul3A = arith.constant 16 : i32
      %mul3A_437 = vector.broadcast %mul3A : i32 to vector<16x1024xi32>
      %mul3A_438 = arith.muli %select_n3A_436, %mul3A_437 : vector<16x1024xi32>
      %iota3A = tpu.iota {dimensions = array<i32: 0>} : vector<16x1024xi32>
      %add3A_439 = arith.addi %mul3A_438, %iota3A : vector<16x1024xi32>
      %reduce_min3A = arith.constant dense<0x7F800000> : vector<1024xf32>
      %reduce_min3A_440 = vector.multi_reduction <minimumf>, %min3A_433, %reduce_min3A [0] : vector<16x1024xf32> to vector<1024xf32>
      %broadcast_in_dim3A_441 = vector.shape_cast %reduce_min3A_440 : vector<1024xf32> to vector<1x1024xf32>
      %eq3A_442 = vector.broadcast %broadcast_in_dim3A_441 : vector<1x1024xf32> to vector<16x1024xf32>
      %eq3A_443 = arith.cmpf oeq, %min3A_433, %eq3A_442 : vector<16x1024xf32>
      %jit3A_444 = arith.constant 8192 : i32
      %broadcast_in_dim3A_445 = vector.broadcast %jit3A_444 : i32 to vector<16x1024xi32>
      %select_n3A_446 = arith.select %eq3A_443, %add3A_439, %broadcast_in_dim3A_445 : vector<16x1024xi1>, vector<16x1024xi32>
      %reduce_min3A_447 = arith.constant dense<2147483647> : vector<1024xi32>
      %reduce_min3A_448 = vector.multi_reduction <minsi>, %select_n3A_446, %reduce_min3A_447 [0] : vector<16x1024xi32> to vector<1024xi32>
      %broadcast_in_dim3A_449 = vector.shape_cast %reduce_min3A_448 : vector<1024xi32> to vector<1x1024xi32>
      %add3A_450 = arith.constant 1024 : i32
      %add3A_451 = vector.broadcast %add3A_450 : i32 to vector<1x1024xi32>
      %add3A_452 = arith.addi %broadcast_in_dim3A_449, %add3A_451 : vector<1x1024xi32>
      %get3A_453 = arith.constant 0 : index
      %get3A_454 = arith.constant 0 : index
      %get3A_455 = vector.load %arg11[%get3A_453, %get3A_454] : memref<1x1024xf32, #tpu.memory_space<vmem>>, vector<1x1024xf32>
      %lt3A_456 = arith.cmpf olt, %broadcast_in_dim3A_441, %get3A_455 : vector<1x1024xf32>
      %get3A_457 = arith.constant 0 : index
      %get3A_458 = arith.constant 0 : index
      %get3A_459 = vector.load %arg12[%get3A_457, %get3A_458] : memref<1x1024xi32, #tpu.memory_space<vmem>>, vector<1x1024xi32>
      %select_n3A_460 = arith.select %lt3A_456, %add3A_452, %get3A_459 : vector<1x1024xi1>, vector<1x1024xi32>
      %swap3A = arith.constant 0 : index
      %swap3A_461 = arith.constant 0 : index
      %swap3A_462 = vector.load %arg12[%swap3A, %swap3A_461] : memref<1x1024xi32, #tpu.memory_space<vmem>>, vector<1x1024xi32>
      tpu.vector_store %arg12[%swap3A, %swap3A_461], %select_n3A_460 {strides = array<i32>} : memref<1x1024xi32, #tpu.memory_space<vmem>>, vector<1x1024xi32>,
      %get3A_463 = arith.constant 0 : index
      %get3A_464 = arith.constant 0 : index
      %get3A_465 = vector.load %arg11[%get3A_463, %get3A_464] : memref<1x1024xf32, #tpu.memory_space<vmem>>, vector<1x1024xf32>
      %select_n3A_466 = arith.select %lt3A_456, %broadcast_in_dim3A_441, %get3A_465 : vector<1x1024xi1>, vector<1x1024xf32>
      %swap3A_467 = arith.constant 0 : index
      %swap3A_468 = arith.constant 0 : index
      %swap3A_469 = vector.load %arg11[%swap3A_467, %swap3A_468] : memref<1x1024xf32, #tpu.memory_space<vmem>>, vector<1x1024xf32>
      tpu.vector_store %arg11[%swap3A_467, %swap3A_468], %select_n3A_466 {strides = array<i32>} : memref<1x1024xf32, #tpu.memory_space<vmem>>, vector<1x1024xf32>,
    } else {
    }
    %eq3A_27 = arith.constant 2 : i32
    %eq3A_28 = arith.cmpi eq, %arg1, %eq3A_27 : i32
    %convert_element_type3A_29 = arith.extui %eq3A_28 : i1 to i32
    %cond3A_30 = arith.constant 0 : i32
    %cond3A_31 = arith.cmpi ne, %convert_element_type3A_29, %cond3A_30 : i32
    scf.if %cond3A_31 {
      %slice3A = vector.extract_strided_slice %add3A_16 {offsets = [0, 0], sizes = [688, 1024], strides = [1, 1]} : vector<1024x1024xf32> to vector<688x1024xf32>
      %slice3A_62 = vector.extract_strided_slice %slice3A {offsets = [0, 0], sizes = [16, 1024], strides = [1, 1]} : vector<688x1024xf32> to vector<16x1024xf32>
      %broadcast_in_dim3A = arith.constant 0 : i32
      %broadcast_in_dim3A_63 = vector.broadcast %broadcast_in_dim3A : i32 to vector<16x1024xi32>
      %slice3A_64 = vector.extract_strided_slice %slice3A {offsets = [16, 0], sizes = [16, 1024], strides = [1, 1]} : vector<688x1024xf32> to vector<16x1024xf32>
      %lt3A = arith.cmpf olt, %slice3A_64, %slice3A_62 : vector<16x1024xf32>
      %min3A = arith.minimumf %slice3A_62, %slice3A_64 : vector<16x1024xf32>
      %jit3A = arith.constant 1 : i32
      %broadcast_in_dim3A_65 = vector.broadcast %jit3A : i32 to vector<16x1024xi32>
      %select_n3A = arith.select %lt3A, %broadcast_in_dim3A_65, %broadcast_in_dim3A_63 : vector<16x1024xi1>, vector<16x1024xi32>
      %slice3A_66 = vector.extract_strided_slice %slice3A {offsets = [32, 0], sizes = [16, 1024], strides = [1, 1]} : vector<688x1024xf32> to vector<16x1024xf32>
      %lt3A_67 = arith.cmpf olt, %slice3A_66, %min3A : vector<16x1024xf32>
      %min3A_68 = arith.minimumf %min3A, %slice3A_66 : vector<16x1024xf32>
      %jit3A_69 = arith.constant 2 : i32
      %broadcast_in_dim3A_70 = vector.broadcast %jit3A_69 : i32 to vector<16x1024xi32>
      %select_n3A_71 = arith.select %lt3A_67, %broadcast_in_dim3A_70, %select_n3A : vector<16x1024xi1>, vector<16x1024xi32>
      %slice3A_72 = vector.extract_strided_slice %slice3A {offsets = [48, 0], sizes = [16, 1024], strides = [1, 1]} : vector<688x1024xf32> to vector<16x1024xf32>
      %lt3A_73 = arith.cmpf olt, %slice3A_72, %min3A_68 : vector<16x1024xf32>
      %min3A_74 = arith.minimumf %min3A_68, %slice3A_72 : vector<16x1024xf32>
      %jit3A_75 = arith.constant 3 : i32
      %broadcast_in_dim3A_76 = vector.broadcast %jit3A_75 : i32 to vector<16x1024xi32>
      %select_n3A_77 = arith.select %lt3A_73, %broadcast_in_dim3A_76, %select_n3A_71 : vector<16x1024xi1>, vector<16x1024xi32>
      %slice3A_78 = vector.extract_strided_slice %slice3A {offsets = [64, 0], sizes = [16, 1024], strides = [1, 1]} : vector<688x1024xf32> to vector<16x1024xf32>
      %lt3A_79 = arith.cmpf olt, %slice3A_78, %min3A_74 : vector<16x1024xf32>
      %min3A_80 = arith.minimumf %min3A_74, %slice3A_78 : vector<16x1024xf32>
      %jit3A_81 = arith.constant 4 : i32
      %broadcast_in_dim3A_82 = vector.broadcast %jit3A_81 : i32 to vector<16x1024xi32>
      %select_n3A_83 = arith.select %lt3A_79, %broadcast_in_dim3A_82, %select_n3A_77 : vector<16x1024xi1>, vector<16x1024xi32>
      %slice3A_84 = vector.extract_strided_slice %slice3A {offsets = [80, 0], sizes = [16, 1024], strides = [1, 1]} : vector<688x1024xf32> to vector<16x1024xf32>
      %lt3A_85 = arith.cmpf olt, %slice3A_84, %min3A_80 : vector<16x1024xf32>
      %min3A_86 = arith.minimumf %min3A_80, %slice3A_84 : vector<16x1024xf32>
      %jit3A_87 = arith.constant 5 : i32
      %broadcast_in_dim3A_88 = vector.broadcast %jit3A_87 : i32 to vector<16x1024xi32>
      %select_n3A_89 = arith.select %lt3A_85, %broadcast_in_dim3A_88, %select_n3A_83 : vector<16x1024xi1>, vector<16x1024xi32>
      %slice3A_90 = vector.extract_strided_slice %slice3A {offsets = [96, 0], sizes = [16, 1024], strides = [1, 1]} : vector<688x1024xf32> to vector<16x1024xf32>
      %lt3A_91 = arith.cmpf olt, %slice3A_90, %min3A_86 : vector<16x1024xf32>
      %min3A_92 = arith.minimumf %min3A_86, %slice3A_90 : vector<16x1024xf32>
      %jit3A_93 = arith.constant 6 : i32
      %broadcast_in_dim3A_94 = vector.broadcast %jit3A_93 : i32 to vector<16x1024xi32>
      %select_n3A_95 = arith.select %lt3A_91, %broadcast_in_dim3A_94, %select_n3A_89 : vector<16x1024xi1>, vector<16x1024xi32>
      %slice3A_96 = vector.extract_strided_slice %slice3A {offsets = [112, 0], sizes = [16, 1024], strides = [1, 1]} : vector<688x1024xf32> to vector<16x1024xf32>
      %lt3A_97 = arith.cmpf olt, %slice3A_96, %min3A_92 : vector<16x1024xf32>
      %min3A_98 = arith.minimumf %min3A_92, %slice3A_96 : vector<16x1024xf32>
      %jit3A_99 = arith.constant 7 : i32
      %broadcast_in_dim3A_100 = vector.broadcast %jit3A_99 : i32 to vector<16x1024xi32>
      %select_n3A_101 = arith.select %lt3A_97, %broadcast_in_dim3A_100, %select_n3A_95 : vector<16x1024xi1>, vector<16x1024xi32>
      %slice3A_102 = vector.extract_strided_slice %slice3A {offsets = [128, 0], sizes = [16, 1024], strides = [1, 1]} : vector<688x1024xf32> to vector<16x1024xf32>
      %lt3A_103 = arith.cmpf olt, %slice3A_102, %min3A_98 : vector<16x1024xf32>
      %min3A_104 = arith.minimumf %min3A_98, %slice3A_102 : vector<16x1024xf32>
      %jit3A_105 = arith.constant 8 : i32
      %broadcast_in_dim3A_106 = vector.broadcast %jit3A_105 : i32 to vector<16x1024xi32>
      %select_n3A_107 = arith.select %lt3A_103, %broadcast_in_dim3A_106, %select_n3A_101 : vector<16x1024xi1>, vector<16x1024xi32>
      %slice3A_108 = vector.extract_strided_slice %slice3A {offsets = [144, 0], sizes = [16, 1024], strides = [1, 1]} : vector<688x1024xf32> to vector<16x1024xf32>
      %lt3A_109 = arith.cmpf olt, %slice3A_108, %min3A_104 : vector<16x1024xf32>
      %min3A_110 = arith.minimumf %min3A_104, %slice3A_108 : vector<16x1024xf32>
      %jit3A_111 = arith.constant 9 : i32
      %broadcast_in_dim3A_112 = vector.broadcast %jit3A_111 : i32 to vector<16x1024xi32>
      %select_n3A_113 = arith.select %lt3A_109, %broadcast_in_dim3A_112, %select_n3A_107 : vector<16x1024xi1>, vector<16x1024xi32>
      %slice3A_114 = vector.extract_strided_slice %slice3A {offsets = [160, 0], sizes = [16, 1024], strides = [1, 1]} : vector<688x1024xf32> to vector<16x1024xf32>
      %lt3A_115 = arith.cmpf olt, %slice3A_114, %min3A_110 : vector<16x1024xf32>
      %min3A_116 = arith.minimumf %min3A_110, %slice3A_114 : vector<16x1024xf32>
      %jit3A_117 = arith.constant 10 : i32
      %broadcast_in_dim3A_118 = vector.broadcast %jit3A_117 : i32 to vector<16x1024xi32>
      %select_n3A_119 = arith.select %lt3A_115, %broadcast_in_dim3A_118, %select_n3A_113 : vector<16x1024xi1>, vector<16x1024xi32>
      %slice3A_120 = vector.extract_strided_slice %slice3A {offsets = [176, 0], sizes = [16, 1024], strides = [1, 1]} : vector<688x1024xf32> to vector<16x1024xf32>
      %lt3A_121 = arith.cmpf olt, %slice3A_120, %min3A_116 : vector<16x1024xf32>
      %min3A_122 = arith.minimumf %min3A_116, %slice3A_120 : vector<16x1024xf32>
      %jit3A_123 = arith.constant 11 : i32
      %broadcast_in_dim3A_124 = vector.broadcast %jit3A_123 : i32 to vector<16x1024xi32>
      %select_n3A_125 = arith.select %lt3A_121, %broadcast_in_dim3A_124, %select_n3A_119 : vector<16x1024xi1>, vector<16x1024xi32>
      %slice3A_126 = vector.extract_strided_slice %slice3A {offsets = [192, 0], sizes = [16, 1024], strides = [1, 1]} : vector<688x1024xf32> to vector<16x1024xf32>
      %lt3A_127 = arith.cmpf olt, %slice3A_126, %min3A_122 : vector<16x1024xf32>
      %min3A_128 = arith.minimumf %min3A_122, %slice3A_126 : vector<16x1024xf32>
      %jit3A_129 = arith.constant 12 : i32
      %broadcast_in_dim3A_130 = vector.broadcast %jit3A_129 : i32 to vector<16x1024xi32>
      %select_n3A_131 = arith.select %lt3A_127, %broadcast_in_dim3A_130, %select_n3A_125 : vector<16x1024xi1>, vector<16x1024xi32>
      %slice3A_132 = vector.extract_strided_slice %slice3A {offsets = [208, 0], sizes = [16, 1024], strides = [1, 1]} : vector<688x1024xf32> to vector<16x1024xf32>
      %lt3A_133 = arith.cmpf olt, %slice3A_132, %min3A_128 : vector<16x1024xf32>
      %min3A_134 = arith.minimumf %min3A_128, %slice3A_132 : vector<16x1024xf32>
      %jit3A_135 = arith.constant 13 : i32
      %broadcast_in_dim3A_136 = vector.broadcast %jit3A_135 : i32 to vector<16x1024xi32>
      %select_n3A_137 = arith.select %lt3A_133, %broadcast_in_dim3A_136, %select_n3A_131 : vector<16x1024xi1>, vector<16x1024xi32>
      %slice3A_138 = vector.extract_strided_slice %slice3A {offsets = [224, 0], sizes = [16, 1024], strides = [1, 1]} : vector<688x1024xf32> to vector<16x1024xf32>
      %lt3A_139 = arith.cmpf olt, %slice3A_138, %min3A_134 : vector<16x1024xf32>
      %min3A_140 = arith.minimumf %min3A_134, %slice3A_138 : vector<16x1024xf32>
      %jit3A_141 = arith.constant 14 : i32
      %broadcast_in_dim3A_142 = vector.broadcast %jit3A_141 : i32 to vector<16x1024xi32>
      %select_n3A_143 = arith.select %lt3A_139, %broadcast_in_dim3A_142, %select_n3A_137 : vector<16x1024xi1>, vector<16x1024xi32>
      %slice3A_144 = vector.extract_strided_slice %slice3A {offsets = [240, 0], sizes = [16, 1024], strides = [1, 1]} : vector<688x1024xf32> to vector<16x1024xf32>
      %lt3A_145 = arith.cmpf olt, %slice3A_144, %min3A_140 : vector<16x1024xf32>
      %min3A_146 = arith.minimumf %min3A_140, %slice3A_144 : vector<16x1024xf32>
      %jit3A_147 = arith.constant 15 : i32
      %broadcast_in_dim3A_148 = vector.broadcast %jit3A_147 : i32 to vector<16x1024xi32>
      %select_n3A_149 = arith.select %lt3A_145, %broadcast_in_dim3A_148, %select_n3A_143 : vector<16x1024xi1>, vector<16x1024xi32>
      %slice3A_150 = vector.extract_strided_slice %slice3A {offsets = [256, 0], sizes = [16, 1024], strides = [1, 1]} : vector<688x1024xf32> to vector<16x1024xf32>
      %lt3A_151 = arith.cmpf olt, %slice3A_150, %min3A_146 : vector<16x1024xf32>
      %min3A_152 = arith.minimumf %min3A_146, %slice3A_150 : vector<16x1024xf32>
      %jit3A_153 = arith.constant 16 : i32
      %broadcast_in_dim3A_154 = vector.broadcast %jit3A_153 : i32 to vector<16x1024xi32>
      %select_n3A_155 = arith.select %lt3A_151, %broadcast_in_dim3A_154, %select_n3A_149 : vector<16x1024xi1>, vector<16x1024xi32>
      %slice3A_156 = vector.extract_strided_slice %slice3A {offsets = [272, 0], sizes = [16, 1024], strides = [1, 1]} : vector<688x1024xf32> to vector<16x1024xf32>
      %lt3A_157 = arith.cmpf olt, %slice3A_156, %min3A_152 : vector<16x1024xf32>
      %min3A_158 = arith.minimumf %min3A_152, %slice3A_156 : vector<16x1024xf32>
      %jit3A_159 = arith.constant 17 : i32
      %broadcast_in_dim3A_160 = vector.broadcast %jit3A_159 : i32 to vector<16x1024xi32>
      %select_n3A_161 = arith.select %lt3A_157, %broadcast_in_dim3A_160, %select_n3A_155 : vector<16x1024xi1>, vector<16x1024xi32>
      %slice3A_162 = vector.extract_strided_slice %slice3A {offsets = [288, 0], sizes = [16, 1024], strides = [1, 1]} : vector<688x1024xf32> to vector<16x1024xf32>
      %lt3A_163 = arith.cmpf olt, %slice3A_162, %min3A_158 : vector<16x1024xf32>
      %min3A_164 = arith.minimumf %min3A_158, %slice3A_162 : vector<16x1024xf32>
      %jit3A_165 = arith.constant 18 : i32
      %broadcast_in_dim3A_166 = vector.broadcast %jit3A_165 : i32 to vector<16x1024xi32>
      %select_n3A_167 = arith.select %lt3A_163, %broadcast_in_dim3A_166, %select_n3A_161 : vector<16x1024xi1>, vector<16x1024xi32>
      %slice3A_168 = vector.extract_strided_slice %slice3A {offsets = [304, 0], sizes = [16, 1024], strides = [1, 1]} : vector<688x1024xf32> to vector<16x1024xf32>
      %lt3A_169 = arith.cmpf olt, %slice3A_168, %min3A_164 : vector<16x1024xf32>
      %min3A_170 = arith.minimumf %min3A_164, %slice3A_168 : vector<16x1024xf32>
      %jit3A_171 = arith.constant 19 : i32
      %broadcast_in_dim3A_172 = vector.broadcast %jit3A_171 : i32 to vector<16x1024xi32>
      %select_n3A_173 = arith.select %lt3A_169, %broadcast_in_dim3A_172, %select_n3A_167 : vector<16x1024xi1>, vector<16x1024xi32>
      %slice3A_174 = vector.extract_strided_slice %slice3A {offsets = [320, 0], sizes = [16, 1024], strides = [1, 1]} : vector<688x1024xf32> to vector<16x1024xf32>
      %lt3A_175 = arith.cmpf olt, %slice3A_174, %min3A_170 : vector<16x1024xf32>
      %min3A_176 = arith.minimumf %min3A_170, %slice3A_174 : vector<16x1024xf32>
      %jit3A_177 = arith.constant 20 : i32
      %broadcast_in_dim3A_178 = vector.broadcast %jit3A_177 : i32 to vector<16x1024xi32>
      %select_n3A_179 = arith.select %lt3A_175, %broadcast_in_dim3A_178, %select_n3A_173 : vector<16x1024xi1>, vector<16x1024xi32>
      %slice3A_180 = vector.extract_strided_slice %slice3A {offsets = [336, 0], sizes = [16, 1024], strides = [1, 1]} : vector<688x1024xf32> to vector<16x1024xf32>
      %lt3A_181 = arith.cmpf olt, %slice3A_180, %min3A_176 : vector<16x1024xf32>
      %min3A_182 = arith.minimumf %min3A_176, %slice3A_180 : vector<16x1024xf32>
      %jit3A_183 = arith.constant 21 : i32
      %broadcast_in_dim3A_184 = vector.broadcast %jit3A_183 : i32 to vector<16x1024xi32>
      %select_n3A_185 = arith.select %lt3A_181, %broadcast_in_dim3A_184, %select_n3A_179 : vector<16x1024xi1>, vector<16x1024xi32>
      %slice3A_186 = vector.extract_strided_slice %slice3A {offsets = [352, 0], sizes = [16, 1024], strides = [1, 1]} : vector<688x1024xf32> to vector<16x1024xf32>
      %lt3A_187 = arith.cmpf olt, %slice3A_186, %min3A_182 : vector<16x1024xf32>
      %min3A_188 = arith.minimumf %min3A_182, %slice3A_186 : vector<16x1024xf32>
      %jit3A_189 = arith.constant 22 : i32
      %broadcast_in_dim3A_190 = vector.broadcast %jit3A_189 : i32 to vector<16x1024xi32>
      %select_n3A_191 = arith.select %lt3A_187, %broadcast_in_dim3A_190, %select_n3A_185 : vector<16x1024xi1>, vector<16x1024xi32>
      %slice3A_192 = vector.extract_strided_slice %slice3A {offsets = [368, 0], sizes = [16, 1024], strides = [1, 1]} : vector<688x1024xf32> to vector<16x1024xf32>
      %lt3A_193 = arith.cmpf olt, %slice3A_192, %min3A_188 : vector<16x1024xf32>
      %min3A_194 = arith.minimumf %min3A_188, %slice3A_192 : vector<16x1024xf32>
      %jit3A_195 = arith.constant 23 : i32
      %broadcast_in_dim3A_196 = vector.broadcast %jit3A_195 : i32 to vector<16x1024xi32>
      %select_n3A_197 = arith.select %lt3A_193, %broadcast_in_dim3A_196, %select_n3A_191 : vector<16x1024xi1>, vector<16x1024xi32>
      %slice3A_198 = vector.extract_strided_slice %slice3A {offsets = [384, 0], sizes = [16, 1024], strides = [1, 1]} : vector<688x1024xf32> to vector<16x1024xf32>
      %lt3A_199 = arith.cmpf olt, %slice3A_198, %min3A_194 : vector<16x1024xf32>
      %min3A_200 = arith.minimumf %min3A_194, %slice3A_198 : vector<16x1024xf32>
      %jit3A_201 = arith.constant 24 : i32
      %broadcast_in_dim3A_202 = vector.broadcast %jit3A_201 : i32 to vector<16x1024xi32>
      %select_n3A_203 = arith.select %lt3A_199, %broadcast_in_dim3A_202, %select_n3A_197 : vector<16x1024xi1>, vector<16x1024xi32>
      %slice3A_204 = vector.extract_strided_slice %slice3A {offsets = [400, 0], sizes = [16, 1024], strides = [1, 1]} : vector<688x1024xf32> to vector<16x1024xf32>
      %lt3A_205 = arith.cmpf olt, %slice3A_204, %min3A_200 : vector<16x1024xf32>
      %min3A_206 = arith.minimumf %min3A_200, %slice3A_204 : vector<16x1024xf32>
      %jit3A_207 = arith.constant 25 : i32
      %broadcast_in_dim3A_208 = vector.broadcast %jit3A_207 : i32 to vector<16x1024xi32>
      %select_n3A_209 = arith.select %lt3A_205, %broadcast_in_dim3A_208, %select_n3A_203 : vector<16x1024xi1>, vector<16x1024xi32>
      %slice3A_210 = vector.extract_strided_slice %slice3A {offsets = [416, 0], sizes = [16, 1024], strides = [1, 1]} : vector<688x1024xf32> to vector<16x1024xf32>
      %lt3A_211 = arith.cmpf olt, %slice3A_210, %min3A_206 : vector<16x1024xf32>
      %min3A_212 = arith.minimumf %min3A_206, %slice3A_210 : vector<16x1024xf32>
      %jit3A_213 = arith.constant 26 : i32
      %broadcast_in_dim3A_214 = vector.broadcast %jit3A_213 : i32 to vector<16x1024xi32>
      %select_n3A_215 = arith.select %lt3A_211, %broadcast_in_dim3A_214, %select_n3A_209 : vector<16x1024xi1>, vector<16x1024xi32>
      %slice3A_216 = vector.extract_strided_slice %slice3A {offsets = [432, 0], sizes = [16, 1024], strides = [1, 1]} : vector<688x1024xf32> to vector<16x1024xf32>
      %lt3A_217 = arith.cmpf olt, %slice3A_216, %min3A_212 : vector<16x1024xf32>
      %min3A_218 = arith.minimumf %min3A_212, %slice3A_216 : vector<16x1024xf32>
      %jit3A_219 = arith.constant 27 : i32
      %broadcast_in_dim3A_220 = vector.broadcast %jit3A_219 : i32 to vector<16x1024xi32>
      %select_n3A_221 = arith.select %lt3A_217, %broadcast_in_dim3A_220, %select_n3A_215 : vector<16x1024xi1>, vector<16x1024xi32>
      %slice3A_222 = vector.extract_strided_slice %slice3A {offsets = [448, 0], sizes = [16, 1024], strides = [1, 1]} : vector<688x1024xf32> to vector<16x1024xf32>
      %lt3A_223 = arith.cmpf olt, %slice3A_222, %min3A_218 : vector<16x1024xf32>
      %min3A_224 = arith.minimumf %min3A_218, %slice3A_222 : vector<16x1024xf32>
      %jit3A_225 = arith.constant 28 : i32
      %broadcast_in_dim3A_226 = vector.broadcast %jit3A_225 : i32 to vector<16x1024xi32>
      %select_n3A_227 = arith.select %lt3A_223, %broadcast_in_dim3A_226, %select_n3A_221 : vector<16x1024xi1>, vector<16x1024xi32>
      %slice3A_228 = vector.extract_strided_slice %slice3A {offsets = [464, 0], sizes = [16, 1024], strides = [1, 1]} : vector<688x1024xf32> to vector<16x1024xf32>
      %lt3A_229 = arith.cmpf olt, %slice3A_228, %min3A_224 : vector<16x1024xf32>
      %min3A_230 = arith.minimumf %min3A_224, %slice3A_228 : vector<16x1024xf32>
      %jit3A_231 = arith.constant 29 : i32
      %broadcast_in_dim3A_232 = vector.broadcast %jit3A_231 : i32 to vector<16x1024xi32>
      %select_n3A_233 = arith.select %lt3A_229, %broadcast_in_dim3A_232, %select_n3A_227 : vector<16x1024xi1>, vector<16x1024xi32>
      %slice3A_234 = vector.extract_strided_slice %slice3A {offsets = [480, 0], sizes = [16, 1024], strides = [1, 1]} : vector<688x1024xf32> to vector<16x1024xf32>
      %lt3A_235 = arith.cmpf olt, %slice3A_234, %min3A_230 : vector<16x1024xf32>
      %min3A_236 = arith.minimumf %min3A_230, %slice3A_234 : vector<16x1024xf32>
      %jit3A_237 = arith.constant 30 : i32
      %broadcast_in_dim3A_238 = vector.broadcast %jit3A_237 : i32 to vector<16x1024xi32>
      %select_n3A_239 = arith.select %lt3A_235, %broadcast_in_dim3A_238, %select_n3A_233 : vector<16x1024xi1>, vector<16x1024xi32>
      %slice3A_240 = vector.extract_strided_slice %slice3A {offsets = [496, 0], sizes = [16, 1024], strides = [1, 1]} : vector<688x1024xf32> to vector<16x1024xf32>
      %lt3A_241 = arith.cmpf olt, %slice3A_240, %min3A_236 : vector<16x1024xf32>
      %min3A_242 = arith.minimumf %min3A_236, %slice3A_240 : vector<16x1024xf32>
      %jit3A_243 = arith.constant 31 : i32
      %broadcast_in_dim3A_244 = vector.broadcast %jit3A_243 : i32 to vector<16x1024xi32>
      %select_n3A_245 = arith.select %lt3A_241, %broadcast_in_dim3A_244, %select_n3A_239 : vector<16x1024xi1>, vector<16x1024xi32>
      %slice3A_246 = vector.extract_strided_slice %slice3A {offsets = [512, 0], sizes = [16, 1024], strides = [1, 1]} : vector<688x1024xf32> to vector<16x1024xf32>
      %lt3A_247 = arith.cmpf olt, %slice3A_246, %min3A_242 : vector<16x1024xf32>
      %min3A_248 = arith.minimumf %min3A_242, %slice3A_246 : vector<16x1024xf32>
      %jit3A_249 = arith.constant 32 : i32
      %broadcast_in_dim3A_250 = vector.broadcast %jit3A_249 : i32 to vector<16x1024xi32>
      %select_n3A_251 = arith.select %lt3A_247, %broadcast_in_dim3A_250, %select_n3A_245 : vector<16x1024xi1>, vector<16x1024xi32>
      %slice3A_252 = vector.extract_strided_slice %slice3A {offsets = [528, 0], sizes = [16, 1024], strides = [1, 1]} : vector<688x1024xf32> to vector<16x1024xf32>
      %lt3A_253 = arith.cmpf olt, %slice3A_252, %min3A_248 : vector<16x1024xf32>
      %min3A_254 = arith.minimumf %min3A_248, %slice3A_252 : vector<16x1024xf32>
      %jit3A_255 = arith.constant 33 : i32
      %broadcast_in_dim3A_256 = vector.broadcast %jit3A_255 : i32 to vector<16x1024xi32>
      %select_n3A_257 = arith.select %lt3A_253, %broadcast_in_dim3A_256, %select_n3A_251 : vector<16x1024xi1>, vector<16x1024xi32>
      %slice3A_258 = vector.extract_strided_slice %slice3A {offsets = [544, 0], sizes = [16, 1024], strides = [1, 1]} : vector<688x1024xf32> to vector<16x1024xf32>
      %lt3A_259 = arith.cmpf olt, %slice3A_258, %min3A_254 : vector<16x1024xf32>
      %min3A_260 = arith.minimumf %min3A_254, %slice3A_258 : vector<16x1024xf32>
      %jit3A_261 = arith.constant 34 : i32
      %broadcast_in_dim3A_262 = vector.broadcast %jit3A_261 : i32 to vector<16x1024xi32>
      %select_n3A_263 = arith.select %lt3A_259, %broadcast_in_dim3A_262, %select_n3A_257 : vector<16x1024xi1>, vector<16x1024xi32>
      %slice3A_264 = vector.extract_strided_slice %slice3A {offsets = [560, 0], sizes = [16, 1024], strides = [1, 1]} : vector<688x1024xf32> to vector<16x1024xf32>
      %lt3A_265 = arith.cmpf olt, %slice3A_264, %min3A_260 : vector<16x1024xf32>
      %min3A_266 = arith.minimumf %min3A_260, %slice3A_264 : vector<16x1024xf32>
      %jit3A_267 = arith.constant 35 : i32
      %broadcast_in_dim3A_268 = vector.broadcast %jit3A_267 : i32 to vector<16x1024xi32>
      %select_n3A_269 = arith.select %lt3A_265, %broadcast_in_dim3A_268, %select_n3A_263 : vector<16x1024xi1>, vector<16x1024xi32>
      %slice3A_270 = vector.extract_strided_slice %slice3A {offsets = [576, 0], sizes = [16, 1024], strides = [1, 1]} : vector<688x1024xf32> to vector<16x1024xf32>
      %lt3A_271 = arith.cmpf olt, %slice3A_270, %min3A_266 : vector<16x1024xf32>
      %min3A_272 = arith.minimumf %min3A_266, %slice3A_270 : vector<16x1024xf32>
      %jit3A_273 = arith.constant 36 : i32
      %broadcast_in_dim3A_274 = vector.broadcast %jit3A_273 : i32 to vector<16x1024xi32>
      %select_n3A_275 = arith.select %lt3A_271, %broadcast_in_dim3A_274, %select_n3A_269 : vector<16x1024xi1>, vector<16x1024xi32>
      %slice3A_276 = vector.extract_strided_slice %slice3A {offsets = [592, 0], sizes = [16, 1024], strides = [1, 1]} : vector<688x1024xf32> to vector<16x1024xf32>
      %lt3A_277 = arith.cmpf olt, %slice3A_276, %min3A_272 : vector<16x1024xf32>
      %min3A_278 = arith.minimumf %min3A_272, %slice3A_276 : vector<16x1024xf32>
      %jit3A_279 = arith.constant 37 : i32
      %broadcast_in_dim3A_280 = vector.broadcast %jit3A_279 : i32 to vector<16x1024xi32>
      %select_n3A_281 = arith.select %lt3A_277, %broadcast_in_dim3A_280, %select_n3A_275 : vector<16x1024xi1>, vector<16x1024xi32>
      %slice3A_282 = vector.extract_strided_slice %slice3A {offsets = [608, 0], sizes = [16, 1024], strides = [1, 1]} : vector<688x1024xf32> to vector<16x1024xf32>
      %lt3A_283 = arith.cmpf olt, %slice3A_282, %min3A_278 : vector<16x1024xf32>
      %min3A_284 = arith.minimumf %min3A_278, %slice3A_282 : vector<16x1024xf32>
      %jit3A_285 = arith.constant 38 : i32
      %broadcast_in_dim3A_286 = vector.broadcast %jit3A_285 : i32 to vector<16x1024xi32>
      %select_n3A_287 = arith.select %lt3A_283, %broadcast_in_dim3A_286, %select_n3A_281 : vector<16x1024xi1>, vector<16x1024xi32>
      %slice3A_288 = vector.extract_strided_slice %slice3A {offsets = [624, 0], sizes = [16, 1024], strides = [1, 1]} : vector<688x1024xf32> to vector<16x1024xf32>
      %lt3A_289 = arith.cmpf olt, %slice3A_288, %min3A_284 : vector<16x1024xf32>
      %min3A_290 = arith.minimumf %min3A_284, %slice3A_288 : vector<16x1024xf32>
      %jit3A_291 = arith.constant 39 : i32
      %broadcast_in_dim3A_292 = vector.broadcast %jit3A_291 : i32 to vector<16x1024xi32>
      %select_n3A_293 = arith.select %lt3A_289, %broadcast_in_dim3A_292, %select_n3A_287 : vector<16x1024xi1>, vector<16x1024xi32>
      %slice3A_294 = vector.extract_strided_slice %slice3A {offsets = [640, 0], sizes = [16, 1024], strides = [1, 1]} : vector<688x1024xf32> to vector<16x1024xf32>
      %lt3A_295 = arith.cmpf olt, %slice3A_294, %min3A_290 : vector<16x1024xf32>
      %min3A_296 = arith.minimumf %min3A_290, %slice3A_294 : vector<16x1024xf32>
      %jit3A_297 = arith.constant 40 : i32
      %broadcast_in_dim3A_298 = vector.broadcast %jit3A_297 : i32 to vector<16x1024xi32>
      %select_n3A_299 = arith.select %lt3A_295, %broadcast_in_dim3A_298, %select_n3A_293 : vector<16x1024xi1>, vector<16x1024xi32>
      %slice3A_300 = vector.extract_strided_slice %slice3A {offsets = [656, 0], sizes = [16, 1024], strides = [1, 1]} : vector<688x1024xf32> to vector<16x1024xf32>
      %lt3A_301 = arith.cmpf olt, %slice3A_300, %min3A_296 : vector<16x1024xf32>
      %min3A_302 = arith.minimumf %min3A_296, %slice3A_300 : vector<16x1024xf32>
      %jit3A_303 = arith.constant 41 : i32
      %broadcast_in_dim3A_304 = vector.broadcast %jit3A_303 : i32 to vector<16x1024xi32>
      %select_n3A_305 = arith.select %lt3A_301, %broadcast_in_dim3A_304, %select_n3A_299 : vector<16x1024xi1>, vector<16x1024xi32>
      %slice3A_306 = vector.extract_strided_slice %slice3A {offsets = [672, 0], sizes = [16, 1024], strides = [1, 1]} : vector<688x1024xf32> to vector<16x1024xf32>
      %lt3A_307 = arith.cmpf olt, %slice3A_306, %min3A_302 : vector<16x1024xf32>
      %min3A_308 = arith.minimumf %min3A_302, %slice3A_306 : vector<16x1024xf32>
      %jit3A_309 = arith.constant 42 : i32
      %broadcast_in_dim3A_310 = vector.broadcast %jit3A_309 : i32 to vector<16x1024xi32>
      %select_n3A_311 = arith.select %lt3A_307, %broadcast_in_dim3A_310, %select_n3A_305 : vector<16x1024xi1>, vector<16x1024xi32>
      %mul3A = arith.constant 16 : i32
      %mul3A_312 = vector.broadcast %mul3A : i32 to vector<16x1024xi32>
      %mul3A_313 = arith.muli %select_n3A_311, %mul3A_312 : vector<16x1024xi32>
      %iota3A = tpu.iota {dimensions = array<i32: 0>} : vector<16x1024xi32>
      %add3A_314 = arith.addi %mul3A_313, %iota3A : vector<16x1024xi32>
      %reduce_min3A = arith.constant dense<0x7F800000> : vector<1024xf32>
      %reduce_min3A_315 = vector.multi_reduction <minimumf>, %min3A_308, %reduce_min3A [0] : vector<16x1024xf32> to vector<1024xf32>
      %broadcast_in_dim3A_316 = vector.shape_cast %reduce_min3A_315 : vector<1024xf32> to vector<1x1024xf32>
      %eq3A_317 = vector.broadcast %broadcast_in_dim3A_316 : vector<1x1024xf32> to vector<16x1024xf32>
      %eq3A_318 = arith.cmpf oeq, %min3A_308, %eq3A_317 : vector<16x1024xf32>
      %jit3A_319 = arith.constant 8192 : i32
      %broadcast_in_dim3A_320 = vector.broadcast %jit3A_319 : i32 to vector<16x1024xi32>
      %select_n3A_321 = arith.select %eq3A_318, %add3A_314, %broadcast_in_dim3A_320 : vector<16x1024xi1>, vector<16x1024xi32>
      %reduce_min3A_322 = arith.constant dense<2147483647> : vector<1024xi32>
      %reduce_min3A_323 = vector.multi_reduction <minsi>, %select_n3A_321, %reduce_min3A_322 [0] : vector<16x1024xi32> to vector<1024xi32>
      %broadcast_in_dim3A_324 = vector.shape_cast %reduce_min3A_323 : vector<1024xi32> to vector<1x1024xi32>
      %add3A_325 = arith.constant 2048 : i32
      %add3A_326 = vector.broadcast %add3A_325 : i32 to vector<1x1024xi32>
      %add3A_327 = arith.addi %broadcast_in_dim3A_324, %add3A_326 : vector<1x1024xi32>
      %get3A_328 = arith.constant 0 : index
      %get3A_329 = arith.constant 0 : index
      %get3A_330 = vector.load %arg11[%get3A_328, %get3A_329] : memref<1x1024xf32, #tpu.memory_space<vmem>>, vector<1x1024xf32>
      %lt3A_331 = arith.cmpf olt, %broadcast_in_dim3A_316, %get3A_330 : vector<1x1024xf32>
      %get3A_332 = arith.constant 0 : index
      %get3A_333 = arith.constant 0 : index
      %get3A_334 = vector.load %arg12[%get3A_332, %get3A_333] : memref<1x1024xi32, #tpu.memory_space<vmem>>, vector<1x1024xi32>
      %select_n3A_335 = arith.select %lt3A_331, %add3A_327, %get3A_334 : vector<1x1024xi1>, vector<1x1024xi32>
      %swap3A = arith.constant 0 : index
      %swap3A_336 = arith.constant 0 : index
      %swap3A_337 = vector.load %arg12[%swap3A, %swap3A_336] : memref<1x1024xi32, #tpu.memory_space<vmem>>, vector<1x1024xi32>
      tpu.vector_store %arg12[%swap3A, %swap3A_336], %select_n3A_335 {strides = array<i32>} : memref<1x1024xi32, #tpu.memory_space<vmem>>, vector<1x1024xi32>,
      %get3A_338 = arith.constant 0 : index
      %get3A_339 = arith.constant 0 : index
      %get3A_340 = vector.load %arg11[%get3A_338, %get3A_339] : memref<1x1024xf32, #tpu.memory_space<vmem>>, vector<1x1024xf32>
      %select_n3A_341 = arith.select %lt3A_331, %broadcast_in_dim3A_316, %get3A_340 : vector<1x1024xi1>, vector<1x1024xf32>
      %swap3A_342 = arith.constant 0 : index
      %swap3A_343 = arith.constant 0 : index
      %swap3A_344 = vector.load %arg11[%swap3A_342, %swap3A_343] : memref<1x1024xf32, #tpu.memory_space<vmem>>, vector<1x1024xf32>
      tpu.vector_store %arg11[%swap3A_342, %swap3A_343], %select_n3A_341 {strides = array<i32>} : memref<1x1024xf32, #tpu.memory_space<vmem>>, vector<1x1024xf32>,
      %slice3A_345 = vector.extract_strided_slice %add3A_16 {offsets = [688, 0], sizes = [336, 1024], strides = [1, 1]} : vector<1024x1024xf32> to vector<336x1024xf32>
      %slice3A_346 = vector.extract_strided_slice %slice3A_345 {offsets = [0, 0], sizes = [16, 1024], strides = [1, 1]} : vector<336x1024xf32> to vector<16x1024xf32>
      %broadcast_in_dim3A_347 = arith.constant 0 : i32
      %broadcast_in_dim3A_348 = vector.broadcast %broadcast_in_dim3A_347 : i32 to vector<16x1024xi32>
      %slice3A_349 = vector.extract_strided_slice %slice3A_345 {offsets = [16, 0], sizes = [16, 1024], strides = [1, 1]} : vector<336x1024xf32> to vector<16x1024xf32>
      %lt3A_350 = arith.cmpf olt, %slice3A_349, %slice3A_346 : vector<16x1024xf32>
      %min3A_351 = arith.minimumf %slice3A_346, %slice3A_349 : vector<16x1024xf32>
      %jit3A_352 = arith.constant 1 : i32
      %broadcast_in_dim3A_353 = vector.broadcast %jit3A_352 : i32 to vector<16x1024xi32>
      %select_n3A_354 = arith.select %lt3A_350, %broadcast_in_dim3A_353, %broadcast_in_dim3A_348 : vector<16x1024xi1>, vector<16x1024xi32>
      %slice3A_355 = vector.extract_strided_slice %slice3A_345 {offsets = [32, 0], sizes = [16, 1024], strides = [1, 1]} : vector<336x1024xf32> to vector<16x1024xf32>
      %lt3A_356 = arith.cmpf olt, %slice3A_355, %min3A_351 : vector<16x1024xf32>
      %min3A_357 = arith.minimumf %min3A_351, %slice3A_355 : vector<16x1024xf32>
      %jit3A_358 = arith.constant 2 : i32
      %broadcast_in_dim3A_359 = vector.broadcast %jit3A_358 : i32 to vector<16x1024xi32>
      %select_n3A_360 = arith.select %lt3A_356, %broadcast_in_dim3A_359, %select_n3A_354 : vector<16x1024xi1>, vector<16x1024xi32>
      %slice3A_361 = vector.extract_strided_slice %slice3A_345 {offsets = [48, 0], sizes = [16, 1024], strides = [1, 1]} : vector<336x1024xf32> to vector<16x1024xf32>
      %lt3A_362 = arith.cmpf olt, %slice3A_361, %min3A_357 : vector<16x1024xf32>
      %min3A_363 = arith.minimumf %min3A_357, %slice3A_361 : vector<16x1024xf32>
      %jit3A_364 = arith.constant 3 : i32
      %broadcast_in_dim3A_365 = vector.broadcast %jit3A_364 : i32 to vector<16x1024xi32>
      %select_n3A_366 = arith.select %lt3A_362, %broadcast_in_dim3A_365, %select_n3A_360 : vector<16x1024xi1>, vector<16x1024xi32>
      %slice3A_367 = vector.extract_strided_slice %slice3A_345 {offsets = [64, 0], sizes = [16, 1024], strides = [1, 1]} : vector<336x1024xf32> to vector<16x1024xf32>
      %lt3A_368 = arith.cmpf olt, %slice3A_367, %min3A_363 : vector<16x1024xf32>
      %min3A_369 = arith.minimumf %min3A_363, %slice3A_367 : vector<16x1024xf32>
      %jit3A_370 = arith.constant 4 : i32
      %broadcast_in_dim3A_371 = vector.broadcast %jit3A_370 : i32 to vector<16x1024xi32>
      %select_n3A_372 = arith.select %lt3A_368, %broadcast_in_dim3A_371, %select_n3A_366 : vector<16x1024xi1>, vector<16x1024xi32>
      %slice3A_373 = vector.extract_strided_slice %slice3A_345 {offsets = [80, 0], sizes = [16, 1024], strides = [1, 1]} : vector<336x1024xf32> to vector<16x1024xf32>
      %lt3A_374 = arith.cmpf olt, %slice3A_373, %min3A_369 : vector<16x1024xf32>
      %min3A_375 = arith.minimumf %min3A_369, %slice3A_373 : vector<16x1024xf32>
      %jit3A_376 = arith.constant 5 : i32
      %broadcast_in_dim3A_377 = vector.broadcast %jit3A_376 : i32 to vector<16x1024xi32>
      %select_n3A_378 = arith.select %lt3A_374, %broadcast_in_dim3A_377, %select_n3A_372 : vector<16x1024xi1>, vector<16x1024xi32>
      %slice3A_379 = vector.extract_strided_slice %slice3A_345 {offsets = [96, 0], sizes = [16, 1024], strides = [1, 1]} : vector<336x1024xf32> to vector<16x1024xf32>
      %lt3A_380 = arith.cmpf olt, %slice3A_379, %min3A_375 : vector<16x1024xf32>
      %min3A_381 = arith.minimumf %min3A_375, %slice3A_379 : vector<16x1024xf32>
      %jit3A_382 = arith.constant 6 : i32
      %broadcast_in_dim3A_383 = vector.broadcast %jit3A_382 : i32 to vector<16x1024xi32>
      %select_n3A_384 = arith.select %lt3A_380, %broadcast_in_dim3A_383, %select_n3A_378 : vector<16x1024xi1>, vector<16x1024xi32>
      %slice3A_385 = vector.extract_strided_slice %slice3A_345 {offsets = [112, 0], sizes = [16, 1024], strides = [1, 1]} : vector<336x1024xf32> to vector<16x1024xf32>
      %lt3A_386 = arith.cmpf olt, %slice3A_385, %min3A_381 : vector<16x1024xf32>
      %min3A_387 = arith.minimumf %min3A_381, %slice3A_385 : vector<16x1024xf32>
      %jit3A_388 = arith.constant 7 : i32
      %broadcast_in_dim3A_389 = vector.broadcast %jit3A_388 : i32 to vector<16x1024xi32>
      %select_n3A_390 = arith.select %lt3A_386, %broadcast_in_dim3A_389, %select_n3A_384 : vector<16x1024xi1>, vector<16x1024xi32>
      %slice3A_391 = vector.extract_strided_slice %slice3A_345 {offsets = [128, 0], sizes = [16, 1024], strides = [1, 1]} : vector<336x1024xf32> to vector<16x1024xf32>
      %lt3A_392 = arith.cmpf olt, %slice3A_391, %min3A_387 : vector<16x1024xf32>
      %min3A_393 = arith.minimumf %min3A_387, %slice3A_391 : vector<16x1024xf32>
      %jit3A_394 = arith.constant 8 : i32
      %broadcast_in_dim3A_395 = vector.broadcast %jit3A_394 : i32 to vector<16x1024xi32>
      %select_n3A_396 = arith.select %lt3A_392, %broadcast_in_dim3A_395, %select_n3A_390 : vector<16x1024xi1>, vector<16x1024xi32>
      %slice3A_397 = vector.extract_strided_slice %slice3A_345 {offsets = [144, 0], sizes = [16, 1024], strides = [1, 1]} : vector<336x1024xf32> to vector<16x1024xf32>
      %lt3A_398 = arith.cmpf olt, %slice3A_397, %min3A_393 : vector<16x1024xf32>
      %min3A_399 = arith.minimumf %min3A_393, %slice3A_397 : vector<16x1024xf32>
      %jit3A_400 = arith.constant 9 : i32
      %broadcast_in_dim3A_401 = vector.broadcast %jit3A_400 : i32 to vector<16x1024xi32>
      %select_n3A_402 = arith.select %lt3A_398, %broadcast_in_dim3A_401, %select_n3A_396 : vector<16x1024xi1>, vector<16x1024xi32>
      %slice3A_403 = vector.extract_strided_slice %slice3A_345 {offsets = [160, 0], sizes = [16, 1024], strides = [1, 1]} : vector<336x1024xf32> to vector<16x1024xf32>
      %lt3A_404 = arith.cmpf olt, %slice3A_403, %min3A_399 : vector<16x1024xf32>
      %min3A_405 = arith.minimumf %min3A_399, %slice3A_403 : vector<16x1024xf32>
      %jit3A_406 = arith.constant 10 : i32
      %broadcast_in_dim3A_407 = vector.broadcast %jit3A_406 : i32 to vector<16x1024xi32>
      %select_n3A_408 = arith.select %lt3A_404, %broadcast_in_dim3A_407, %select_n3A_402 : vector<16x1024xi1>, vector<16x1024xi32>
      %slice3A_409 = vector.extract_strided_slice %slice3A_345 {offsets = [176, 0], sizes = [16, 1024], strides = [1, 1]} : vector<336x1024xf32> to vector<16x1024xf32>
      %lt3A_410 = arith.cmpf olt, %slice3A_409, %min3A_405 : vector<16x1024xf32>
      %min3A_411 = arith.minimumf %min3A_405, %slice3A_409 : vector<16x1024xf32>
      %jit3A_412 = arith.constant 11 : i32
      %broadcast_in_dim3A_413 = vector.broadcast %jit3A_412 : i32 to vector<16x1024xi32>
      %select_n3A_414 = arith.select %lt3A_410, %broadcast_in_dim3A_413, %select_n3A_408 : vector<16x1024xi1>, vector<16x1024xi32>
      %slice3A_415 = vector.extract_strided_slice %slice3A_345 {offsets = [192, 0], sizes = [16, 1024], strides = [1, 1]} : vector<336x1024xf32> to vector<16x1024xf32>
      %lt3A_416 = arith.cmpf olt, %slice3A_415, %min3A_411 : vector<16x1024xf32>
      %min3A_417 = arith.minimumf %min3A_411, %slice3A_415 : vector<16x1024xf32>
      %jit3A_418 = arith.constant 12 : i32
      %broadcast_in_dim3A_419 = vector.broadcast %jit3A_418 : i32 to vector<16x1024xi32>
      %select_n3A_420 = arith.select %lt3A_416, %broadcast_in_dim3A_419, %select_n3A_414 : vector<16x1024xi1>, vector<16x1024xi32>
      %slice3A_421 = vector.extract_strided_slice %slice3A_345 {offsets = [208, 0], sizes = [16, 1024], strides = [1, 1]} : vector<336x1024xf32> to vector<16x1024xf32>
      %lt3A_422 = arith.cmpf olt, %slice3A_421, %min3A_417 : vector<16x1024xf32>
      %min3A_423 = arith.minimumf %min3A_417, %slice3A_421 : vector<16x1024xf32>
      %jit3A_424 = arith.constant 13 : i32
      %broadcast_in_dim3A_425 = vector.broadcast %jit3A_424 : i32 to vector<16x1024xi32>
      %select_n3A_426 = arith.select %lt3A_422, %broadcast_in_dim3A_425, %select_n3A_420 : vector<16x1024xi1>, vector<16x1024xi32>
      %slice3A_427 = vector.extract_strided_slice %slice3A_345 {offsets = [224, 0], sizes = [16, 1024], strides = [1, 1]} : vector<336x1024xf32> to vector<16x1024xf32>
      %lt3A_428 = arith.cmpf olt, %slice3A_427, %min3A_423 : vector<16x1024xf32>
      %min3A_429 = arith.minimumf %min3A_423, %slice3A_427 : vector<16x1024xf32>
      %jit3A_430 = arith.constant 14 : i32
      %broadcast_in_dim3A_431 = vector.broadcast %jit3A_430 : i32 to vector<16x1024xi32>
      %select_n3A_432 = arith.select %lt3A_428, %broadcast_in_dim3A_431, %select_n3A_426 : vector<16x1024xi1>, vector<16x1024xi32>
      %slice3A_433 = vector.extract_strided_slice %slice3A_345 {offsets = [240, 0], sizes = [16, 1024], strides = [1, 1]} : vector<336x1024xf32> to vector<16x1024xf32>
      %lt3A_434 = arith.cmpf olt, %slice3A_433, %min3A_429 : vector<16x1024xf32>
      %min3A_435 = arith.minimumf %min3A_429, %slice3A_433 : vector<16x1024xf32>
      %jit3A_436 = arith.constant 15 : i32
      %broadcast_in_dim3A_437 = vector.broadcast %jit3A_436 : i32 to vector<16x1024xi32>
      %select_n3A_438 = arith.select %lt3A_434, %broadcast_in_dim3A_437, %select_n3A_432 : vector<16x1024xi1>, vector<16x1024xi32>
      %slice3A_439 = vector.extract_strided_slice %slice3A_345 {offsets = [256, 0], sizes = [16, 1024], strides = [1, 1]} : vector<336x1024xf32> to vector<16x1024xf32>
      %lt3A_440 = arith.cmpf olt, %slice3A_439, %min3A_435 : vector<16x1024xf32>
      %min3A_441 = arith.minimumf %min3A_435, %slice3A_439 : vector<16x1024xf32>
      %jit3A_442 = arith.constant 16 : i32
      %broadcast_in_dim3A_443 = vector.broadcast %jit3A_442 : i32 to vector<16x1024xi32>
      %select_n3A_444 = arith.select %lt3A_440, %broadcast_in_dim3A_443, %select_n3A_438 : vector<16x1024xi1>, vector<16x1024xi32>
      %slice3A_445 = vector.extract_strided_slice %slice3A_345 {offsets = [272, 0], sizes = [16, 1024], strides = [1, 1]} : vector<336x1024xf32> to vector<16x1024xf32>
      %lt3A_446 = arith.cmpf olt, %slice3A_445, %min3A_441 : vector<16x1024xf32>
      %min3A_447 = arith.minimumf %min3A_441, %slice3A_445 : vector<16x1024xf32>
      %jit3A_448 = arith.constant 17 : i32
      %broadcast_in_dim3A_449 = vector.broadcast %jit3A_448 : i32 to vector<16x1024xi32>
      %select_n3A_450 = arith.select %lt3A_446, %broadcast_in_dim3A_449, %select_n3A_444 : vector<16x1024xi1>, vector<16x1024xi32>
      %slice3A_451 = vector.extract_strided_slice %slice3A_345 {offsets = [288, 0], sizes = [16, 1024], strides = [1, 1]} : vector<336x1024xf32> to vector<16x1024xf32>
      %lt3A_452 = arith.cmpf olt, %slice3A_451, %min3A_447 : vector<16x1024xf32>
      %min3A_453 = arith.minimumf %min3A_447, %slice3A_451 : vector<16x1024xf32>
      %jit3A_454 = arith.constant 18 : i32
      %broadcast_in_dim3A_455 = vector.broadcast %jit3A_454 : i32 to vector<16x1024xi32>
      %select_n3A_456 = arith.select %lt3A_452, %broadcast_in_dim3A_455, %select_n3A_450 : vector<16x1024xi1>, vector<16x1024xi32>
      %slice3A_457 = vector.extract_strided_slice %slice3A_345 {offsets = [304, 0], sizes = [16, 1024], strides = [1, 1]} : vector<336x1024xf32> to vector<16x1024xf32>
      %lt3A_458 = arith.cmpf olt, %slice3A_457, %min3A_453 : vector<16x1024xf32>
      %min3A_459 = arith.minimumf %min3A_453, %slice3A_457 : vector<16x1024xf32>
      %jit3A_460 = arith.constant 19 : i32
      %broadcast_in_dim3A_461 = vector.broadcast %jit3A_460 : i32 to vector<16x1024xi32>
      %select_n3A_462 = arith.select %lt3A_458, %broadcast_in_dim3A_461, %select_n3A_456 : vector<16x1024xi1>, vector<16x1024xi32>
      %slice3A_463 = vector.extract_strided_slice %slice3A_345 {offsets = [320, 0], sizes = [16, 1024], strides = [1, 1]} : vector<336x1024xf32> to vector<16x1024xf32>
      %lt3A_464 = arith.cmpf olt, %slice3A_463, %min3A_459 : vector<16x1024xf32>
      %min3A_465 = arith.minimumf %min3A_459, %slice3A_463 : vector<16x1024xf32>
      %jit3A_466 = arith.constant 20 : i32
      %broadcast_in_dim3A_467 = vector.broadcast %jit3A_466 : i32 to vector<16x1024xi32>
      %select_n3A_468 = arith.select %lt3A_464, %broadcast_in_dim3A_467, %select_n3A_462 : vector<16x1024xi1>, vector<16x1024xi32>
      %mul3A_469 = arith.constant 16 : i32
      %mul3A_470 = vector.broadcast %mul3A_469 : i32 to vector<16x1024xi32>
      %mul3A_471 = arith.muli %select_n3A_468, %mul3A_470 : vector<16x1024xi32>
      %iota3A_472 = tpu.iota {dimensions = array<i32: 0>} : vector<16x1024xi32>
      %add3A_473 = arith.addi %mul3A_471, %iota3A_472 : vector<16x1024xi32>
      %reduce_min3A_474 = arith.constant dense<0x7F800000> : vector<1024xf32>
      %reduce_min3A_475 = vector.multi_reduction <minimumf>, %min3A_465, %reduce_min3A_474 [0] : vector<16x1024xf32> to vector<1024xf32>
      %broadcast_in_dim3A_476 = vector.shape_cast %reduce_min3A_475 : vector<1024xf32> to vector<1x1024xf32>
      %eq3A_477 = vector.broadcast %broadcast_in_dim3A_476 : vector<1x1024xf32> to vector<16x1024xf32>
      %eq3A_478 = arith.cmpf oeq, %min3A_465, %eq3A_477 : vector<16x1024xf32>
      %jit3A_479 = arith.constant 8192 : i32
      %broadcast_in_dim3A_480 = vector.broadcast %jit3A_479 : i32 to vector<16x1024xi32>
      %select_n3A_481 = arith.select %eq3A_478, %add3A_473, %broadcast_in_dim3A_480 : vector<16x1024xi1>, vector<16x1024xi32>
      %reduce_min3A_482 = arith.constant dense<2147483647> : vector<1024xi32>
      %reduce_min3A_483 = vector.multi_reduction <minsi>, %select_n3A_481, %reduce_min3A_482 [0] : vector<16x1024xi32> to vector<1024xi32>
      %broadcast_in_dim3A_484 = vector.shape_cast %reduce_min3A_483 : vector<1024xi32> to vector<1x1024xi32>
      %add3A_485 = arith.constant 2736 : i32
      %add3A_486 = vector.broadcast %add3A_485 : i32 to vector<1x1024xi32>
      %add3A_487 = arith.addi %broadcast_in_dim3A_484, %add3A_486 : vector<1x1024xi32>
      %get3A_488 = arith.constant 0 : index
      %get3A_489 = arith.constant 0 : index
      %get3A_490 = vector.load %arg13[%get3A_488, %get3A_489] : memref<1x1024xf32, #tpu.memory_space<vmem>>, vector<1x1024xf32>
      %lt3A_491 = arith.cmpf olt, %broadcast_in_dim3A_476, %get3A_490 : vector<1x1024xf32>
      %get3A_492 = arith.constant 0 : index
      %get3A_493 = arith.constant 0 : index
      %get3A_494 = vector.load %arg14[%get3A_492, %get3A_493] : memref<1x1024xi32, #tpu.memory_space<vmem>>, vector<1x1024xi32>
      %select_n3A_495 = arith.select %lt3A_491, %add3A_487, %get3A_494 : vector<1x1024xi1>, vector<1x1024xi32>
      %swap3A_496 = arith.constant 0 : index
      %swap3A_497 = arith.constant 0 : index
      %swap3A_498 = vector.load %arg14[%swap3A_496, %swap3A_497] : memref<1x1024xi32, #tpu.memory_space<vmem>>, vector<1x1024xi32>
      tpu.vector_store %arg14[%swap3A_496, %swap3A_497], %select_n3A_495 {strides = array<i32>} : memref<1x1024xi32, #tpu.memory_space<vmem>>, vector<1x1024xi32>,
      %get3A_499 = arith.constant 0 : index
      %get3A_500 = arith.constant 0 : index
      %get3A_501 = vector.load %arg13[%get3A_499, %get3A_500] : memref<1x1024xf32, #tpu.memory_space<vmem>>, vector<1x1024xf32>
      %select_n3A_502 = arith.select %lt3A_491, %broadcast_in_dim3A_476, %get3A_501 : vector<1x1024xi1>, vector<1x1024xf32>
      %swap3A_503 = arith.constant 0 : index
      %swap3A_504 = arith.constant 0 : index
      %swap3A_505 = vector.load %arg13[%swap3A_503, %swap3A_504] : memref<1x1024xf32, #tpu.memory_space<vmem>>, vector<1x1024xf32>
      tpu.vector_store %arg13[%swap3A_503, %swap3A_504], %select_n3A_502 {strides = array<i32>} : memref<1x1024xf32, #tpu.memory_space<vmem>>, vector<1x1024xf32>,
    } else {
    }
    %eq3A_32 = arith.constant 3 : i32
    %eq3A_33 = arith.cmpi eq, %arg1, %eq3A_32 : i32
    %convert_element_type3A_34 = arith.extui %eq3A_33 : i1 to i32
    %cond3A_35 = arith.constant 0 : i32
    %cond3A_36 = arith.cmpi ne, %convert_element_type3A_34, %cond3A_35 : i32
    scf.if %cond3A_36 {
      %slice3A = vector.extract_strided_slice %add3A_16 {offsets = [0, 0], sizes = [16, 1024], strides = [1, 1]} : vector<1024x1024xf32> to vector<16x1024xf32>
      %broadcast_in_dim3A = arith.constant 0 : i32
      %broadcast_in_dim3A_62 = vector.broadcast %broadcast_in_dim3A : i32 to vector<16x1024xi32>
      %slice3A_63 = vector.extract_strided_slice %add3A_16 {offsets = [16, 0], sizes = [16, 1024], strides = [1, 1]} : vector<1024x1024xf32> to vector<16x1024xf32>
      %lt3A = arith.cmpf olt, %slice3A_63, %slice3A : vector<16x1024xf32>
      %min3A = arith.minimumf %slice3A, %slice3A_63 : vector<16x1024xf32>
      %jit3A = arith.constant 1 : i32
      %broadcast_in_dim3A_64 = vector.broadcast %jit3A : i32 to vector<16x1024xi32>
      %select_n3A = arith.select %lt3A, %broadcast_in_dim3A_64, %broadcast_in_dim3A_62 : vector<16x1024xi1>, vector<16x1024xi32>
      %slice3A_65 = vector.extract_strided_slice %add3A_16 {offsets = [32, 0], sizes = [16, 1024], strides = [1, 1]} : vector<1024x1024xf32> to vector<16x1024xf32>
      %lt3A_66 = arith.cmpf olt, %slice3A_65, %min3A : vector<16x1024xf32>
      %min3A_67 = arith.minimumf %min3A, %slice3A_65 : vector<16x1024xf32>
      %jit3A_68 = arith.constant 2 : i32
      %broadcast_in_dim3A_69 = vector.broadcast %jit3A_68 : i32 to vector<16x1024xi32>
      %select_n3A_70 = arith.select %lt3A_66, %broadcast_in_dim3A_69, %select_n3A : vector<16x1024xi1>, vector<16x1024xi32>
      %slice3A_71 = vector.extract_strided_slice %add3A_16 {offsets = [48, 0], sizes = [16, 1024], strides = [1, 1]} : vector<1024x1024xf32> to vector<16x1024xf32>
      %lt3A_72 = arith.cmpf olt, %slice3A_71, %min3A_67 : vector<16x1024xf32>
      %min3A_73 = arith.minimumf %min3A_67, %slice3A_71 : vector<16x1024xf32>
      %jit3A_74 = arith.constant 3 : i32
      %broadcast_in_dim3A_75 = vector.broadcast %jit3A_74 : i32 to vector<16x1024xi32>
      %select_n3A_76 = arith.select %lt3A_72, %broadcast_in_dim3A_75, %select_n3A_70 : vector<16x1024xi1>, vector<16x1024xi32>
      %slice3A_77 = vector.extract_strided_slice %add3A_16 {offsets = [64, 0], sizes = [16, 1024], strides = [1, 1]} : vector<1024x1024xf32> to vector<16x1024xf32>
      %lt3A_78 = arith.cmpf olt, %slice3A_77, %min3A_73 : vector<16x1024xf32>
      %min3A_79 = arith.minimumf %min3A_73, %slice3A_77 : vector<16x1024xf32>
      %jit3A_80 = arith.constant 4 : i32
      %broadcast_in_dim3A_81 = vector.broadcast %jit3A_80 : i32 to vector<16x1024xi32>
      %select_n3A_82 = arith.select %lt3A_78, %broadcast_in_dim3A_81, %select_n3A_76 : vector<16x1024xi1>, vector<16x1024xi32>
      %slice3A_83 = vector.extract_strided_slice %add3A_16 {offsets = [80, 0], sizes = [16, 1024], strides = [1, 1]} : vector<1024x1024xf32> to vector<16x1024xf32>
      %lt3A_84 = arith.cmpf olt, %slice3A_83, %min3A_79 : vector<16x1024xf32>
      %min3A_85 = arith.minimumf %min3A_79, %slice3A_83 : vector<16x1024xf32>
      %jit3A_86 = arith.constant 5 : i32
      %broadcast_in_dim3A_87 = vector.broadcast %jit3A_86 : i32 to vector<16x1024xi32>
      %select_n3A_88 = arith.select %lt3A_84, %broadcast_in_dim3A_87, %select_n3A_82 : vector<16x1024xi1>, vector<16x1024xi32>
      %slice3A_89 = vector.extract_strided_slice %add3A_16 {offsets = [96, 0], sizes = [16, 1024], strides = [1, 1]} : vector<1024x1024xf32> to vector<16x1024xf32>
      %lt3A_90 = arith.cmpf olt, %slice3A_89, %min3A_85 : vector<16x1024xf32>
      %min3A_91 = arith.minimumf %min3A_85, %slice3A_89 : vector<16x1024xf32>
      %jit3A_92 = arith.constant 6 : i32
      %broadcast_in_dim3A_93 = vector.broadcast %jit3A_92 : i32 to vector<16x1024xi32>
      %select_n3A_94 = arith.select %lt3A_90, %broadcast_in_dim3A_93, %select_n3A_88 : vector<16x1024xi1>, vector<16x1024xi32>
      %slice3A_95 = vector.extract_strided_slice %add3A_16 {offsets = [112, 0], sizes = [16, 1024], strides = [1, 1]} : vector<1024x1024xf32> to vector<16x1024xf32>
      %lt3A_96 = arith.cmpf olt, %slice3A_95, %min3A_91 : vector<16x1024xf32>
      %min3A_97 = arith.minimumf %min3A_91, %slice3A_95 : vector<16x1024xf32>
      %jit3A_98 = arith.constant 7 : i32
      %broadcast_in_dim3A_99 = vector.broadcast %jit3A_98 : i32 to vector<16x1024xi32>
      %select_n3A_100 = arith.select %lt3A_96, %broadcast_in_dim3A_99, %select_n3A_94 : vector<16x1024xi1>, vector<16x1024xi32>
      %slice3A_101 = vector.extract_strided_slice %add3A_16 {offsets = [128, 0], sizes = [16, 1024], strides = [1, 1]} : vector<1024x1024xf32> to vector<16x1024xf32>
      %lt3A_102 = arith.cmpf olt, %slice3A_101, %min3A_97 : vector<16x1024xf32>
      %min3A_103 = arith.minimumf %min3A_97, %slice3A_101 : vector<16x1024xf32>
      %jit3A_104 = arith.constant 8 : i32
      %broadcast_in_dim3A_105 = vector.broadcast %jit3A_104 : i32 to vector<16x1024xi32>
      %select_n3A_106 = arith.select %lt3A_102, %broadcast_in_dim3A_105, %select_n3A_100 : vector<16x1024xi1>, vector<16x1024xi32>
      %slice3A_107 = vector.extract_strided_slice %add3A_16 {offsets = [144, 0], sizes = [16, 1024], strides = [1, 1]} : vector<1024x1024xf32> to vector<16x1024xf32>
      %lt3A_108 = arith.cmpf olt, %slice3A_107, %min3A_103 : vector<16x1024xf32>
      %min3A_109 = arith.minimumf %min3A_103, %slice3A_107 : vector<16x1024xf32>
      %jit3A_110 = arith.constant 9 : i32
      %broadcast_in_dim3A_111 = vector.broadcast %jit3A_110 : i32 to vector<16x1024xi32>
      %select_n3A_112 = arith.select %lt3A_108, %broadcast_in_dim3A_111, %select_n3A_106 : vector<16x1024xi1>, vector<16x1024xi32>
      %slice3A_113 = vector.extract_strided_slice %add3A_16 {offsets = [160, 0], sizes = [16, 1024], strides = [1, 1]} : vector<1024x1024xf32> to vector<16x1024xf32>
      %lt3A_114 = arith.cmpf olt, %slice3A_113, %min3A_109 : vector<16x1024xf32>
      %min3A_115 = arith.minimumf %min3A_109, %slice3A_113 : vector<16x1024xf32>
      %jit3A_116 = arith.constant 10 : i32
      %broadcast_in_dim3A_117 = vector.broadcast %jit3A_116 : i32 to vector<16x1024xi32>
      %select_n3A_118 = arith.select %lt3A_114, %broadcast_in_dim3A_117, %select_n3A_112 : vector<16x1024xi1>, vector<16x1024xi32>
      %slice3A_119 = vector.extract_strided_slice %add3A_16 {offsets = [176, 0], sizes = [16, 1024], strides = [1, 1]} : vector<1024x1024xf32> to vector<16x1024xf32>
      %lt3A_120 = arith.cmpf olt, %slice3A_119, %min3A_115 : vector<16x1024xf32>
      %min3A_121 = arith.minimumf %min3A_115, %slice3A_119 : vector<16x1024xf32>
      %jit3A_122 = arith.constant 11 : i32
      %broadcast_in_dim3A_123 = vector.broadcast %jit3A_122 : i32 to vector<16x1024xi32>
      %select_n3A_124 = arith.select %lt3A_120, %broadcast_in_dim3A_123, %select_n3A_118 : vector<16x1024xi1>, vector<16x1024xi32>
      %slice3A_125 = vector.extract_strided_slice %add3A_16 {offsets = [192, 0], sizes = [16, 1024], strides = [1, 1]} : vector<1024x1024xf32> to vector<16x1024xf32>
      %lt3A_126 = arith.cmpf olt, %slice3A_125, %min3A_121 : vector<16x1024xf32>
      %min3A_127 = arith.minimumf %min3A_121, %slice3A_125 : vector<16x1024xf32>
      %jit3A_128 = arith.constant 12 : i32
      %broadcast_in_dim3A_129 = vector.broadcast %jit3A_128 : i32 to vector<16x1024xi32>
      %select_n3A_130 = arith.select %lt3A_126, %broadcast_in_dim3A_129, %select_n3A_124 : vector<16x1024xi1>, vector<16x1024xi32>
      %slice3A_131 = vector.extract_strided_slice %add3A_16 {offsets = [208, 0], sizes = [16, 1024], strides = [1, 1]} : vector<1024x1024xf32> to vector<16x1024xf32>
      %lt3A_132 = arith.cmpf olt, %slice3A_131, %min3A_127 : vector<16x1024xf32>
      %min3A_133 = arith.minimumf %min3A_127, %slice3A_131 : vector<16x1024xf32>
      %jit3A_134 = arith.constant 13 : i32
      %broadcast_in_dim3A_135 = vector.broadcast %jit3A_134 : i32 to vector<16x1024xi32>
      %select_n3A_136 = arith.select %lt3A_132, %broadcast_in_dim3A_135, %select_n3A_130 : vector<16x1024xi1>, vector<16x1024xi32>
      %slice3A_137 = vector.extract_strided_slice %add3A_16 {offsets = [224, 0], sizes = [16, 1024], strides = [1, 1]} : vector<1024x1024xf32> to vector<16x1024xf32>
      %lt3A_138 = arith.cmpf olt, %slice3A_137, %min3A_133 : vector<16x1024xf32>
      %min3A_139 = arith.minimumf %min3A_133, %slice3A_137 : vector<16x1024xf32>
      %jit3A_140 = arith.constant 14 : i32
      %broadcast_in_dim3A_141 = vector.broadcast %jit3A_140 : i32 to vector<16x1024xi32>
      %select_n3A_142 = arith.select %lt3A_138, %broadcast_in_dim3A_141, %select_n3A_136 : vector<16x1024xi1>, vector<16x1024xi32>
      %slice3A_143 = vector.extract_strided_slice %add3A_16 {offsets = [240, 0], sizes = [16, 1024], strides = [1, 1]} : vector<1024x1024xf32> to vector<16x1024xf32>
      %lt3A_144 = arith.cmpf olt, %slice3A_143, %min3A_139 : vector<16x1024xf32>
      %min3A_145 = arith.minimumf %min3A_139, %slice3A_143 : vector<16x1024xf32>
      %jit3A_146 = arith.constant 15 : i32
      %broadcast_in_dim3A_147 = vector.broadcast %jit3A_146 : i32 to vector<16x1024xi32>
      %select_n3A_148 = arith.select %lt3A_144, %broadcast_in_dim3A_147, %select_n3A_142 : vector<16x1024xi1>, vector<16x1024xi32>
      %slice3A_149 = vector.extract_strided_slice %add3A_16 {offsets = [256, 0], sizes = [16, 1024], strides = [1, 1]} : vector<1024x1024xf32> to vector<16x1024xf32>
      %lt3A_150 = arith.cmpf olt, %slice3A_149, %min3A_145 : vector<16x1024xf32>
      %min3A_151 = arith.minimumf %min3A_145, %slice3A_149 : vector<16x1024xf32>
      %jit3A_152 = arith.constant 16 : i32
      %broadcast_in_dim3A_153 = vector.broadcast %jit3A_152 : i32 to vector<16x1024xi32>
      %select_n3A_154 = arith.select %lt3A_150, %broadcast_in_dim3A_153, %select_n3A_148 : vector<16x1024xi1>, vector<16x1024xi32>
      %slice3A_155 = vector.extract_strided_slice %add3A_16 {offsets = [272, 0], sizes = [16, 1024], strides = [1, 1]} : vector<1024x1024xf32> to vector<16x1024xf32>
      %lt3A_156 = arith.cmpf olt, %slice3A_155, %min3A_151 : vector<16x1024xf32>
      %min3A_157 = arith.minimumf %min3A_151, %slice3A_155 : vector<16x1024xf32>
      %jit3A_158 = arith.constant 17 : i32
      %broadcast_in_dim3A_159 = vector.broadcast %jit3A_158 : i32 to vector<16x1024xi32>
      %select_n3A_160 = arith.select %lt3A_156, %broadcast_in_dim3A_159, %select_n3A_154 : vector<16x1024xi1>, vector<16x1024xi32>
      %slice3A_161 = vector.extract_strided_slice %add3A_16 {offsets = [288, 0], sizes = [16, 1024], strides = [1, 1]} : vector<1024x1024xf32> to vector<16x1024xf32>
      %lt3A_162 = arith.cmpf olt, %slice3A_161, %min3A_157 : vector<16x1024xf32>
      %min3A_163 = arith.minimumf %min3A_157, %slice3A_161 : vector<16x1024xf32>
      %jit3A_164 = arith.constant 18 : i32
      %broadcast_in_dim3A_165 = vector.broadcast %jit3A_164 : i32 to vector<16x1024xi32>
      %select_n3A_166 = arith.select %lt3A_162, %broadcast_in_dim3A_165, %select_n3A_160 : vector<16x1024xi1>, vector<16x1024xi32>
      %slice3A_167 = vector.extract_strided_slice %add3A_16 {offsets = [304, 0], sizes = [16, 1024], strides = [1, 1]} : vector<1024x1024xf32> to vector<16x1024xf32>
      %lt3A_168 = arith.cmpf olt, %slice3A_167, %min3A_163 : vector<16x1024xf32>
      %min3A_169 = arith.minimumf %min3A_163, %slice3A_167 : vector<16x1024xf32>
      %jit3A_170 = arith.constant 19 : i32
      %broadcast_in_dim3A_171 = vector.broadcast %jit3A_170 : i32 to vector<16x1024xi32>
      %select_n3A_172 = arith.select %lt3A_168, %broadcast_in_dim3A_171, %select_n3A_166 : vector<16x1024xi1>, vector<16x1024xi32>
      %slice3A_173 = vector.extract_strided_slice %add3A_16 {offsets = [320, 0], sizes = [16, 1024], strides = [1, 1]} : vector<1024x1024xf32> to vector<16x1024xf32>
      %lt3A_174 = arith.cmpf olt, %slice3A_173, %min3A_169 : vector<16x1024xf32>
      %min3A_175 = arith.minimumf %min3A_169, %slice3A_173 : vector<16x1024xf32>
      %jit3A_176 = arith.constant 20 : i32
      %broadcast_in_dim3A_177 = vector.broadcast %jit3A_176 : i32 to vector<16x1024xi32>
      %select_n3A_178 = arith.select %lt3A_174, %broadcast_in_dim3A_177, %select_n3A_172 : vector<16x1024xi1>, vector<16x1024xi32>
      %slice3A_179 = vector.extract_strided_slice %add3A_16 {offsets = [336, 0], sizes = [16, 1024], strides = [1, 1]} : vector<1024x1024xf32> to vector<16x1024xf32>
      %lt3A_180 = arith.cmpf olt, %slice3A_179, %min3A_175 : vector<16x1024xf32>
      %min3A_181 = arith.minimumf %min3A_175, %slice3A_179 : vector<16x1024xf32>
      %jit3A_182 = arith.constant 21 : i32
      %broadcast_in_dim3A_183 = vector.broadcast %jit3A_182 : i32 to vector<16x1024xi32>
      %select_n3A_184 = arith.select %lt3A_180, %broadcast_in_dim3A_183, %select_n3A_178 : vector<16x1024xi1>, vector<16x1024xi32>
      %slice3A_185 = vector.extract_strided_slice %add3A_16 {offsets = [352, 0], sizes = [16, 1024], strides = [1, 1]} : vector<1024x1024xf32> to vector<16x1024xf32>
      %lt3A_186 = arith.cmpf olt, %slice3A_185, %min3A_181 : vector<16x1024xf32>
      %min3A_187 = arith.minimumf %min3A_181, %slice3A_185 : vector<16x1024xf32>
      %jit3A_188 = arith.constant 22 : i32
      %broadcast_in_dim3A_189 = vector.broadcast %jit3A_188 : i32 to vector<16x1024xi32>
      %select_n3A_190 = arith.select %lt3A_186, %broadcast_in_dim3A_189, %select_n3A_184 : vector<16x1024xi1>, vector<16x1024xi32>
      %slice3A_191 = vector.extract_strided_slice %add3A_16 {offsets = [368, 0], sizes = [16, 1024], strides = [1, 1]} : vector<1024x1024xf32> to vector<16x1024xf32>
      %lt3A_192 = arith.cmpf olt, %slice3A_191, %min3A_187 : vector<16x1024xf32>
      %min3A_193 = arith.minimumf %min3A_187, %slice3A_191 : vector<16x1024xf32>
      %jit3A_194 = arith.constant 23 : i32
      %broadcast_in_dim3A_195 = vector.broadcast %jit3A_194 : i32 to vector<16x1024xi32>
      %select_n3A_196 = arith.select %lt3A_192, %broadcast_in_dim3A_195, %select_n3A_190 : vector<16x1024xi1>, vector<16x1024xi32>
      %slice3A_197 = vector.extract_strided_slice %add3A_16 {offsets = [384, 0], sizes = [16, 1024], strides = [1, 1]} : vector<1024x1024xf32> to vector<16x1024xf32>
      %lt3A_198 = arith.cmpf olt, %slice3A_197, %min3A_193 : vector<16x1024xf32>
      %min3A_199 = arith.minimumf %min3A_193, %slice3A_197 : vector<16x1024xf32>
      %jit3A_200 = arith.constant 24 : i32
      %broadcast_in_dim3A_201 = vector.broadcast %jit3A_200 : i32 to vector<16x1024xi32>
      %select_n3A_202 = arith.select %lt3A_198, %broadcast_in_dim3A_201, %select_n3A_196 : vector<16x1024xi1>, vector<16x1024xi32>
      %slice3A_203 = vector.extract_strided_slice %add3A_16 {offsets = [400, 0], sizes = [16, 1024], strides = [1, 1]} : vector<1024x1024xf32> to vector<16x1024xf32>
      %lt3A_204 = arith.cmpf olt, %slice3A_203, %min3A_199 : vector<16x1024xf32>
      %min3A_205 = arith.minimumf %min3A_199, %slice3A_203 : vector<16x1024xf32>
      %jit3A_206 = arith.constant 25 : i32
      %broadcast_in_dim3A_207 = vector.broadcast %jit3A_206 : i32 to vector<16x1024xi32>
      %select_n3A_208 = arith.select %lt3A_204, %broadcast_in_dim3A_207, %select_n3A_202 : vector<16x1024xi1>, vector<16x1024xi32>
      %slice3A_209 = vector.extract_strided_slice %add3A_16 {offsets = [416, 0], sizes = [16, 1024], strides = [1, 1]} : vector<1024x1024xf32> to vector<16x1024xf32>
      %lt3A_210 = arith.cmpf olt, %slice3A_209, %min3A_205 : vector<16x1024xf32>
      %min3A_211 = arith.minimumf %min3A_205, %slice3A_209 : vector<16x1024xf32>
      %jit3A_212 = arith.constant 26 : i32
      %broadcast_in_dim3A_213 = vector.broadcast %jit3A_212 : i32 to vector<16x1024xi32>
      %select_n3A_214 = arith.select %lt3A_210, %broadcast_in_dim3A_213, %select_n3A_208 : vector<16x1024xi1>, vector<16x1024xi32>
      %slice3A_215 = vector.extract_strided_slice %add3A_16 {offsets = [432, 0], sizes = [16, 1024], strides = [1, 1]} : vector<1024x1024xf32> to vector<16x1024xf32>
      %lt3A_216 = arith.cmpf olt, %slice3A_215, %min3A_211 : vector<16x1024xf32>
      %min3A_217 = arith.minimumf %min3A_211, %slice3A_215 : vector<16x1024xf32>
      %jit3A_218 = arith.constant 27 : i32
      %broadcast_in_dim3A_219 = vector.broadcast %jit3A_218 : i32 to vector<16x1024xi32>
      %select_n3A_220 = arith.select %lt3A_216, %broadcast_in_dim3A_219, %select_n3A_214 : vector<16x1024xi1>, vector<16x1024xi32>
      %slice3A_221 = vector.extract_strided_slice %add3A_16 {offsets = [448, 0], sizes = [16, 1024], strides = [1, 1]} : vector<1024x1024xf32> to vector<16x1024xf32>
      %lt3A_222 = arith.cmpf olt, %slice3A_221, %min3A_217 : vector<16x1024xf32>
      %min3A_223 = arith.minimumf %min3A_217, %slice3A_221 : vector<16x1024xf32>
      %jit3A_224 = arith.constant 28 : i32
      %broadcast_in_dim3A_225 = vector.broadcast %jit3A_224 : i32 to vector<16x1024xi32>
      %select_n3A_226 = arith.select %lt3A_222, %broadcast_in_dim3A_225, %select_n3A_220 : vector<16x1024xi1>, vector<16x1024xi32>
      %slice3A_227 = vector.extract_strided_slice %add3A_16 {offsets = [464, 0], sizes = [16, 1024], strides = [1, 1]} : vector<1024x1024xf32> to vector<16x1024xf32>
      %lt3A_228 = arith.cmpf olt, %slice3A_227, %min3A_223 : vector<16x1024xf32>
      %min3A_229 = arith.minimumf %min3A_223, %slice3A_227 : vector<16x1024xf32>
      %jit3A_230 = arith.constant 29 : i32
      %broadcast_in_dim3A_231 = vector.broadcast %jit3A_230 : i32 to vector<16x1024xi32>
      %select_n3A_232 = arith.select %lt3A_228, %broadcast_in_dim3A_231, %select_n3A_226 : vector<16x1024xi1>, vector<16x1024xi32>
      %slice3A_233 = vector.extract_strided_slice %add3A_16 {offsets = [480, 0], sizes = [16, 1024], strides = [1, 1]} : vector<1024x1024xf32> to vector<16x1024xf32>
      %lt3A_234 = arith.cmpf olt, %slice3A_233, %min3A_229 : vector<16x1024xf32>
      %min3A_235 = arith.minimumf %min3A_229, %slice3A_233 : vector<16x1024xf32>
      %jit3A_236 = arith.constant 30 : i32
      %broadcast_in_dim3A_237 = vector.broadcast %jit3A_236 : i32 to vector<16x1024xi32>
      %select_n3A_238 = arith.select %lt3A_234, %broadcast_in_dim3A_237, %select_n3A_232 : vector<16x1024xi1>, vector<16x1024xi32>
      %slice3A_239 = vector.extract_strided_slice %add3A_16 {offsets = [496, 0], sizes = [16, 1024], strides = [1, 1]} : vector<1024x1024xf32> to vector<16x1024xf32>
      %lt3A_240 = arith.cmpf olt, %slice3A_239, %min3A_235 : vector<16x1024xf32>
      %min3A_241 = arith.minimumf %min3A_235, %slice3A_239 : vector<16x1024xf32>
      %jit3A_242 = arith.constant 31 : i32
      %broadcast_in_dim3A_243 = vector.broadcast %jit3A_242 : i32 to vector<16x1024xi32>
      %select_n3A_244 = arith.select %lt3A_240, %broadcast_in_dim3A_243, %select_n3A_238 : vector<16x1024xi1>, vector<16x1024xi32>
      %slice3A_245 = vector.extract_strided_slice %add3A_16 {offsets = [512, 0], sizes = [16, 1024], strides = [1, 1]} : vector<1024x1024xf32> to vector<16x1024xf32>
      %lt3A_246 = arith.cmpf olt, %slice3A_245, %min3A_241 : vector<16x1024xf32>
      %min3A_247 = arith.minimumf %min3A_241, %slice3A_245 : vector<16x1024xf32>
      %jit3A_248 = arith.constant 32 : i32
      %broadcast_in_dim3A_249 = vector.broadcast %jit3A_248 : i32 to vector<16x1024xi32>
      %select_n3A_250 = arith.select %lt3A_246, %broadcast_in_dim3A_249, %select_n3A_244 : vector<16x1024xi1>, vector<16x1024xi32>
      %slice3A_251 = vector.extract_strided_slice %add3A_16 {offsets = [528, 0], sizes = [16, 1024], strides = [1, 1]} : vector<1024x1024xf32> to vector<16x1024xf32>
      %lt3A_252 = arith.cmpf olt, %slice3A_251, %min3A_247 : vector<16x1024xf32>
      %min3A_253 = arith.minimumf %min3A_247, %slice3A_251 : vector<16x1024xf32>
      %jit3A_254 = arith.constant 33 : i32
      %broadcast_in_dim3A_255 = vector.broadcast %jit3A_254 : i32 to vector<16x1024xi32>
      %select_n3A_256 = arith.select %lt3A_252, %broadcast_in_dim3A_255, %select_n3A_250 : vector<16x1024xi1>, vector<16x1024xi32>
      %slice3A_257 = vector.extract_strided_slice %add3A_16 {offsets = [544, 0], sizes = [16, 1024], strides = [1, 1]} : vector<1024x1024xf32> to vector<16x1024xf32>
      %lt3A_258 = arith.cmpf olt, %slice3A_257, %min3A_253 : vector<16x1024xf32>
      %min3A_259 = arith.minimumf %min3A_253, %slice3A_257 : vector<16x1024xf32>
      %jit3A_260 = arith.constant 34 : i32
      %broadcast_in_dim3A_261 = vector.broadcast %jit3A_260 : i32 to vector<16x1024xi32>
      %select_n3A_262 = arith.select %lt3A_258, %broadcast_in_dim3A_261, %select_n3A_256 : vector<16x1024xi1>, vector<16x1024xi32>
      %slice3A_263 = vector.extract_strided_slice %add3A_16 {offsets = [560, 0], sizes = [16, 1024], strides = [1, 1]} : vector<1024x1024xf32> to vector<16x1024xf32>
      %lt3A_264 = arith.cmpf olt, %slice3A_263, %min3A_259 : vector<16x1024xf32>
      %min3A_265 = arith.minimumf %min3A_259, %slice3A_263 : vector<16x1024xf32>
      %jit3A_266 = arith.constant 35 : i32
      %broadcast_in_dim3A_267 = vector.broadcast %jit3A_266 : i32 to vector<16x1024xi32>
      %select_n3A_268 = arith.select %lt3A_264, %broadcast_in_dim3A_267, %select_n3A_262 : vector<16x1024xi1>, vector<16x1024xi32>
      %slice3A_269 = vector.extract_strided_slice %add3A_16 {offsets = [576, 0], sizes = [16, 1024], strides = [1, 1]} : vector<1024x1024xf32> to vector<16x1024xf32>
      %lt3A_270 = arith.cmpf olt, %slice3A_269, %min3A_265 : vector<16x1024xf32>
      %min3A_271 = arith.minimumf %min3A_265, %slice3A_269 : vector<16x1024xf32>
      %jit3A_272 = arith.constant 36 : i32
      %broadcast_in_dim3A_273 = vector.broadcast %jit3A_272 : i32 to vector<16x1024xi32>
      %select_n3A_274 = arith.select %lt3A_270, %broadcast_in_dim3A_273, %select_n3A_268 : vector<16x1024xi1>, vector<16x1024xi32>
      %slice3A_275 = vector.extract_strided_slice %add3A_16 {offsets = [592, 0], sizes = [16, 1024], strides = [1, 1]} : vector<1024x1024xf32> to vector<16x1024xf32>
      %lt3A_276 = arith.cmpf olt, %slice3A_275, %min3A_271 : vector<16x1024xf32>
      %min3A_277 = arith.minimumf %min3A_271, %slice3A_275 : vector<16x1024xf32>
      %jit3A_278 = arith.constant 37 : i32
      %broadcast_in_dim3A_279 = vector.broadcast %jit3A_278 : i32 to vector<16x1024xi32>
      %select_n3A_280 = arith.select %lt3A_276, %broadcast_in_dim3A_279, %select_n3A_274 : vector<16x1024xi1>, vector<16x1024xi32>
      %slice3A_281 = vector.extract_strided_slice %add3A_16 {offsets = [608, 0], sizes = [16, 1024], strides = [1, 1]} : vector<1024x1024xf32> to vector<16x1024xf32>
      %lt3A_282 = arith.cmpf olt, %slice3A_281, %min3A_277 : vector<16x1024xf32>
      %min3A_283 = arith.minimumf %min3A_277, %slice3A_281 : vector<16x1024xf32>
      %jit3A_284 = arith.constant 38 : i32
      %broadcast_in_dim3A_285 = vector.broadcast %jit3A_284 : i32 to vector<16x1024xi32>
      %select_n3A_286 = arith.select %lt3A_282, %broadcast_in_dim3A_285, %select_n3A_280 : vector<16x1024xi1>, vector<16x1024xi32>
      %slice3A_287 = vector.extract_strided_slice %add3A_16 {offsets = [624, 0], sizes = [16, 1024], strides = [1, 1]} : vector<1024x1024xf32> to vector<16x1024xf32>
      %lt3A_288 = arith.cmpf olt, %slice3A_287, %min3A_283 : vector<16x1024xf32>
      %min3A_289 = arith.minimumf %min3A_283, %slice3A_287 : vector<16x1024xf32>
      %jit3A_290 = arith.constant 39 : i32
      %broadcast_in_dim3A_291 = vector.broadcast %jit3A_290 : i32 to vector<16x1024xi32>
      %select_n3A_292 = arith.select %lt3A_288, %broadcast_in_dim3A_291, %select_n3A_286 : vector<16x1024xi1>, vector<16x1024xi32>
      %slice3A_293 = vector.extract_strided_slice %add3A_16 {offsets = [640, 0], sizes = [16, 1024], strides = [1, 1]} : vector<1024x1024xf32> to vector<16x1024xf32>
      %lt3A_294 = arith.cmpf olt, %slice3A_293, %min3A_289 : vector<16x1024xf32>
      %min3A_295 = arith.minimumf %min3A_289, %slice3A_293 : vector<16x1024xf32>
      %jit3A_296 = arith.constant 40 : i32
      %broadcast_in_dim3A_297 = vector.broadcast %jit3A_296 : i32 to vector<16x1024xi32>
      %select_n3A_298 = arith.select %lt3A_294, %broadcast_in_dim3A_297, %select_n3A_292 : vector<16x1024xi1>, vector<16x1024xi32>
      %slice3A_299 = vector.extract_strided_slice %add3A_16 {offsets = [656, 0], sizes = [16, 1024], strides = [1, 1]} : vector<1024x1024xf32> to vector<16x1024xf32>
      %lt3A_300 = arith.cmpf olt, %slice3A_299, %min3A_295 : vector<16x1024xf32>
      %min3A_301 = arith.minimumf %min3A_295, %slice3A_299 : vector<16x1024xf32>
      %jit3A_302 = arith.constant 41 : i32
      %broadcast_in_dim3A_303 = vector.broadcast %jit3A_302 : i32 to vector<16x1024xi32>
      %select_n3A_304 = arith.select %lt3A_300, %broadcast_in_dim3A_303, %select_n3A_298 : vector<16x1024xi1>, vector<16x1024xi32>
      %slice3A_305 = vector.extract_strided_slice %add3A_16 {offsets = [672, 0], sizes = [16, 1024], strides = [1, 1]} : vector<1024x1024xf32> to vector<16x1024xf32>
      %lt3A_306 = arith.cmpf olt, %slice3A_305, %min3A_301 : vector<16x1024xf32>
      %min3A_307 = arith.minimumf %min3A_301, %slice3A_305 : vector<16x1024xf32>
      %jit3A_308 = arith.constant 42 : i32
      %broadcast_in_dim3A_309 = vector.broadcast %jit3A_308 : i32 to vector<16x1024xi32>
      %select_n3A_310 = arith.select %lt3A_306, %broadcast_in_dim3A_309, %select_n3A_304 : vector<16x1024xi1>, vector<16x1024xi32>
      %slice3A_311 = vector.extract_strided_slice %add3A_16 {offsets = [688, 0], sizes = [16, 1024], strides = [1, 1]} : vector<1024x1024xf32> to vector<16x1024xf32>
      %lt3A_312 = arith.cmpf olt, %slice3A_311, %min3A_307 : vector<16x1024xf32>
      %min3A_313 = arith.minimumf %min3A_307, %slice3A_311 : vector<16x1024xf32>
      %jit3A_314 = arith.constant 43 : i32
      %broadcast_in_dim3A_315 = vector.broadcast %jit3A_314 : i32 to vector<16x1024xi32>
      %select_n3A_316 = arith.select %lt3A_312, %broadcast_in_dim3A_315, %select_n3A_310 : vector<16x1024xi1>, vector<16x1024xi32>
      %slice3A_317 = vector.extract_strided_slice %add3A_16 {offsets = [704, 0], sizes = [16, 1024], strides = [1, 1]} : vector<1024x1024xf32> to vector<16x1024xf32>
      %lt3A_318 = arith.cmpf olt, %slice3A_317, %min3A_313 : vector<16x1024xf32>
      %min3A_319 = arith.minimumf %min3A_313, %slice3A_317 : vector<16x1024xf32>
      %jit3A_320 = arith.constant 44 : i32
      %broadcast_in_dim3A_321 = vector.broadcast %jit3A_320 : i32 to vector<16x1024xi32>
      %select_n3A_322 = arith.select %lt3A_318, %broadcast_in_dim3A_321, %select_n3A_316 : vector<16x1024xi1>, vector<16x1024xi32>
      %slice3A_323 = vector.extract_strided_slice %add3A_16 {offsets = [720, 0], sizes = [16, 1024], strides = [1, 1]} : vector<1024x1024xf32> to vector<16x1024xf32>
      %lt3A_324 = arith.cmpf olt, %slice3A_323, %min3A_319 : vector<16x1024xf32>
      %min3A_325 = arith.minimumf %min3A_319, %slice3A_323 : vector<16x1024xf32>
      %jit3A_326 = arith.constant 45 : i32
      %broadcast_in_dim3A_327 = vector.broadcast %jit3A_326 : i32 to vector<16x1024xi32>
      %select_n3A_328 = arith.select %lt3A_324, %broadcast_in_dim3A_327, %select_n3A_322 : vector<16x1024xi1>, vector<16x1024xi32>
      %slice3A_329 = vector.extract_strided_slice %add3A_16 {offsets = [736, 0], sizes = [16, 1024], strides = [1, 1]} : vector<1024x1024xf32> to vector<16x1024xf32>
      %lt3A_330 = arith.cmpf olt, %slice3A_329, %min3A_325 : vector<16x1024xf32>
      %min3A_331 = arith.minimumf %min3A_325, %slice3A_329 : vector<16x1024xf32>
      %jit3A_332 = arith.constant 46 : i32
      %broadcast_in_dim3A_333 = vector.broadcast %jit3A_332 : i32 to vector<16x1024xi32>
      %select_n3A_334 = arith.select %lt3A_330, %broadcast_in_dim3A_333, %select_n3A_328 : vector<16x1024xi1>, vector<16x1024xi32>
      %slice3A_335 = vector.extract_strided_slice %add3A_16 {offsets = [752, 0], sizes = [16, 1024], strides = [1, 1]} : vector<1024x1024xf32> to vector<16x1024xf32>
      %lt3A_336 = arith.cmpf olt, %slice3A_335, %min3A_331 : vector<16x1024xf32>
      %min3A_337 = arith.minimumf %min3A_331, %slice3A_335 : vector<16x1024xf32>
      %jit3A_338 = arith.constant 47 : i32
      %broadcast_in_dim3A_339 = vector.broadcast %jit3A_338 : i32 to vector<16x1024xi32>
      %select_n3A_340 = arith.select %lt3A_336, %broadcast_in_dim3A_339, %select_n3A_334 : vector<16x1024xi1>, vector<16x1024xi32>
      %slice3A_341 = vector.extract_strided_slice %add3A_16 {offsets = [768, 0], sizes = [16, 1024], strides = [1, 1]} : vector<1024x1024xf32> to vector<16x1024xf32>
      %lt3A_342 = arith.cmpf olt, %slice3A_341, %min3A_337 : vector<16x1024xf32>
      %min3A_343 = arith.minimumf %min3A_337, %slice3A_341 : vector<16x1024xf32>
      %jit3A_344 = arith.constant 48 : i32
      %broadcast_in_dim3A_345 = vector.broadcast %jit3A_344 : i32 to vector<16x1024xi32>
      %select_n3A_346 = arith.select %lt3A_342, %broadcast_in_dim3A_345, %select_n3A_340 : vector<16x1024xi1>, vector<16x1024xi32>
      %slice3A_347 = vector.extract_strided_slice %add3A_16 {offsets = [784, 0], sizes = [16, 1024], strides = [1, 1]} : vector<1024x1024xf32> to vector<16x1024xf32>
      %lt3A_348 = arith.cmpf olt, %slice3A_347, %min3A_343 : vector<16x1024xf32>
      %min3A_349 = arith.minimumf %min3A_343, %slice3A_347 : vector<16x1024xf32>
      %jit3A_350 = arith.constant 49 : i32
      %broadcast_in_dim3A_351 = vector.broadcast %jit3A_350 : i32 to vector<16x1024xi32>
      %select_n3A_352 = arith.select %lt3A_348, %broadcast_in_dim3A_351, %select_n3A_346 : vector<16x1024xi1>, vector<16x1024xi32>
      %slice3A_353 = vector.extract_strided_slice %add3A_16 {offsets = [800, 0], sizes = [16, 1024], strides = [1, 1]} : vector<1024x1024xf32> to vector<16x1024xf32>
      %lt3A_354 = arith.cmpf olt, %slice3A_353, %min3A_349 : vector<16x1024xf32>
      %min3A_355 = arith.minimumf %min3A_349, %slice3A_353 : vector<16x1024xf32>
      %jit3A_356 = arith.constant 50 : i32
      %broadcast_in_dim3A_357 = vector.broadcast %jit3A_356 : i32 to vector<16x1024xi32>
      %select_n3A_358 = arith.select %lt3A_354, %broadcast_in_dim3A_357, %select_n3A_352 : vector<16x1024xi1>, vector<16x1024xi32>
      %slice3A_359 = vector.extract_strided_slice %add3A_16 {offsets = [816, 0], sizes = [16, 1024], strides = [1, 1]} : vector<1024x1024xf32> to vector<16x1024xf32>
      %lt3A_360 = arith.cmpf olt, %slice3A_359, %min3A_355 : vector<16x1024xf32>
      %min3A_361 = arith.minimumf %min3A_355, %slice3A_359 : vector<16x1024xf32>
      %jit3A_362 = arith.constant 51 : i32
      %broadcast_in_dim3A_363 = vector.broadcast %jit3A_362 : i32 to vector<16x1024xi32>
      %select_n3A_364 = arith.select %lt3A_360, %broadcast_in_dim3A_363, %select_n3A_358 : vector<16x1024xi1>, vector<16x1024xi32>
      %slice3A_365 = vector.extract_strided_slice %add3A_16 {offsets = [832, 0], sizes = [16, 1024], strides = [1, 1]} : vector<1024x1024xf32> to vector<16x1024xf32>
      %lt3A_366 = arith.cmpf olt, %slice3A_365, %min3A_361 : vector<16x1024xf32>
      %min3A_367 = arith.minimumf %min3A_361, %slice3A_365 : vector<16x1024xf32>
      %jit3A_368 = arith.constant 52 : i32
      %broadcast_in_dim3A_369 = vector.broadcast %jit3A_368 : i32 to vector<16x1024xi32>
      %select_n3A_370 = arith.select %lt3A_366, %broadcast_in_dim3A_369, %select_n3A_364 : vector<16x1024xi1>, vector<16x1024xi32>
      %slice3A_371 = vector.extract_strided_slice %add3A_16 {offsets = [848, 0], sizes = [16, 1024], strides = [1, 1]} : vector<1024x1024xf32> to vector<16x1024xf32>
      %lt3A_372 = arith.cmpf olt, %slice3A_371, %min3A_367 : vector<16x1024xf32>
      %min3A_373 = arith.minimumf %min3A_367, %slice3A_371 : vector<16x1024xf32>
      %jit3A_374 = arith.constant 53 : i32
      %broadcast_in_dim3A_375 = vector.broadcast %jit3A_374 : i32 to vector<16x1024xi32>
      %select_n3A_376 = arith.select %lt3A_372, %broadcast_in_dim3A_375, %select_n3A_370 : vector<16x1024xi1>, vector<16x1024xi32>
      %slice3A_377 = vector.extract_strided_slice %add3A_16 {offsets = [864, 0], sizes = [16, 1024], strides = [1, 1]} : vector<1024x1024xf32> to vector<16x1024xf32>
      %lt3A_378 = arith.cmpf olt, %slice3A_377, %min3A_373 : vector<16x1024xf32>
      %min3A_379 = arith.minimumf %min3A_373, %slice3A_377 : vector<16x1024xf32>
      %jit3A_380 = arith.constant 54 : i32
      %broadcast_in_dim3A_381 = vector.broadcast %jit3A_380 : i32 to vector<16x1024xi32>
      %select_n3A_382 = arith.select %lt3A_378, %broadcast_in_dim3A_381, %select_n3A_376 : vector<16x1024xi1>, vector<16x1024xi32>
      %slice3A_383 = vector.extract_strided_slice %add3A_16 {offsets = [880, 0], sizes = [16, 1024], strides = [1, 1]} : vector<1024x1024xf32> to vector<16x1024xf32>
      %lt3A_384 = arith.cmpf olt, %slice3A_383, %min3A_379 : vector<16x1024xf32>
      %min3A_385 = arith.minimumf %min3A_379, %slice3A_383 : vector<16x1024xf32>
      %jit3A_386 = arith.constant 55 : i32
      %broadcast_in_dim3A_387 = vector.broadcast %jit3A_386 : i32 to vector<16x1024xi32>
      %select_n3A_388 = arith.select %lt3A_384, %broadcast_in_dim3A_387, %select_n3A_382 : vector<16x1024xi1>, vector<16x1024xi32>
      %slice3A_389 = vector.extract_strided_slice %add3A_16 {offsets = [896, 0], sizes = [16, 1024], strides = [1, 1]} : vector<1024x1024xf32> to vector<16x1024xf32>
      %lt3A_390 = arith.cmpf olt, %slice3A_389, %min3A_385 : vector<16x1024xf32>
      %min3A_391 = arith.minimumf %min3A_385, %slice3A_389 : vector<16x1024xf32>
      %jit3A_392 = arith.constant 56 : i32
      %broadcast_in_dim3A_393 = vector.broadcast %jit3A_392 : i32 to vector<16x1024xi32>
      %select_n3A_394 = arith.select %lt3A_390, %broadcast_in_dim3A_393, %select_n3A_388 : vector<16x1024xi1>, vector<16x1024xi32>
      %slice3A_395 = vector.extract_strided_slice %add3A_16 {offsets = [912, 0], sizes = [16, 1024], strides = [1, 1]} : vector<1024x1024xf32> to vector<16x1024xf32>
      %lt3A_396 = arith.cmpf olt, %slice3A_395, %min3A_391 : vector<16x1024xf32>
      %min3A_397 = arith.minimumf %min3A_391, %slice3A_395 : vector<16x1024xf32>
      %jit3A_398 = arith.constant 57 : i32
      %broadcast_in_dim3A_399 = vector.broadcast %jit3A_398 : i32 to vector<16x1024xi32>
      %select_n3A_400 = arith.select %lt3A_396, %broadcast_in_dim3A_399, %select_n3A_394 : vector<16x1024xi1>, vector<16x1024xi32>
      %slice3A_401 = vector.extract_strided_slice %add3A_16 {offsets = [928, 0], sizes = [16, 1024], strides = [1, 1]} : vector<1024x1024xf32> to vector<16x1024xf32>
      %lt3A_402 = arith.cmpf olt, %slice3A_401, %min3A_397 : vector<16x1024xf32>
      %min3A_403 = arith.minimumf %min3A_397, %slice3A_401 : vector<16x1024xf32>
      %jit3A_404 = arith.constant 58 : i32
      %broadcast_in_dim3A_405 = vector.broadcast %jit3A_404 : i32 to vector<16x1024xi32>
      %select_n3A_406 = arith.select %lt3A_402, %broadcast_in_dim3A_405, %select_n3A_400 : vector<16x1024xi1>, vector<16x1024xi32>
      %slice3A_407 = vector.extract_strided_slice %add3A_16 {offsets = [944, 0], sizes = [16, 1024], strides = [1, 1]} : vector<1024x1024xf32> to vector<16x1024xf32>
      %lt3A_408 = arith.cmpf olt, %slice3A_407, %min3A_403 : vector<16x1024xf32>
      %min3A_409 = arith.minimumf %min3A_403, %slice3A_407 : vector<16x1024xf32>
      %jit3A_410 = arith.constant 59 : i32
      %broadcast_in_dim3A_411 = vector.broadcast %jit3A_410 : i32 to vector<16x1024xi32>
      %select_n3A_412 = arith.select %lt3A_408, %broadcast_in_dim3A_411, %select_n3A_406 : vector<16x1024xi1>, vector<16x1024xi32>
      %slice3A_413 = vector.extract_strided_slice %add3A_16 {offsets = [960, 0], sizes = [16, 1024], strides = [1, 1]} : vector<1024x1024xf32> to vector<16x1024xf32>
      %lt3A_414 = arith.cmpf olt, %slice3A_413, %min3A_409 : vector<16x1024xf32>
      %min3A_415 = arith.minimumf %min3A_409, %slice3A_413 : vector<16x1024xf32>
      %jit3A_416 = arith.constant 60 : i32
      %broadcast_in_dim3A_417 = vector.broadcast %jit3A_416 : i32 to vector<16x1024xi32>
      %select_n3A_418 = arith.select %lt3A_414, %broadcast_in_dim3A_417, %select_n3A_412 : vector<16x1024xi1>, vector<16x1024xi32>
      %slice3A_419 = vector.extract_strided_slice %add3A_16 {offsets = [976, 0], sizes = [16, 1024], strides = [1, 1]} : vector<1024x1024xf32> to vector<16x1024xf32>
      %lt3A_420 = arith.cmpf olt, %slice3A_419, %min3A_415 : vector<16x1024xf32>
      %min3A_421 = arith.minimumf %min3A_415, %slice3A_419 : vector<16x1024xf32>
      %jit3A_422 = arith.constant 61 : i32
      %broadcast_in_dim3A_423 = vector.broadcast %jit3A_422 : i32 to vector<16x1024xi32>
      %select_n3A_424 = arith.select %lt3A_420, %broadcast_in_dim3A_423, %select_n3A_418 : vector<16x1024xi1>, vector<16x1024xi32>
      %slice3A_425 = vector.extract_strided_slice %add3A_16 {offsets = [992, 0], sizes = [16, 1024], strides = [1, 1]} : vector<1024x1024xf32> to vector<16x1024xf32>
      %lt3A_426 = arith.cmpf olt, %slice3A_425, %min3A_421 : vector<16x1024xf32>
      %min3A_427 = arith.minimumf %min3A_421, %slice3A_425 : vector<16x1024xf32>
      %jit3A_428 = arith.constant 62 : i32
      %broadcast_in_dim3A_429 = vector.broadcast %jit3A_428 : i32 to vector<16x1024xi32>
      %select_n3A_430 = arith.select %lt3A_426, %broadcast_in_dim3A_429, %select_n3A_424 : vector<16x1024xi1>, vector<16x1024xi32>
      %slice3A_431 = vector.extract_strided_slice %add3A_16 {offsets = [1008, 0], sizes = [16, 1024], strides = [1, 1]} : vector<1024x1024xf32> to vector<16x1024xf32>
      %lt3A_432 = arith.cmpf olt, %slice3A_431, %min3A_427 : vector<16x1024xf32>
      %min3A_433 = arith.minimumf %min3A_427, %slice3A_431 : vector<16x1024xf32>
      %jit3A_434 = arith.constant 63 : i32
      %broadcast_in_dim3A_435 = vector.broadcast %jit3A_434 : i32 to vector<16x1024xi32>
      %select_n3A_436 = arith.select %lt3A_432, %broadcast_in_dim3A_435, %select_n3A_430 : vector<16x1024xi1>, vector<16x1024xi32>
      %mul3A = arith.constant 16 : i32
      %mul3A_437 = vector.broadcast %mul3A : i32 to vector<16x1024xi32>
      %mul3A_438 = arith.muli %select_n3A_436, %mul3A_437 : vector<16x1024xi32>
      %iota3A = tpu.iota {dimensions = array<i32: 0>} : vector<16x1024xi32>
      %add3A_439 = arith.addi %mul3A_438, %iota3A : vector<16x1024xi32>
      %reduce_min3A = arith.constant dense<0x7F800000> : vector<1024xf32>
      %reduce_min3A_440 = vector.multi_reduction <minimumf>, %min3A_433, %reduce_min3A [0] : vector<16x1024xf32> to vector<1024xf32>
      %broadcast_in_dim3A_441 = vector.shape_cast %reduce_min3A_440 : vector<1024xf32> to vector<1x1024xf32>
      %eq3A_442 = vector.broadcast %broadcast_in_dim3A_441 : vector<1x1024xf32> to vector<16x1024xf32>
      %eq3A_443 = arith.cmpf oeq, %min3A_433, %eq3A_442 : vector<16x1024xf32>
      %jit3A_444 = arith.constant 8192 : i32
      %broadcast_in_dim3A_445 = vector.broadcast %jit3A_444 : i32 to vector<16x1024xi32>
      %select_n3A_446 = arith.select %eq3A_443, %add3A_439, %broadcast_in_dim3A_445 : vector<16x1024xi1>, vector<16x1024xi32>
      %reduce_min3A_447 = arith.constant dense<2147483647> : vector<1024xi32>
      %reduce_min3A_448 = vector.multi_reduction <minsi>, %select_n3A_446, %reduce_min3A_447 [0] : vector<16x1024xi32> to vector<1024xi32>
      %broadcast_in_dim3A_449 = vector.shape_cast %reduce_min3A_448 : vector<1024xi32> to vector<1x1024xi32>
      %add3A_450 = arith.constant 3072 : i32
      %add3A_451 = vector.broadcast %add3A_450 : i32 to vector<1x1024xi32>
      %add3A_452 = arith.addi %broadcast_in_dim3A_449, %add3A_451 : vector<1x1024xi32>
      %get3A_453 = arith.constant 0 : index
      %get3A_454 = arith.constant 0 : index
      %get3A_455 = vector.load %arg13[%get3A_453, %get3A_454] : memref<1x1024xf32, #tpu.memory_space<vmem>>, vector<1x1024xf32>
      %lt3A_456 = arith.cmpf olt, %broadcast_in_dim3A_441, %get3A_455 : vector<1x1024xf32>
      %get3A_457 = arith.constant 0 : index
      %get3A_458 = arith.constant 0 : index
      %get3A_459 = vector.load %arg14[%get3A_457, %get3A_458] : memref<1x1024xi32, #tpu.memory_space<vmem>>, vector<1x1024xi32>
      %select_n3A_460 = arith.select %lt3A_456, %add3A_452, %get3A_459 : vector<1x1024xi1>, vector<1x1024xi32>
      %swap3A = arith.constant 0 : index
      %swap3A_461 = arith.constant 0 : index
      %swap3A_462 = vector.load %arg14[%swap3A, %swap3A_461] : memref<1x1024xi32, #tpu.memory_space<vmem>>, vector<1x1024xi32>
      tpu.vector_store %arg14[%swap3A, %swap3A_461], %select_n3A_460 {strides = array<i32>} : memref<1x1024xi32, #tpu.memory_space<vmem>>, vector<1x1024xi32>,
      %get3A_463 = arith.constant 0 : index
      %get3A_464 = arith.constant 0 : index
      %get3A_465 = vector.load %arg13[%get3A_463, %get3A_464] : memref<1x1024xf32, #tpu.memory_space<vmem>>, vector<1x1024xf32>
      %select_n3A_466 = arith.select %lt3A_456, %broadcast_in_dim3A_441, %get3A_465 : vector<1x1024xi1>, vector<1x1024xf32>
      %swap3A_467 = arith.constant 0 : index
      %swap3A_468 = arith.constant 0 : index
      %swap3A_469 = vector.load %arg13[%swap3A_467, %swap3A_468] : memref<1x1024xf32, #tpu.memory_space<vmem>>, vector<1x1024xf32>
      tpu.vector_store %arg13[%swap3A_467, %swap3A_468], %select_n3A_466 {strides = array<i32>} : memref<1x1024xf32, #tpu.memory_space<vmem>>, vector<1x1024xf32>,
    } else {
    }
    %eq3A_37 = arith.constant 4 : i32
    %eq3A_38 = arith.cmpi eq, %arg1, %eq3A_37 : i32
    %convert_element_type3A_39 = arith.extui %eq3A_38 : i1 to i32
    %cond3A_40 = arith.constant 0 : i32
    %cond3A_41 = arith.cmpi ne, %convert_element_type3A_39, %cond3A_40 : i32
    scf.if %cond3A_41 {
      %slice3A = vector.extract_strided_slice %add3A_16 {offsets = [0, 0], sizes = [16, 1024], strides = [1, 1]} : vector<1024x1024xf32> to vector<16x1024xf32>
      %broadcast_in_dim3A = arith.constant 0 : i32
      %broadcast_in_dim3A_62 = vector.broadcast %broadcast_in_dim3A : i32 to vector<16x1024xi32>
      %slice3A_63 = vector.extract_strided_slice %add3A_16 {offsets = [16, 0], sizes = [16, 1024], strides = [1, 1]} : vector<1024x1024xf32> to vector<16x1024xf32>
      %lt3A = arith.cmpf olt, %slice3A_63, %slice3A : vector<16x1024xf32>
      %min3A = arith.minimumf %slice3A, %slice3A_63 : vector<16x1024xf32>
      %jit3A = arith.constant 1 : i32
      %broadcast_in_dim3A_64 = vector.broadcast %jit3A : i32 to vector<16x1024xi32>
      %select_n3A = arith.select %lt3A, %broadcast_in_dim3A_64, %broadcast_in_dim3A_62 : vector<16x1024xi1>, vector<16x1024xi32>
      %slice3A_65 = vector.extract_strided_slice %add3A_16 {offsets = [32, 0], sizes = [16, 1024], strides = [1, 1]} : vector<1024x1024xf32> to vector<16x1024xf32>
      %lt3A_66 = arith.cmpf olt, %slice3A_65, %min3A : vector<16x1024xf32>
      %min3A_67 = arith.minimumf %min3A, %slice3A_65 : vector<16x1024xf32>
      %jit3A_68 = arith.constant 2 : i32
      %broadcast_in_dim3A_69 = vector.broadcast %jit3A_68 : i32 to vector<16x1024xi32>
      %select_n3A_70 = arith.select %lt3A_66, %broadcast_in_dim3A_69, %select_n3A : vector<16x1024xi1>, vector<16x1024xi32>
      %slice3A_71 = vector.extract_strided_slice %add3A_16 {offsets = [48, 0], sizes = [16, 1024], strides = [1, 1]} : vector<1024x1024xf32> to vector<16x1024xf32>
      %lt3A_72 = arith.cmpf olt, %slice3A_71, %min3A_67 : vector<16x1024xf32>
      %min3A_73 = arith.minimumf %min3A_67, %slice3A_71 : vector<16x1024xf32>
      %jit3A_74 = arith.constant 3 : i32
      %broadcast_in_dim3A_75 = vector.broadcast %jit3A_74 : i32 to vector<16x1024xi32>
      %select_n3A_76 = arith.select %lt3A_72, %broadcast_in_dim3A_75, %select_n3A_70 : vector<16x1024xi1>, vector<16x1024xi32>
      %slice3A_77 = vector.extract_strided_slice %add3A_16 {offsets = [64, 0], sizes = [16, 1024], strides = [1, 1]} : vector<1024x1024xf32> to vector<16x1024xf32>
      %lt3A_78 = arith.cmpf olt, %slice3A_77, %min3A_73 : vector<16x1024xf32>
      %min3A_79 = arith.minimumf %min3A_73, %slice3A_77 : vector<16x1024xf32>
      %jit3A_80 = arith.constant 4 : i32
      %broadcast_in_dim3A_81 = vector.broadcast %jit3A_80 : i32 to vector<16x1024xi32>
      %select_n3A_82 = arith.select %lt3A_78, %broadcast_in_dim3A_81, %select_n3A_76 : vector<16x1024xi1>, vector<16x1024xi32>
      %slice3A_83 = vector.extract_strided_slice %add3A_16 {offsets = [80, 0], sizes = [16, 1024], strides = [1, 1]} : vector<1024x1024xf32> to vector<16x1024xf32>
      %lt3A_84 = arith.cmpf olt, %slice3A_83, %min3A_79 : vector<16x1024xf32>
      %min3A_85 = arith.minimumf %min3A_79, %slice3A_83 : vector<16x1024xf32>
      %jit3A_86 = arith.constant 5 : i32
      %broadcast_in_dim3A_87 = vector.broadcast %jit3A_86 : i32 to vector<16x1024xi32>
      %select_n3A_88 = arith.select %lt3A_84, %broadcast_in_dim3A_87, %select_n3A_82 : vector<16x1024xi1>, vector<16x1024xi32>
      %slice3A_89 = vector.extract_strided_slice %add3A_16 {offsets = [96, 0], sizes = [16, 1024], strides = [1, 1]} : vector<1024x1024xf32> to vector<16x1024xf32>
      %lt3A_90 = arith.cmpf olt, %slice3A_89, %min3A_85 : vector<16x1024xf32>
      %min3A_91 = arith.minimumf %min3A_85, %slice3A_89 : vector<16x1024xf32>
      %jit3A_92 = arith.constant 6 : i32
      %broadcast_in_dim3A_93 = vector.broadcast %jit3A_92 : i32 to vector<16x1024xi32>
      %select_n3A_94 = arith.select %lt3A_90, %broadcast_in_dim3A_93, %select_n3A_88 : vector<16x1024xi1>, vector<16x1024xi32>
      %slice3A_95 = vector.extract_strided_slice %add3A_16 {offsets = [112, 0], sizes = [16, 1024], strides = [1, 1]} : vector<1024x1024xf32> to vector<16x1024xf32>
      %lt3A_96 = arith.cmpf olt, %slice3A_95, %min3A_91 : vector<16x1024xf32>
      %min3A_97 = arith.minimumf %min3A_91, %slice3A_95 : vector<16x1024xf32>
      %jit3A_98 = arith.constant 7 : i32
      %broadcast_in_dim3A_99 = vector.broadcast %jit3A_98 : i32 to vector<16x1024xi32>
      %select_n3A_100 = arith.select %lt3A_96, %broadcast_in_dim3A_99, %select_n3A_94 : vector<16x1024xi1>, vector<16x1024xi32>
      %slice3A_101 = vector.extract_strided_slice %add3A_16 {offsets = [128, 0], sizes = [16, 1024], strides = [1, 1]} : vector<1024x1024xf32> to vector<16x1024xf32>
      %lt3A_102 = arith.cmpf olt, %slice3A_101, %min3A_97 : vector<16x1024xf32>
      %min3A_103 = arith.minimumf %min3A_97, %slice3A_101 : vector<16x1024xf32>
      %jit3A_104 = arith.constant 8 : i32
      %broadcast_in_dim3A_105 = vector.broadcast %jit3A_104 : i32 to vector<16x1024xi32>
      %select_n3A_106 = arith.select %lt3A_102, %broadcast_in_dim3A_105, %select_n3A_100 : vector<16x1024xi1>, vector<16x1024xi32>
      %slice3A_107 = vector.extract_strided_slice %add3A_16 {offsets = [144, 0], sizes = [16, 1024], strides = [1, 1]} : vector<1024x1024xf32> to vector<16x1024xf32>
      %lt3A_108 = arith.cmpf olt, %slice3A_107, %min3A_103 : vector<16x1024xf32>
      %min3A_109 = arith.minimumf %min3A_103, %slice3A_107 : vector<16x1024xf32>
      %jit3A_110 = arith.constant 9 : i32
      %broadcast_in_dim3A_111 = vector.broadcast %jit3A_110 : i32 to vector<16x1024xi32>
      %select_n3A_112 = arith.select %lt3A_108, %broadcast_in_dim3A_111, %select_n3A_106 : vector<16x1024xi1>, vector<16x1024xi32>
      %slice3A_113 = vector.extract_strided_slice %add3A_16 {offsets = [160, 0], sizes = [16, 1024], strides = [1, 1]} : vector<1024x1024xf32> to vector<16x1024xf32>
      %lt3A_114 = arith.cmpf olt, %slice3A_113, %min3A_109 : vector<16x1024xf32>
      %min3A_115 = arith.minimumf %min3A_109, %slice3A_113 : vector<16x1024xf32>
      %jit3A_116 = arith.constant 10 : i32
      %broadcast_in_dim3A_117 = vector.broadcast %jit3A_116 : i32 to vector<16x1024xi32>
      %select_n3A_118 = arith.select %lt3A_114, %broadcast_in_dim3A_117, %select_n3A_112 : vector<16x1024xi1>, vector<16x1024xi32>
      %slice3A_119 = vector.extract_strided_slice %add3A_16 {offsets = [176, 0], sizes = [16, 1024], strides = [1, 1]} : vector<1024x1024xf32> to vector<16x1024xf32>
      %lt3A_120 = arith.cmpf olt, %slice3A_119, %min3A_115 : vector<16x1024xf32>
      %min3A_121 = arith.minimumf %min3A_115, %slice3A_119 : vector<16x1024xf32>
      %jit3A_122 = arith.constant 11 : i32
      %broadcast_in_dim3A_123 = vector.broadcast %jit3A_122 : i32 to vector<16x1024xi32>
      %select_n3A_124 = arith.select %lt3A_120, %broadcast_in_dim3A_123, %select_n3A_118 : vector<16x1024xi1>, vector<16x1024xi32>
      %slice3A_125 = vector.extract_strided_slice %add3A_16 {offsets = [192, 0], sizes = [16, 1024], strides = [1, 1]} : vector<1024x1024xf32> to vector<16x1024xf32>
      %lt3A_126 = arith.cmpf olt, %slice3A_125, %min3A_121 : vector<16x1024xf32>
      %min3A_127 = arith.minimumf %min3A_121, %slice3A_125 : vector<16x1024xf32>
      %jit3A_128 = arith.constant 12 : i32
      %broadcast_in_dim3A_129 = vector.broadcast %jit3A_128 : i32 to vector<16x1024xi32>
      %select_n3A_130 = arith.select %lt3A_126, %broadcast_in_dim3A_129, %select_n3A_124 : vector<16x1024xi1>, vector<16x1024xi32>
      %slice3A_131 = vector.extract_strided_slice %add3A_16 {offsets = [208, 0], sizes = [16, 1024], strides = [1, 1]} : vector<1024x1024xf32> to vector<16x1024xf32>
      %lt3A_132 = arith.cmpf olt, %slice3A_131, %min3A_127 : vector<16x1024xf32>
      %min3A_133 = arith.minimumf %min3A_127, %slice3A_131 : vector<16x1024xf32>
      %jit3A_134 = arith.constant 13 : i32
      %broadcast_in_dim3A_135 = vector.broadcast %jit3A_134 : i32 to vector<16x1024xi32>
      %select_n3A_136 = arith.select %lt3A_132, %broadcast_in_dim3A_135, %select_n3A_130 : vector<16x1024xi1>, vector<16x1024xi32>
      %slice3A_137 = vector.extract_strided_slice %add3A_16 {offsets = [224, 0], sizes = [16, 1024], strides = [1, 1]} : vector<1024x1024xf32> to vector<16x1024xf32>
      %lt3A_138 = arith.cmpf olt, %slice3A_137, %min3A_133 : vector<16x1024xf32>
      %min3A_139 = arith.minimumf %min3A_133, %slice3A_137 : vector<16x1024xf32>
      %jit3A_140 = arith.constant 14 : i32
      %broadcast_in_dim3A_141 = vector.broadcast %jit3A_140 : i32 to vector<16x1024xi32>
      %select_n3A_142 = arith.select %lt3A_138, %broadcast_in_dim3A_141, %select_n3A_136 : vector<16x1024xi1>, vector<16x1024xi32>
      %slice3A_143 = vector.extract_strided_slice %add3A_16 {offsets = [240, 0], sizes = [16, 1024], strides = [1, 1]} : vector<1024x1024xf32> to vector<16x1024xf32>
      %lt3A_144 = arith.cmpf olt, %slice3A_143, %min3A_139 : vector<16x1024xf32>
      %min3A_145 = arith.minimumf %min3A_139, %slice3A_143 : vector<16x1024xf32>
      %jit3A_146 = arith.constant 15 : i32
      %broadcast_in_dim3A_147 = vector.broadcast %jit3A_146 : i32 to vector<16x1024xi32>
      %select_n3A_148 = arith.select %lt3A_144, %broadcast_in_dim3A_147, %select_n3A_142 : vector<16x1024xi1>, vector<16x1024xi32>
      %slice3A_149 = vector.extract_strided_slice %add3A_16 {offsets = [256, 0], sizes = [16, 1024], strides = [1, 1]} : vector<1024x1024xf32> to vector<16x1024xf32>
      %lt3A_150 = arith.cmpf olt, %slice3A_149, %min3A_145 : vector<16x1024xf32>
      %min3A_151 = arith.minimumf %min3A_145, %slice3A_149 : vector<16x1024xf32>
      %jit3A_152 = arith.constant 16 : i32
      %broadcast_in_dim3A_153 = vector.broadcast %jit3A_152 : i32 to vector<16x1024xi32>
      %select_n3A_154 = arith.select %lt3A_150, %broadcast_in_dim3A_153, %select_n3A_148 : vector<16x1024xi1>, vector<16x1024xi32>
      %slice3A_155 = vector.extract_strided_slice %add3A_16 {offsets = [272, 0], sizes = [16, 1024], strides = [1, 1]} : vector<1024x1024xf32> to vector<16x1024xf32>
      %lt3A_156 = arith.cmpf olt, %slice3A_155, %min3A_151 : vector<16x1024xf32>
      %min3A_157 = arith.minimumf %min3A_151, %slice3A_155 : vector<16x1024xf32>
      %jit3A_158 = arith.constant 17 : i32
      %broadcast_in_dim3A_159 = vector.broadcast %jit3A_158 : i32 to vector<16x1024xi32>
      %select_n3A_160 = arith.select %lt3A_156, %broadcast_in_dim3A_159, %select_n3A_154 : vector<16x1024xi1>, vector<16x1024xi32>
      %slice3A_161 = vector.extract_strided_slice %add3A_16 {offsets = [288, 0], sizes = [16, 1024], strides = [1, 1]} : vector<1024x1024xf32> to vector<16x1024xf32>
      %lt3A_162 = arith.cmpf olt, %slice3A_161, %min3A_157 : vector<16x1024xf32>
      %min3A_163 = arith.minimumf %min3A_157, %slice3A_161 : vector<16x1024xf32>
      %jit3A_164 = arith.constant 18 : i32
      %broadcast_in_dim3A_165 = vector.broadcast %jit3A_164 : i32 to vector<16x1024xi32>
      %select_n3A_166 = arith.select %lt3A_162, %broadcast_in_dim3A_165, %select_n3A_160 : vector<16x1024xi1>, vector<16x1024xi32>
      %slice3A_167 = vector.extract_strided_slice %add3A_16 {offsets = [304, 0], sizes = [16, 1024], strides = [1, 1]} : vector<1024x1024xf32> to vector<16x1024xf32>
      %lt3A_168 = arith.cmpf olt, %slice3A_167, %min3A_163 : vector<16x1024xf32>
      %min3A_169 = arith.minimumf %min3A_163, %slice3A_167 : vector<16x1024xf32>
      %jit3A_170 = arith.constant 19 : i32
      %broadcast_in_dim3A_171 = vector.broadcast %jit3A_170 : i32 to vector<16x1024xi32>
      %select_n3A_172 = arith.select %lt3A_168, %broadcast_in_dim3A_171, %select_n3A_166 : vector<16x1024xi1>, vector<16x1024xi32>
      %slice3A_173 = vector.extract_strided_slice %add3A_16 {offsets = [320, 0], sizes = [16, 1024], strides = [1, 1]} : vector<1024x1024xf32> to vector<16x1024xf32>
      %lt3A_174 = arith.cmpf olt, %slice3A_173, %min3A_169 : vector<16x1024xf32>
      %min3A_175 = arith.minimumf %min3A_169, %slice3A_173 : vector<16x1024xf32>
      %jit3A_176 = arith.constant 20 : i32
      %broadcast_in_dim3A_177 = vector.broadcast %jit3A_176 : i32 to vector<16x1024xi32>
      %select_n3A_178 = arith.select %lt3A_174, %broadcast_in_dim3A_177, %select_n3A_172 : vector<16x1024xi1>, vector<16x1024xi32>
      %slice3A_179 = vector.extract_strided_slice %add3A_16 {offsets = [336, 0], sizes = [16, 1024], strides = [1, 1]} : vector<1024x1024xf32> to vector<16x1024xf32>
      %lt3A_180 = arith.cmpf olt, %slice3A_179, %min3A_175 : vector<16x1024xf32>
      %min3A_181 = arith.minimumf %min3A_175, %slice3A_179 : vector<16x1024xf32>
      %jit3A_182 = arith.constant 21 : i32
      %broadcast_in_dim3A_183 = vector.broadcast %jit3A_182 : i32 to vector<16x1024xi32>
      %select_n3A_184 = arith.select %lt3A_180, %broadcast_in_dim3A_183, %select_n3A_178 : vector<16x1024xi1>, vector<16x1024xi32>
      %slice3A_185 = vector.extract_strided_slice %add3A_16 {offsets = [352, 0], sizes = [16, 1024], strides = [1, 1]} : vector<1024x1024xf32> to vector<16x1024xf32>
      %lt3A_186 = arith.cmpf olt, %slice3A_185, %min3A_181 : vector<16x1024xf32>
      %min3A_187 = arith.minimumf %min3A_181, %slice3A_185 : vector<16x1024xf32>
      %jit3A_188 = arith.constant 22 : i32
      %broadcast_in_dim3A_189 = vector.broadcast %jit3A_188 : i32 to vector<16x1024xi32>
      %select_n3A_190 = arith.select %lt3A_186, %broadcast_in_dim3A_189, %select_n3A_184 : vector<16x1024xi1>, vector<16x1024xi32>
      %slice3A_191 = vector.extract_strided_slice %add3A_16 {offsets = [368, 0], sizes = [16, 1024], strides = [1, 1]} : vector<1024x1024xf32> to vector<16x1024xf32>
      %lt3A_192 = arith.cmpf olt, %slice3A_191, %min3A_187 : vector<16x1024xf32>
      %min3A_193 = arith.minimumf %min3A_187, %slice3A_191 : vector<16x1024xf32>
      %jit3A_194 = arith.constant 23 : i32
      %broadcast_in_dim3A_195 = vector.broadcast %jit3A_194 : i32 to vector<16x1024xi32>
      %select_n3A_196 = arith.select %lt3A_192, %broadcast_in_dim3A_195, %select_n3A_190 : vector<16x1024xi1>, vector<16x1024xi32>
      %slice3A_197 = vector.extract_strided_slice %add3A_16 {offsets = [384, 0], sizes = [16, 1024], strides = [1, 1]} : vector<1024x1024xf32> to vector<16x1024xf32>
      %lt3A_198 = arith.cmpf olt, %slice3A_197, %min3A_193 : vector<16x1024xf32>
      %min3A_199 = arith.minimumf %min3A_193, %slice3A_197 : vector<16x1024xf32>
      %jit3A_200 = arith.constant 24 : i32
      %broadcast_in_dim3A_201 = vector.broadcast %jit3A_200 : i32 to vector<16x1024xi32>
      %select_n3A_202 = arith.select %lt3A_198, %broadcast_in_dim3A_201, %select_n3A_196 : vector<16x1024xi1>, vector<16x1024xi32>
      %slice3A_203 = vector.extract_strided_slice %add3A_16 {offsets = [400, 0], sizes = [16, 1024], strides = [1, 1]} : vector<1024x1024xf32> to vector<16x1024xf32>
      %lt3A_204 = arith.cmpf olt, %slice3A_203, %min3A_199 : vector<16x1024xf32>
      %min3A_205 = arith.minimumf %min3A_199, %slice3A_203 : vector<16x1024xf32>
      %jit3A_206 = arith.constant 25 : i32
      %broadcast_in_dim3A_207 = vector.broadcast %jit3A_206 : i32 to vector<16x1024xi32>
      %select_n3A_208 = arith.select %lt3A_204, %broadcast_in_dim3A_207, %select_n3A_202 : vector<16x1024xi1>, vector<16x1024xi32>
      %slice3A_209 = vector.extract_strided_slice %add3A_16 {offsets = [416, 0], sizes = [16, 1024], strides = [1, 1]} : vector<1024x1024xf32> to vector<16x1024xf32>
      %lt3A_210 = arith.cmpf olt, %slice3A_209, %min3A_205 : vector<16x1024xf32>
      %min3A_211 = arith.minimumf %min3A_205, %slice3A_209 : vector<16x1024xf32>
      %jit3A_212 = arith.constant 26 : i32
      %broadcast_in_dim3A_213 = vector.broadcast %jit3A_212 : i32 to vector<16x1024xi32>
      %select_n3A_214 = arith.select %lt3A_210, %broadcast_in_dim3A_213, %select_n3A_208 : vector<16x1024xi1>, vector<16x1024xi32>
      %slice3A_215 = vector.extract_strided_slice %add3A_16 {offsets = [432, 0], sizes = [16, 1024], strides = [1, 1]} : vector<1024x1024xf32> to vector<16x1024xf32>
      %lt3A_216 = arith.cmpf olt, %slice3A_215, %min3A_211 : vector<16x1024xf32>
      %min3A_217 = arith.minimumf %min3A_211, %slice3A_215 : vector<16x1024xf32>
      %jit3A_218 = arith.constant 27 : i32
      %broadcast_in_dim3A_219 = vector.broadcast %jit3A_218 : i32 to vector<16x1024xi32>
      %select_n3A_220 = arith.select %lt3A_216, %broadcast_in_dim3A_219, %select_n3A_214 : vector<16x1024xi1>, vector<16x1024xi32>
      %slice3A_221 = vector.extract_strided_slice %add3A_16 {offsets = [448, 0], sizes = [16, 1024], strides = [1, 1]} : vector<1024x1024xf32> to vector<16x1024xf32>
      %lt3A_222 = arith.cmpf olt, %slice3A_221, %min3A_217 : vector<16x1024xf32>
      %min3A_223 = arith.minimumf %min3A_217, %slice3A_221 : vector<16x1024xf32>
      %jit3A_224 = arith.constant 28 : i32
      %broadcast_in_dim3A_225 = vector.broadcast %jit3A_224 : i32 to vector<16x1024xi32>
      %select_n3A_226 = arith.select %lt3A_222, %broadcast_in_dim3A_225, %select_n3A_220 : vector<16x1024xi1>, vector<16x1024xi32>
      %slice3A_227 = vector.extract_strided_slice %add3A_16 {offsets = [464, 0], sizes = [16, 1024], strides = [1, 1]} : vector<1024x1024xf32> to vector<16x1024xf32>
      %lt3A_228 = arith.cmpf olt, %slice3A_227, %min3A_223 : vector<16x1024xf32>
      %min3A_229 = arith.minimumf %min3A_223, %slice3A_227 : vector<16x1024xf32>
      %jit3A_230 = arith.constant 29 : i32
      %broadcast_in_dim3A_231 = vector.broadcast %jit3A_230 : i32 to vector<16x1024xi32>
      %select_n3A_232 = arith.select %lt3A_228, %broadcast_in_dim3A_231, %select_n3A_226 : vector<16x1024xi1>, vector<16x1024xi32>
      %slice3A_233 = vector.extract_strided_slice %add3A_16 {offsets = [480, 0], sizes = [16, 1024], strides = [1, 1]} : vector<1024x1024xf32> to vector<16x1024xf32>
      %lt3A_234 = arith.cmpf olt, %slice3A_233, %min3A_229 : vector<16x1024xf32>
      %min3A_235 = arith.minimumf %min3A_229, %slice3A_233 : vector<16x1024xf32>
      %jit3A_236 = arith.constant 30 : i32
      %broadcast_in_dim3A_237 = vector.broadcast %jit3A_236 : i32 to vector<16x1024xi32>
      %select_n3A_238 = arith.select %lt3A_234, %broadcast_in_dim3A_237, %select_n3A_232 : vector<16x1024xi1>, vector<16x1024xi32>
      %slice3A_239 = vector.extract_strided_slice %add3A_16 {offsets = [496, 0], sizes = [16, 1024], strides = [1, 1]} : vector<1024x1024xf32> to vector<16x1024xf32>
      %lt3A_240 = arith.cmpf olt, %slice3A_239, %min3A_235 : vector<16x1024xf32>
      %min3A_241 = arith.minimumf %min3A_235, %slice3A_239 : vector<16x1024xf32>
      %jit3A_242 = arith.constant 31 : i32
      %broadcast_in_dim3A_243 = vector.broadcast %jit3A_242 : i32 to vector<16x1024xi32>
      %select_n3A_244 = arith.select %lt3A_240, %broadcast_in_dim3A_243, %select_n3A_238 : vector<16x1024xi1>, vector<16x1024xi32>
      %slice3A_245 = vector.extract_strided_slice %add3A_16 {offsets = [512, 0], sizes = [16, 1024], strides = [1, 1]} : vector<1024x1024xf32> to vector<16x1024xf32>
      %lt3A_246 = arith.cmpf olt, %slice3A_245, %min3A_241 : vector<16x1024xf32>
      %min3A_247 = arith.minimumf %min3A_241, %slice3A_245 : vector<16x1024xf32>
      %jit3A_248 = arith.constant 32 : i32
      %broadcast_in_dim3A_249 = vector.broadcast %jit3A_248 : i32 to vector<16x1024xi32>
      %select_n3A_250 = arith.select %lt3A_246, %broadcast_in_dim3A_249, %select_n3A_244 : vector<16x1024xi1>, vector<16x1024xi32>
      %slice3A_251 = vector.extract_strided_slice %add3A_16 {offsets = [528, 0], sizes = [16, 1024], strides = [1, 1]} : vector<1024x1024xf32> to vector<16x1024xf32>
      %lt3A_252 = arith.cmpf olt, %slice3A_251, %min3A_247 : vector<16x1024xf32>
      %min3A_253 = arith.minimumf %min3A_247, %slice3A_251 : vector<16x1024xf32>
      %jit3A_254 = arith.constant 33 : i32
      %broadcast_in_dim3A_255 = vector.broadcast %jit3A_254 : i32 to vector<16x1024xi32>
      %select_n3A_256 = arith.select %lt3A_252, %broadcast_in_dim3A_255, %select_n3A_250 : vector<16x1024xi1>, vector<16x1024xi32>
      %slice3A_257 = vector.extract_strided_slice %add3A_16 {offsets = [544, 0], sizes = [16, 1024], strides = [1, 1]} : vector<1024x1024xf32> to vector<16x1024xf32>
      %lt3A_258 = arith.cmpf olt, %slice3A_257, %min3A_253 : vector<16x1024xf32>
      %min3A_259 = arith.minimumf %min3A_253, %slice3A_257 : vector<16x1024xf32>
      %jit3A_260 = arith.constant 34 : i32
      %broadcast_in_dim3A_261 = vector.broadcast %jit3A_260 : i32 to vector<16x1024xi32>
      %select_n3A_262 = arith.select %lt3A_258, %broadcast_in_dim3A_261, %select_n3A_256 : vector<16x1024xi1>, vector<16x1024xi32>
      %slice3A_263 = vector.extract_strided_slice %add3A_16 {offsets = [560, 0], sizes = [16, 1024], strides = [1, 1]} : vector<1024x1024xf32> to vector<16x1024xf32>
      %lt3A_264 = arith.cmpf olt, %slice3A_263, %min3A_259 : vector<16x1024xf32>
      %min3A_265 = arith.minimumf %min3A_259, %slice3A_263 : vector<16x1024xf32>
      %jit3A_266 = arith.constant 35 : i32
      %broadcast_in_dim3A_267 = vector.broadcast %jit3A_266 : i32 to vector<16x1024xi32>
      %select_n3A_268 = arith.select %lt3A_264, %broadcast_in_dim3A_267, %select_n3A_262 : vector<16x1024xi1>, vector<16x1024xi32>
      %slice3A_269 = vector.extract_strided_slice %add3A_16 {offsets = [576, 0], sizes = [16, 1024], strides = [1, 1]} : vector<1024x1024xf32> to vector<16x1024xf32>
      %lt3A_270 = arith.cmpf olt, %slice3A_269, %min3A_265 : vector<16x1024xf32>
      %min3A_271 = arith.minimumf %min3A_265, %slice3A_269 : vector<16x1024xf32>
      %jit3A_272 = arith.constant 36 : i32
      %broadcast_in_dim3A_273 = vector.broadcast %jit3A_272 : i32 to vector<16x1024xi32>
      %select_n3A_274 = arith.select %lt3A_270, %broadcast_in_dim3A_273, %select_n3A_268 : vector<16x1024xi1>, vector<16x1024xi32>
      %slice3A_275 = vector.extract_strided_slice %add3A_16 {offsets = [592, 0], sizes = [16, 1024], strides = [1, 1]} : vector<1024x1024xf32> to vector<16x1024xf32>
      %lt3A_276 = arith.cmpf olt, %slice3A_275, %min3A_271 : vector<16x1024xf32>
      %min3A_277 = arith.minimumf %min3A_271, %slice3A_275 : vector<16x1024xf32>
      %jit3A_278 = arith.constant 37 : i32
      %broadcast_in_dim3A_279 = vector.broadcast %jit3A_278 : i32 to vector<16x1024xi32>
      %select_n3A_280 = arith.select %lt3A_276, %broadcast_in_dim3A_279, %select_n3A_274 : vector<16x1024xi1>, vector<16x1024xi32>
      %slice3A_281 = vector.extract_strided_slice %add3A_16 {offsets = [608, 0], sizes = [16, 1024], strides = [1, 1]} : vector<1024x1024xf32> to vector<16x1024xf32>
      %lt3A_282 = arith.cmpf olt, %slice3A_281, %min3A_277 : vector<16x1024xf32>
      %min3A_283 = arith.minimumf %min3A_277, %slice3A_281 : vector<16x1024xf32>
      %jit3A_284 = arith.constant 38 : i32
      %broadcast_in_dim3A_285 = vector.broadcast %jit3A_284 : i32 to vector<16x1024xi32>
      %select_n3A_286 = arith.select %lt3A_282, %broadcast_in_dim3A_285, %select_n3A_280 : vector<16x1024xi1>, vector<16x1024xi32>
      %slice3A_287 = vector.extract_strided_slice %add3A_16 {offsets = [624, 0], sizes = [16, 1024], strides = [1, 1]} : vector<1024x1024xf32> to vector<16x1024xf32>
      %lt3A_288 = arith.cmpf olt, %slice3A_287, %min3A_283 : vector<16x1024xf32>
      %min3A_289 = arith.minimumf %min3A_283, %slice3A_287 : vector<16x1024xf32>
      %jit3A_290 = arith.constant 39 : i32
      %broadcast_in_dim3A_291 = vector.broadcast %jit3A_290 : i32 to vector<16x1024xi32>
      %select_n3A_292 = arith.select %lt3A_288, %broadcast_in_dim3A_291, %select_n3A_286 : vector<16x1024xi1>, vector<16x1024xi32>
      %slice3A_293 = vector.extract_strided_slice %add3A_16 {offsets = [640, 0], sizes = [16, 1024], strides = [1, 1]} : vector<1024x1024xf32> to vector<16x1024xf32>
      %lt3A_294 = arith.cmpf olt, %slice3A_293, %min3A_289 : vector<16x1024xf32>
      %min3A_295 = arith.minimumf %min3A_289, %slice3A_293 : vector<16x1024xf32>
      %jit3A_296 = arith.constant 40 : i32
      %broadcast_in_dim3A_297 = vector.broadcast %jit3A_296 : i32 to vector<16x1024xi32>
      %select_n3A_298 = arith.select %lt3A_294, %broadcast_in_dim3A_297, %select_n3A_292 : vector<16x1024xi1>, vector<16x1024xi32>
      %slice3A_299 = vector.extract_strided_slice %add3A_16 {offsets = [656, 0], sizes = [16, 1024], strides = [1, 1]} : vector<1024x1024xf32> to vector<16x1024xf32>
      %lt3A_300 = arith.cmpf olt, %slice3A_299, %min3A_295 : vector<16x1024xf32>
      %min3A_301 = arith.minimumf %min3A_295, %slice3A_299 : vector<16x1024xf32>
      %jit3A_302 = arith.constant 41 : i32
      %broadcast_in_dim3A_303 = vector.broadcast %jit3A_302 : i32 to vector<16x1024xi32>
      %select_n3A_304 = arith.select %lt3A_300, %broadcast_in_dim3A_303, %select_n3A_298 : vector<16x1024xi1>, vector<16x1024xi32>
      %slice3A_305 = vector.extract_strided_slice %add3A_16 {offsets = [672, 0], sizes = [16, 1024], strides = [1, 1]} : vector<1024x1024xf32> to vector<16x1024xf32>
      %lt3A_306 = arith.cmpf olt, %slice3A_305, %min3A_301 : vector<16x1024xf32>
      %min3A_307 = arith.minimumf %min3A_301, %slice3A_305 : vector<16x1024xf32>
      %jit3A_308 = arith.constant 42 : i32
      %broadcast_in_dim3A_309 = vector.broadcast %jit3A_308 : i32 to vector<16x1024xi32>
      %select_n3A_310 = arith.select %lt3A_306, %broadcast_in_dim3A_309, %select_n3A_304 : vector<16x1024xi1>, vector<16x1024xi32>
      %slice3A_311 = vector.extract_strided_slice %add3A_16 {offsets = [688, 0], sizes = [16, 1024], strides = [1, 1]} : vector<1024x1024xf32> to vector<16x1024xf32>
      %lt3A_312 = arith.cmpf olt, %slice3A_311, %min3A_307 : vector<16x1024xf32>
      %min3A_313 = arith.minimumf %min3A_307, %slice3A_311 : vector<16x1024xf32>
      %jit3A_314 = arith.constant 43 : i32
      %broadcast_in_dim3A_315 = vector.broadcast %jit3A_314 : i32 to vector<16x1024xi32>
      %select_n3A_316 = arith.select %lt3A_312, %broadcast_in_dim3A_315, %select_n3A_310 : vector<16x1024xi1>, vector<16x1024xi32>
      %slice3A_317 = vector.extract_strided_slice %add3A_16 {offsets = [704, 0], sizes = [16, 1024], strides = [1, 1]} : vector<1024x1024xf32> to vector<16x1024xf32>
      %lt3A_318 = arith.cmpf olt, %slice3A_317, %min3A_313 : vector<16x1024xf32>
      %min3A_319 = arith.minimumf %min3A_313, %slice3A_317 : vector<16x1024xf32>
      %jit3A_320 = arith.constant 44 : i32
      %broadcast_in_dim3A_321 = vector.broadcast %jit3A_320 : i32 to vector<16x1024xi32>
      %select_n3A_322 = arith.select %lt3A_318, %broadcast_in_dim3A_321, %select_n3A_316 : vector<16x1024xi1>, vector<16x1024xi32>
      %slice3A_323 = vector.extract_strided_slice %add3A_16 {offsets = [720, 0], sizes = [16, 1024], strides = [1, 1]} : vector<1024x1024xf32> to vector<16x1024xf32>
      %lt3A_324 = arith.cmpf olt, %slice3A_323, %min3A_319 : vector<16x1024xf32>
      %min3A_325 = arith.minimumf %min3A_319, %slice3A_323 : vector<16x1024xf32>
      %jit3A_326 = arith.constant 45 : i32
      %broadcast_in_dim3A_327 = vector.broadcast %jit3A_326 : i32 to vector<16x1024xi32>
      %select_n3A_328 = arith.select %lt3A_324, %broadcast_in_dim3A_327, %select_n3A_322 : vector<16x1024xi1>, vector<16x1024xi32>
      %slice3A_329 = vector.extract_strided_slice %add3A_16 {offsets = [736, 0], sizes = [16, 1024], strides = [1, 1]} : vector<1024x1024xf32> to vector<16x1024xf32>
      %lt3A_330 = arith.cmpf olt, %slice3A_329, %min3A_325 : vector<16x1024xf32>
      %min3A_331 = arith.minimumf %min3A_325, %slice3A_329 : vector<16x1024xf32>
      %jit3A_332 = arith.constant 46 : i32
      %broadcast_in_dim3A_333 = vector.broadcast %jit3A_332 : i32 to vector<16x1024xi32>
      %select_n3A_334 = arith.select %lt3A_330, %broadcast_in_dim3A_333, %select_n3A_328 : vector<16x1024xi1>, vector<16x1024xi32>
      %slice3A_335 = vector.extract_strided_slice %add3A_16 {offsets = [752, 0], sizes = [16, 1024], strides = [1, 1]} : vector<1024x1024xf32> to vector<16x1024xf32>
      %lt3A_336 = arith.cmpf olt, %slice3A_335, %min3A_331 : vector<16x1024xf32>
      %min3A_337 = arith.minimumf %min3A_331, %slice3A_335 : vector<16x1024xf32>
      %jit3A_338 = arith.constant 47 : i32
      %broadcast_in_dim3A_339 = vector.broadcast %jit3A_338 : i32 to vector<16x1024xi32>
      %select_n3A_340 = arith.select %lt3A_336, %broadcast_in_dim3A_339, %select_n3A_334 : vector<16x1024xi1>, vector<16x1024xi32>
      %slice3A_341 = vector.extract_strided_slice %add3A_16 {offsets = [768, 0], sizes = [16, 1024], strides = [1, 1]} : vector<1024x1024xf32> to vector<16x1024xf32>
      %lt3A_342 = arith.cmpf olt, %slice3A_341, %min3A_337 : vector<16x1024xf32>
      %min3A_343 = arith.minimumf %min3A_337, %slice3A_341 : vector<16x1024xf32>
      %jit3A_344 = arith.constant 48 : i32
      %broadcast_in_dim3A_345 = vector.broadcast %jit3A_344 : i32 to vector<16x1024xi32>
      %select_n3A_346 = arith.select %lt3A_342, %broadcast_in_dim3A_345, %select_n3A_340 : vector<16x1024xi1>, vector<16x1024xi32>
      %slice3A_347 = vector.extract_strided_slice %add3A_16 {offsets = [784, 0], sizes = [16, 1024], strides = [1, 1]} : vector<1024x1024xf32> to vector<16x1024xf32>
      %lt3A_348 = arith.cmpf olt, %slice3A_347, %min3A_343 : vector<16x1024xf32>
      %min3A_349 = arith.minimumf %min3A_343, %slice3A_347 : vector<16x1024xf32>
      %jit3A_350 = arith.constant 49 : i32
      %broadcast_in_dim3A_351 = vector.broadcast %jit3A_350 : i32 to vector<16x1024xi32>
      %select_n3A_352 = arith.select %lt3A_348, %broadcast_in_dim3A_351, %select_n3A_346 : vector<16x1024xi1>, vector<16x1024xi32>
      %slice3A_353 = vector.extract_strided_slice %add3A_16 {offsets = [800, 0], sizes = [16, 1024], strides = [1, 1]} : vector<1024x1024xf32> to vector<16x1024xf32>
      %lt3A_354 = arith.cmpf olt, %slice3A_353, %min3A_349 : vector<16x1024xf32>
      %min3A_355 = arith.minimumf %min3A_349, %slice3A_353 : vector<16x1024xf32>
      %jit3A_356 = arith.constant 50 : i32
      %broadcast_in_dim3A_357 = vector.broadcast %jit3A_356 : i32 to vector<16x1024xi32>
      %select_n3A_358 = arith.select %lt3A_354, %broadcast_in_dim3A_357, %select_n3A_352 : vector<16x1024xi1>, vector<16x1024xi32>
      %slice3A_359 = vector.extract_strided_slice %add3A_16 {offsets = [816, 0], sizes = [16, 1024], strides = [1, 1]} : vector<1024x1024xf32> to vector<16x1024xf32>
      %lt3A_360 = arith.cmpf olt, %slice3A_359, %min3A_355 : vector<16x1024xf32>
      %min3A_361 = arith.minimumf %min3A_355, %slice3A_359 : vector<16x1024xf32>
      %jit3A_362 = arith.constant 51 : i32
      %broadcast_in_dim3A_363 = vector.broadcast %jit3A_362 : i32 to vector<16x1024xi32>
      %select_n3A_364 = arith.select %lt3A_360, %broadcast_in_dim3A_363, %select_n3A_358 : vector<16x1024xi1>, vector<16x1024xi32>
      %slice3A_365 = vector.extract_strided_slice %add3A_16 {offsets = [832, 0], sizes = [16, 1024], strides = [1, 1]} : vector<1024x1024xf32> to vector<16x1024xf32>
      %lt3A_366 = arith.cmpf olt, %slice3A_365, %min3A_361 : vector<16x1024xf32>
      %min3A_367 = arith.minimumf %min3A_361, %slice3A_365 : vector<16x1024xf32>
      %jit3A_368 = arith.constant 52 : i32
      %broadcast_in_dim3A_369 = vector.broadcast %jit3A_368 : i32 to vector<16x1024xi32>
      %select_n3A_370 = arith.select %lt3A_366, %broadcast_in_dim3A_369, %select_n3A_364 : vector<16x1024xi1>, vector<16x1024xi32>
      %slice3A_371 = vector.extract_strided_slice %add3A_16 {offsets = [848, 0], sizes = [16, 1024], strides = [1, 1]} : vector<1024x1024xf32> to vector<16x1024xf32>
      %lt3A_372 = arith.cmpf olt, %slice3A_371, %min3A_367 : vector<16x1024xf32>
      %min3A_373 = arith.minimumf %min3A_367, %slice3A_371 : vector<16x1024xf32>
      %jit3A_374 = arith.constant 53 : i32
      %broadcast_in_dim3A_375 = vector.broadcast %jit3A_374 : i32 to vector<16x1024xi32>
      %select_n3A_376 = arith.select %lt3A_372, %broadcast_in_dim3A_375, %select_n3A_370 : vector<16x1024xi1>, vector<16x1024xi32>
      %slice3A_377 = vector.extract_strided_slice %add3A_16 {offsets = [864, 0], sizes = [16, 1024], strides = [1, 1]} : vector<1024x1024xf32> to vector<16x1024xf32>
      %lt3A_378 = arith.cmpf olt, %slice3A_377, %min3A_373 : vector<16x1024xf32>
      %min3A_379 = arith.minimumf %min3A_373, %slice3A_377 : vector<16x1024xf32>
      %jit3A_380 = arith.constant 54 : i32
      %broadcast_in_dim3A_381 = vector.broadcast %jit3A_380 : i32 to vector<16x1024xi32>
      %select_n3A_382 = arith.select %lt3A_378, %broadcast_in_dim3A_381, %select_n3A_376 : vector<16x1024xi1>, vector<16x1024xi32>
      %slice3A_383 = vector.extract_strided_slice %add3A_16 {offsets = [880, 0], sizes = [16, 1024], strides = [1, 1]} : vector<1024x1024xf32> to vector<16x1024xf32>
      %lt3A_384 = arith.cmpf olt, %slice3A_383, %min3A_379 : vector<16x1024xf32>
      %min3A_385 = arith.minimumf %min3A_379, %slice3A_383 : vector<16x1024xf32>
      %jit3A_386 = arith.constant 55 : i32
      %broadcast_in_dim3A_387 = vector.broadcast %jit3A_386 : i32 to vector<16x1024xi32>
      %select_n3A_388 = arith.select %lt3A_384, %broadcast_in_dim3A_387, %select_n3A_382 : vector<16x1024xi1>, vector<16x1024xi32>
      %slice3A_389 = vector.extract_strided_slice %add3A_16 {offsets = [896, 0], sizes = [16, 1024], strides = [1, 1]} : vector<1024x1024xf32> to vector<16x1024xf32>
      %lt3A_390 = arith.cmpf olt, %slice3A_389, %min3A_385 : vector<16x1024xf32>
      %min3A_391 = arith.minimumf %min3A_385, %slice3A_389 : vector<16x1024xf32>
      %jit3A_392 = arith.constant 56 : i32
      %broadcast_in_dim3A_393 = vector.broadcast %jit3A_392 : i32 to vector<16x1024xi32>
      %select_n3A_394 = arith.select %lt3A_390, %broadcast_in_dim3A_393, %select_n3A_388 : vector<16x1024xi1>, vector<16x1024xi32>
      %slice3A_395 = vector.extract_strided_slice %add3A_16 {offsets = [912, 0], sizes = [16, 1024], strides = [1, 1]} : vector<1024x1024xf32> to vector<16x1024xf32>
      %lt3A_396 = arith.cmpf olt, %slice3A_395, %min3A_391 : vector<16x1024xf32>
      %min3A_397 = arith.minimumf %min3A_391, %slice3A_395 : vector<16x1024xf32>
      %jit3A_398 = arith.constant 57 : i32
      %broadcast_in_dim3A_399 = vector.broadcast %jit3A_398 : i32 to vector<16x1024xi32>
      %select_n3A_400 = arith.select %lt3A_396, %broadcast_in_dim3A_399, %select_n3A_394 : vector<16x1024xi1>, vector<16x1024xi32>
      %slice3A_401 = vector.extract_strided_slice %add3A_16 {offsets = [928, 0], sizes = [16, 1024], strides = [1, 1]} : vector<1024x1024xf32> to vector<16x1024xf32>
      %lt3A_402 = arith.cmpf olt, %slice3A_401, %min3A_397 : vector<16x1024xf32>
      %min3A_403 = arith.minimumf %min3A_397, %slice3A_401 : vector<16x1024xf32>
      %jit3A_404 = arith.constant 58 : i32
      %broadcast_in_dim3A_405 = vector.broadcast %jit3A_404 : i32 to vector<16x1024xi32>
      %select_n3A_406 = arith.select %lt3A_402, %broadcast_in_dim3A_405, %select_n3A_400 : vector<16x1024xi1>, vector<16x1024xi32>
      %slice3A_407 = vector.extract_strided_slice %add3A_16 {offsets = [944, 0], sizes = [16, 1024], strides = [1, 1]} : vector<1024x1024xf32> to vector<16x1024xf32>
      %lt3A_408 = arith.cmpf olt, %slice3A_407, %min3A_403 : vector<16x1024xf32>
      %min3A_409 = arith.minimumf %min3A_403, %slice3A_407 : vector<16x1024xf32>
      %jit3A_410 = arith.constant 59 : i32
      %broadcast_in_dim3A_411 = vector.broadcast %jit3A_410 : i32 to vector<16x1024xi32>
      %select_n3A_412 = arith.select %lt3A_408, %broadcast_in_dim3A_411, %select_n3A_406 : vector<16x1024xi1>, vector<16x1024xi32>
      %slice3A_413 = vector.extract_strided_slice %add3A_16 {offsets = [960, 0], sizes = [16, 1024], strides = [1, 1]} : vector<1024x1024xf32> to vector<16x1024xf32>
      %lt3A_414 = arith.cmpf olt, %slice3A_413, %min3A_409 : vector<16x1024xf32>
      %min3A_415 = arith.minimumf %min3A_409, %slice3A_413 : vector<16x1024xf32>
      %jit3A_416 = arith.constant 60 : i32
      %broadcast_in_dim3A_417 = vector.broadcast %jit3A_416 : i32 to vector<16x1024xi32>
      %select_n3A_418 = arith.select %lt3A_414, %broadcast_in_dim3A_417, %select_n3A_412 : vector<16x1024xi1>, vector<16x1024xi32>
      %slice3A_419 = vector.extract_strided_slice %add3A_16 {offsets = [976, 0], sizes = [16, 1024], strides = [1, 1]} : vector<1024x1024xf32> to vector<16x1024xf32>
      %lt3A_420 = arith.cmpf olt, %slice3A_419, %min3A_415 : vector<16x1024xf32>
      %min3A_421 = arith.minimumf %min3A_415, %slice3A_419 : vector<16x1024xf32>
      %jit3A_422 = arith.constant 61 : i32
      %broadcast_in_dim3A_423 = vector.broadcast %jit3A_422 : i32 to vector<16x1024xi32>
      %select_n3A_424 = arith.select %lt3A_420, %broadcast_in_dim3A_423, %select_n3A_418 : vector<16x1024xi1>, vector<16x1024xi32>
      %slice3A_425 = vector.extract_strided_slice %add3A_16 {offsets = [992, 0], sizes = [16, 1024], strides = [1, 1]} : vector<1024x1024xf32> to vector<16x1024xf32>
      %lt3A_426 = arith.cmpf olt, %slice3A_425, %min3A_421 : vector<16x1024xf32>
      %min3A_427 = arith.minimumf %min3A_421, %slice3A_425 : vector<16x1024xf32>
      %jit3A_428 = arith.constant 62 : i32
      %broadcast_in_dim3A_429 = vector.broadcast %jit3A_428 : i32 to vector<16x1024xi32>
      %select_n3A_430 = arith.select %lt3A_426, %broadcast_in_dim3A_429, %select_n3A_424 : vector<16x1024xi1>, vector<16x1024xi32>
      %slice3A_431 = vector.extract_strided_slice %add3A_16 {offsets = [1008, 0], sizes = [16, 1024], strides = [1, 1]} : vector<1024x1024xf32> to vector<16x1024xf32>
      %lt3A_432 = arith.cmpf olt, %slice3A_431, %min3A_427 : vector<16x1024xf32>
      %min3A_433 = arith.minimumf %min3A_427, %slice3A_431 : vector<16x1024xf32>
      %jit3A_434 = arith.constant 63 : i32
      %broadcast_in_dim3A_435 = vector.broadcast %jit3A_434 : i32 to vector<16x1024xi32>
      %select_n3A_436 = arith.select %lt3A_432, %broadcast_in_dim3A_435, %select_n3A_430 : vector<16x1024xi1>, vector<16x1024xi32>
      %mul3A = arith.constant 16 : i32
      %mul3A_437 = vector.broadcast %mul3A : i32 to vector<16x1024xi32>
      %mul3A_438 = arith.muli %select_n3A_436, %mul3A_437 : vector<16x1024xi32>
      %iota3A = tpu.iota {dimensions = array<i32: 0>} : vector<16x1024xi32>
      %add3A_439 = arith.addi %mul3A_438, %iota3A : vector<16x1024xi32>
      %reduce_min3A = arith.constant dense<0x7F800000> : vector<1024xf32>
      %reduce_min3A_440 = vector.multi_reduction <minimumf>, %min3A_433, %reduce_min3A [0] : vector<16x1024xf32> to vector<1024xf32>
      %broadcast_in_dim3A_441 = vector.shape_cast %reduce_min3A_440 : vector<1024xf32> to vector<1x1024xf32>
      %eq3A_442 = vector.broadcast %broadcast_in_dim3A_441 : vector<1x1024xf32> to vector<16x1024xf32>
      %eq3A_443 = arith.cmpf oeq, %min3A_433, %eq3A_442 : vector<16x1024xf32>
      %jit3A_444 = arith.constant 8192 : i32
      %broadcast_in_dim3A_445 = vector.broadcast %jit3A_444 : i32 to vector<16x1024xi32>
      %select_n3A_446 = arith.select %eq3A_443, %add3A_439, %broadcast_in_dim3A_445 : vector<16x1024xi1>, vector<16x1024xi32>
      %reduce_min3A_447 = arith.constant dense<2147483647> : vector<1024xi32>
      %reduce_min3A_448 = vector.multi_reduction <minsi>, %select_n3A_446, %reduce_min3A_447 [0] : vector<16x1024xi32> to vector<1024xi32>
      %broadcast_in_dim3A_449 = vector.shape_cast %reduce_min3A_448 : vector<1024xi32> to vector<1x1024xi32>
      %add3A_450 = arith.constant 4096 : i32
      %add3A_451 = vector.broadcast %add3A_450 : i32 to vector<1x1024xi32>
      %add3A_452 = arith.addi %broadcast_in_dim3A_449, %add3A_451 : vector<1x1024xi32>
      %get3A_453 = arith.constant 0 : index
      %get3A_454 = arith.constant 0 : index
      %get3A_455 = vector.load %arg13[%get3A_453, %get3A_454] : memref<1x1024xf32, #tpu.memory_space<vmem>>, vector<1x1024xf32>
      %lt3A_456 = arith.cmpf olt, %broadcast_in_dim3A_441, %get3A_455 : vector<1x1024xf32>
      %get3A_457 = arith.constant 0 : index
      %get3A_458 = arith.constant 0 : index
      %get3A_459 = vector.load %arg14[%get3A_457, %get3A_458] : memref<1x1024xi32, #tpu.memory_space<vmem>>, vector<1x1024xi32>
      %select_n3A_460 = arith.select %lt3A_456, %add3A_452, %get3A_459 : vector<1x1024xi1>, vector<1x1024xi32>
      %swap3A = arith.constant 0 : index
      %swap3A_461 = arith.constant 0 : index
      %swap3A_462 = vector.load %arg14[%swap3A, %swap3A_461] : memref<1x1024xi32, #tpu.memory_space<vmem>>, vector<1x1024xi32>
      tpu.vector_store %arg14[%swap3A, %swap3A_461], %select_n3A_460 {strides = array<i32>} : memref<1x1024xi32, #tpu.memory_space<vmem>>, vector<1x1024xi32>,
      %get3A_463 = arith.constant 0 : index
      %get3A_464 = arith.constant 0 : index
      %get3A_465 = vector.load %arg13[%get3A_463, %get3A_464] : memref<1x1024xf32, #tpu.memory_space<vmem>>, vector<1x1024xf32>
      %select_n3A_466 = arith.select %lt3A_456, %broadcast_in_dim3A_441, %get3A_465 : vector<1x1024xi1>, vector<1x1024xf32>
      %swap3A_467 = arith.constant 0 : index
      %swap3A_468 = arith.constant 0 : index
      %swap3A_469 = vector.load %arg13[%swap3A_467, %swap3A_468] : memref<1x1024xf32, #tpu.memory_space<vmem>>, vector<1x1024xf32>
      tpu.vector_store %arg13[%swap3A_467, %swap3A_468], %select_n3A_466 {strides = array<i32>} : memref<1x1024xf32, #tpu.memory_space<vmem>>, vector<1x1024xf32>,
    } else {
    }
    %eq3A_42 = arith.constant 5 : i32
    %eq3A_43 = arith.cmpi eq, %arg1, %eq3A_42 : i32
    %convert_element_type3A_44 = arith.extui %eq3A_43 : i1 to i32
    %cond3A_45 = arith.constant 0 : i32
    %cond3A_46 = arith.cmpi ne, %convert_element_type3A_44, %cond3A_45 : i32
    scf.if %cond3A_46 {
      %slice3A = vector.extract_strided_slice %add3A_16 {offsets = [0, 0], sizes = [352, 1024], strides = [1, 1]} : vector<1024x1024xf32> to vector<352x1024xf32>
      %slice3A_62 = vector.extract_strided_slice %slice3A {offsets = [0, 0], sizes = [16, 1024], strides = [1, 1]} : vector<352x1024xf32> to vector<16x1024xf32>
      %broadcast_in_dim3A = arith.constant 0 : i32
      %broadcast_in_dim3A_63 = vector.broadcast %broadcast_in_dim3A : i32 to vector<16x1024xi32>
      %slice3A_64 = vector.extract_strided_slice %slice3A {offsets = [16, 0], sizes = [16, 1024], strides = [1, 1]} : vector<352x1024xf32> to vector<16x1024xf32>
      %lt3A = arith.cmpf olt, %slice3A_64, %slice3A_62 : vector<16x1024xf32>
      %min3A = arith.minimumf %slice3A_62, %slice3A_64 : vector<16x1024xf32>
      %jit3A = arith.constant 1 : i32
      %broadcast_in_dim3A_65 = vector.broadcast %jit3A : i32 to vector<16x1024xi32>
      %select_n3A = arith.select %lt3A, %broadcast_in_dim3A_65, %broadcast_in_dim3A_63 : vector<16x1024xi1>, vector<16x1024xi32>
      %slice3A_66 = vector.extract_strided_slice %slice3A {offsets = [32, 0], sizes = [16, 1024], strides = [1, 1]} : vector<352x1024xf32> to vector<16x1024xf32>
      %lt3A_67 = arith.cmpf olt, %slice3A_66, %min3A : vector<16x1024xf32>
      %min3A_68 = arith.minimumf %min3A, %slice3A_66 : vector<16x1024xf32>
      %jit3A_69 = arith.constant 2 : i32
      %broadcast_in_dim3A_70 = vector.broadcast %jit3A_69 : i32 to vector<16x1024xi32>
      %select_n3A_71 = arith.select %lt3A_67, %broadcast_in_dim3A_70, %select_n3A : vector<16x1024xi1>, vector<16x1024xi32>
      %slice3A_72 = vector.extract_strided_slice %slice3A {offsets = [48, 0], sizes = [16, 1024], strides = [1, 1]} : vector<352x1024xf32> to vector<16x1024xf32>
      %lt3A_73 = arith.cmpf olt, %slice3A_72, %min3A_68 : vector<16x1024xf32>
      %min3A_74 = arith.minimumf %min3A_68, %slice3A_72 : vector<16x1024xf32>
      %jit3A_75 = arith.constant 3 : i32
      %broadcast_in_dim3A_76 = vector.broadcast %jit3A_75 : i32 to vector<16x1024xi32>
      %select_n3A_77 = arith.select %lt3A_73, %broadcast_in_dim3A_76, %select_n3A_71 : vector<16x1024xi1>, vector<16x1024xi32>
      %slice3A_78 = vector.extract_strided_slice %slice3A {offsets = [64, 0], sizes = [16, 1024], strides = [1, 1]} : vector<352x1024xf32> to vector<16x1024xf32>
      %lt3A_79 = arith.cmpf olt, %slice3A_78, %min3A_74 : vector<16x1024xf32>
      %min3A_80 = arith.minimumf %min3A_74, %slice3A_78 : vector<16x1024xf32>
      %jit3A_81 = arith.constant 4 : i32
      %broadcast_in_dim3A_82 = vector.broadcast %jit3A_81 : i32 to vector<16x1024xi32>
      %select_n3A_83 = arith.select %lt3A_79, %broadcast_in_dim3A_82, %select_n3A_77 : vector<16x1024xi1>, vector<16x1024xi32>
      %slice3A_84 = vector.extract_strided_slice %slice3A {offsets = [80, 0], sizes = [16, 1024], strides = [1, 1]} : vector<352x1024xf32> to vector<16x1024xf32>
      %lt3A_85 = arith.cmpf olt, %slice3A_84, %min3A_80 : vector<16x1024xf32>
      %min3A_86 = arith.minimumf %min3A_80, %slice3A_84 : vector<16x1024xf32>
      %jit3A_87 = arith.constant 5 : i32
      %broadcast_in_dim3A_88 = vector.broadcast %jit3A_87 : i32 to vector<16x1024xi32>
      %select_n3A_89 = arith.select %lt3A_85, %broadcast_in_dim3A_88, %select_n3A_83 : vector<16x1024xi1>, vector<16x1024xi32>
      %slice3A_90 = vector.extract_strided_slice %slice3A {offsets = [96, 0], sizes = [16, 1024], strides = [1, 1]} : vector<352x1024xf32> to vector<16x1024xf32>
      %lt3A_91 = arith.cmpf olt, %slice3A_90, %min3A_86 : vector<16x1024xf32>
      %min3A_92 = arith.minimumf %min3A_86, %slice3A_90 : vector<16x1024xf32>
      %jit3A_93 = arith.constant 6 : i32
      %broadcast_in_dim3A_94 = vector.broadcast %jit3A_93 : i32 to vector<16x1024xi32>
      %select_n3A_95 = arith.select %lt3A_91, %broadcast_in_dim3A_94, %select_n3A_89 : vector<16x1024xi1>, vector<16x1024xi32>
      %slice3A_96 = vector.extract_strided_slice %slice3A {offsets = [112, 0], sizes = [16, 1024], strides = [1, 1]} : vector<352x1024xf32> to vector<16x1024xf32>
      %lt3A_97 = arith.cmpf olt, %slice3A_96, %min3A_92 : vector<16x1024xf32>
      %min3A_98 = arith.minimumf %min3A_92, %slice3A_96 : vector<16x1024xf32>
      %jit3A_99 = arith.constant 7 : i32
      %broadcast_in_dim3A_100 = vector.broadcast %jit3A_99 : i32 to vector<16x1024xi32>
      %select_n3A_101 = arith.select %lt3A_97, %broadcast_in_dim3A_100, %select_n3A_95 : vector<16x1024xi1>, vector<16x1024xi32>
      %slice3A_102 = vector.extract_strided_slice %slice3A {offsets = [128, 0], sizes = [16, 1024], strides = [1, 1]} : vector<352x1024xf32> to vector<16x1024xf32>
      %lt3A_103 = arith.cmpf olt, %slice3A_102, %min3A_98 : vector<16x1024xf32>
      %min3A_104 = arith.minimumf %min3A_98, %slice3A_102 : vector<16x1024xf32>
      %jit3A_105 = arith.constant 8 : i32
      %broadcast_in_dim3A_106 = vector.broadcast %jit3A_105 : i32 to vector<16x1024xi32>
      %select_n3A_107 = arith.select %lt3A_103, %broadcast_in_dim3A_106, %select_n3A_101 : vector<16x1024xi1>, vector<16x1024xi32>
      %slice3A_108 = vector.extract_strided_slice %slice3A {offsets = [144, 0], sizes = [16, 1024], strides = [1, 1]} : vector<352x1024xf32> to vector<16x1024xf32>
      %lt3A_109 = arith.cmpf olt, %slice3A_108, %min3A_104 : vector<16x1024xf32>
      %min3A_110 = arith.minimumf %min3A_104, %slice3A_108 : vector<16x1024xf32>
      %jit3A_111 = arith.constant 9 : i32
      %broadcast_in_dim3A_112 = vector.broadcast %jit3A_111 : i32 to vector<16x1024xi32>
      %select_n3A_113 = arith.select %lt3A_109, %broadcast_in_dim3A_112, %select_n3A_107 : vector<16x1024xi1>, vector<16x1024xi32>
      %slice3A_114 = vector.extract_strided_slice %slice3A {offsets = [160, 0], sizes = [16, 1024], strides = [1, 1]} : vector<352x1024xf32> to vector<16x1024xf32>
      %lt3A_115 = arith.cmpf olt, %slice3A_114, %min3A_110 : vector<16x1024xf32>
      %min3A_116 = arith.minimumf %min3A_110, %slice3A_114 : vector<16x1024xf32>
      %jit3A_117 = arith.constant 10 : i32
      %broadcast_in_dim3A_118 = vector.broadcast %jit3A_117 : i32 to vector<16x1024xi32>
      %select_n3A_119 = arith.select %lt3A_115, %broadcast_in_dim3A_118, %select_n3A_113 : vector<16x1024xi1>, vector<16x1024xi32>
      %slice3A_120 = vector.extract_strided_slice %slice3A {offsets = [176, 0], sizes = [16, 1024], strides = [1, 1]} : vector<352x1024xf32> to vector<16x1024xf32>
      %lt3A_121 = arith.cmpf olt, %slice3A_120, %min3A_116 : vector<16x1024xf32>
      %min3A_122 = arith.minimumf %min3A_116, %slice3A_120 : vector<16x1024xf32>
      %jit3A_123 = arith.constant 11 : i32
      %broadcast_in_dim3A_124 = vector.broadcast %jit3A_123 : i32 to vector<16x1024xi32>
      %select_n3A_125 = arith.select %lt3A_121, %broadcast_in_dim3A_124, %select_n3A_119 : vector<16x1024xi1>, vector<16x1024xi32>
      %slice3A_126 = vector.extract_strided_slice %slice3A {offsets = [192, 0], sizes = [16, 1024], strides = [1, 1]} : vector<352x1024xf32> to vector<16x1024xf32>
      %lt3A_127 = arith.cmpf olt, %slice3A_126, %min3A_122 : vector<16x1024xf32>
      %min3A_128 = arith.minimumf %min3A_122, %slice3A_126 : vector<16x1024xf32>
      %jit3A_129 = arith.constant 12 : i32
      %broadcast_in_dim3A_130 = vector.broadcast %jit3A_129 : i32 to vector<16x1024xi32>
      %select_n3A_131 = arith.select %lt3A_127, %broadcast_in_dim3A_130, %select_n3A_125 : vector<16x1024xi1>, vector<16x1024xi32>
      %slice3A_132 = vector.extract_strided_slice %slice3A {offsets = [208, 0], sizes = [16, 1024], strides = [1, 1]} : vector<352x1024xf32> to vector<16x1024xf32>
      %lt3A_133 = arith.cmpf olt, %slice3A_132, %min3A_128 : vector<16x1024xf32>
      %min3A_134 = arith.minimumf %min3A_128, %slice3A_132 : vector<16x1024xf32>
      %jit3A_135 = arith.constant 13 : i32
      %broadcast_in_dim3A_136 = vector.broadcast %jit3A_135 : i32 to vector<16x1024xi32>
      %select_n3A_137 = arith.select %lt3A_133, %broadcast_in_dim3A_136, %select_n3A_131 : vector<16x1024xi1>, vector<16x1024xi32>
      %slice3A_138 = vector.extract_strided_slice %slice3A {offsets = [224, 0], sizes = [16, 1024], strides = [1, 1]} : vector<352x1024xf32> to vector<16x1024xf32>
      %lt3A_139 = arith.cmpf olt, %slice3A_138, %min3A_134 : vector<16x1024xf32>
      %min3A_140 = arith.minimumf %min3A_134, %slice3A_138 : vector<16x1024xf32>
      %jit3A_141 = arith.constant 14 : i32
      %broadcast_in_dim3A_142 = vector.broadcast %jit3A_141 : i32 to vector<16x1024xi32>
      %select_n3A_143 = arith.select %lt3A_139, %broadcast_in_dim3A_142, %select_n3A_137 : vector<16x1024xi1>, vector<16x1024xi32>
      %slice3A_144 = vector.extract_strided_slice %slice3A {offsets = [240, 0], sizes = [16, 1024], strides = [1, 1]} : vector<352x1024xf32> to vector<16x1024xf32>
      %lt3A_145 = arith.cmpf olt, %slice3A_144, %min3A_140 : vector<16x1024xf32>
      %min3A_146 = arith.minimumf %min3A_140, %slice3A_144 : vector<16x1024xf32>
      %jit3A_147 = arith.constant 15 : i32
      %broadcast_in_dim3A_148 = vector.broadcast %jit3A_147 : i32 to vector<16x1024xi32>
      %select_n3A_149 = arith.select %lt3A_145, %broadcast_in_dim3A_148, %select_n3A_143 : vector<16x1024xi1>, vector<16x1024xi32>
      %slice3A_150 = vector.extract_strided_slice %slice3A {offsets = [256, 0], sizes = [16, 1024], strides = [1, 1]} : vector<352x1024xf32> to vector<16x1024xf32>
      %lt3A_151 = arith.cmpf olt, %slice3A_150, %min3A_146 : vector<16x1024xf32>
      %min3A_152 = arith.minimumf %min3A_146, %slice3A_150 : vector<16x1024xf32>
      %jit3A_153 = arith.constant 16 : i32
      %broadcast_in_dim3A_154 = vector.broadcast %jit3A_153 : i32 to vector<16x1024xi32>
      %select_n3A_155 = arith.select %lt3A_151, %broadcast_in_dim3A_154, %select_n3A_149 : vector<16x1024xi1>, vector<16x1024xi32>
      %slice3A_156 = vector.extract_strided_slice %slice3A {offsets = [272, 0], sizes = [16, 1024], strides = [1, 1]} : vector<352x1024xf32> to vector<16x1024xf32>
      %lt3A_157 = arith.cmpf olt, %slice3A_156, %min3A_152 : vector<16x1024xf32>
      %min3A_158 = arith.minimumf %min3A_152, %slice3A_156 : vector<16x1024xf32>
      %jit3A_159 = arith.constant 17 : i32
      %broadcast_in_dim3A_160 = vector.broadcast %jit3A_159 : i32 to vector<16x1024xi32>
      %select_n3A_161 = arith.select %lt3A_157, %broadcast_in_dim3A_160, %select_n3A_155 : vector<16x1024xi1>, vector<16x1024xi32>
      %slice3A_162 = vector.extract_strided_slice %slice3A {offsets = [288, 0], sizes = [16, 1024], strides = [1, 1]} : vector<352x1024xf32> to vector<16x1024xf32>
      %lt3A_163 = arith.cmpf olt, %slice3A_162, %min3A_158 : vector<16x1024xf32>
      %min3A_164 = arith.minimumf %min3A_158, %slice3A_162 : vector<16x1024xf32>
      %jit3A_165 = arith.constant 18 : i32
      %broadcast_in_dim3A_166 = vector.broadcast %jit3A_165 : i32 to vector<16x1024xi32>
      %select_n3A_167 = arith.select %lt3A_163, %broadcast_in_dim3A_166, %select_n3A_161 : vector<16x1024xi1>, vector<16x1024xi32>
      %slice3A_168 = vector.extract_strided_slice %slice3A {offsets = [304, 0], sizes = [16, 1024], strides = [1, 1]} : vector<352x1024xf32> to vector<16x1024xf32>
      %lt3A_169 = arith.cmpf olt, %slice3A_168, %min3A_164 : vector<16x1024xf32>
      %min3A_170 = arith.minimumf %min3A_164, %slice3A_168 : vector<16x1024xf32>
      %jit3A_171 = arith.constant 19 : i32
      %broadcast_in_dim3A_172 = vector.broadcast %jit3A_171 : i32 to vector<16x1024xi32>
      %select_n3A_173 = arith.select %lt3A_169, %broadcast_in_dim3A_172, %select_n3A_167 : vector<16x1024xi1>, vector<16x1024xi32>
      %slice3A_174 = vector.extract_strided_slice %slice3A {offsets = [320, 0], sizes = [16, 1024], strides = [1, 1]} : vector<352x1024xf32> to vector<16x1024xf32>
      %lt3A_175 = arith.cmpf olt, %slice3A_174, %min3A_170 : vector<16x1024xf32>
      %min3A_176 = arith.minimumf %min3A_170, %slice3A_174 : vector<16x1024xf32>
      %jit3A_177 = arith.constant 20 : i32
      %broadcast_in_dim3A_178 = vector.broadcast %jit3A_177 : i32 to vector<16x1024xi32>
      %select_n3A_179 = arith.select %lt3A_175, %broadcast_in_dim3A_178, %select_n3A_173 : vector<16x1024xi1>, vector<16x1024xi32>
      %slice3A_180 = vector.extract_strided_slice %slice3A {offsets = [336, 0], sizes = [16, 1024], strides = [1, 1]} : vector<352x1024xf32> to vector<16x1024xf32>
      %lt3A_181 = arith.cmpf olt, %slice3A_180, %min3A_176 : vector<16x1024xf32>
      %min3A_182 = arith.minimumf %min3A_176, %slice3A_180 : vector<16x1024xf32>
      %jit3A_183 = arith.constant 21 : i32
      %broadcast_in_dim3A_184 = vector.broadcast %jit3A_183 : i32 to vector<16x1024xi32>
      %select_n3A_185 = arith.select %lt3A_181, %broadcast_in_dim3A_184, %select_n3A_179 : vector<16x1024xi1>, vector<16x1024xi32>
      %mul3A = arith.constant 16 : i32
      %mul3A_186 = vector.broadcast %mul3A : i32 to vector<16x1024xi32>
      %mul3A_187 = arith.muli %select_n3A_185, %mul3A_186 : vector<16x1024xi32>
      %iota3A = tpu.iota {dimensions = array<i32: 0>} : vector<16x1024xi32>
      %add3A_188 = arith.addi %mul3A_187, %iota3A : vector<16x1024xi32>
      %reduce_min3A = arith.constant dense<0x7F800000> : vector<1024xf32>
      %reduce_min3A_189 = vector.multi_reduction <minimumf>, %min3A_182, %reduce_min3A [0] : vector<16x1024xf32> to vector<1024xf32>
      %broadcast_in_dim3A_190 = vector.shape_cast %reduce_min3A_189 : vector<1024xf32> to vector<1x1024xf32>
      %eq3A_191 = vector.broadcast %broadcast_in_dim3A_190 : vector<1x1024xf32> to vector<16x1024xf32>
      %eq3A_192 = arith.cmpf oeq, %min3A_182, %eq3A_191 : vector<16x1024xf32>
      %jit3A_193 = arith.constant 8192 : i32
      %broadcast_in_dim3A_194 = vector.broadcast %jit3A_193 : i32 to vector<16x1024xi32>
      %select_n3A_195 = arith.select %eq3A_192, %add3A_188, %broadcast_in_dim3A_194 : vector<16x1024xi1>, vector<16x1024xi32>
      %reduce_min3A_196 = arith.constant dense<2147483647> : vector<1024xi32>
      %reduce_min3A_197 = vector.multi_reduction <minsi>, %select_n3A_195, %reduce_min3A_196 [0] : vector<16x1024xi32> to vector<1024xi32>
      %broadcast_in_dim3A_198 = vector.shape_cast %reduce_min3A_197 : vector<1024xi32> to vector<1x1024xi32>
      %add3A_199 = arith.constant 5120 : i32
      %add3A_200 = vector.broadcast %add3A_199 : i32 to vector<1x1024xi32>
      %add3A_201 = arith.addi %broadcast_in_dim3A_198, %add3A_200 : vector<1x1024xi32>
      %get3A_202 = arith.constant 0 : index
      %get3A_203 = arith.constant 0 : index
      %get3A_204 = vector.load %arg13[%get3A_202, %get3A_203] : memref<1x1024xf32, #tpu.memory_space<vmem>>, vector<1x1024xf32>
      %lt3A_205 = arith.cmpf olt, %broadcast_in_dim3A_190, %get3A_204 : vector<1x1024xf32>
      %get3A_206 = arith.constant 0 : index
      %get3A_207 = arith.constant 0 : index
      %get3A_208 = vector.load %arg14[%get3A_206, %get3A_207] : memref<1x1024xi32, #tpu.memory_space<vmem>>, vector<1x1024xi32>
      %select_n3A_209 = arith.select %lt3A_205, %add3A_201, %get3A_208 : vector<1x1024xi1>, vector<1x1024xi32>
      %swap3A = arith.constant 0 : index
      %swap3A_210 = arith.constant 0 : index
      %swap3A_211 = vector.load %arg14[%swap3A, %swap3A_210] : memref<1x1024xi32, #tpu.memory_space<vmem>>, vector<1x1024xi32>
      tpu.vector_store %arg14[%swap3A, %swap3A_210], %select_n3A_209 {strides = array<i32>} : memref<1x1024xi32, #tpu.memory_space<vmem>>, vector<1x1024xi32>,
      %get3A_212 = arith.constant 0 : index
      %get3A_213 = arith.constant 0 : index
      %get3A_214 = vector.load %arg13[%get3A_212, %get3A_213] : memref<1x1024xf32, #tpu.memory_space<vmem>>, vector<1x1024xf32>
      %select_n3A_215 = arith.select %lt3A_205, %broadcast_in_dim3A_190, %get3A_214 : vector<1x1024xi1>, vector<1x1024xf32>
      %swap3A_216 = arith.constant 0 : index
      %swap3A_217 = arith.constant 0 : index
      %swap3A_218 = vector.load %arg13[%swap3A_216, %swap3A_217] : memref<1x1024xf32, #tpu.memory_space<vmem>>, vector<1x1024xf32>
      tpu.vector_store %arg13[%swap3A_216, %swap3A_217], %select_n3A_215 {strides = array<i32>} : memref<1x1024xf32, #tpu.memory_space<vmem>>, vector<1x1024xf32>,
      %slice3A_219 = vector.extract_strided_slice %add3A_16 {offsets = [352, 0], sizes = [672, 1024], strides = [1, 1]} : vector<1024x1024xf32> to vector<672x1024xf32>
      %slice3A_220 = vector.extract_strided_slice %slice3A_219 {offsets = [0, 0], sizes = [16, 1024], strides = [1, 1]} : vector<672x1024xf32> to vector<16x1024xf32>
      %broadcast_in_dim3A_221 = arith.constant 0 : i32
      %broadcast_in_dim3A_222 = vector.broadcast %broadcast_in_dim3A_221 : i32 to vector<16x1024xi32>
      %slice3A_223 = vector.extract_strided_slice %slice3A_219 {offsets = [16, 0], sizes = [16, 1024], strides = [1, 1]} : vector<672x1024xf32> to vector<16x1024xf32>
      %lt3A_224 = arith.cmpf olt, %slice3A_223, %slice3A_220 : vector<16x1024xf32>
      %min3A_225 = arith.minimumf %slice3A_220, %slice3A_223 : vector<16x1024xf32>
      %jit3A_226 = arith.constant 1 : i32
      %broadcast_in_dim3A_227 = vector.broadcast %jit3A_226 : i32 to vector<16x1024xi32>
      %select_n3A_228 = arith.select %lt3A_224, %broadcast_in_dim3A_227, %broadcast_in_dim3A_222 : vector<16x1024xi1>, vector<16x1024xi32>
      %slice3A_229 = vector.extract_strided_slice %slice3A_219 {offsets = [32, 0], sizes = [16, 1024], strides = [1, 1]} : vector<672x1024xf32> to vector<16x1024xf32>
      %lt3A_230 = arith.cmpf olt, %slice3A_229, %min3A_225 : vector<16x1024xf32>
      %min3A_231 = arith.minimumf %min3A_225, %slice3A_229 : vector<16x1024xf32>
      %jit3A_232 = arith.constant 2 : i32
      %broadcast_in_dim3A_233 = vector.broadcast %jit3A_232 : i32 to vector<16x1024xi32>
      %select_n3A_234 = arith.select %lt3A_230, %broadcast_in_dim3A_233, %select_n3A_228 : vector<16x1024xi1>, vector<16x1024xi32>
      %slice3A_235 = vector.extract_strided_slice %slice3A_219 {offsets = [48, 0], sizes = [16, 1024], strides = [1, 1]} : vector<672x1024xf32> to vector<16x1024xf32>
      %lt3A_236 = arith.cmpf olt, %slice3A_235, %min3A_231 : vector<16x1024xf32>
      %min3A_237 = arith.minimumf %min3A_231, %slice3A_235 : vector<16x1024xf32>
      %jit3A_238 = arith.constant 3 : i32
      %broadcast_in_dim3A_239 = vector.broadcast %jit3A_238 : i32 to vector<16x1024xi32>
      %select_n3A_240 = arith.select %lt3A_236, %broadcast_in_dim3A_239, %select_n3A_234 : vector<16x1024xi1>, vector<16x1024xi32>
      %slice3A_241 = vector.extract_strided_slice %slice3A_219 {offsets = [64, 0], sizes = [16, 1024], strides = [1, 1]} : vector<672x1024xf32> to vector<16x1024xf32>
      %lt3A_242 = arith.cmpf olt, %slice3A_241, %min3A_237 : vector<16x1024xf32>
      %min3A_243 = arith.minimumf %min3A_237, %slice3A_241 : vector<16x1024xf32>
      %jit3A_244 = arith.constant 4 : i32
      %broadcast_in_dim3A_245 = vector.broadcast %jit3A_244 : i32 to vector<16x1024xi32>
      %select_n3A_246 = arith.select %lt3A_242, %broadcast_in_dim3A_245, %select_n3A_240 : vector<16x1024xi1>, vector<16x1024xi32>
      %slice3A_247 = vector.extract_strided_slice %slice3A_219 {offsets = [80, 0], sizes = [16, 1024], strides = [1, 1]} : vector<672x1024xf32> to vector<16x1024xf32>
      %lt3A_248 = arith.cmpf olt, %slice3A_247, %min3A_243 : vector<16x1024xf32>
      %min3A_249 = arith.minimumf %min3A_243, %slice3A_247 : vector<16x1024xf32>
      %jit3A_250 = arith.constant 5 : i32
      %broadcast_in_dim3A_251 = vector.broadcast %jit3A_250 : i32 to vector<16x1024xi32>
      %select_n3A_252 = arith.select %lt3A_248, %broadcast_in_dim3A_251, %select_n3A_246 : vector<16x1024xi1>, vector<16x1024xi32>
      %slice3A_253 = vector.extract_strided_slice %slice3A_219 {offsets = [96, 0], sizes = [16, 1024], strides = [1, 1]} : vector<672x1024xf32> to vector<16x1024xf32>
      %lt3A_254 = arith.cmpf olt, %slice3A_253, %min3A_249 : vector<16x1024xf32>
      %min3A_255 = arith.minimumf %min3A_249, %slice3A_253 : vector<16x1024xf32>
      %jit3A_256 = arith.constant 6 : i32
      %broadcast_in_dim3A_257 = vector.broadcast %jit3A_256 : i32 to vector<16x1024xi32>
      %select_n3A_258 = arith.select %lt3A_254, %broadcast_in_dim3A_257, %select_n3A_252 : vector<16x1024xi1>, vector<16x1024xi32>
      %slice3A_259 = vector.extract_strided_slice %slice3A_219 {offsets = [112, 0], sizes = [16, 1024], strides = [1, 1]} : vector<672x1024xf32> to vector<16x1024xf32>
      %lt3A_260 = arith.cmpf olt, %slice3A_259, %min3A_255 : vector<16x1024xf32>
      %min3A_261 = arith.minimumf %min3A_255, %slice3A_259 : vector<16x1024xf32>
      %jit3A_262 = arith.constant 7 : i32
      %broadcast_in_dim3A_263 = vector.broadcast %jit3A_262 : i32 to vector<16x1024xi32>
      %select_n3A_264 = arith.select %lt3A_260, %broadcast_in_dim3A_263, %select_n3A_258 : vector<16x1024xi1>, vector<16x1024xi32>
      %slice3A_265 = vector.extract_strided_slice %slice3A_219 {offsets = [128, 0], sizes = [16, 1024], strides = [1, 1]} : vector<672x1024xf32> to vector<16x1024xf32>
      %lt3A_266 = arith.cmpf olt, %slice3A_265, %min3A_261 : vector<16x1024xf32>
      %min3A_267 = arith.minimumf %min3A_261, %slice3A_265 : vector<16x1024xf32>
      %jit3A_268 = arith.constant 8 : i32
      %broadcast_in_dim3A_269 = vector.broadcast %jit3A_268 : i32 to vector<16x1024xi32>
      %select_n3A_270 = arith.select %lt3A_266, %broadcast_in_dim3A_269, %select_n3A_264 : vector<16x1024xi1>, vector<16x1024xi32>
      %slice3A_271 = vector.extract_strided_slice %slice3A_219 {offsets = [144, 0], sizes = [16, 1024], strides = [1, 1]} : vector<672x1024xf32> to vector<16x1024xf32>
      %lt3A_272 = arith.cmpf olt, %slice3A_271, %min3A_267 : vector<16x1024xf32>
      %min3A_273 = arith.minimumf %min3A_267, %slice3A_271 : vector<16x1024xf32>
      %jit3A_274 = arith.constant 9 : i32
      %broadcast_in_dim3A_275 = vector.broadcast %jit3A_274 : i32 to vector<16x1024xi32>
      %select_n3A_276 = arith.select %lt3A_272, %broadcast_in_dim3A_275, %select_n3A_270 : vector<16x1024xi1>, vector<16x1024xi32>
      %slice3A_277 = vector.extract_strided_slice %slice3A_219 {offsets = [160, 0], sizes = [16, 1024], strides = [1, 1]} : vector<672x1024xf32> to vector<16x1024xf32>
      %lt3A_278 = arith.cmpf olt, %slice3A_277, %min3A_273 : vector<16x1024xf32>
      %min3A_279 = arith.minimumf %min3A_273, %slice3A_277 : vector<16x1024xf32>
      %jit3A_280 = arith.constant 10 : i32
      %broadcast_in_dim3A_281 = vector.broadcast %jit3A_280 : i32 to vector<16x1024xi32>
      %select_n3A_282 = arith.select %lt3A_278, %broadcast_in_dim3A_281, %select_n3A_276 : vector<16x1024xi1>, vector<16x1024xi32>
      %slice3A_283 = vector.extract_strided_slice %slice3A_219 {offsets = [176, 0], sizes = [16, 1024], strides = [1, 1]} : vector<672x1024xf32> to vector<16x1024xf32>
      %lt3A_284 = arith.cmpf olt, %slice3A_283, %min3A_279 : vector<16x1024xf32>
      %min3A_285 = arith.minimumf %min3A_279, %slice3A_283 : vector<16x1024xf32>
      %jit3A_286 = arith.constant 11 : i32
      %broadcast_in_dim3A_287 = vector.broadcast %jit3A_286 : i32 to vector<16x1024xi32>
      %select_n3A_288 = arith.select %lt3A_284, %broadcast_in_dim3A_287, %select_n3A_282 : vector<16x1024xi1>, vector<16x1024xi32>
      %slice3A_289 = vector.extract_strided_slice %slice3A_219 {offsets = [192, 0], sizes = [16, 1024], strides = [1, 1]} : vector<672x1024xf32> to vector<16x1024xf32>
      %lt3A_290 = arith.cmpf olt, %slice3A_289, %min3A_285 : vector<16x1024xf32>
      %min3A_291 = arith.minimumf %min3A_285, %slice3A_289 : vector<16x1024xf32>
      %jit3A_292 = arith.constant 12 : i32
      %broadcast_in_dim3A_293 = vector.broadcast %jit3A_292 : i32 to vector<16x1024xi32>
      %select_n3A_294 = arith.select %lt3A_290, %broadcast_in_dim3A_293, %select_n3A_288 : vector<16x1024xi1>, vector<16x1024xi32>
      %slice3A_295 = vector.extract_strided_slice %slice3A_219 {offsets = [208, 0], sizes = [16, 1024], strides = [1, 1]} : vector<672x1024xf32> to vector<16x1024xf32>
      %lt3A_296 = arith.cmpf olt, %slice3A_295, %min3A_291 : vector<16x1024xf32>
      %min3A_297 = arith.minimumf %min3A_291, %slice3A_295 : vector<16x1024xf32>
      %jit3A_298 = arith.constant 13 : i32
      %broadcast_in_dim3A_299 = vector.broadcast %jit3A_298 : i32 to vector<16x1024xi32>
      %select_n3A_300 = arith.select %lt3A_296, %broadcast_in_dim3A_299, %select_n3A_294 : vector<16x1024xi1>, vector<16x1024xi32>
      %slice3A_301 = vector.extract_strided_slice %slice3A_219 {offsets = [224, 0], sizes = [16, 1024], strides = [1, 1]} : vector<672x1024xf32> to vector<16x1024xf32>
      %lt3A_302 = arith.cmpf olt, %slice3A_301, %min3A_297 : vector<16x1024xf32>
      %min3A_303 = arith.minimumf %min3A_297, %slice3A_301 : vector<16x1024xf32>
      %jit3A_304 = arith.constant 14 : i32
      %broadcast_in_dim3A_305 = vector.broadcast %jit3A_304 : i32 to vector<16x1024xi32>
      %select_n3A_306 = arith.select %lt3A_302, %broadcast_in_dim3A_305, %select_n3A_300 : vector<16x1024xi1>, vector<16x1024xi32>
      %slice3A_307 = vector.extract_strided_slice %slice3A_219 {offsets = [240, 0], sizes = [16, 1024], strides = [1, 1]} : vector<672x1024xf32> to vector<16x1024xf32>
      %lt3A_308 = arith.cmpf olt, %slice3A_307, %min3A_303 : vector<16x1024xf32>
      %min3A_309 = arith.minimumf %min3A_303, %slice3A_307 : vector<16x1024xf32>
      %jit3A_310 = arith.constant 15 : i32
      %broadcast_in_dim3A_311 = vector.broadcast %jit3A_310 : i32 to vector<16x1024xi32>
      %select_n3A_312 = arith.select %lt3A_308, %broadcast_in_dim3A_311, %select_n3A_306 : vector<16x1024xi1>, vector<16x1024xi32>
      %slice3A_313 = vector.extract_strided_slice %slice3A_219 {offsets = [256, 0], sizes = [16, 1024], strides = [1, 1]} : vector<672x1024xf32> to vector<16x1024xf32>
      %lt3A_314 = arith.cmpf olt, %slice3A_313, %min3A_309 : vector<16x1024xf32>
      %min3A_315 = arith.minimumf %min3A_309, %slice3A_313 : vector<16x1024xf32>
      %jit3A_316 = arith.constant 16 : i32
      %broadcast_in_dim3A_317 = vector.broadcast %jit3A_316 : i32 to vector<16x1024xi32>
      %select_n3A_318 = arith.select %lt3A_314, %broadcast_in_dim3A_317, %select_n3A_312 : vector<16x1024xi1>, vector<16x1024xi32>
      %slice3A_319 = vector.extract_strided_slice %slice3A_219 {offsets = [272, 0], sizes = [16, 1024], strides = [1, 1]} : vector<672x1024xf32> to vector<16x1024xf32>
      %lt3A_320 = arith.cmpf olt, %slice3A_319, %min3A_315 : vector<16x1024xf32>
      %min3A_321 = arith.minimumf %min3A_315, %slice3A_319 : vector<16x1024xf32>
      %jit3A_322 = arith.constant 17 : i32
      %broadcast_in_dim3A_323 = vector.broadcast %jit3A_322 : i32 to vector<16x1024xi32>
      %select_n3A_324 = arith.select %lt3A_320, %broadcast_in_dim3A_323, %select_n3A_318 : vector<16x1024xi1>, vector<16x1024xi32>
      %slice3A_325 = vector.extract_strided_slice %slice3A_219 {offsets = [288, 0], sizes = [16, 1024], strides = [1, 1]} : vector<672x1024xf32> to vector<16x1024xf32>
      %lt3A_326 = arith.cmpf olt, %slice3A_325, %min3A_321 : vector<16x1024xf32>
      %min3A_327 = arith.minimumf %min3A_321, %slice3A_325 : vector<16x1024xf32>
      %jit3A_328 = arith.constant 18 : i32
      %broadcast_in_dim3A_329 = vector.broadcast %jit3A_328 : i32 to vector<16x1024xi32>
      %select_n3A_330 = arith.select %lt3A_326, %broadcast_in_dim3A_329, %select_n3A_324 : vector<16x1024xi1>, vector<16x1024xi32>
      %slice3A_331 = vector.extract_strided_slice %slice3A_219 {offsets = [304, 0], sizes = [16, 1024], strides = [1, 1]} : vector<672x1024xf32> to vector<16x1024xf32>
      %lt3A_332 = arith.cmpf olt, %slice3A_331, %min3A_327 : vector<16x1024xf32>
      %min3A_333 = arith.minimumf %min3A_327, %slice3A_331 : vector<16x1024xf32>
      %jit3A_334 = arith.constant 19 : i32
      %broadcast_in_dim3A_335 = vector.broadcast %jit3A_334 : i32 to vector<16x1024xi32>
      %select_n3A_336 = arith.select %lt3A_332, %broadcast_in_dim3A_335, %select_n3A_330 : vector<16x1024xi1>, vector<16x1024xi32>
      %slice3A_337 = vector.extract_strided_slice %slice3A_219 {offsets = [320, 0], sizes = [16, 1024], strides = [1, 1]} : vector<672x1024xf32> to vector<16x1024xf32>
      %lt3A_338 = arith.cmpf olt, %slice3A_337, %min3A_333 : vector<16x1024xf32>
      %min3A_339 = arith.minimumf %min3A_333, %slice3A_337 : vector<16x1024xf32>
      %jit3A_340 = arith.constant 20 : i32
      %broadcast_in_dim3A_341 = vector.broadcast %jit3A_340 : i32 to vector<16x1024xi32>
      %select_n3A_342 = arith.select %lt3A_338, %broadcast_in_dim3A_341, %select_n3A_336 : vector<16x1024xi1>, vector<16x1024xi32>
      %slice3A_343 = vector.extract_strided_slice %slice3A_219 {offsets = [336, 0], sizes = [16, 1024], strides = [1, 1]} : vector<672x1024xf32> to vector<16x1024xf32>
      %lt3A_344 = arith.cmpf olt, %slice3A_343, %min3A_339 : vector<16x1024xf32>
      %min3A_345 = arith.minimumf %min3A_339, %slice3A_343 : vector<16x1024xf32>
      %jit3A_346 = arith.constant 21 : i32
      %broadcast_in_dim3A_347 = vector.broadcast %jit3A_346 : i32 to vector<16x1024xi32>
      %select_n3A_348 = arith.select %lt3A_344, %broadcast_in_dim3A_347, %select_n3A_342 : vector<16x1024xi1>, vector<16x1024xi32>
      %slice3A_349 = vector.extract_strided_slice %slice3A_219 {offsets = [352, 0], sizes = [16, 1024], strides = [1, 1]} : vector<672x1024xf32> to vector<16x1024xf32>
      %lt3A_350 = arith.cmpf olt, %slice3A_349, %min3A_345 : vector<16x1024xf32>
      %min3A_351 = arith.minimumf %min3A_345, %slice3A_349 : vector<16x1024xf32>
      %jit3A_352 = arith.constant 22 : i32
      %broadcast_in_dim3A_353 = vector.broadcast %jit3A_352 : i32 to vector<16x1024xi32>
      %select_n3A_354 = arith.select %lt3A_350, %broadcast_in_dim3A_353, %select_n3A_348 : vector<16x1024xi1>, vector<16x1024xi32>
      %slice3A_355 = vector.extract_strided_slice %slice3A_219 {offsets = [368, 0], sizes = [16, 1024], strides = [1, 1]} : vector<672x1024xf32> to vector<16x1024xf32>
      %lt3A_356 = arith.cmpf olt, %slice3A_355, %min3A_351 : vector<16x1024xf32>
      %min3A_357 = arith.minimumf %min3A_351, %slice3A_355 : vector<16x1024xf32>
      %jit3A_358 = arith.constant 23 : i32
      %broadcast_in_dim3A_359 = vector.broadcast %jit3A_358 : i32 to vector<16x1024xi32>
      %select_n3A_360 = arith.select %lt3A_356, %broadcast_in_dim3A_359, %select_n3A_354 : vector<16x1024xi1>, vector<16x1024xi32>
      %slice3A_361 = vector.extract_strided_slice %slice3A_219 {offsets = [384, 0], sizes = [16, 1024], strides = [1, 1]} : vector<672x1024xf32> to vector<16x1024xf32>
      %lt3A_362 = arith.cmpf olt, %slice3A_361, %min3A_357 : vector<16x1024xf32>
      %min3A_363 = arith.minimumf %min3A_357, %slice3A_361 : vector<16x1024xf32>
      %jit3A_364 = arith.constant 24 : i32
      %broadcast_in_dim3A_365 = vector.broadcast %jit3A_364 : i32 to vector<16x1024xi32>
      %select_n3A_366 = arith.select %lt3A_362, %broadcast_in_dim3A_365, %select_n3A_360 : vector<16x1024xi1>, vector<16x1024xi32>
      %slice3A_367 = vector.extract_strided_slice %slice3A_219 {offsets = [400, 0], sizes = [16, 1024], strides = [1, 1]} : vector<672x1024xf32> to vector<16x1024xf32>
      %lt3A_368 = arith.cmpf olt, %slice3A_367, %min3A_363 : vector<16x1024xf32>
      %min3A_369 = arith.minimumf %min3A_363, %slice3A_367 : vector<16x1024xf32>
      %jit3A_370 = arith.constant 25 : i32
      %broadcast_in_dim3A_371 = vector.broadcast %jit3A_370 : i32 to vector<16x1024xi32>
      %select_n3A_372 = arith.select %lt3A_368, %broadcast_in_dim3A_371, %select_n3A_366 : vector<16x1024xi1>, vector<16x1024xi32>
      %slice3A_373 = vector.extract_strided_slice %slice3A_219 {offsets = [416, 0], sizes = [16, 1024], strides = [1, 1]} : vector<672x1024xf32> to vector<16x1024xf32>
      %lt3A_374 = arith.cmpf olt, %slice3A_373, %min3A_369 : vector<16x1024xf32>
      %min3A_375 = arith.minimumf %min3A_369, %slice3A_373 : vector<16x1024xf32>
      %jit3A_376 = arith.constant 26 : i32
      %broadcast_in_dim3A_377 = vector.broadcast %jit3A_376 : i32 to vector<16x1024xi32>
      %select_n3A_378 = arith.select %lt3A_374, %broadcast_in_dim3A_377, %select_n3A_372 : vector<16x1024xi1>, vector<16x1024xi32>
      %slice3A_379 = vector.extract_strided_slice %slice3A_219 {offsets = [432, 0], sizes = [16, 1024], strides = [1, 1]} : vector<672x1024xf32> to vector<16x1024xf32>
      %lt3A_380 = arith.cmpf olt, %slice3A_379, %min3A_375 : vector<16x1024xf32>
      %min3A_381 = arith.minimumf %min3A_375, %slice3A_379 : vector<16x1024xf32>
      %jit3A_382 = arith.constant 27 : i32
      %broadcast_in_dim3A_383 = vector.broadcast %jit3A_382 : i32 to vector<16x1024xi32>
      %select_n3A_384 = arith.select %lt3A_380, %broadcast_in_dim3A_383, %select_n3A_378 : vector<16x1024xi1>, vector<16x1024xi32>
      %slice3A_385 = vector.extract_strided_slice %slice3A_219 {offsets = [448, 0], sizes = [16, 1024], strides = [1, 1]} : vector<672x1024xf32> to vector<16x1024xf32>
      %lt3A_386 = arith.cmpf olt, %slice3A_385, %min3A_381 : vector<16x1024xf32>
      %min3A_387 = arith.minimumf %min3A_381, %slice3A_385 : vector<16x1024xf32>
      %jit3A_388 = arith.constant 28 : i32
      %broadcast_in_dim3A_389 = vector.broadcast %jit3A_388 : i32 to vector<16x1024xi32>
      %select_n3A_390 = arith.select %lt3A_386, %broadcast_in_dim3A_389, %select_n3A_384 : vector<16x1024xi1>, vector<16x1024xi32>
      %slice3A_391 = vector.extract_strided_slice %slice3A_219 {offsets = [464, 0], sizes = [16, 1024], strides = [1, 1]} : vector<672x1024xf32> to vector<16x1024xf32>
      %lt3A_392 = arith.cmpf olt, %slice3A_391, %min3A_387 : vector<16x1024xf32>
      %min3A_393 = arith.minimumf %min3A_387, %slice3A_391 : vector<16x1024xf32>
      %jit3A_394 = arith.constant 29 : i32
      %broadcast_in_dim3A_395 = vector.broadcast %jit3A_394 : i32 to vector<16x1024xi32>
      %select_n3A_396 = arith.select %lt3A_392, %broadcast_in_dim3A_395, %select_n3A_390 : vector<16x1024xi1>, vector<16x1024xi32>
      %slice3A_397 = vector.extract_strided_slice %slice3A_219 {offsets = [480, 0], sizes = [16, 1024], strides = [1, 1]} : vector<672x1024xf32> to vector<16x1024xf32>
      %lt3A_398 = arith.cmpf olt, %slice3A_397, %min3A_393 : vector<16x1024xf32>
      %min3A_399 = arith.minimumf %min3A_393, %slice3A_397 : vector<16x1024xf32>
      %jit3A_400 = arith.constant 30 : i32
      %broadcast_in_dim3A_401 = vector.broadcast %jit3A_400 : i32 to vector<16x1024xi32>
      %select_n3A_402 = arith.select %lt3A_398, %broadcast_in_dim3A_401, %select_n3A_396 : vector<16x1024xi1>, vector<16x1024xi32>
      %slice3A_403 = vector.extract_strided_slice %slice3A_219 {offsets = [496, 0], sizes = [16, 1024], strides = [1, 1]} : vector<672x1024xf32> to vector<16x1024xf32>
      %lt3A_404 = arith.cmpf olt, %slice3A_403, %min3A_399 : vector<16x1024xf32>
      %min3A_405 = arith.minimumf %min3A_399, %slice3A_403 : vector<16x1024xf32>
      %jit3A_406 = arith.constant 31 : i32
      %broadcast_in_dim3A_407 = vector.broadcast %jit3A_406 : i32 to vector<16x1024xi32>
      %select_n3A_408 = arith.select %lt3A_404, %broadcast_in_dim3A_407, %select_n3A_402 : vector<16x1024xi1>, vector<16x1024xi32>
      %slice3A_409 = vector.extract_strided_slice %slice3A_219 {offsets = [512, 0], sizes = [16, 1024], strides = [1, 1]} : vector<672x1024xf32> to vector<16x1024xf32>
      %lt3A_410 = arith.cmpf olt, %slice3A_409, %min3A_405 : vector<16x1024xf32>
      %min3A_411 = arith.minimumf %min3A_405, %slice3A_409 : vector<16x1024xf32>
      %jit3A_412 = arith.constant 32 : i32
      %broadcast_in_dim3A_413 = vector.broadcast %jit3A_412 : i32 to vector<16x1024xi32>
      %select_n3A_414 = arith.select %lt3A_410, %broadcast_in_dim3A_413, %select_n3A_408 : vector<16x1024xi1>, vector<16x1024xi32>
      %slice3A_415 = vector.extract_strided_slice %slice3A_219 {offsets = [528, 0], sizes = [16, 1024], strides = [1, 1]} : vector<672x1024xf32> to vector<16x1024xf32>
      %lt3A_416 = arith.cmpf olt, %slice3A_415, %min3A_411 : vector<16x1024xf32>
      %min3A_417 = arith.minimumf %min3A_411, %slice3A_415 : vector<16x1024xf32>
      %jit3A_418 = arith.constant 33 : i32
      %broadcast_in_dim3A_419 = vector.broadcast %jit3A_418 : i32 to vector<16x1024xi32>
      %select_n3A_420 = arith.select %lt3A_416, %broadcast_in_dim3A_419, %select_n3A_414 : vector<16x1024xi1>, vector<16x1024xi32>
      %slice3A_421 = vector.extract_strided_slice %slice3A_219 {offsets = [544, 0], sizes = [16, 1024], strides = [1, 1]} : vector<672x1024xf32> to vector<16x1024xf32>
      %lt3A_422 = arith.cmpf olt, %slice3A_421, %min3A_417 : vector<16x1024xf32>
      %min3A_423 = arith.minimumf %min3A_417, %slice3A_421 : vector<16x1024xf32>
      %jit3A_424 = arith.constant 34 : i32
      %broadcast_in_dim3A_425 = vector.broadcast %jit3A_424 : i32 to vector<16x1024xi32>
      %select_n3A_426 = arith.select %lt3A_422, %broadcast_in_dim3A_425, %select_n3A_420 : vector<16x1024xi1>, vector<16x1024xi32>
      %slice3A_427 = vector.extract_strided_slice %slice3A_219 {offsets = [560, 0], sizes = [16, 1024], strides = [1, 1]} : vector<672x1024xf32> to vector<16x1024xf32>
      %lt3A_428 = arith.cmpf olt, %slice3A_427, %min3A_423 : vector<16x1024xf32>
      %min3A_429 = arith.minimumf %min3A_423, %slice3A_427 : vector<16x1024xf32>
      %jit3A_430 = arith.constant 35 : i32
      %broadcast_in_dim3A_431 = vector.broadcast %jit3A_430 : i32 to vector<16x1024xi32>
      %select_n3A_432 = arith.select %lt3A_428, %broadcast_in_dim3A_431, %select_n3A_426 : vector<16x1024xi1>, vector<16x1024xi32>
      %slice3A_433 = vector.extract_strided_slice %slice3A_219 {offsets = [576, 0], sizes = [16, 1024], strides = [1, 1]} : vector<672x1024xf32> to vector<16x1024xf32>
      %lt3A_434 = arith.cmpf olt, %slice3A_433, %min3A_429 : vector<16x1024xf32>
      %min3A_435 = arith.minimumf %min3A_429, %slice3A_433 : vector<16x1024xf32>
      %jit3A_436 = arith.constant 36 : i32
      %broadcast_in_dim3A_437 = vector.broadcast %jit3A_436 : i32 to vector<16x1024xi32>
      %select_n3A_438 = arith.select %lt3A_434, %broadcast_in_dim3A_437, %select_n3A_432 : vector<16x1024xi1>, vector<16x1024xi32>
      %slice3A_439 = vector.extract_strided_slice %slice3A_219 {offsets = [592, 0], sizes = [16, 1024], strides = [1, 1]} : vector<672x1024xf32> to vector<16x1024xf32>
      %lt3A_440 = arith.cmpf olt, %slice3A_439, %min3A_435 : vector<16x1024xf32>
      %min3A_441 = arith.minimumf %min3A_435, %slice3A_439 : vector<16x1024xf32>
      %jit3A_442 = arith.constant 37 : i32
      %broadcast_in_dim3A_443 = vector.broadcast %jit3A_442 : i32 to vector<16x1024xi32>
      %select_n3A_444 = arith.select %lt3A_440, %broadcast_in_dim3A_443, %select_n3A_438 : vector<16x1024xi1>, vector<16x1024xi32>
      %slice3A_445 = vector.extract_strided_slice %slice3A_219 {offsets = [608, 0], sizes = [16, 1024], strides = [1, 1]} : vector<672x1024xf32> to vector<16x1024xf32>
      %lt3A_446 = arith.cmpf olt, %slice3A_445, %min3A_441 : vector<16x1024xf32>
      %min3A_447 = arith.minimumf %min3A_441, %slice3A_445 : vector<16x1024xf32>
      %jit3A_448 = arith.constant 38 : i32
      %broadcast_in_dim3A_449 = vector.broadcast %jit3A_448 : i32 to vector<16x1024xi32>
      %select_n3A_450 = arith.select %lt3A_446, %broadcast_in_dim3A_449, %select_n3A_444 : vector<16x1024xi1>, vector<16x1024xi32>
      %slice3A_451 = vector.extract_strided_slice %slice3A_219 {offsets = [624, 0], sizes = [16, 1024], strides = [1, 1]} : vector<672x1024xf32> to vector<16x1024xf32>
      %lt3A_452 = arith.cmpf olt, %slice3A_451, %min3A_447 : vector<16x1024xf32>
      %min3A_453 = arith.minimumf %min3A_447, %slice3A_451 : vector<16x1024xf32>
      %jit3A_454 = arith.constant 39 : i32
      %broadcast_in_dim3A_455 = vector.broadcast %jit3A_454 : i32 to vector<16x1024xi32>
      %select_n3A_456 = arith.select %lt3A_452, %broadcast_in_dim3A_455, %select_n3A_450 : vector<16x1024xi1>, vector<16x1024xi32>
      %slice3A_457 = vector.extract_strided_slice %slice3A_219 {offsets = [640, 0], sizes = [16, 1024], strides = [1, 1]} : vector<672x1024xf32> to vector<16x1024xf32>
      %lt3A_458 = arith.cmpf olt, %slice3A_457, %min3A_453 : vector<16x1024xf32>
      %min3A_459 = arith.minimumf %min3A_453, %slice3A_457 : vector<16x1024xf32>
      %jit3A_460 = arith.constant 40 : i32
      %broadcast_in_dim3A_461 = vector.broadcast %jit3A_460 : i32 to vector<16x1024xi32>
      %select_n3A_462 = arith.select %lt3A_458, %broadcast_in_dim3A_461, %select_n3A_456 : vector<16x1024xi1>, vector<16x1024xi32>
      %slice3A_463 = vector.extract_strided_slice %slice3A_219 {offsets = [656, 0], sizes = [16, 1024], strides = [1, 1]} : vector<672x1024xf32> to vector<16x1024xf32>
      %lt3A_464 = arith.cmpf olt, %slice3A_463, %min3A_459 : vector<16x1024xf32>
      %min3A_465 = arith.minimumf %min3A_459, %slice3A_463 : vector<16x1024xf32>
      %jit3A_466 = arith.constant 41 : i32
      %broadcast_in_dim3A_467 = vector.broadcast %jit3A_466 : i32 to vector<16x1024xi32>
      %select_n3A_468 = arith.select %lt3A_464, %broadcast_in_dim3A_467, %select_n3A_462 : vector<16x1024xi1>, vector<16x1024xi32>
      %mul3A_469 = arith.constant 16 : i32
      %mul3A_470 = vector.broadcast %mul3A_469 : i32 to vector<16x1024xi32>
      %mul3A_471 = arith.muli %select_n3A_468, %mul3A_470 : vector<16x1024xi32>
      %iota3A_472 = tpu.iota {dimensions = array<i32: 0>} : vector<16x1024xi32>
      %add3A_473 = arith.addi %mul3A_471, %iota3A_472 : vector<16x1024xi32>
      %reduce_min3A_474 = arith.constant dense<0x7F800000> : vector<1024xf32>
      %reduce_min3A_475 = vector.multi_reduction <minimumf>, %min3A_465, %reduce_min3A_474 [0] : vector<16x1024xf32> to vector<1024xf32>
      %broadcast_in_dim3A_476 = vector.shape_cast %reduce_min3A_475 : vector<1024xf32> to vector<1x1024xf32>
      %eq3A_477 = vector.broadcast %broadcast_in_dim3A_476 : vector<1x1024xf32> to vector<16x1024xf32>
      %eq3A_478 = arith.cmpf oeq, %min3A_465, %eq3A_477 : vector<16x1024xf32>
      %jit3A_479 = arith.constant 8192 : i32
      %broadcast_in_dim3A_480 = vector.broadcast %jit3A_479 : i32 to vector<16x1024xi32>
      %select_n3A_481 = arith.select %eq3A_478, %add3A_473, %broadcast_in_dim3A_480 : vector<16x1024xi1>, vector<16x1024xi32>
      %reduce_min3A_482 = arith.constant dense<2147483647> : vector<1024xi32>
      %reduce_min3A_483 = vector.multi_reduction <minsi>, %select_n3A_481, %reduce_min3A_482 [0] : vector<16x1024xi32> to vector<1024xi32>
      %broadcast_in_dim3A_484 = vector.shape_cast %reduce_min3A_483 : vector<1024xi32> to vector<1x1024xi32>
      %add3A_485 = arith.constant 5472 : i32
      %add3A_486 = vector.broadcast %add3A_485 : i32 to vector<1x1024xi32>
      %add3A_487 = arith.addi %broadcast_in_dim3A_484, %add3A_486 : vector<1x1024xi32>
      %get3A_488 = arith.constant 0 : index
      %get3A_489 = arith.constant 0 : index
      %get3A_490 = vector.load %arg15[%get3A_488, %get3A_489] : memref<1x1024xf32, #tpu.memory_space<vmem>>, vector<1x1024xf32>
      %lt3A_491 = arith.cmpf olt, %broadcast_in_dim3A_476, %get3A_490 : vector<1x1024xf32>
      %get3A_492 = arith.constant 0 : index
      %get3A_493 = arith.constant 0 : index
      %get3A_494 = vector.load %arg16[%get3A_492, %get3A_493] : memref<1x1024xi32, #tpu.memory_space<vmem>>, vector<1x1024xi32>
      %select_n3A_495 = arith.select %lt3A_491, %add3A_487, %get3A_494 : vector<1x1024xi1>, vector<1x1024xi32>
      %swap3A_496 = arith.constant 0 : index
      %swap3A_497 = arith.constant 0 : index
      %swap3A_498 = vector.load %arg16[%swap3A_496, %swap3A_497] : memref<1x1024xi32, #tpu.memory_space<vmem>>, vector<1x1024xi32>
      tpu.vector_store %arg16[%swap3A_496, %swap3A_497], %select_n3A_495 {strides = array<i32>} : memref<1x1024xi32, #tpu.memory_space<vmem>>, vector<1x1024xi32>,
      %get3A_499 = arith.constant 0 : index
      %get3A_500 = arith.constant 0 : index
      %get3A_501 = vector.load %arg15[%get3A_499, %get3A_500] : memref<1x1024xf32, #tpu.memory_space<vmem>>, vector<1x1024xf32>
      %select_n3A_502 = arith.select %lt3A_491, %broadcast_in_dim3A_476, %get3A_501 : vector<1x1024xi1>, vector<1x1024xf32>
      %swap3A_503 = arith.constant 0 : index
      %swap3A_504 = arith.constant 0 : index
      %swap3A_505 = vector.load %arg15[%swap3A_503, %swap3A_504] : memref<1x1024xf32, #tpu.memory_space<vmem>>, vector<1x1024xf32>
      tpu.vector_store %arg15[%swap3A_503, %swap3A_504], %select_n3A_502 {strides = array<i32>} : memref<1x1024xf32, #tpu.memory_space<vmem>>, vector<1x1024xf32>,
    } else {
    }
    %eq3A_47 = arith.constant 6 : i32
    %eq3A_48 = arith.cmpi eq, %arg1, %eq3A_47 : i32
    %convert_element_type3A_49 = arith.extui %eq3A_48 : i1 to i32
    %cond3A_50 = arith.constant 0 : i32
    %cond3A_51 = arith.cmpi ne, %convert_element_type3A_49, %cond3A_50 : i32
    scf.if %cond3A_51 {
      %slice3A = vector.extract_strided_slice %add3A_16 {offsets = [0, 0], sizes = [16, 1024], strides = [1, 1]} : vector<1024x1024xf32> to vector<16x1024xf32>
      %broadcast_in_dim3A = arith.constant 0 : i32
      %broadcast_in_dim3A_62 = vector.broadcast %broadcast_in_dim3A : i32 to vector<16x1024xi32>
      %slice3A_63 = vector.extract_strided_slice %add3A_16 {offsets = [16, 0], sizes = [16, 1024], strides = [1, 1]} : vector<1024x1024xf32> to vector<16x1024xf32>
      %lt3A = arith.cmpf olt, %slice3A_63, %slice3A : vector<16x1024xf32>
      %min3A = arith.minimumf %slice3A, %slice3A_63 : vector<16x1024xf32>
      %jit3A = arith.constant 1 : i32
      %broadcast_in_dim3A_64 = vector.broadcast %jit3A : i32 to vector<16x1024xi32>
      %select_n3A = arith.select %lt3A, %broadcast_in_dim3A_64, %broadcast_in_dim3A_62 : vector<16x1024xi1>, vector<16x1024xi32>
      %slice3A_65 = vector.extract_strided_slice %add3A_16 {offsets = [32, 0], sizes = [16, 1024], strides = [1, 1]} : vector<1024x1024xf32> to vector<16x1024xf32>
      %lt3A_66 = arith.cmpf olt, %slice3A_65, %min3A : vector<16x1024xf32>
      %min3A_67 = arith.minimumf %min3A, %slice3A_65 : vector<16x1024xf32>
      %jit3A_68 = arith.constant 2 : i32
      %broadcast_in_dim3A_69 = vector.broadcast %jit3A_68 : i32 to vector<16x1024xi32>
      %select_n3A_70 = arith.select %lt3A_66, %broadcast_in_dim3A_69, %select_n3A : vector<16x1024xi1>, vector<16x1024xi32>
      %slice3A_71 = vector.extract_strided_slice %add3A_16 {offsets = [48, 0], sizes = [16, 1024], strides = [1, 1]} : vector<1024x1024xf32> to vector<16x1024xf32>
      %lt3A_72 = arith.cmpf olt, %slice3A_71, %min3A_67 : vector<16x1024xf32>
      %min3A_73 = arith.minimumf %min3A_67, %slice3A_71 : vector<16x1024xf32>
      %jit3A_74 = arith.constant 3 : i32
      %broadcast_in_dim3A_75 = vector.broadcast %jit3A_74 : i32 to vector<16x1024xi32>
      %select_n3A_76 = arith.select %lt3A_72, %broadcast_in_dim3A_75, %select_n3A_70 : vector<16x1024xi1>, vector<16x1024xi32>
      %slice3A_77 = vector.extract_strided_slice %add3A_16 {offsets = [64, 0], sizes = [16, 1024], strides = [1, 1]} : vector<1024x1024xf32> to vector<16x1024xf32>
      %lt3A_78 = arith.cmpf olt, %slice3A_77, %min3A_73 : vector<16x1024xf32>
      %min3A_79 = arith.minimumf %min3A_73, %slice3A_77 : vector<16x1024xf32>
      %jit3A_80 = arith.constant 4 : i32
      %broadcast_in_dim3A_81 = vector.broadcast %jit3A_80 : i32 to vector<16x1024xi32>
      %select_n3A_82 = arith.select %lt3A_78, %broadcast_in_dim3A_81, %select_n3A_76 : vector<16x1024xi1>, vector<16x1024xi32>
      %slice3A_83 = vector.extract_strided_slice %add3A_16 {offsets = [80, 0], sizes = [16, 1024], strides = [1, 1]} : vector<1024x1024xf32> to vector<16x1024xf32>
      %lt3A_84 = arith.cmpf olt, %slice3A_83, %min3A_79 : vector<16x1024xf32>
      %min3A_85 = arith.minimumf %min3A_79, %slice3A_83 : vector<16x1024xf32>
      %jit3A_86 = arith.constant 5 : i32
      %broadcast_in_dim3A_87 = vector.broadcast %jit3A_86 : i32 to vector<16x1024xi32>
      %select_n3A_88 = arith.select %lt3A_84, %broadcast_in_dim3A_87, %select_n3A_82 : vector<16x1024xi1>, vector<16x1024xi32>
      %slice3A_89 = vector.extract_strided_slice %add3A_16 {offsets = [96, 0], sizes = [16, 1024], strides = [1, 1]} : vector<1024x1024xf32> to vector<16x1024xf32>
      %lt3A_90 = arith.cmpf olt, %slice3A_89, %min3A_85 : vector<16x1024xf32>
      %min3A_91 = arith.minimumf %min3A_85, %slice3A_89 : vector<16x1024xf32>
      %jit3A_92 = arith.constant 6 : i32
      %broadcast_in_dim3A_93 = vector.broadcast %jit3A_92 : i32 to vector<16x1024xi32>
      %select_n3A_94 = arith.select %lt3A_90, %broadcast_in_dim3A_93, %select_n3A_88 : vector<16x1024xi1>, vector<16x1024xi32>
      %slice3A_95 = vector.extract_strided_slice %add3A_16 {offsets = [112, 0], sizes = [16, 1024], strides = [1, 1]} : vector<1024x1024xf32> to vector<16x1024xf32>
      %lt3A_96 = arith.cmpf olt, %slice3A_95, %min3A_91 : vector<16x1024xf32>
      %min3A_97 = arith.minimumf %min3A_91, %slice3A_95 : vector<16x1024xf32>
      %jit3A_98 = arith.constant 7 : i32
      %broadcast_in_dim3A_99 = vector.broadcast %jit3A_98 : i32 to vector<16x1024xi32>
      %select_n3A_100 = arith.select %lt3A_96, %broadcast_in_dim3A_99, %select_n3A_94 : vector<16x1024xi1>, vector<16x1024xi32>
      %slice3A_101 = vector.extract_strided_slice %add3A_16 {offsets = [128, 0], sizes = [16, 1024], strides = [1, 1]} : vector<1024x1024xf32> to vector<16x1024xf32>
      %lt3A_102 = arith.cmpf olt, %slice3A_101, %min3A_97 : vector<16x1024xf32>
      %min3A_103 = arith.minimumf %min3A_97, %slice3A_101 : vector<16x1024xf32>
      %jit3A_104 = arith.constant 8 : i32
      %broadcast_in_dim3A_105 = vector.broadcast %jit3A_104 : i32 to vector<16x1024xi32>
      %select_n3A_106 = arith.select %lt3A_102, %broadcast_in_dim3A_105, %select_n3A_100 : vector<16x1024xi1>, vector<16x1024xi32>
      %slice3A_107 = vector.extract_strided_slice %add3A_16 {offsets = [144, 0], sizes = [16, 1024], strides = [1, 1]} : vector<1024x1024xf32> to vector<16x1024xf32>
      %lt3A_108 = arith.cmpf olt, %slice3A_107, %min3A_103 : vector<16x1024xf32>
      %min3A_109 = arith.minimumf %min3A_103, %slice3A_107 : vector<16x1024xf32>
      %jit3A_110 = arith.constant 9 : i32
      %broadcast_in_dim3A_111 = vector.broadcast %jit3A_110 : i32 to vector<16x1024xi32>
      %select_n3A_112 = arith.select %lt3A_108, %broadcast_in_dim3A_111, %select_n3A_106 : vector<16x1024xi1>, vector<16x1024xi32>
      %slice3A_113 = vector.extract_strided_slice %add3A_16 {offsets = [160, 0], sizes = [16, 1024], strides = [1, 1]} : vector<1024x1024xf32> to vector<16x1024xf32>
      %lt3A_114 = arith.cmpf olt, %slice3A_113, %min3A_109 : vector<16x1024xf32>
      %min3A_115 = arith.minimumf %min3A_109, %slice3A_113 : vector<16x1024xf32>
      %jit3A_116 = arith.constant 10 : i32
      %broadcast_in_dim3A_117 = vector.broadcast %jit3A_116 : i32 to vector<16x1024xi32>
      %select_n3A_118 = arith.select %lt3A_114, %broadcast_in_dim3A_117, %select_n3A_112 : vector<16x1024xi1>, vector<16x1024xi32>
      %slice3A_119 = vector.extract_strided_slice %add3A_16 {offsets = [176, 0], sizes = [16, 1024], strides = [1, 1]} : vector<1024x1024xf32> to vector<16x1024xf32>
      %lt3A_120 = arith.cmpf olt, %slice3A_119, %min3A_115 : vector<16x1024xf32>
      %min3A_121 = arith.minimumf %min3A_115, %slice3A_119 : vector<16x1024xf32>
      %jit3A_122 = arith.constant 11 : i32
      %broadcast_in_dim3A_123 = vector.broadcast %jit3A_122 : i32 to vector<16x1024xi32>
      %select_n3A_124 = arith.select %lt3A_120, %broadcast_in_dim3A_123, %select_n3A_118 : vector<16x1024xi1>, vector<16x1024xi32>
      %slice3A_125 = vector.extract_strided_slice %add3A_16 {offsets = [192, 0], sizes = [16, 1024], strides = [1, 1]} : vector<1024x1024xf32> to vector<16x1024xf32>
      %lt3A_126 = arith.cmpf olt, %slice3A_125, %min3A_121 : vector<16x1024xf32>
      %min3A_127 = arith.minimumf %min3A_121, %slice3A_125 : vector<16x1024xf32>
      %jit3A_128 = arith.constant 12 : i32
      %broadcast_in_dim3A_129 = vector.broadcast %jit3A_128 : i32 to vector<16x1024xi32>
      %select_n3A_130 = arith.select %lt3A_126, %broadcast_in_dim3A_129, %select_n3A_124 : vector<16x1024xi1>, vector<16x1024xi32>
      %slice3A_131 = vector.extract_strided_slice %add3A_16 {offsets = [208, 0], sizes = [16, 1024], strides = [1, 1]} : vector<1024x1024xf32> to vector<16x1024xf32>
      %lt3A_132 = arith.cmpf olt, %slice3A_131, %min3A_127 : vector<16x1024xf32>
      %min3A_133 = arith.minimumf %min3A_127, %slice3A_131 : vector<16x1024xf32>
      %jit3A_134 = arith.constant 13 : i32
      %broadcast_in_dim3A_135 = vector.broadcast %jit3A_134 : i32 to vector<16x1024xi32>
      %select_n3A_136 = arith.select %lt3A_132, %broadcast_in_dim3A_135, %select_n3A_130 : vector<16x1024xi1>, vector<16x1024xi32>
      %slice3A_137 = vector.extract_strided_slice %add3A_16 {offsets = [224, 0], sizes = [16, 1024], strides = [1, 1]} : vector<1024x1024xf32> to vector<16x1024xf32>
      %lt3A_138 = arith.cmpf olt, %slice3A_137, %min3A_133 : vector<16x1024xf32>
      %min3A_139 = arith.minimumf %min3A_133, %slice3A_137 : vector<16x1024xf32>
      %jit3A_140 = arith.constant 14 : i32
      %broadcast_in_dim3A_141 = vector.broadcast %jit3A_140 : i32 to vector<16x1024xi32>
      %select_n3A_142 = arith.select %lt3A_138, %broadcast_in_dim3A_141, %select_n3A_136 : vector<16x1024xi1>, vector<16x1024xi32>
      %slice3A_143 = vector.extract_strided_slice %add3A_16 {offsets = [240, 0], sizes = [16, 1024], strides = [1, 1]} : vector<1024x1024xf32> to vector<16x1024xf32>
      %lt3A_144 = arith.cmpf olt, %slice3A_143, %min3A_139 : vector<16x1024xf32>
      %min3A_145 = arith.minimumf %min3A_139, %slice3A_143 : vector<16x1024xf32>
      %jit3A_146 = arith.constant 15 : i32
      %broadcast_in_dim3A_147 = vector.broadcast %jit3A_146 : i32 to vector<16x1024xi32>
      %select_n3A_148 = arith.select %lt3A_144, %broadcast_in_dim3A_147, %select_n3A_142 : vector<16x1024xi1>, vector<16x1024xi32>
      %slice3A_149 = vector.extract_strided_slice %add3A_16 {offsets = [256, 0], sizes = [16, 1024], strides = [1, 1]} : vector<1024x1024xf32> to vector<16x1024xf32>
      %lt3A_150 = arith.cmpf olt, %slice3A_149, %min3A_145 : vector<16x1024xf32>
      %min3A_151 = arith.minimumf %min3A_145, %slice3A_149 : vector<16x1024xf32>
      %jit3A_152 = arith.constant 16 : i32
      %broadcast_in_dim3A_153 = vector.broadcast %jit3A_152 : i32 to vector<16x1024xi32>
      %select_n3A_154 = arith.select %lt3A_150, %broadcast_in_dim3A_153, %select_n3A_148 : vector<16x1024xi1>, vector<16x1024xi32>
      %slice3A_155 = vector.extract_strided_slice %add3A_16 {offsets = [272, 0], sizes = [16, 1024], strides = [1, 1]} : vector<1024x1024xf32> to vector<16x1024xf32>
      %lt3A_156 = arith.cmpf olt, %slice3A_155, %min3A_151 : vector<16x1024xf32>
      %min3A_157 = arith.minimumf %min3A_151, %slice3A_155 : vector<16x1024xf32>
      %jit3A_158 = arith.constant 17 : i32
      %broadcast_in_dim3A_159 = vector.broadcast %jit3A_158 : i32 to vector<16x1024xi32>
      %select_n3A_160 = arith.select %lt3A_156, %broadcast_in_dim3A_159, %select_n3A_154 : vector<16x1024xi1>, vector<16x1024xi32>
      %slice3A_161 = vector.extract_strided_slice %add3A_16 {offsets = [288, 0], sizes = [16, 1024], strides = [1, 1]} : vector<1024x1024xf32> to vector<16x1024xf32>
      %lt3A_162 = arith.cmpf olt, %slice3A_161, %min3A_157 : vector<16x1024xf32>
      %min3A_163 = arith.minimumf %min3A_157, %slice3A_161 : vector<16x1024xf32>
      %jit3A_164 = arith.constant 18 : i32
      %broadcast_in_dim3A_165 = vector.broadcast %jit3A_164 : i32 to vector<16x1024xi32>
      %select_n3A_166 = arith.select %lt3A_162, %broadcast_in_dim3A_165, %select_n3A_160 : vector<16x1024xi1>, vector<16x1024xi32>
      %slice3A_167 = vector.extract_strided_slice %add3A_16 {offsets = [304, 0], sizes = [16, 1024], strides = [1, 1]} : vector<1024x1024xf32> to vector<16x1024xf32>
      %lt3A_168 = arith.cmpf olt, %slice3A_167, %min3A_163 : vector<16x1024xf32>
      %min3A_169 = arith.minimumf %min3A_163, %slice3A_167 : vector<16x1024xf32>
      %jit3A_170 = arith.constant 19 : i32
      %broadcast_in_dim3A_171 = vector.broadcast %jit3A_170 : i32 to vector<16x1024xi32>
      %select_n3A_172 = arith.select %lt3A_168, %broadcast_in_dim3A_171, %select_n3A_166 : vector<16x1024xi1>, vector<16x1024xi32>
      %slice3A_173 = vector.extract_strided_slice %add3A_16 {offsets = [320, 0], sizes = [16, 1024], strides = [1, 1]} : vector<1024x1024xf32> to vector<16x1024xf32>
      %lt3A_174 = arith.cmpf olt, %slice3A_173, %min3A_169 : vector<16x1024xf32>
      %min3A_175 = arith.minimumf %min3A_169, %slice3A_173 : vector<16x1024xf32>
      %jit3A_176 = arith.constant 20 : i32
      %broadcast_in_dim3A_177 = vector.broadcast %jit3A_176 : i32 to vector<16x1024xi32>
      %select_n3A_178 = arith.select %lt3A_174, %broadcast_in_dim3A_177, %select_n3A_172 : vector<16x1024xi1>, vector<16x1024xi32>
      %slice3A_179 = vector.extract_strided_slice %add3A_16 {offsets = [336, 0], sizes = [16, 1024], strides = [1, 1]} : vector<1024x1024xf32> to vector<16x1024xf32>
      %lt3A_180 = arith.cmpf olt, %slice3A_179, %min3A_175 : vector<16x1024xf32>
      %min3A_181 = arith.minimumf %min3A_175, %slice3A_179 : vector<16x1024xf32>
      %jit3A_182 = arith.constant 21 : i32
      %broadcast_in_dim3A_183 = vector.broadcast %jit3A_182 : i32 to vector<16x1024xi32>
      %select_n3A_184 = arith.select %lt3A_180, %broadcast_in_dim3A_183, %select_n3A_178 : vector<16x1024xi1>, vector<16x1024xi32>
      %slice3A_185 = vector.extract_strided_slice %add3A_16 {offsets = [352, 0], sizes = [16, 1024], strides = [1, 1]} : vector<1024x1024xf32> to vector<16x1024xf32>
      %lt3A_186 = arith.cmpf olt, %slice3A_185, %min3A_181 : vector<16x1024xf32>
      %min3A_187 = arith.minimumf %min3A_181, %slice3A_185 : vector<16x1024xf32>
      %jit3A_188 = arith.constant 22 : i32
      %broadcast_in_dim3A_189 = vector.broadcast %jit3A_188 : i32 to vector<16x1024xi32>
      %select_n3A_190 = arith.select %lt3A_186, %broadcast_in_dim3A_189, %select_n3A_184 : vector<16x1024xi1>, vector<16x1024xi32>
      %slice3A_191 = vector.extract_strided_slice %add3A_16 {offsets = [368, 0], sizes = [16, 1024], strides = [1, 1]} : vector<1024x1024xf32> to vector<16x1024xf32>
      %lt3A_192 = arith.cmpf olt, %slice3A_191, %min3A_187 : vector<16x1024xf32>
      %min3A_193 = arith.minimumf %min3A_187, %slice3A_191 : vector<16x1024xf32>
      %jit3A_194 = arith.constant 23 : i32
      %broadcast_in_dim3A_195 = vector.broadcast %jit3A_194 : i32 to vector<16x1024xi32>
      %select_n3A_196 = arith.select %lt3A_192, %broadcast_in_dim3A_195, %select_n3A_190 : vector<16x1024xi1>, vector<16x1024xi32>
      %slice3A_197 = vector.extract_strided_slice %add3A_16 {offsets = [384, 0], sizes = [16, 1024], strides = [1, 1]} : vector<1024x1024xf32> to vector<16x1024xf32>
      %lt3A_198 = arith.cmpf olt, %slice3A_197, %min3A_193 : vector<16x1024xf32>
      %min3A_199 = arith.minimumf %min3A_193, %slice3A_197 : vector<16x1024xf32>
      %jit3A_200 = arith.constant 24 : i32
      %broadcast_in_dim3A_201 = vector.broadcast %jit3A_200 : i32 to vector<16x1024xi32>
      %select_n3A_202 = arith.select %lt3A_198, %broadcast_in_dim3A_201, %select_n3A_196 : vector<16x1024xi1>, vector<16x1024xi32>
      %slice3A_203 = vector.extract_strided_slice %add3A_16 {offsets = [400, 0], sizes = [16, 1024], strides = [1, 1]} : vector<1024x1024xf32> to vector<16x1024xf32>
      %lt3A_204 = arith.cmpf olt, %slice3A_203, %min3A_199 : vector<16x1024xf32>
      %min3A_205 = arith.minimumf %min3A_199, %slice3A_203 : vector<16x1024xf32>
      %jit3A_206 = arith.constant 25 : i32
      %broadcast_in_dim3A_207 = vector.broadcast %jit3A_206 : i32 to vector<16x1024xi32>
      %select_n3A_208 = arith.select %lt3A_204, %broadcast_in_dim3A_207, %select_n3A_202 : vector<16x1024xi1>, vector<16x1024xi32>
      %slice3A_209 = vector.extract_strided_slice %add3A_16 {offsets = [416, 0], sizes = [16, 1024], strides = [1, 1]} : vector<1024x1024xf32> to vector<16x1024xf32>
      %lt3A_210 = arith.cmpf olt, %slice3A_209, %min3A_205 : vector<16x1024xf32>
      %min3A_211 = arith.minimumf %min3A_205, %slice3A_209 : vector<16x1024xf32>
      %jit3A_212 = arith.constant 26 : i32
      %broadcast_in_dim3A_213 = vector.broadcast %jit3A_212 : i32 to vector<16x1024xi32>
      %select_n3A_214 = arith.select %lt3A_210, %broadcast_in_dim3A_213, %select_n3A_208 : vector<16x1024xi1>, vector<16x1024xi32>
      %slice3A_215 = vector.extract_strided_slice %add3A_16 {offsets = [432, 0], sizes = [16, 1024], strides = [1, 1]} : vector<1024x1024xf32> to vector<16x1024xf32>
      %lt3A_216 = arith.cmpf olt, %slice3A_215, %min3A_211 : vector<16x1024xf32>
      %min3A_217 = arith.minimumf %min3A_211, %slice3A_215 : vector<16x1024xf32>
      %jit3A_218 = arith.constant 27 : i32
      %broadcast_in_dim3A_219 = vector.broadcast %jit3A_218 : i32 to vector<16x1024xi32>
      %select_n3A_220 = arith.select %lt3A_216, %broadcast_in_dim3A_219, %select_n3A_214 : vector<16x1024xi1>, vector<16x1024xi32>
      %slice3A_221 = vector.extract_strided_slice %add3A_16 {offsets = [448, 0], sizes = [16, 1024], strides = [1, 1]} : vector<1024x1024xf32> to vector<16x1024xf32>
      %lt3A_222 = arith.cmpf olt, %slice3A_221, %min3A_217 : vector<16x1024xf32>
      %min3A_223 = arith.minimumf %min3A_217, %slice3A_221 : vector<16x1024xf32>
      %jit3A_224 = arith.constant 28 : i32
      %broadcast_in_dim3A_225 = vector.broadcast %jit3A_224 : i32 to vector<16x1024xi32>
      %select_n3A_226 = arith.select %lt3A_222, %broadcast_in_dim3A_225, %select_n3A_220 : vector<16x1024xi1>, vector<16x1024xi32>
      %slice3A_227 = vector.extract_strided_slice %add3A_16 {offsets = [464, 0], sizes = [16, 1024], strides = [1, 1]} : vector<1024x1024xf32> to vector<16x1024xf32>
      %lt3A_228 = arith.cmpf olt, %slice3A_227, %min3A_223 : vector<16x1024xf32>
      %min3A_229 = arith.minimumf %min3A_223, %slice3A_227 : vector<16x1024xf32>
      %jit3A_230 = arith.constant 29 : i32
      %broadcast_in_dim3A_231 = vector.broadcast %jit3A_230 : i32 to vector<16x1024xi32>
      %select_n3A_232 = arith.select %lt3A_228, %broadcast_in_dim3A_231, %select_n3A_226 : vector<16x1024xi1>, vector<16x1024xi32>
      %slice3A_233 = vector.extract_strided_slice %add3A_16 {offsets = [480, 0], sizes = [16, 1024], strides = [1, 1]} : vector<1024x1024xf32> to vector<16x1024xf32>
      %lt3A_234 = arith.cmpf olt, %slice3A_233, %min3A_229 : vector<16x1024xf32>
      %min3A_235 = arith.minimumf %min3A_229, %slice3A_233 : vector<16x1024xf32>
      %jit3A_236 = arith.constant 30 : i32
      %broadcast_in_dim3A_237 = vector.broadcast %jit3A_236 : i32 to vector<16x1024xi32>
      %select_n3A_238 = arith.select %lt3A_234, %broadcast_in_dim3A_237, %select_n3A_232 : vector<16x1024xi1>, vector<16x1024xi32>
      %slice3A_239 = vector.extract_strided_slice %add3A_16 {offsets = [496, 0], sizes = [16, 1024], strides = [1, 1]} : vector<1024x1024xf32> to vector<16x1024xf32>
      %lt3A_240 = arith.cmpf olt, %slice3A_239, %min3A_235 : vector<16x1024xf32>
      %min3A_241 = arith.minimumf %min3A_235, %slice3A_239 : vector<16x1024xf32>
      %jit3A_242 = arith.constant 31 : i32
      %broadcast_in_dim3A_243 = vector.broadcast %jit3A_242 : i32 to vector<16x1024xi32>
      %select_n3A_244 = arith.select %lt3A_240, %broadcast_in_dim3A_243, %select_n3A_238 : vector<16x1024xi1>, vector<16x1024xi32>
      %slice3A_245 = vector.extract_strided_slice %add3A_16 {offsets = [512, 0], sizes = [16, 1024], strides = [1, 1]} : vector<1024x1024xf32> to vector<16x1024xf32>
      %lt3A_246 = arith.cmpf olt, %slice3A_245, %min3A_241 : vector<16x1024xf32>
      %min3A_247 = arith.minimumf %min3A_241, %slice3A_245 : vector<16x1024xf32>
      %jit3A_248 = arith.constant 32 : i32
      %broadcast_in_dim3A_249 = vector.broadcast %jit3A_248 : i32 to vector<16x1024xi32>
      %select_n3A_250 = arith.select %lt3A_246, %broadcast_in_dim3A_249, %select_n3A_244 : vector<16x1024xi1>, vector<16x1024xi32>
      %slice3A_251 = vector.extract_strided_slice %add3A_16 {offsets = [528, 0], sizes = [16, 1024], strides = [1, 1]} : vector<1024x1024xf32> to vector<16x1024xf32>
      %lt3A_252 = arith.cmpf olt, %slice3A_251, %min3A_247 : vector<16x1024xf32>
      %min3A_253 = arith.minimumf %min3A_247, %slice3A_251 : vector<16x1024xf32>
      %jit3A_254 = arith.constant 33 : i32
      %broadcast_in_dim3A_255 = vector.broadcast %jit3A_254 : i32 to vector<16x1024xi32>
      %select_n3A_256 = arith.select %lt3A_252, %broadcast_in_dim3A_255, %select_n3A_250 : vector<16x1024xi1>, vector<16x1024xi32>
      %slice3A_257 = vector.extract_strided_slice %add3A_16 {offsets = [544, 0], sizes = [16, 1024], strides = [1, 1]} : vector<1024x1024xf32> to vector<16x1024xf32>
      %lt3A_258 = arith.cmpf olt, %slice3A_257, %min3A_253 : vector<16x1024xf32>
      %min3A_259 = arith.minimumf %min3A_253, %slice3A_257 : vector<16x1024xf32>
      %jit3A_260 = arith.constant 34 : i32
      %broadcast_in_dim3A_261 = vector.broadcast %jit3A_260 : i32 to vector<16x1024xi32>
      %select_n3A_262 = arith.select %lt3A_258, %broadcast_in_dim3A_261, %select_n3A_256 : vector<16x1024xi1>, vector<16x1024xi32>
      %slice3A_263 = vector.extract_strided_slice %add3A_16 {offsets = [560, 0], sizes = [16, 1024], strides = [1, 1]} : vector<1024x1024xf32> to vector<16x1024xf32>
      %lt3A_264 = arith.cmpf olt, %slice3A_263, %min3A_259 : vector<16x1024xf32>
      %min3A_265 = arith.minimumf %min3A_259, %slice3A_263 : vector<16x1024xf32>
      %jit3A_266 = arith.constant 35 : i32
      %broadcast_in_dim3A_267 = vector.broadcast %jit3A_266 : i32 to vector<16x1024xi32>
      %select_n3A_268 = arith.select %lt3A_264, %broadcast_in_dim3A_267, %select_n3A_262 : vector<16x1024xi1>, vector<16x1024xi32>
      %slice3A_269 = vector.extract_strided_slice %add3A_16 {offsets = [576, 0], sizes = [16, 1024], strides = [1, 1]} : vector<1024x1024xf32> to vector<16x1024xf32>
      %lt3A_270 = arith.cmpf olt, %slice3A_269, %min3A_265 : vector<16x1024xf32>
      %min3A_271 = arith.minimumf %min3A_265, %slice3A_269 : vector<16x1024xf32>
      %jit3A_272 = arith.constant 36 : i32
      %broadcast_in_dim3A_273 = vector.broadcast %jit3A_272 : i32 to vector<16x1024xi32>
      %select_n3A_274 = arith.select %lt3A_270, %broadcast_in_dim3A_273, %select_n3A_268 : vector<16x1024xi1>, vector<16x1024xi32>
      %slice3A_275 = vector.extract_strided_slice %add3A_16 {offsets = [592, 0], sizes = [16, 1024], strides = [1, 1]} : vector<1024x1024xf32> to vector<16x1024xf32>
      %lt3A_276 = arith.cmpf olt, %slice3A_275, %min3A_271 : vector<16x1024xf32>
      %min3A_277 = arith.minimumf %min3A_271, %slice3A_275 : vector<16x1024xf32>
      %jit3A_278 = arith.constant 37 : i32
      %broadcast_in_dim3A_279 = vector.broadcast %jit3A_278 : i32 to vector<16x1024xi32>
      %select_n3A_280 = arith.select %lt3A_276, %broadcast_in_dim3A_279, %select_n3A_274 : vector<16x1024xi1>, vector<16x1024xi32>
      %slice3A_281 = vector.extract_strided_slice %add3A_16 {offsets = [608, 0], sizes = [16, 1024], strides = [1, 1]} : vector<1024x1024xf32> to vector<16x1024xf32>
      %lt3A_282 = arith.cmpf olt, %slice3A_281, %min3A_277 : vector<16x1024xf32>
      %min3A_283 = arith.minimumf %min3A_277, %slice3A_281 : vector<16x1024xf32>
      %jit3A_284 = arith.constant 38 : i32
      %broadcast_in_dim3A_285 = vector.broadcast %jit3A_284 : i32 to vector<16x1024xi32>
      %select_n3A_286 = arith.select %lt3A_282, %broadcast_in_dim3A_285, %select_n3A_280 : vector<16x1024xi1>, vector<16x1024xi32>
      %slice3A_287 = vector.extract_strided_slice %add3A_16 {offsets = [624, 0], sizes = [16, 1024], strides = [1, 1]} : vector<1024x1024xf32> to vector<16x1024xf32>
      %lt3A_288 = arith.cmpf olt, %slice3A_287, %min3A_283 : vector<16x1024xf32>
      %min3A_289 = arith.minimumf %min3A_283, %slice3A_287 : vector<16x1024xf32>
      %jit3A_290 = arith.constant 39 : i32
      %broadcast_in_dim3A_291 = vector.broadcast %jit3A_290 : i32 to vector<16x1024xi32>
      %select_n3A_292 = arith.select %lt3A_288, %broadcast_in_dim3A_291, %select_n3A_286 : vector<16x1024xi1>, vector<16x1024xi32>
      %slice3A_293 = vector.extract_strided_slice %add3A_16 {offsets = [640, 0], sizes = [16, 1024], strides = [1, 1]} : vector<1024x1024xf32> to vector<16x1024xf32>
      %lt3A_294 = arith.cmpf olt, %slice3A_293, %min3A_289 : vector<16x1024xf32>
      %min3A_295 = arith.minimumf %min3A_289, %slice3A_293 : vector<16x1024xf32>
      %jit3A_296 = arith.constant 40 : i32
      %broadcast_in_dim3A_297 = vector.broadcast %jit3A_296 : i32 to vector<16x1024xi32>
      %select_n3A_298 = arith.select %lt3A_294, %broadcast_in_dim3A_297, %select_n3A_292 : vector<16x1024xi1>, vector<16x1024xi32>
      %slice3A_299 = vector.extract_strided_slice %add3A_16 {offsets = [656, 0], sizes = [16, 1024], strides = [1, 1]} : vector<1024x1024xf32> to vector<16x1024xf32>
      %lt3A_300 = arith.cmpf olt, %slice3A_299, %min3A_295 : vector<16x1024xf32>
      %min3A_301 = arith.minimumf %min3A_295, %slice3A_299 : vector<16x1024xf32>
      %jit3A_302 = arith.constant 41 : i32
      %broadcast_in_dim3A_303 = vector.broadcast %jit3A_302 : i32 to vector<16x1024xi32>
      %select_n3A_304 = arith.select %lt3A_300, %broadcast_in_dim3A_303, %select_n3A_298 : vector<16x1024xi1>, vector<16x1024xi32>
      %slice3A_305 = vector.extract_strided_slice %add3A_16 {offsets = [672, 0], sizes = [16, 1024], strides = [1, 1]} : vector<1024x1024xf32> to vector<16x1024xf32>
      %lt3A_306 = arith.cmpf olt, %slice3A_305, %min3A_301 : vector<16x1024xf32>
      %min3A_307 = arith.minimumf %min3A_301, %slice3A_305 : vector<16x1024xf32>
      %jit3A_308 = arith.constant 42 : i32
      %broadcast_in_dim3A_309 = vector.broadcast %jit3A_308 : i32 to vector<16x1024xi32>
      %select_n3A_310 = arith.select %lt3A_306, %broadcast_in_dim3A_309, %select_n3A_304 : vector<16x1024xi1>, vector<16x1024xi32>
      %slice3A_311 = vector.extract_strided_slice %add3A_16 {offsets = [688, 0], sizes = [16, 1024], strides = [1, 1]} : vector<1024x1024xf32> to vector<16x1024xf32>
      %lt3A_312 = arith.cmpf olt, %slice3A_311, %min3A_307 : vector<16x1024xf32>
      %min3A_313 = arith.minimumf %min3A_307, %slice3A_311 : vector<16x1024xf32>
      %jit3A_314 = arith.constant 43 : i32
      %broadcast_in_dim3A_315 = vector.broadcast %jit3A_314 : i32 to vector<16x1024xi32>
      %select_n3A_316 = arith.select %lt3A_312, %broadcast_in_dim3A_315, %select_n3A_310 : vector<16x1024xi1>, vector<16x1024xi32>
      %slice3A_317 = vector.extract_strided_slice %add3A_16 {offsets = [704, 0], sizes = [16, 1024], strides = [1, 1]} : vector<1024x1024xf32> to vector<16x1024xf32>
      %lt3A_318 = arith.cmpf olt, %slice3A_317, %min3A_313 : vector<16x1024xf32>
      %min3A_319 = arith.minimumf %min3A_313, %slice3A_317 : vector<16x1024xf32>
      %jit3A_320 = arith.constant 44 : i32
      %broadcast_in_dim3A_321 = vector.broadcast %jit3A_320 : i32 to vector<16x1024xi32>
      %select_n3A_322 = arith.select %lt3A_318, %broadcast_in_dim3A_321, %select_n3A_316 : vector<16x1024xi1>, vector<16x1024xi32>
      %slice3A_323 = vector.extract_strided_slice %add3A_16 {offsets = [720, 0], sizes = [16, 1024], strides = [1, 1]} : vector<1024x1024xf32> to vector<16x1024xf32>
      %lt3A_324 = arith.cmpf olt, %slice3A_323, %min3A_319 : vector<16x1024xf32>
      %min3A_325 = arith.minimumf %min3A_319, %slice3A_323 : vector<16x1024xf32>
      %jit3A_326 = arith.constant 45 : i32
      %broadcast_in_dim3A_327 = vector.broadcast %jit3A_326 : i32 to vector<16x1024xi32>
      %select_n3A_328 = arith.select %lt3A_324, %broadcast_in_dim3A_327, %select_n3A_322 : vector<16x1024xi1>, vector<16x1024xi32>
      %slice3A_329 = vector.extract_strided_slice %add3A_16 {offsets = [736, 0], sizes = [16, 1024], strides = [1, 1]} : vector<1024x1024xf32> to vector<16x1024xf32>
      %lt3A_330 = arith.cmpf olt, %slice3A_329, %min3A_325 : vector<16x1024xf32>
      %min3A_331 = arith.minimumf %min3A_325, %slice3A_329 : vector<16x1024xf32>
      %jit3A_332 = arith.constant 46 : i32
      %broadcast_in_dim3A_333 = vector.broadcast %jit3A_332 : i32 to vector<16x1024xi32>
      %select_n3A_334 = arith.select %lt3A_330, %broadcast_in_dim3A_333, %select_n3A_328 : vector<16x1024xi1>, vector<16x1024xi32>
      %slice3A_335 = vector.extract_strided_slice %add3A_16 {offsets = [752, 0], sizes = [16, 1024], strides = [1, 1]} : vector<1024x1024xf32> to vector<16x1024xf32>
      %lt3A_336 = arith.cmpf olt, %slice3A_335, %min3A_331 : vector<16x1024xf32>
      %min3A_337 = arith.minimumf %min3A_331, %slice3A_335 : vector<16x1024xf32>
      %jit3A_338 = arith.constant 47 : i32
      %broadcast_in_dim3A_339 = vector.broadcast %jit3A_338 : i32 to vector<16x1024xi32>
      %select_n3A_340 = arith.select %lt3A_336, %broadcast_in_dim3A_339, %select_n3A_334 : vector<16x1024xi1>, vector<16x1024xi32>
      %slice3A_341 = vector.extract_strided_slice %add3A_16 {offsets = [768, 0], sizes = [16, 1024], strides = [1, 1]} : vector<1024x1024xf32> to vector<16x1024xf32>
      %lt3A_342 = arith.cmpf olt, %slice3A_341, %min3A_337 : vector<16x1024xf32>
      %min3A_343 = arith.minimumf %min3A_337, %slice3A_341 : vector<16x1024xf32>
      %jit3A_344 = arith.constant 48 : i32
      %broadcast_in_dim3A_345 = vector.broadcast %jit3A_344 : i32 to vector<16x1024xi32>
      %select_n3A_346 = arith.select %lt3A_342, %broadcast_in_dim3A_345, %select_n3A_340 : vector<16x1024xi1>, vector<16x1024xi32>
      %slice3A_347 = vector.extract_strided_slice %add3A_16 {offsets = [784, 0], sizes = [16, 1024], strides = [1, 1]} : vector<1024x1024xf32> to vector<16x1024xf32>
      %lt3A_348 = arith.cmpf olt, %slice3A_347, %min3A_343 : vector<16x1024xf32>
      %min3A_349 = arith.minimumf %min3A_343, %slice3A_347 : vector<16x1024xf32>
      %jit3A_350 = arith.constant 49 : i32
      %broadcast_in_dim3A_351 = vector.broadcast %jit3A_350 : i32 to vector<16x1024xi32>
      %select_n3A_352 = arith.select %lt3A_348, %broadcast_in_dim3A_351, %select_n3A_346 : vector<16x1024xi1>, vector<16x1024xi32>
      %slice3A_353 = vector.extract_strided_slice %add3A_16 {offsets = [800, 0], sizes = [16, 1024], strides = [1, 1]} : vector<1024x1024xf32> to vector<16x1024xf32>
      %lt3A_354 = arith.cmpf olt, %slice3A_353, %min3A_349 : vector<16x1024xf32>
      %min3A_355 = arith.minimumf %min3A_349, %slice3A_353 : vector<16x1024xf32>
      %jit3A_356 = arith.constant 50 : i32
      %broadcast_in_dim3A_357 = vector.broadcast %jit3A_356 : i32 to vector<16x1024xi32>
      %select_n3A_358 = arith.select %lt3A_354, %broadcast_in_dim3A_357, %select_n3A_352 : vector<16x1024xi1>, vector<16x1024xi32>
      %slice3A_359 = vector.extract_strided_slice %add3A_16 {offsets = [816, 0], sizes = [16, 1024], strides = [1, 1]} : vector<1024x1024xf32> to vector<16x1024xf32>
      %lt3A_360 = arith.cmpf olt, %slice3A_359, %min3A_355 : vector<16x1024xf32>
      %min3A_361 = arith.minimumf %min3A_355, %slice3A_359 : vector<16x1024xf32>
      %jit3A_362 = arith.constant 51 : i32
      %broadcast_in_dim3A_363 = vector.broadcast %jit3A_362 : i32 to vector<16x1024xi32>
      %select_n3A_364 = arith.select %lt3A_360, %broadcast_in_dim3A_363, %select_n3A_358 : vector<16x1024xi1>, vector<16x1024xi32>
      %slice3A_365 = vector.extract_strided_slice %add3A_16 {offsets = [832, 0], sizes = [16, 1024], strides = [1, 1]} : vector<1024x1024xf32> to vector<16x1024xf32>
      %lt3A_366 = arith.cmpf olt, %slice3A_365, %min3A_361 : vector<16x1024xf32>
      %min3A_367 = arith.minimumf %min3A_361, %slice3A_365 : vector<16x1024xf32>
      %jit3A_368 = arith.constant 52 : i32
      %broadcast_in_dim3A_369 = vector.broadcast %jit3A_368 : i32 to vector<16x1024xi32>
      %select_n3A_370 = arith.select %lt3A_366, %broadcast_in_dim3A_369, %select_n3A_364 : vector<16x1024xi1>, vector<16x1024xi32>
      %slice3A_371 = vector.extract_strided_slice %add3A_16 {offsets = [848, 0], sizes = [16, 1024], strides = [1, 1]} : vector<1024x1024xf32> to vector<16x1024xf32>
      %lt3A_372 = arith.cmpf olt, %slice3A_371, %min3A_367 : vector<16x1024xf32>
      %min3A_373 = arith.minimumf %min3A_367, %slice3A_371 : vector<16x1024xf32>
      %jit3A_374 = arith.constant 53 : i32
      %broadcast_in_dim3A_375 = vector.broadcast %jit3A_374 : i32 to vector<16x1024xi32>
      %select_n3A_376 = arith.select %lt3A_372, %broadcast_in_dim3A_375, %select_n3A_370 : vector<16x1024xi1>, vector<16x1024xi32>
      %slice3A_377 = vector.extract_strided_slice %add3A_16 {offsets = [864, 0], sizes = [16, 1024], strides = [1, 1]} : vector<1024x1024xf32> to vector<16x1024xf32>
      %lt3A_378 = arith.cmpf olt, %slice3A_377, %min3A_373 : vector<16x1024xf32>
      %min3A_379 = arith.minimumf %min3A_373, %slice3A_377 : vector<16x1024xf32>
      %jit3A_380 = arith.constant 54 : i32
      %broadcast_in_dim3A_381 = vector.broadcast %jit3A_380 : i32 to vector<16x1024xi32>
      %select_n3A_382 = arith.select %lt3A_378, %broadcast_in_dim3A_381, %select_n3A_376 : vector<16x1024xi1>, vector<16x1024xi32>
      %slice3A_383 = vector.extract_strided_slice %add3A_16 {offsets = [880, 0], sizes = [16, 1024], strides = [1, 1]} : vector<1024x1024xf32> to vector<16x1024xf32>
      %lt3A_384 = arith.cmpf olt, %slice3A_383, %min3A_379 : vector<16x1024xf32>
      %min3A_385 = arith.minimumf %min3A_379, %slice3A_383 : vector<16x1024xf32>
      %jit3A_386 = arith.constant 55 : i32
      %broadcast_in_dim3A_387 = vector.broadcast %jit3A_386 : i32 to vector<16x1024xi32>
      %select_n3A_388 = arith.select %lt3A_384, %broadcast_in_dim3A_387, %select_n3A_382 : vector<16x1024xi1>, vector<16x1024xi32>
      %slice3A_389 = vector.extract_strided_slice %add3A_16 {offsets = [896, 0], sizes = [16, 1024], strides = [1, 1]} : vector<1024x1024xf32> to vector<16x1024xf32>
      %lt3A_390 = arith.cmpf olt, %slice3A_389, %min3A_385 : vector<16x1024xf32>
      %min3A_391 = arith.minimumf %min3A_385, %slice3A_389 : vector<16x1024xf32>
      %jit3A_392 = arith.constant 56 : i32
      %broadcast_in_dim3A_393 = vector.broadcast %jit3A_392 : i32 to vector<16x1024xi32>
      %select_n3A_394 = arith.select %lt3A_390, %broadcast_in_dim3A_393, %select_n3A_388 : vector<16x1024xi1>, vector<16x1024xi32>
      %slice3A_395 = vector.extract_strided_slice %add3A_16 {offsets = [912, 0], sizes = [16, 1024], strides = [1, 1]} : vector<1024x1024xf32> to vector<16x1024xf32>
      %lt3A_396 = arith.cmpf olt, %slice3A_395, %min3A_391 : vector<16x1024xf32>
      %min3A_397 = arith.minimumf %min3A_391, %slice3A_395 : vector<16x1024xf32>
      %jit3A_398 = arith.constant 57 : i32
      %broadcast_in_dim3A_399 = vector.broadcast %jit3A_398 : i32 to vector<16x1024xi32>
      %select_n3A_400 = arith.select %lt3A_396, %broadcast_in_dim3A_399, %select_n3A_394 : vector<16x1024xi1>, vector<16x1024xi32>
      %slice3A_401 = vector.extract_strided_slice %add3A_16 {offsets = [928, 0], sizes = [16, 1024], strides = [1, 1]} : vector<1024x1024xf32> to vector<16x1024xf32>
      %lt3A_402 = arith.cmpf olt, %slice3A_401, %min3A_397 : vector<16x1024xf32>
      %min3A_403 = arith.minimumf %min3A_397, %slice3A_401 : vector<16x1024xf32>
      %jit3A_404 = arith.constant 58 : i32
      %broadcast_in_dim3A_405 = vector.broadcast %jit3A_404 : i32 to vector<16x1024xi32>
      %select_n3A_406 = arith.select %lt3A_402, %broadcast_in_dim3A_405, %select_n3A_400 : vector<16x1024xi1>, vector<16x1024xi32>
      %slice3A_407 = vector.extract_strided_slice %add3A_16 {offsets = [944, 0], sizes = [16, 1024], strides = [1, 1]} : vector<1024x1024xf32> to vector<16x1024xf32>
      %lt3A_408 = arith.cmpf olt, %slice3A_407, %min3A_403 : vector<16x1024xf32>
      %min3A_409 = arith.minimumf %min3A_403, %slice3A_407 : vector<16x1024xf32>
      %jit3A_410 = arith.constant 59 : i32
      %broadcast_in_dim3A_411 = vector.broadcast %jit3A_410 : i32 to vector<16x1024xi32>
      %select_n3A_412 = arith.select %lt3A_408, %broadcast_in_dim3A_411, %select_n3A_406 : vector<16x1024xi1>, vector<16x1024xi32>
      %slice3A_413 = vector.extract_strided_slice %add3A_16 {offsets = [960, 0], sizes = [16, 1024], strides = [1, 1]} : vector<1024x1024xf32> to vector<16x1024xf32>
      %lt3A_414 = arith.cmpf olt, %slice3A_413, %min3A_409 : vector<16x1024xf32>
      %min3A_415 = arith.minimumf %min3A_409, %slice3A_413 : vector<16x1024xf32>
      %jit3A_416 = arith.constant 60 : i32
      %broadcast_in_dim3A_417 = vector.broadcast %jit3A_416 : i32 to vector<16x1024xi32>
      %select_n3A_418 = arith.select %lt3A_414, %broadcast_in_dim3A_417, %select_n3A_412 : vector<16x1024xi1>, vector<16x1024xi32>
      %slice3A_419 = vector.extract_strided_slice %add3A_16 {offsets = [976, 0], sizes = [16, 1024], strides = [1, 1]} : vector<1024x1024xf32> to vector<16x1024xf32>
      %lt3A_420 = arith.cmpf olt, %slice3A_419, %min3A_415 : vector<16x1024xf32>
      %min3A_421 = arith.minimumf %min3A_415, %slice3A_419 : vector<16x1024xf32>
      %jit3A_422 = arith.constant 61 : i32
      %broadcast_in_dim3A_423 = vector.broadcast %jit3A_422 : i32 to vector<16x1024xi32>
      %select_n3A_424 = arith.select %lt3A_420, %broadcast_in_dim3A_423, %select_n3A_418 : vector<16x1024xi1>, vector<16x1024xi32>
      %slice3A_425 = vector.extract_strided_slice %add3A_16 {offsets = [992, 0], sizes = [16, 1024], strides = [1, 1]} : vector<1024x1024xf32> to vector<16x1024xf32>
      %lt3A_426 = arith.cmpf olt, %slice3A_425, %min3A_421 : vector<16x1024xf32>
      %min3A_427 = arith.minimumf %min3A_421, %slice3A_425 : vector<16x1024xf32>
      %jit3A_428 = arith.constant 62 : i32
      %broadcast_in_dim3A_429 = vector.broadcast %jit3A_428 : i32 to vector<16x1024xi32>
      %select_n3A_430 = arith.select %lt3A_426, %broadcast_in_dim3A_429, %select_n3A_424 : vector<16x1024xi1>, vector<16x1024xi32>
      %slice3A_431 = vector.extract_strided_slice %add3A_16 {offsets = [1008, 0], sizes = [16, 1024], strides = [1, 1]} : vector<1024x1024xf32> to vector<16x1024xf32>
      %lt3A_432 = arith.cmpf olt, %slice3A_431, %min3A_427 : vector<16x1024xf32>
      %min3A_433 = arith.minimumf %min3A_427, %slice3A_431 : vector<16x1024xf32>
      %jit3A_434 = arith.constant 63 : i32
      %broadcast_in_dim3A_435 = vector.broadcast %jit3A_434 : i32 to vector<16x1024xi32>
      %select_n3A_436 = arith.select %lt3A_432, %broadcast_in_dim3A_435, %select_n3A_430 : vector<16x1024xi1>, vector<16x1024xi32>
      %mul3A = arith.constant 16 : i32
      %mul3A_437 = vector.broadcast %mul3A : i32 to vector<16x1024xi32>
      %mul3A_438 = arith.muli %select_n3A_436, %mul3A_437 : vector<16x1024xi32>
      %iota3A = tpu.iota {dimensions = array<i32: 0>} : vector<16x1024xi32>
      %add3A_439 = arith.addi %mul3A_438, %iota3A : vector<16x1024xi32>
      %reduce_min3A = arith.constant dense<0x7F800000> : vector<1024xf32>
      %reduce_min3A_440 = vector.multi_reduction <minimumf>, %min3A_433, %reduce_min3A [0] : vector<16x1024xf32> to vector<1024xf32>
      %broadcast_in_dim3A_441 = vector.shape_cast %reduce_min3A_440 : vector<1024xf32> to vector<1x1024xf32>
      %eq3A_442 = vector.broadcast %broadcast_in_dim3A_441 : vector<1x1024xf32> to vector<16x1024xf32>
      %eq3A_443 = arith.cmpf oeq, %min3A_433, %eq3A_442 : vector<16x1024xf32>
      %jit3A_444 = arith.constant 8192 : i32
      %broadcast_in_dim3A_445 = vector.broadcast %jit3A_444 : i32 to vector<16x1024xi32>
      %select_n3A_446 = arith.select %eq3A_443, %add3A_439, %broadcast_in_dim3A_445 : vector<16x1024xi1>, vector<16x1024xi32>
      %reduce_min3A_447 = arith.constant dense<2147483647> : vector<1024xi32>
      %reduce_min3A_448 = vector.multi_reduction <minsi>, %select_n3A_446, %reduce_min3A_447 [0] : vector<16x1024xi32> to vector<1024xi32>
      %broadcast_in_dim3A_449 = vector.shape_cast %reduce_min3A_448 : vector<1024xi32> to vector<1x1024xi32>
      %add3A_450 = arith.constant 6144 : i32
      %add3A_451 = vector.broadcast %add3A_450 : i32 to vector<1x1024xi32>
      %add3A_452 = arith.addi %broadcast_in_dim3A_449, %add3A_451 : vector<1x1024xi32>
      %get3A_453 = arith.constant 0 : index
      %get3A_454 = arith.constant 0 : index
      %get3A_455 = vector.load %arg15[%get3A_453, %get3A_454] : memref<1x1024xf32, #tpu.memory_space<vmem>>, vector<1x1024xf32>
      %lt3A_456 = arith.cmpf olt, %broadcast_in_dim3A_441, %get3A_455 : vector<1x1024xf32>
      %get3A_457 = arith.constant 0 : index
      %get3A_458 = arith.constant 0 : index
      %get3A_459 = vector.load %arg16[%get3A_457, %get3A_458] : memref<1x1024xi32, #tpu.memory_space<vmem>>, vector<1x1024xi32>
      %select_n3A_460 = arith.select %lt3A_456, %add3A_452, %get3A_459 : vector<1x1024xi1>, vector<1x1024xi32>
      %swap3A = arith.constant 0 : index
      %swap3A_461 = arith.constant 0 : index
      %swap3A_462 = vector.load %arg16[%swap3A, %swap3A_461] : memref<1x1024xi32, #tpu.memory_space<vmem>>, vector<1x1024xi32>
      tpu.vector_store %arg16[%swap3A, %swap3A_461], %select_n3A_460 {strides = array<i32>} : memref<1x1024xi32, #tpu.memory_space<vmem>>, vector<1x1024xi32>,
      %get3A_463 = arith.constant 0 : index
      %get3A_464 = arith.constant 0 : index
      %get3A_465 = vector.load %arg15[%get3A_463, %get3A_464] : memref<1x1024xf32, #tpu.memory_space<vmem>>, vector<1x1024xf32>
      %select_n3A_466 = arith.select %lt3A_456, %broadcast_in_dim3A_441, %get3A_465 : vector<1x1024xi1>, vector<1x1024xf32>
      %swap3A_467 = arith.constant 0 : index
      %swap3A_468 = arith.constant 0 : index
      %swap3A_469 = vector.load %arg15[%swap3A_467, %swap3A_468] : memref<1x1024xf32, #tpu.memory_space<vmem>>, vector<1x1024xf32>
      tpu.vector_store %arg15[%swap3A_467, %swap3A_468], %select_n3A_466 {strides = array<i32>} : memref<1x1024xf32, #tpu.memory_space<vmem>>, vector<1x1024xf32>,
    } else {
    }
    %eq3A_52 = arith.constant 7 : i32
    %eq3A_53 = arith.cmpi eq, %arg1, %eq3A_52 : i32
    %convert_element_type3A_54 = arith.extui %eq3A_53 : i1 to i32
    %cond3A_55 = arith.constant 0 : i32
    %cond3A_56 = arith.cmpi ne, %convert_element_type3A_54, %cond3A_55 : i32
    scf.if %cond3A_56 {
      %slice3A = vector.extract_strided_slice %add3A_16 {offsets = [0, 0], sizes = [16, 1024], strides = [1, 1]} : vector<1024x1024xf32> to vector<16x1024xf32>
      %broadcast_in_dim3A = arith.constant 0 : i32
      %broadcast_in_dim3A_62 = vector.broadcast %broadcast_in_dim3A : i32 to vector<16x1024xi32>
      %slice3A_63 = vector.extract_strided_slice %add3A_16 {offsets = [16, 0], sizes = [16, 1024], strides = [1, 1]} : vector<1024x1024xf32> to vector<16x1024xf32>
      %lt3A = arith.cmpf olt, %slice3A_63, %slice3A : vector<16x1024xf32>
      %min3A = arith.minimumf %slice3A, %slice3A_63 : vector<16x1024xf32>
      %jit3A = arith.constant 1 : i32
      %broadcast_in_dim3A_64 = vector.broadcast %jit3A : i32 to vector<16x1024xi32>
      %select_n3A = arith.select %lt3A, %broadcast_in_dim3A_64, %broadcast_in_dim3A_62 : vector<16x1024xi1>, vector<16x1024xi32>
      %slice3A_65 = vector.extract_strided_slice %add3A_16 {offsets = [32, 0], sizes = [16, 1024], strides = [1, 1]} : vector<1024x1024xf32> to vector<16x1024xf32>
      %lt3A_66 = arith.cmpf olt, %slice3A_65, %min3A : vector<16x1024xf32>
      %min3A_67 = arith.minimumf %min3A, %slice3A_65 : vector<16x1024xf32>
      %jit3A_68 = arith.constant 2 : i32
      %broadcast_in_dim3A_69 = vector.broadcast %jit3A_68 : i32 to vector<16x1024xi32>
      %select_n3A_70 = arith.select %lt3A_66, %broadcast_in_dim3A_69, %select_n3A : vector<16x1024xi1>, vector<16x1024xi32>
      %slice3A_71 = vector.extract_strided_slice %add3A_16 {offsets = [48, 0], sizes = [16, 1024], strides = [1, 1]} : vector<1024x1024xf32> to vector<16x1024xf32>
      %lt3A_72 = arith.cmpf olt, %slice3A_71, %min3A_67 : vector<16x1024xf32>
      %min3A_73 = arith.minimumf %min3A_67, %slice3A_71 : vector<16x1024xf32>
      %jit3A_74 = arith.constant 3 : i32
      %broadcast_in_dim3A_75 = vector.broadcast %jit3A_74 : i32 to vector<16x1024xi32>
      %select_n3A_76 = arith.select %lt3A_72, %broadcast_in_dim3A_75, %select_n3A_70 : vector<16x1024xi1>, vector<16x1024xi32>
      %slice3A_77 = vector.extract_strided_slice %add3A_16 {offsets = [64, 0], sizes = [16, 1024], strides = [1, 1]} : vector<1024x1024xf32> to vector<16x1024xf32>
      %lt3A_78 = arith.cmpf olt, %slice3A_77, %min3A_73 : vector<16x1024xf32>
      %min3A_79 = arith.minimumf %min3A_73, %slice3A_77 : vector<16x1024xf32>
      %jit3A_80 = arith.constant 4 : i32
      %broadcast_in_dim3A_81 = vector.broadcast %jit3A_80 : i32 to vector<16x1024xi32>
      %select_n3A_82 = arith.select %lt3A_78, %broadcast_in_dim3A_81, %select_n3A_76 : vector<16x1024xi1>, vector<16x1024xi32>
      %slice3A_83 = vector.extract_strided_slice %add3A_16 {offsets = [80, 0], sizes = [16, 1024], strides = [1, 1]} : vector<1024x1024xf32> to vector<16x1024xf32>
      %lt3A_84 = arith.cmpf olt, %slice3A_83, %min3A_79 : vector<16x1024xf32>
      %min3A_85 = arith.minimumf %min3A_79, %slice3A_83 : vector<16x1024xf32>
      %jit3A_86 = arith.constant 5 : i32
      %broadcast_in_dim3A_87 = vector.broadcast %jit3A_86 : i32 to vector<16x1024xi32>
      %select_n3A_88 = arith.select %lt3A_84, %broadcast_in_dim3A_87, %select_n3A_82 : vector<16x1024xi1>, vector<16x1024xi32>
      %slice3A_89 = vector.extract_strided_slice %add3A_16 {offsets = [96, 0], sizes = [16, 1024], strides = [1, 1]} : vector<1024x1024xf32> to vector<16x1024xf32>
      %lt3A_90 = arith.cmpf olt, %slice3A_89, %min3A_85 : vector<16x1024xf32>
      %min3A_91 = arith.minimumf %min3A_85, %slice3A_89 : vector<16x1024xf32>
      %jit3A_92 = arith.constant 6 : i32
      %broadcast_in_dim3A_93 = vector.broadcast %jit3A_92 : i32 to vector<16x1024xi32>
      %select_n3A_94 = arith.select %lt3A_90, %broadcast_in_dim3A_93, %select_n3A_88 : vector<16x1024xi1>, vector<16x1024xi32>
      %slice3A_95 = vector.extract_strided_slice %add3A_16 {offsets = [112, 0], sizes = [16, 1024], strides = [1, 1]} : vector<1024x1024xf32> to vector<16x1024xf32>
      %lt3A_96 = arith.cmpf olt, %slice3A_95, %min3A_91 : vector<16x1024xf32>
      %min3A_97 = arith.minimumf %min3A_91, %slice3A_95 : vector<16x1024xf32>
      %jit3A_98 = arith.constant 7 : i32
      %broadcast_in_dim3A_99 = vector.broadcast %jit3A_98 : i32 to vector<16x1024xi32>
      %select_n3A_100 = arith.select %lt3A_96, %broadcast_in_dim3A_99, %select_n3A_94 : vector<16x1024xi1>, vector<16x1024xi32>
      %slice3A_101 = vector.extract_strided_slice %add3A_16 {offsets = [128, 0], sizes = [16, 1024], strides = [1, 1]} : vector<1024x1024xf32> to vector<16x1024xf32>
      %lt3A_102 = arith.cmpf olt, %slice3A_101, %min3A_97 : vector<16x1024xf32>
      %min3A_103 = arith.minimumf %min3A_97, %slice3A_101 : vector<16x1024xf32>
      %jit3A_104 = arith.constant 8 : i32
      %broadcast_in_dim3A_105 = vector.broadcast %jit3A_104 : i32 to vector<16x1024xi32>
      %select_n3A_106 = arith.select %lt3A_102, %broadcast_in_dim3A_105, %select_n3A_100 : vector<16x1024xi1>, vector<16x1024xi32>
      %slice3A_107 = vector.extract_strided_slice %add3A_16 {offsets = [144, 0], sizes = [16, 1024], strides = [1, 1]} : vector<1024x1024xf32> to vector<16x1024xf32>
      %lt3A_108 = arith.cmpf olt, %slice3A_107, %min3A_103 : vector<16x1024xf32>
      %min3A_109 = arith.minimumf %min3A_103, %slice3A_107 : vector<16x1024xf32>
      %jit3A_110 = arith.constant 9 : i32
      %broadcast_in_dim3A_111 = vector.broadcast %jit3A_110 : i32 to vector<16x1024xi32>
      %select_n3A_112 = arith.select %lt3A_108, %broadcast_in_dim3A_111, %select_n3A_106 : vector<16x1024xi1>, vector<16x1024xi32>
      %slice3A_113 = vector.extract_strided_slice %add3A_16 {offsets = [160, 0], sizes = [16, 1024], strides = [1, 1]} : vector<1024x1024xf32> to vector<16x1024xf32>
      %lt3A_114 = arith.cmpf olt, %slice3A_113, %min3A_109 : vector<16x1024xf32>
      %min3A_115 = arith.minimumf %min3A_109, %slice3A_113 : vector<16x1024xf32>
      %jit3A_116 = arith.constant 10 : i32
      %broadcast_in_dim3A_117 = vector.broadcast %jit3A_116 : i32 to vector<16x1024xi32>
      %select_n3A_118 = arith.select %lt3A_114, %broadcast_in_dim3A_117, %select_n3A_112 : vector<16x1024xi1>, vector<16x1024xi32>
      %slice3A_119 = vector.extract_strided_slice %add3A_16 {offsets = [176, 0], sizes = [16, 1024], strides = [1, 1]} : vector<1024x1024xf32> to vector<16x1024xf32>
      %lt3A_120 = arith.cmpf olt, %slice3A_119, %min3A_115 : vector<16x1024xf32>
      %min3A_121 = arith.minimumf %min3A_115, %slice3A_119 : vector<16x1024xf32>
      %jit3A_122 = arith.constant 11 : i32
      %broadcast_in_dim3A_123 = vector.broadcast %jit3A_122 : i32 to vector<16x1024xi32>
      %select_n3A_124 = arith.select %lt3A_120, %broadcast_in_dim3A_123, %select_n3A_118 : vector<16x1024xi1>, vector<16x1024xi32>
      %slice3A_125 = vector.extract_strided_slice %add3A_16 {offsets = [192, 0], sizes = [16, 1024], strides = [1, 1]} : vector<1024x1024xf32> to vector<16x1024xf32>
      %lt3A_126 = arith.cmpf olt, %slice3A_125, %min3A_121 : vector<16x1024xf32>
      %min3A_127 = arith.minimumf %min3A_121, %slice3A_125 : vector<16x1024xf32>
      %jit3A_128 = arith.constant 12 : i32
      %broadcast_in_dim3A_129 = vector.broadcast %jit3A_128 : i32 to vector<16x1024xi32>
      %select_n3A_130 = arith.select %lt3A_126, %broadcast_in_dim3A_129, %select_n3A_124 : vector<16x1024xi1>, vector<16x1024xi32>
      %slice3A_131 = vector.extract_strided_slice %add3A_16 {offsets = [208, 0], sizes = [16, 1024], strides = [1, 1]} : vector<1024x1024xf32> to vector<16x1024xf32>
      %lt3A_132 = arith.cmpf olt, %slice3A_131, %min3A_127 : vector<16x1024xf32>
      %min3A_133 = arith.minimumf %min3A_127, %slice3A_131 : vector<16x1024xf32>
      %jit3A_134 = arith.constant 13 : i32
      %broadcast_in_dim3A_135 = vector.broadcast %jit3A_134 : i32 to vector<16x1024xi32>
      %select_n3A_136 = arith.select %lt3A_132, %broadcast_in_dim3A_135, %select_n3A_130 : vector<16x1024xi1>, vector<16x1024xi32>
      %slice3A_137 = vector.extract_strided_slice %add3A_16 {offsets = [224, 0], sizes = [16, 1024], strides = [1, 1]} : vector<1024x1024xf32> to vector<16x1024xf32>
      %lt3A_138 = arith.cmpf olt, %slice3A_137, %min3A_133 : vector<16x1024xf32>
      %min3A_139 = arith.minimumf %min3A_133, %slice3A_137 : vector<16x1024xf32>
      %jit3A_140 = arith.constant 14 : i32
      %broadcast_in_dim3A_141 = vector.broadcast %jit3A_140 : i32 to vector<16x1024xi32>
      %select_n3A_142 = arith.select %lt3A_138, %broadcast_in_dim3A_141, %select_n3A_136 : vector<16x1024xi1>, vector<16x1024xi32>
      %slice3A_143 = vector.extract_strided_slice %add3A_16 {offsets = [240, 0], sizes = [16, 1024], strides = [1, 1]} : vector<1024x1024xf32> to vector<16x1024xf32>
      %lt3A_144 = arith.cmpf olt, %slice3A_143, %min3A_139 : vector<16x1024xf32>
      %min3A_145 = arith.minimumf %min3A_139, %slice3A_143 : vector<16x1024xf32>
      %jit3A_146 = arith.constant 15 : i32
      %broadcast_in_dim3A_147 = vector.broadcast %jit3A_146 : i32 to vector<16x1024xi32>
      %select_n3A_148 = arith.select %lt3A_144, %broadcast_in_dim3A_147, %select_n3A_142 : vector<16x1024xi1>, vector<16x1024xi32>
      %slice3A_149 = vector.extract_strided_slice %add3A_16 {offsets = [256, 0], sizes = [16, 1024], strides = [1, 1]} : vector<1024x1024xf32> to vector<16x1024xf32>
      %lt3A_150 = arith.cmpf olt, %slice3A_149, %min3A_145 : vector<16x1024xf32>
      %min3A_151 = arith.minimumf %min3A_145, %slice3A_149 : vector<16x1024xf32>
      %jit3A_152 = arith.constant 16 : i32
      %broadcast_in_dim3A_153 = vector.broadcast %jit3A_152 : i32 to vector<16x1024xi32>
      %select_n3A_154 = arith.select %lt3A_150, %broadcast_in_dim3A_153, %select_n3A_148 : vector<16x1024xi1>, vector<16x1024xi32>
      %slice3A_155 = vector.extract_strided_slice %add3A_16 {offsets = [272, 0], sizes = [16, 1024], strides = [1, 1]} : vector<1024x1024xf32> to vector<16x1024xf32>
      %lt3A_156 = arith.cmpf olt, %slice3A_155, %min3A_151 : vector<16x1024xf32>
      %min3A_157 = arith.minimumf %min3A_151, %slice3A_155 : vector<16x1024xf32>
      %jit3A_158 = arith.constant 17 : i32
      %broadcast_in_dim3A_159 = vector.broadcast %jit3A_158 : i32 to vector<16x1024xi32>
      %select_n3A_160 = arith.select %lt3A_156, %broadcast_in_dim3A_159, %select_n3A_154 : vector<16x1024xi1>, vector<16x1024xi32>
      %slice3A_161 = vector.extract_strided_slice %add3A_16 {offsets = [288, 0], sizes = [16, 1024], strides = [1, 1]} : vector<1024x1024xf32> to vector<16x1024xf32>
      %lt3A_162 = arith.cmpf olt, %slice3A_161, %min3A_157 : vector<16x1024xf32>
      %min3A_163 = arith.minimumf %min3A_157, %slice3A_161 : vector<16x1024xf32>
      %jit3A_164 = arith.constant 18 : i32
      %broadcast_in_dim3A_165 = vector.broadcast %jit3A_164 : i32 to vector<16x1024xi32>
      %select_n3A_166 = arith.select %lt3A_162, %broadcast_in_dim3A_165, %select_n3A_160 : vector<16x1024xi1>, vector<16x1024xi32>
      %slice3A_167 = vector.extract_strided_slice %add3A_16 {offsets = [304, 0], sizes = [16, 1024], strides = [1, 1]} : vector<1024x1024xf32> to vector<16x1024xf32>
      %lt3A_168 = arith.cmpf olt, %slice3A_167, %min3A_163 : vector<16x1024xf32>
      %min3A_169 = arith.minimumf %min3A_163, %slice3A_167 : vector<16x1024xf32>
      %jit3A_170 = arith.constant 19 : i32
      %broadcast_in_dim3A_171 = vector.broadcast %jit3A_170 : i32 to vector<16x1024xi32>
      %select_n3A_172 = arith.select %lt3A_168, %broadcast_in_dim3A_171, %select_n3A_166 : vector<16x1024xi1>, vector<16x1024xi32>
      %slice3A_173 = vector.extract_strided_slice %add3A_16 {offsets = [320, 0], sizes = [16, 1024], strides = [1, 1]} : vector<1024x1024xf32> to vector<16x1024xf32>
      %lt3A_174 = arith.cmpf olt, %slice3A_173, %min3A_169 : vector<16x1024xf32>
      %min3A_175 = arith.minimumf %min3A_169, %slice3A_173 : vector<16x1024xf32>
      %jit3A_176 = arith.constant 20 : i32
      %broadcast_in_dim3A_177 = vector.broadcast %jit3A_176 : i32 to vector<16x1024xi32>
      %select_n3A_178 = arith.select %lt3A_174, %broadcast_in_dim3A_177, %select_n3A_172 : vector<16x1024xi1>, vector<16x1024xi32>
      %slice3A_179 = vector.extract_strided_slice %add3A_16 {offsets = [336, 0], sizes = [16, 1024], strides = [1, 1]} : vector<1024x1024xf32> to vector<16x1024xf32>
      %lt3A_180 = arith.cmpf olt, %slice3A_179, %min3A_175 : vector<16x1024xf32>
      %min3A_181 = arith.minimumf %min3A_175, %slice3A_179 : vector<16x1024xf32>
      %jit3A_182 = arith.constant 21 : i32
      %broadcast_in_dim3A_183 = vector.broadcast %jit3A_182 : i32 to vector<16x1024xi32>
      %select_n3A_184 = arith.select %lt3A_180, %broadcast_in_dim3A_183, %select_n3A_178 : vector<16x1024xi1>, vector<16x1024xi32>
      %slice3A_185 = vector.extract_strided_slice %add3A_16 {offsets = [352, 0], sizes = [16, 1024], strides = [1, 1]} : vector<1024x1024xf32> to vector<16x1024xf32>
      %lt3A_186 = arith.cmpf olt, %slice3A_185, %min3A_181 : vector<16x1024xf32>
      %min3A_187 = arith.minimumf %min3A_181, %slice3A_185 : vector<16x1024xf32>
      %jit3A_188 = arith.constant 22 : i32
      %broadcast_in_dim3A_189 = vector.broadcast %jit3A_188 : i32 to vector<16x1024xi32>
      %select_n3A_190 = arith.select %lt3A_186, %broadcast_in_dim3A_189, %select_n3A_184 : vector<16x1024xi1>, vector<16x1024xi32>
      %slice3A_191 = vector.extract_strided_slice %add3A_16 {offsets = [368, 0], sizes = [16, 1024], strides = [1, 1]} : vector<1024x1024xf32> to vector<16x1024xf32>
      %lt3A_192 = arith.cmpf olt, %slice3A_191, %min3A_187 : vector<16x1024xf32>
      %min3A_193 = arith.minimumf %min3A_187, %slice3A_191 : vector<16x1024xf32>
      %jit3A_194 = arith.constant 23 : i32
      %broadcast_in_dim3A_195 = vector.broadcast %jit3A_194 : i32 to vector<16x1024xi32>
      %select_n3A_196 = arith.select %lt3A_192, %broadcast_in_dim3A_195, %select_n3A_190 : vector<16x1024xi1>, vector<16x1024xi32>
      %slice3A_197 = vector.extract_strided_slice %add3A_16 {offsets = [384, 0], sizes = [16, 1024], strides = [1, 1]} : vector<1024x1024xf32> to vector<16x1024xf32>
      %lt3A_198 = arith.cmpf olt, %slice3A_197, %min3A_193 : vector<16x1024xf32>
      %min3A_199 = arith.minimumf %min3A_193, %slice3A_197 : vector<16x1024xf32>
      %jit3A_200 = arith.constant 24 : i32
      %broadcast_in_dim3A_201 = vector.broadcast %jit3A_200 : i32 to vector<16x1024xi32>
      %select_n3A_202 = arith.select %lt3A_198, %broadcast_in_dim3A_201, %select_n3A_196 : vector<16x1024xi1>, vector<16x1024xi32>
      %slice3A_203 = vector.extract_strided_slice %add3A_16 {offsets = [400, 0], sizes = [16, 1024], strides = [1, 1]} : vector<1024x1024xf32> to vector<16x1024xf32>
      %lt3A_204 = arith.cmpf olt, %slice3A_203, %min3A_199 : vector<16x1024xf32>
      %min3A_205 = arith.minimumf %min3A_199, %slice3A_203 : vector<16x1024xf32>
      %jit3A_206 = arith.constant 25 : i32
      %broadcast_in_dim3A_207 = vector.broadcast %jit3A_206 : i32 to vector<16x1024xi32>
      %select_n3A_208 = arith.select %lt3A_204, %broadcast_in_dim3A_207, %select_n3A_202 : vector<16x1024xi1>, vector<16x1024xi32>
      %slice3A_209 = vector.extract_strided_slice %add3A_16 {offsets = [416, 0], sizes = [16, 1024], strides = [1, 1]} : vector<1024x1024xf32> to vector<16x1024xf32>
      %lt3A_210 = arith.cmpf olt, %slice3A_209, %min3A_205 : vector<16x1024xf32>
      %min3A_211 = arith.minimumf %min3A_205, %slice3A_209 : vector<16x1024xf32>
      %jit3A_212 = arith.constant 26 : i32
      %broadcast_in_dim3A_213 = vector.broadcast %jit3A_212 : i32 to vector<16x1024xi32>
      %select_n3A_214 = arith.select %lt3A_210, %broadcast_in_dim3A_213, %select_n3A_208 : vector<16x1024xi1>, vector<16x1024xi32>
      %slice3A_215 = vector.extract_strided_slice %add3A_16 {offsets = [432, 0], sizes = [16, 1024], strides = [1, 1]} : vector<1024x1024xf32> to vector<16x1024xf32>
      %lt3A_216 = arith.cmpf olt, %slice3A_215, %min3A_211 : vector<16x1024xf32>
      %min3A_217 = arith.minimumf %min3A_211, %slice3A_215 : vector<16x1024xf32>
      %jit3A_218 = arith.constant 27 : i32
      %broadcast_in_dim3A_219 = vector.broadcast %jit3A_218 : i32 to vector<16x1024xi32>
      %select_n3A_220 = arith.select %lt3A_216, %broadcast_in_dim3A_219, %select_n3A_214 : vector<16x1024xi1>, vector<16x1024xi32>
      %slice3A_221 = vector.extract_strided_slice %add3A_16 {offsets = [448, 0], sizes = [16, 1024], strides = [1, 1]} : vector<1024x1024xf32> to vector<16x1024xf32>
      %lt3A_222 = arith.cmpf olt, %slice3A_221, %min3A_217 : vector<16x1024xf32>
      %min3A_223 = arith.minimumf %min3A_217, %slice3A_221 : vector<16x1024xf32>
      %jit3A_224 = arith.constant 28 : i32
      %broadcast_in_dim3A_225 = vector.broadcast %jit3A_224 : i32 to vector<16x1024xi32>
      %select_n3A_226 = arith.select %lt3A_222, %broadcast_in_dim3A_225, %select_n3A_220 : vector<16x1024xi1>, vector<16x1024xi32>
      %slice3A_227 = vector.extract_strided_slice %add3A_16 {offsets = [464, 0], sizes = [16, 1024], strides = [1, 1]} : vector<1024x1024xf32> to vector<16x1024xf32>
      %lt3A_228 = arith.cmpf olt, %slice3A_227, %min3A_223 : vector<16x1024xf32>
      %min3A_229 = arith.minimumf %min3A_223, %slice3A_227 : vector<16x1024xf32>
      %jit3A_230 = arith.constant 29 : i32
      %broadcast_in_dim3A_231 = vector.broadcast %jit3A_230 : i32 to vector<16x1024xi32>
      %select_n3A_232 = arith.select %lt3A_228, %broadcast_in_dim3A_231, %select_n3A_226 : vector<16x1024xi1>, vector<16x1024xi32>
      %slice3A_233 = vector.extract_strided_slice %add3A_16 {offsets = [480, 0], sizes = [16, 1024], strides = [1, 1]} : vector<1024x1024xf32> to vector<16x1024xf32>
      %lt3A_234 = arith.cmpf olt, %slice3A_233, %min3A_229 : vector<16x1024xf32>
      %min3A_235 = arith.minimumf %min3A_229, %slice3A_233 : vector<16x1024xf32>
      %jit3A_236 = arith.constant 30 : i32
      %broadcast_in_dim3A_237 = vector.broadcast %jit3A_236 : i32 to vector<16x1024xi32>
      %select_n3A_238 = arith.select %lt3A_234, %broadcast_in_dim3A_237, %select_n3A_232 : vector<16x1024xi1>, vector<16x1024xi32>
      %slice3A_239 = vector.extract_strided_slice %add3A_16 {offsets = [496, 0], sizes = [16, 1024], strides = [1, 1]} : vector<1024x1024xf32> to vector<16x1024xf32>
      %lt3A_240 = arith.cmpf olt, %slice3A_239, %min3A_235 : vector<16x1024xf32>
      %min3A_241 = arith.minimumf %min3A_235, %slice3A_239 : vector<16x1024xf32>
      %jit3A_242 = arith.constant 31 : i32
      %broadcast_in_dim3A_243 = vector.broadcast %jit3A_242 : i32 to vector<16x1024xi32>
      %select_n3A_244 = arith.select %lt3A_240, %broadcast_in_dim3A_243, %select_n3A_238 : vector<16x1024xi1>, vector<16x1024xi32>
      %slice3A_245 = vector.extract_strided_slice %add3A_16 {offsets = [512, 0], sizes = [16, 1024], strides = [1, 1]} : vector<1024x1024xf32> to vector<16x1024xf32>
      %lt3A_246 = arith.cmpf olt, %slice3A_245, %min3A_241 : vector<16x1024xf32>
      %min3A_247 = arith.minimumf %min3A_241, %slice3A_245 : vector<16x1024xf32>
      %jit3A_248 = arith.constant 32 : i32
      %broadcast_in_dim3A_249 = vector.broadcast %jit3A_248 : i32 to vector<16x1024xi32>
      %select_n3A_250 = arith.select %lt3A_246, %broadcast_in_dim3A_249, %select_n3A_244 : vector<16x1024xi1>, vector<16x1024xi32>
      %slice3A_251 = vector.extract_strided_slice %add3A_16 {offsets = [528, 0], sizes = [16, 1024], strides = [1, 1]} : vector<1024x1024xf32> to vector<16x1024xf32>
      %lt3A_252 = arith.cmpf olt, %slice3A_251, %min3A_247 : vector<16x1024xf32>
      %min3A_253 = arith.minimumf %min3A_247, %slice3A_251 : vector<16x1024xf32>
      %jit3A_254 = arith.constant 33 : i32
      %broadcast_in_dim3A_255 = vector.broadcast %jit3A_254 : i32 to vector<16x1024xi32>
      %select_n3A_256 = arith.select %lt3A_252, %broadcast_in_dim3A_255, %select_n3A_250 : vector<16x1024xi1>, vector<16x1024xi32>
      %slice3A_257 = vector.extract_strided_slice %add3A_16 {offsets = [544, 0], sizes = [16, 1024], strides = [1, 1]} : vector<1024x1024xf32> to vector<16x1024xf32>
      %lt3A_258 = arith.cmpf olt, %slice3A_257, %min3A_253 : vector<16x1024xf32>
      %min3A_259 = arith.minimumf %min3A_253, %slice3A_257 : vector<16x1024xf32>
      %jit3A_260 = arith.constant 34 : i32
      %broadcast_in_dim3A_261 = vector.broadcast %jit3A_260 : i32 to vector<16x1024xi32>
      %select_n3A_262 = arith.select %lt3A_258, %broadcast_in_dim3A_261, %select_n3A_256 : vector<16x1024xi1>, vector<16x1024xi32>
      %slice3A_263 = vector.extract_strided_slice %add3A_16 {offsets = [560, 0], sizes = [16, 1024], strides = [1, 1]} : vector<1024x1024xf32> to vector<16x1024xf32>
      %lt3A_264 = arith.cmpf olt, %slice3A_263, %min3A_259 : vector<16x1024xf32>
      %min3A_265 = arith.minimumf %min3A_259, %slice3A_263 : vector<16x1024xf32>
      %jit3A_266 = arith.constant 35 : i32
      %broadcast_in_dim3A_267 = vector.broadcast %jit3A_266 : i32 to vector<16x1024xi32>
      %select_n3A_268 = arith.select %lt3A_264, %broadcast_in_dim3A_267, %select_n3A_262 : vector<16x1024xi1>, vector<16x1024xi32>
      %slice3A_269 = vector.extract_strided_slice %add3A_16 {offsets = [576, 0], sizes = [16, 1024], strides = [1, 1]} : vector<1024x1024xf32> to vector<16x1024xf32>
      %lt3A_270 = arith.cmpf olt, %slice3A_269, %min3A_265 : vector<16x1024xf32>
      %min3A_271 = arith.minimumf %min3A_265, %slice3A_269 : vector<16x1024xf32>
      %jit3A_272 = arith.constant 36 : i32
      %broadcast_in_dim3A_273 = vector.broadcast %jit3A_272 : i32 to vector<16x1024xi32>
      %select_n3A_274 = arith.select %lt3A_270, %broadcast_in_dim3A_273, %select_n3A_268 : vector<16x1024xi1>, vector<16x1024xi32>
      %slice3A_275 = vector.extract_strided_slice %add3A_16 {offsets = [592, 0], sizes = [16, 1024], strides = [1, 1]} : vector<1024x1024xf32> to vector<16x1024xf32>
      %lt3A_276 = arith.cmpf olt, %slice3A_275, %min3A_271 : vector<16x1024xf32>
      %min3A_277 = arith.minimumf %min3A_271, %slice3A_275 : vector<16x1024xf32>
      %jit3A_278 = arith.constant 37 : i32
      %broadcast_in_dim3A_279 = vector.broadcast %jit3A_278 : i32 to vector<16x1024xi32>
      %select_n3A_280 = arith.select %lt3A_276, %broadcast_in_dim3A_279, %select_n3A_274 : vector<16x1024xi1>, vector<16x1024xi32>
      %slice3A_281 = vector.extract_strided_slice %add3A_16 {offsets = [608, 0], sizes = [16, 1024], strides = [1, 1]} : vector<1024x1024xf32> to vector<16x1024xf32>
      %lt3A_282 = arith.cmpf olt, %slice3A_281, %min3A_277 : vector<16x1024xf32>
      %min3A_283 = arith.minimumf %min3A_277, %slice3A_281 : vector<16x1024xf32>
      %jit3A_284 = arith.constant 38 : i32
      %broadcast_in_dim3A_285 = vector.broadcast %jit3A_284 : i32 to vector<16x1024xi32>
      %select_n3A_286 = arith.select %lt3A_282, %broadcast_in_dim3A_285, %select_n3A_280 : vector<16x1024xi1>, vector<16x1024xi32>
      %slice3A_287 = vector.extract_strided_slice %add3A_16 {offsets = [624, 0], sizes = [16, 1024], strides = [1, 1]} : vector<1024x1024xf32> to vector<16x1024xf32>
      %lt3A_288 = arith.cmpf olt, %slice3A_287, %min3A_283 : vector<16x1024xf32>
      %min3A_289 = arith.minimumf %min3A_283, %slice3A_287 : vector<16x1024xf32>
      %jit3A_290 = arith.constant 39 : i32
      %broadcast_in_dim3A_291 = vector.broadcast %jit3A_290 : i32 to vector<16x1024xi32>
      %select_n3A_292 = arith.select %lt3A_288, %broadcast_in_dim3A_291, %select_n3A_286 : vector<16x1024xi1>, vector<16x1024xi32>
      %slice3A_293 = vector.extract_strided_slice %add3A_16 {offsets = [640, 0], sizes = [16, 1024], strides = [1, 1]} : vector<1024x1024xf32> to vector<16x1024xf32>
      %lt3A_294 = arith.cmpf olt, %slice3A_293, %min3A_289 : vector<16x1024xf32>
      %min3A_295 = arith.minimumf %min3A_289, %slice3A_293 : vector<16x1024xf32>
      %jit3A_296 = arith.constant 40 : i32
      %broadcast_in_dim3A_297 = vector.broadcast %jit3A_296 : i32 to vector<16x1024xi32>
      %select_n3A_298 = arith.select %lt3A_294, %broadcast_in_dim3A_297, %select_n3A_292 : vector<16x1024xi1>, vector<16x1024xi32>
      %slice3A_299 = vector.extract_strided_slice %add3A_16 {offsets = [656, 0], sizes = [16, 1024], strides = [1, 1]} : vector<1024x1024xf32> to vector<16x1024xf32>
      %lt3A_300 = arith.cmpf olt, %slice3A_299, %min3A_295 : vector<16x1024xf32>
      %min3A_301 = arith.minimumf %min3A_295, %slice3A_299 : vector<16x1024xf32>
      %jit3A_302 = arith.constant 41 : i32
      %broadcast_in_dim3A_303 = vector.broadcast %jit3A_302 : i32 to vector<16x1024xi32>
      %select_n3A_304 = arith.select %lt3A_300, %broadcast_in_dim3A_303, %select_n3A_298 : vector<16x1024xi1>, vector<16x1024xi32>
      %slice3A_305 = vector.extract_strided_slice %add3A_16 {offsets = [672, 0], sizes = [16, 1024], strides = [1, 1]} : vector<1024x1024xf32> to vector<16x1024xf32>
      %lt3A_306 = arith.cmpf olt, %slice3A_305, %min3A_301 : vector<16x1024xf32>
      %min3A_307 = arith.minimumf %min3A_301, %slice3A_305 : vector<16x1024xf32>
      %jit3A_308 = arith.constant 42 : i32
      %broadcast_in_dim3A_309 = vector.broadcast %jit3A_308 : i32 to vector<16x1024xi32>
      %select_n3A_310 = arith.select %lt3A_306, %broadcast_in_dim3A_309, %select_n3A_304 : vector<16x1024xi1>, vector<16x1024xi32>
      %slice3A_311 = vector.extract_strided_slice %add3A_16 {offsets = [688, 0], sizes = [16, 1024], strides = [1, 1]} : vector<1024x1024xf32> to vector<16x1024xf32>
      %lt3A_312 = arith.cmpf olt, %slice3A_311, %min3A_307 : vector<16x1024xf32>
      %min3A_313 = arith.minimumf %min3A_307, %slice3A_311 : vector<16x1024xf32>
      %jit3A_314 = arith.constant 43 : i32
      %broadcast_in_dim3A_315 = vector.broadcast %jit3A_314 : i32 to vector<16x1024xi32>
      %select_n3A_316 = arith.select %lt3A_312, %broadcast_in_dim3A_315, %select_n3A_310 : vector<16x1024xi1>, vector<16x1024xi32>
      %slice3A_317 = vector.extract_strided_slice %add3A_16 {offsets = [704, 0], sizes = [16, 1024], strides = [1, 1]} : vector<1024x1024xf32> to vector<16x1024xf32>
      %lt3A_318 = arith.cmpf olt, %slice3A_317, %min3A_313 : vector<16x1024xf32>
      %min3A_319 = arith.minimumf %min3A_313, %slice3A_317 : vector<16x1024xf32>
      %jit3A_320 = arith.constant 44 : i32
      %broadcast_in_dim3A_321 = vector.broadcast %jit3A_320 : i32 to vector<16x1024xi32>
      %select_n3A_322 = arith.select %lt3A_318, %broadcast_in_dim3A_321, %select_n3A_316 : vector<16x1024xi1>, vector<16x1024xi32>
      %slice3A_323 = vector.extract_strided_slice %add3A_16 {offsets = [720, 0], sizes = [16, 1024], strides = [1, 1]} : vector<1024x1024xf32> to vector<16x1024xf32>
      %lt3A_324 = arith.cmpf olt, %slice3A_323, %min3A_319 : vector<16x1024xf32>
      %min3A_325 = arith.minimumf %min3A_319, %slice3A_323 : vector<16x1024xf32>
      %jit3A_326 = arith.constant 45 : i32
      %broadcast_in_dim3A_327 = vector.broadcast %jit3A_326 : i32 to vector<16x1024xi32>
      %select_n3A_328 = arith.select %lt3A_324, %broadcast_in_dim3A_327, %select_n3A_322 : vector<16x1024xi1>, vector<16x1024xi32>
      %slice3A_329 = vector.extract_strided_slice %add3A_16 {offsets = [736, 0], sizes = [16, 1024], strides = [1, 1]} : vector<1024x1024xf32> to vector<16x1024xf32>
      %lt3A_330 = arith.cmpf olt, %slice3A_329, %min3A_325 : vector<16x1024xf32>
      %min3A_331 = arith.minimumf %min3A_325, %slice3A_329 : vector<16x1024xf32>
      %jit3A_332 = arith.constant 46 : i32
      %broadcast_in_dim3A_333 = vector.broadcast %jit3A_332 : i32 to vector<16x1024xi32>
      %select_n3A_334 = arith.select %lt3A_330, %broadcast_in_dim3A_333, %select_n3A_328 : vector<16x1024xi1>, vector<16x1024xi32>
      %slice3A_335 = vector.extract_strided_slice %add3A_16 {offsets = [752, 0], sizes = [16, 1024], strides = [1, 1]} : vector<1024x1024xf32> to vector<16x1024xf32>
      %lt3A_336 = arith.cmpf olt, %slice3A_335, %min3A_331 : vector<16x1024xf32>
      %min3A_337 = arith.minimumf %min3A_331, %slice3A_335 : vector<16x1024xf32>
      %jit3A_338 = arith.constant 47 : i32
      %broadcast_in_dim3A_339 = vector.broadcast %jit3A_338 : i32 to vector<16x1024xi32>
      %select_n3A_340 = arith.select %lt3A_336, %broadcast_in_dim3A_339, %select_n3A_334 : vector<16x1024xi1>, vector<16x1024xi32>
      %slice3A_341 = vector.extract_strided_slice %add3A_16 {offsets = [768, 0], sizes = [16, 1024], strides = [1, 1]} : vector<1024x1024xf32> to vector<16x1024xf32>
      %lt3A_342 = arith.cmpf olt, %slice3A_341, %min3A_337 : vector<16x1024xf32>
      %min3A_343 = arith.minimumf %min3A_337, %slice3A_341 : vector<16x1024xf32>
      %jit3A_344 = arith.constant 48 : i32
      %broadcast_in_dim3A_345 = vector.broadcast %jit3A_344 : i32 to vector<16x1024xi32>
      %select_n3A_346 = arith.select %lt3A_342, %broadcast_in_dim3A_345, %select_n3A_340 : vector<16x1024xi1>, vector<16x1024xi32>
      %slice3A_347 = vector.extract_strided_slice %add3A_16 {offsets = [784, 0], sizes = [16, 1024], strides = [1, 1]} : vector<1024x1024xf32> to vector<16x1024xf32>
      %lt3A_348 = arith.cmpf olt, %slice3A_347, %min3A_343 : vector<16x1024xf32>
      %min3A_349 = arith.minimumf %min3A_343, %slice3A_347 : vector<16x1024xf32>
      %jit3A_350 = arith.constant 49 : i32
      %broadcast_in_dim3A_351 = vector.broadcast %jit3A_350 : i32 to vector<16x1024xi32>
      %select_n3A_352 = arith.select %lt3A_348, %broadcast_in_dim3A_351, %select_n3A_346 : vector<16x1024xi1>, vector<16x1024xi32>
      %slice3A_353 = vector.extract_strided_slice %add3A_16 {offsets = [800, 0], sizes = [16, 1024], strides = [1, 1]} : vector<1024x1024xf32> to vector<16x1024xf32>
      %lt3A_354 = arith.cmpf olt, %slice3A_353, %min3A_349 : vector<16x1024xf32>
      %min3A_355 = arith.minimumf %min3A_349, %slice3A_353 : vector<16x1024xf32>
      %jit3A_356 = arith.constant 50 : i32
      %broadcast_in_dim3A_357 = vector.broadcast %jit3A_356 : i32 to vector<16x1024xi32>
      %select_n3A_358 = arith.select %lt3A_354, %broadcast_in_dim3A_357, %select_n3A_352 : vector<16x1024xi1>, vector<16x1024xi32>
      %slice3A_359 = vector.extract_strided_slice %add3A_16 {offsets = [816, 0], sizes = [16, 1024], strides = [1, 1]} : vector<1024x1024xf32> to vector<16x1024xf32>
      %lt3A_360 = arith.cmpf olt, %slice3A_359, %min3A_355 : vector<16x1024xf32>
      %min3A_361 = arith.minimumf %min3A_355, %slice3A_359 : vector<16x1024xf32>
      %jit3A_362 = arith.constant 51 : i32
      %broadcast_in_dim3A_363 = vector.broadcast %jit3A_362 : i32 to vector<16x1024xi32>
      %select_n3A_364 = arith.select %lt3A_360, %broadcast_in_dim3A_363, %select_n3A_358 : vector<16x1024xi1>, vector<16x1024xi32>
      %slice3A_365 = vector.extract_strided_slice %add3A_16 {offsets = [832, 0], sizes = [16, 1024], strides = [1, 1]} : vector<1024x1024xf32> to vector<16x1024xf32>
      %lt3A_366 = arith.cmpf olt, %slice3A_365, %min3A_361 : vector<16x1024xf32>
      %min3A_367 = arith.minimumf %min3A_361, %slice3A_365 : vector<16x1024xf32>
      %jit3A_368 = arith.constant 52 : i32
      %broadcast_in_dim3A_369 = vector.broadcast %jit3A_368 : i32 to vector<16x1024xi32>
      %select_n3A_370 = arith.select %lt3A_366, %broadcast_in_dim3A_369, %select_n3A_364 : vector<16x1024xi1>, vector<16x1024xi32>
      %slice3A_371 = vector.extract_strided_slice %add3A_16 {offsets = [848, 0], sizes = [16, 1024], strides = [1, 1]} : vector<1024x1024xf32> to vector<16x1024xf32>
      %lt3A_372 = arith.cmpf olt, %slice3A_371, %min3A_367 : vector<16x1024xf32>
      %min3A_373 = arith.minimumf %min3A_367, %slice3A_371 : vector<16x1024xf32>
      %jit3A_374 = arith.constant 53 : i32
      %broadcast_in_dim3A_375 = vector.broadcast %jit3A_374 : i32 to vector<16x1024xi32>
      %select_n3A_376 = arith.select %lt3A_372, %broadcast_in_dim3A_375, %select_n3A_370 : vector<16x1024xi1>, vector<16x1024xi32>
      %slice3A_377 = vector.extract_strided_slice %add3A_16 {offsets = [864, 0], sizes = [16, 1024], strides = [1, 1]} : vector<1024x1024xf32> to vector<16x1024xf32>
      %lt3A_378 = arith.cmpf olt, %slice3A_377, %min3A_373 : vector<16x1024xf32>
      %min3A_379 = arith.minimumf %min3A_373, %slice3A_377 : vector<16x1024xf32>
      %jit3A_380 = arith.constant 54 : i32
      %broadcast_in_dim3A_381 = vector.broadcast %jit3A_380 : i32 to vector<16x1024xi32>
      %select_n3A_382 = arith.select %lt3A_378, %broadcast_in_dim3A_381, %select_n3A_376 : vector<16x1024xi1>, vector<16x1024xi32>
      %slice3A_383 = vector.extract_strided_slice %add3A_16 {offsets = [880, 0], sizes = [16, 1024], strides = [1, 1]} : vector<1024x1024xf32> to vector<16x1024xf32>
      %lt3A_384 = arith.cmpf olt, %slice3A_383, %min3A_379 : vector<16x1024xf32>
      %min3A_385 = arith.minimumf %min3A_379, %slice3A_383 : vector<16x1024xf32>
      %jit3A_386 = arith.constant 55 : i32
      %broadcast_in_dim3A_387 = vector.broadcast %jit3A_386 : i32 to vector<16x1024xi32>
      %select_n3A_388 = arith.select %lt3A_384, %broadcast_in_dim3A_387, %select_n3A_382 : vector<16x1024xi1>, vector<16x1024xi32>
      %slice3A_389 = vector.extract_strided_slice %add3A_16 {offsets = [896, 0], sizes = [16, 1024], strides = [1, 1]} : vector<1024x1024xf32> to vector<16x1024xf32>
      %lt3A_390 = arith.cmpf olt, %slice3A_389, %min3A_385 : vector<16x1024xf32>
      %min3A_391 = arith.minimumf %min3A_385, %slice3A_389 : vector<16x1024xf32>
      %jit3A_392 = arith.constant 56 : i32
      %broadcast_in_dim3A_393 = vector.broadcast %jit3A_392 : i32 to vector<16x1024xi32>
      %select_n3A_394 = arith.select %lt3A_390, %broadcast_in_dim3A_393, %select_n3A_388 : vector<16x1024xi1>, vector<16x1024xi32>
      %slice3A_395 = vector.extract_strided_slice %add3A_16 {offsets = [912, 0], sizes = [16, 1024], strides = [1, 1]} : vector<1024x1024xf32> to vector<16x1024xf32>
      %lt3A_396 = arith.cmpf olt, %slice3A_395, %min3A_391 : vector<16x1024xf32>
      %min3A_397 = arith.minimumf %min3A_391, %slice3A_395 : vector<16x1024xf32>
      %jit3A_398 = arith.constant 57 : i32
      %broadcast_in_dim3A_399 = vector.broadcast %jit3A_398 : i32 to vector<16x1024xi32>
      %select_n3A_400 = arith.select %lt3A_396, %broadcast_in_dim3A_399, %select_n3A_394 : vector<16x1024xi1>, vector<16x1024xi32>
      %slice3A_401 = vector.extract_strided_slice %add3A_16 {offsets = [928, 0], sizes = [16, 1024], strides = [1, 1]} : vector<1024x1024xf32> to vector<16x1024xf32>
      %lt3A_402 = arith.cmpf olt, %slice3A_401, %min3A_397 : vector<16x1024xf32>
      %min3A_403 = arith.minimumf %min3A_397, %slice3A_401 : vector<16x1024xf32>
      %jit3A_404 = arith.constant 58 : i32
      %broadcast_in_dim3A_405 = vector.broadcast %jit3A_404 : i32 to vector<16x1024xi32>
      %select_n3A_406 = arith.select %lt3A_402, %broadcast_in_dim3A_405, %select_n3A_400 : vector<16x1024xi1>, vector<16x1024xi32>
      %slice3A_407 = vector.extract_strided_slice %add3A_16 {offsets = [944, 0], sizes = [16, 1024], strides = [1, 1]} : vector<1024x1024xf32> to vector<16x1024xf32>
      %lt3A_408 = arith.cmpf olt, %slice3A_407, %min3A_403 : vector<16x1024xf32>
      %min3A_409 = arith.minimumf %min3A_403, %slice3A_407 : vector<16x1024xf32>
      %jit3A_410 = arith.constant 59 : i32
      %broadcast_in_dim3A_411 = vector.broadcast %jit3A_410 : i32 to vector<16x1024xi32>
      %select_n3A_412 = arith.select %lt3A_408, %broadcast_in_dim3A_411, %select_n3A_406 : vector<16x1024xi1>, vector<16x1024xi32>
      %slice3A_413 = vector.extract_strided_slice %add3A_16 {offsets = [960, 0], sizes = [16, 1024], strides = [1, 1]} : vector<1024x1024xf32> to vector<16x1024xf32>
      %lt3A_414 = arith.cmpf olt, %slice3A_413, %min3A_409 : vector<16x1024xf32>
      %min3A_415 = arith.minimumf %min3A_409, %slice3A_413 : vector<16x1024xf32>
      %jit3A_416 = arith.constant 60 : i32
      %broadcast_in_dim3A_417 = vector.broadcast %jit3A_416 : i32 to vector<16x1024xi32>
      %select_n3A_418 = arith.select %lt3A_414, %broadcast_in_dim3A_417, %select_n3A_412 : vector<16x1024xi1>, vector<16x1024xi32>
      %slice3A_419 = vector.extract_strided_slice %add3A_16 {offsets = [976, 0], sizes = [16, 1024], strides = [1, 1]} : vector<1024x1024xf32> to vector<16x1024xf32>
      %lt3A_420 = arith.cmpf olt, %slice3A_419, %min3A_415 : vector<16x1024xf32>
      %min3A_421 = arith.minimumf %min3A_415, %slice3A_419 : vector<16x1024xf32>
      %jit3A_422 = arith.constant 61 : i32
      %broadcast_in_dim3A_423 = vector.broadcast %jit3A_422 : i32 to vector<16x1024xi32>
      %select_n3A_424 = arith.select %lt3A_420, %broadcast_in_dim3A_423, %select_n3A_418 : vector<16x1024xi1>, vector<16x1024xi32>
      %slice3A_425 = vector.extract_strided_slice %add3A_16 {offsets = [992, 0], sizes = [16, 1024], strides = [1, 1]} : vector<1024x1024xf32> to vector<16x1024xf32>
      %lt3A_426 = arith.cmpf olt, %slice3A_425, %min3A_421 : vector<16x1024xf32>
      %min3A_427 = arith.minimumf %min3A_421, %slice3A_425 : vector<16x1024xf32>
      %jit3A_428 = arith.constant 62 : i32
      %broadcast_in_dim3A_429 = vector.broadcast %jit3A_428 : i32 to vector<16x1024xi32>
      %select_n3A_430 = arith.select %lt3A_426, %broadcast_in_dim3A_429, %select_n3A_424 : vector<16x1024xi1>, vector<16x1024xi32>
      %slice3A_431 = vector.extract_strided_slice %add3A_16 {offsets = [1008, 0], sizes = [16, 1024], strides = [1, 1]} : vector<1024x1024xf32> to vector<16x1024xf32>
      %lt3A_432 = arith.cmpf olt, %slice3A_431, %min3A_427 : vector<16x1024xf32>
      %min3A_433 = arith.minimumf %min3A_427, %slice3A_431 : vector<16x1024xf32>
      %jit3A_434 = arith.constant 63 : i32
      %broadcast_in_dim3A_435 = vector.broadcast %jit3A_434 : i32 to vector<16x1024xi32>
      %select_n3A_436 = arith.select %lt3A_432, %broadcast_in_dim3A_435, %select_n3A_430 : vector<16x1024xi1>, vector<16x1024xi32>
      %mul3A = arith.constant 16 : i32
      %mul3A_437 = vector.broadcast %mul3A : i32 to vector<16x1024xi32>
      %mul3A_438 = arith.muli %select_n3A_436, %mul3A_437 : vector<16x1024xi32>
      %iota3A = tpu.iota {dimensions = array<i32: 0>} : vector<16x1024xi32>
      %add3A_439 = arith.addi %mul3A_438, %iota3A : vector<16x1024xi32>
      %reduce_min3A = arith.constant dense<0x7F800000> : vector<1024xf32>
      %reduce_min3A_440 = vector.multi_reduction <minimumf>, %min3A_433, %reduce_min3A [0] : vector<16x1024xf32> to vector<1024xf32>
      %broadcast_in_dim3A_441 = vector.shape_cast %reduce_min3A_440 : vector<1024xf32> to vector<1x1024xf32>
      %eq3A_442 = vector.broadcast %broadcast_in_dim3A_441 : vector<1x1024xf32> to vector<16x1024xf32>
      %eq3A_443 = arith.cmpf oeq, %min3A_433, %eq3A_442 : vector<16x1024xf32>
      %jit3A_444 = arith.constant 8192 : i32
      %broadcast_in_dim3A_445 = vector.broadcast %jit3A_444 : i32 to vector<16x1024xi32>
      %select_n3A_446 = arith.select %eq3A_443, %add3A_439, %broadcast_in_dim3A_445 : vector<16x1024xi1>, vector<16x1024xi32>
      %reduce_min3A_447 = arith.constant dense<2147483647> : vector<1024xi32>
      %reduce_min3A_448 = vector.multi_reduction <minsi>, %select_n3A_446, %reduce_min3A_447 [0] : vector<16x1024xi32> to vector<1024xi32>
      %broadcast_in_dim3A_449 = vector.shape_cast %reduce_min3A_448 : vector<1024xi32> to vector<1x1024xi32>
      %add3A_450 = arith.constant 7168 : i32
      %add3A_451 = vector.broadcast %add3A_450 : i32 to vector<1x1024xi32>
      %add3A_452 = arith.addi %broadcast_in_dim3A_449, %add3A_451 : vector<1x1024xi32>
      %get3A_453 = arith.constant 0 : index
      %get3A_454 = arith.constant 0 : index
      %get3A_455 = vector.load %arg15[%get3A_453, %get3A_454] : memref<1x1024xf32, #tpu.memory_space<vmem>>, vector<1x1024xf32>
      %lt3A_456 = arith.cmpf olt, %broadcast_in_dim3A_441, %get3A_455 : vector<1x1024xf32>
      %get3A_457 = arith.constant 0 : index
      %get3A_458 = arith.constant 0 : index
      %get3A_459 = vector.load %arg16[%get3A_457, %get3A_458] : memref<1x1024xi32, #tpu.memory_space<vmem>>, vector<1x1024xi32>
      %select_n3A_460 = arith.select %lt3A_456, %add3A_452, %get3A_459 : vector<1x1024xi1>, vector<1x1024xi32>
      %swap3A = arith.constant 0 : index
      %swap3A_461 = arith.constant 0 : index
      %swap3A_462 = vector.load %arg16[%swap3A, %swap3A_461] : memref<1x1024xi32, #tpu.memory_space<vmem>>, vector<1x1024xi32>
      tpu.vector_store %arg16[%swap3A, %swap3A_461], %select_n3A_460 {strides = array<i32>} : memref<1x1024xi32, #tpu.memory_space<vmem>>, vector<1x1024xi32>,
      %get3A_463 = arith.constant 0 : index
      %get3A_464 = arith.constant 0 : index
      %get3A_465 = vector.load %arg15[%get3A_463, %get3A_464] : memref<1x1024xf32, #tpu.memory_space<vmem>>, vector<1x1024xf32>
      %select_n3A_466 = arith.select %lt3A_456, %broadcast_in_dim3A_441, %get3A_465 : vector<1x1024xi1>, vector<1x1024xf32>
      %swap3A_467 = arith.constant 0 : index
      %swap3A_468 = arith.constant 0 : index
      %swap3A_469 = vector.load %arg15[%swap3A_467, %swap3A_468] : memref<1x1024xf32, #tpu.memory_space<vmem>>, vector<1x1024xf32>
      tpu.vector_store %arg15[%swap3A_467, %swap3A_468], %select_n3A_466 {strides = array<i32>} : memref<1x1024xf32, #tpu.memory_space<vmem>>, vector<1x1024xf32>,
    } else {
    }
    %eq3A_57 = arith.constant 7 : i32
    %eq3A_58 = arith.cmpi eq, %arg1, %eq3A_57 : i32
    %convert_element_type3A_59 = arith.extui %eq3A_58 : i1 to i32
    %cond3A_60 = arith.constant 0 : i32
    %cond3A_61 = arith.cmpi ne, %convert_element_type3A_59, %cond3A_60 : i32
    scf.if %cond3A_61 {
      %broadcast_in_dim3A = arith.constant 0x7F800000 : f32
      %broadcast_in_dim3A_62 = vector.broadcast %broadcast_in_dim3A : f32 to vector<1x1024xf32>
      %broadcast_in_dim3A_63 = arith.constant 0 : i32
      %broadcast_in_dim3A_64 = vector.broadcast %broadcast_in_dim3A_63 : i32 to vector<1x1024xi32>
      %get3A_65 = arith.constant 0 : index
      %get3A_66 = arith.constant 0 : index
      %get3A_67 = vector.load %arg11[%get3A_65, %get3A_66] : memref<1x1024xf32, #tpu.memory_space<vmem>>, vector<1x1024xf32>
      %lt3A = arith.cmpf olt, %get3A_67, %broadcast_in_dim3A_62 : vector<1x1024xf32>
      %get3A_68 = arith.constant 0 : index
      %get3A_69 = arith.constant 0 : index
      %get3A_70 = vector.load %arg12[%get3A_68, %get3A_69] : memref<1x1024xi32, #tpu.memory_space<vmem>>, vector<1x1024xi32>
      %select_n3A = arith.select %lt3A, %get3A_70, %broadcast_in_dim3A_64 : vector<1x1024xi1>, vector<1x1024xi32>
      %get3A_71 = arith.constant 0 : index
      %get3A_72 = arith.constant 0 : index
      %get3A_73 = vector.load %arg11[%get3A_71, %get3A_72] : memref<1x1024xf32, #tpu.memory_space<vmem>>, vector<1x1024xf32>
      %select_n3A_74 = arith.select %lt3A, %get3A_73, %broadcast_in_dim3A_62 : vector<1x1024xi1>, vector<1x1024xf32>
      %convert_element_type3A_75 = arith.truncf %select_n3A_74 : vector<1x1024xf32> to vector<1x1024xbf16>
      %convert_element_type3A_76 = arith.extf %convert_element_type3A_75 : vector<1x1024xbf16> to vector<1x1024xf32>
      %get3A_77 = arith.constant 0 : index
      %get3A_78 = arith.constant 0 : index
      %get3A_79 = vector.load %arg13[%get3A_77, %get3A_78] : memref<1x1024xf32, #tpu.memory_space<vmem>>, vector<1x1024xf32>
      %lt3A_80 = arith.cmpf olt, %get3A_79, %convert_element_type3A_76 : vector<1x1024xf32>
      %get3A_81 = arith.constant 0 : index
      %get3A_82 = arith.constant 0 : index
      %get3A_83 = vector.load %arg14[%get3A_81, %get3A_82] : memref<1x1024xi32, #tpu.memory_space<vmem>>, vector<1x1024xi32>
      %select_n3A_84 = arith.select %lt3A_80, %get3A_83, %select_n3A : vector<1x1024xi1>, vector<1x1024xi32>
      %get3A_85 = arith.constant 0 : index
      %get3A_86 = arith.constant 0 : index
      %get3A_87 = vector.load %arg13[%get3A_85, %get3A_86] : memref<1x1024xf32, #tpu.memory_space<vmem>>, vector<1x1024xf32>
      %select_n3A_88 = arith.select %lt3A_80, %get3A_87, %convert_element_type3A_76 : vector<1x1024xi1>, vector<1x1024xf32>
      %convert_element_type3A_89 = arith.truncf %select_n3A_88 : vector<1x1024xf32> to vector<1x1024xbf16>
      %convert_element_type3A_90 = arith.extf %convert_element_type3A_89 : vector<1x1024xbf16> to vector<1x1024xf32>
      %get3A_91 = arith.constant 0 : index
      %get3A_92 = arith.constant 0 : index
      %get3A_93 = vector.load %arg15[%get3A_91, %get3A_92] : memref<1x1024xf32, #tpu.memory_space<vmem>>, vector<1x1024xf32>
      %lt3A_94 = arith.cmpf olt, %get3A_93, %convert_element_type3A_90 : vector<1x1024xf32>
      %get3A_95 = arith.constant 0 : index
      %get3A_96 = arith.constant 0 : index
      %get3A_97 = vector.load %arg16[%get3A_95, %get3A_96] : memref<1x1024xi32, #tpu.memory_space<vmem>>, vector<1x1024xi32>
      %select_n3A_98 = arith.select %lt3A_94, %get3A_97, %select_n3A_84 : vector<1x1024xi1>, vector<1x1024xi32>
      %swap3A = arith.constant 0 : index
      %swap3A_99 = arith.constant 0 : index
      %swap3A_100 = arith.constant 0 : index
      %swap3A_101 = vector.load %arg8[%swap3A, %swap3A_99, %swap3A_100] : memref<1x1x1024xi32, #tpu.memory_space<vmem>>, vector<1x1x1024xi32>
      %swap3A_102 = vector.shape_cast %swap3A_101 : vector<1x1x1024xi32> to vector<1x1024xi32>
      %swap3A_103 = vector.shape_cast %select_n3A_98 : vector<1x1024xi32> to vector<1x1x1024xi32>
      tpu.vector_store %arg8[%swap3A, %swap3A_99, %swap3A_100], %swap3A_103 {strides = array<i32>} : memref<1x1x1024xi32, #tpu.memory_space<vmem>>, vector<1x1x1024xi32>,
    } else {
    }
    return
  }
  func.func @transform_0(%arg0: i32, %arg1: i32) -> (i32, i32, i32) {
    %c0_i32 = arith.constant 0 : i32
    %c0_i32_0 = arith.constant 0 : i32
    %c0_i32_1 = arith.constant 0 : i32
    return %arg0, %c0_i32, %c0_i32_0 : i32, i32, i32
  }
  func.func @transform_1(%arg0: i32, %arg1: i32) -> (i32, i32) {
    %c0_i32 = arith.constant 0 : i32
    %c0_i32_0 = arith.constant 0 : i32
    %c0_i32_1 = arith.constant 0 : i32
    return %c0_i32, %c0_i32_0 : i32, i32
  }
  func.func @transform_2(%arg0: i32, %arg1: i32) -> (i32, i32) {
    %c0_i32 = arith.constant 0 : i32
    %c0_i32_0 = arith.constant 0 : i32
    %c0_i32_1 = arith.constant 0 : i32
    return %c0_i32, %c0_i32_0 : i32, i32
  }
  func.func @transform_3(%arg0: i32, %arg1: i32) -> (i32, i32) {
    %c0_i32 = arith.constant 0 : i32
    %c0_i32_0 = arith.constant 0 : i32
    return %arg1, %c0_i32 : i32, i32
  }
  func.func @transform_4(%arg0: i32, %arg1: i32) -> (i32, i32) {
    %c0_i32 = arith.constant 0 : i32
    %c0_i32_0 = arith.constant 0 : i32
    return %arg1, %c0_i32 : i32, i32
  }
  func.func @transform_5(%arg0: i32, %arg1: i32) -> (i32, i32, i32) {
    %c0_i32 = arith.constant 0 : i32
    %c0_i32_0 = arith.constant 0 : i32
    %c0_i32_1 = arith.constant 0 : i32
    return %arg0, %c0_i32, %c0_i32_0 : i32, i32, i32
  }
  func.func @transform_6(%arg0: i32, %arg1: i32) -> (i32, i32, i32) {
    %c0_i32 = arith.constant 0 : i32
    %c0_i32_0 = arith.constant 0 : i32
    %c0_i32_1 = arith.constant 0 : i32
    return %arg0, %c0_i32, %c0_i32_0 : i32, i32, i32
  }
}

</mosaic_0001>

<sc_bundles>
// kernel: kernel.5.cloned.1.call-start
scs
__scs_entry_jumppad:
0x0: {  	(pc) =	sbr.rel $0x88, $3  }
0x1: {  	(tag) =	ssettag $0x0;
	lr =	simm.s32 $0x1  }
0x2: {  	[smem:$0x3F9B] =	sst lr;
	_ =	strace $0xD0000000  }
0x3: {  	_ = 	snop  }
0x4: {  	_ = 	snop  }
0x5: {  	_ = 	snop  }
0x6: {  	_ = 	snop  }
0x7: {  	_ = 	snop  }
__scs_overlays_trampoline_lowered:
0x8: {  	[smem:$0x3FAA] =	sst s0  }
0x9: {  	[smem:$0x3FAB] =	sst s1  }
0xa: {  	[smem:$0x3FAC] =	sst s2  }
0xb: {  	[smem:$0x3FAD] =	sst s3  }
0xc: {  	[smem:$0x3FAE] =	sst s4  }
0xd: {  	[smem:$0x3FAF] =	sst s5  }
0xe: {  	[smem:$0x3FB0] =	sst s6  }
0xf: {  	[smem:$0x3FB1] =	sst s7  }
0x10: {  	[smem:$0x3FB2] =	sst s8  }
0x11: {  	[smem:$0x3FB3] =	sst s9;
	s0 =	simm.s32 @!p0 $0x0  }
0x12: {  	s1 =	sld [smem:$0x3F99];
	s0 =	simm.s32 @p0 $0x1  }
0x13: {  	[smem:$0x3FB4] =	sst s0;
	s0 =	simm.s32 @!p1 $0x0  }
0x14: {  	s2 =	sld [smem:$0x3F98];
	s0 =	simm.s32 @p1 $0x1  }
0x15: {  	[smem:$0x3FB5] =	sst s0;
	s0 =	simm.s32 @!p2 $0x0  }
0x16: {  	s3 =	sld [smem:$0x3FDB];
	s0 =	simm.s32 @p2 $0x1  }
0x17: {  	s4 =	simm.s32 $0x1BF5;
	[smem:$0x3FB7] =	sst s0  }
0x18: {  	s0 =	sld [smem:$0x3F9A];
	_ =	swait.ge [sflag:s4], $0x0  }
0x19: {  	s7 =	sld [smem:$0x3F9B]  }
0x1a: {  	s8 =	sadd.s32 $0xFFFFE003, lr  }
0x1b: {  	s9 =	sadd.s32 $0xFFFFFEF7, lr;
	s5 =	simm.s32 $0xFFFFFFFF;
	p2 =	slt.u32 s8, $0xFFFFF086  }
0x1c: {  	p1 =	slt.u32 s9, $0xF7A;
	s5 =	simm.s32 @!p2 $0x0  }
0x1d: {  	s5 =	simm.s32 @p1 $0x1;
	p0 =	seq.s32 s7, s2  }
0x1e: {  	s7 =	smul.u32 @!p0 $0xF7A, s2;
	p2 =	seq.s32 @!p0 s5, $0x0  }
0x1f: {  	s9 =	smul.u32 $0xF7A, s1;
	s8 =	simm.s32 @!p0 $0x1BF5;
	p2 =	por !p2, p0  }
0x20: {  	[sflag:s8] =	ssyncset.s32 @!p0 $0xFFFFF086;
	s6 =	sadd.s32 @!p0 s3, s7;
	s7 =	simm.s32 @!p0 $0x108  }
0x21: {  	s3 =	sadd.s32 s3, s9;
	s6 =	sadd.s32 @!p0 $0x88, s6;
	s7 =	simm.s32 @p2 $0x1082  }
0x22: {  	[simem:s7], [sflag:s8] =	dma.local @!p0 [hbm:s6], $0xF7A  }
0x23: {  	s9 =	sor.u32 $0xD0000000, s2;
	s6 =	simm.s32 $0x108;
	_ =	swait.ge @!p0 [sflag:s8], $0x0  }
0x24: {  	s3 =	sadd.s32 $0x88, s3;
	s6 =	simm.s32 @!p1 $0x1082;
	[sflag:s4] =	ssyncset.s32 $0xFFFFF086  }
0x25: {  	[simem:s6], [sflag:s4] =	dma.local [hbm:s3], $0xF7A  }
0x26: {  	[smem:$0x3F9B] =	sst s1;
	(tag) =	ssettag s2;
	_ =	strace s9  }
0x27: {  	s1 =	sld [smem:$0x3FAB]  }
0x28: {  	s2 =	sld [smem:$0x3FAC]  }
0x29: {  	s4 =	sld [smem:$0x3FAE]  }
0x2a: {  	p0 =	seq.s32 s5, $0x0;
	s5 =	sld [smem:$0x3FAF]  }
0x2b: {  	s6 =	sld [smem:$0x3FB0]  }
0x2c: {  	s7 =	sld [smem:$0x3FB1]  }
0x2d: {  	s3 =	simm.s32 $0x108;
	s8 =	sld [smem:$0x3FB2]  }
0x2e: {  	s3 =	simm.s32 @!p0 $0x1082;
	s9 =	sld [smem:$0x3FB3]  }
0x2f: {  	lr =	sadd.s32 s0, s3;
	s0 =	sld [smem:$0x3FAA]  }
0x30: {  	s3 =	sld [smem:$0x3FAD]  }
0x31: {  	[smem:$0x3FB6] =	sst s10  }
0x32: {  	s10 =	sld [smem:$0x3FB4];
	_ =	sdelay $0x3  }
0x33: {  	p0 =	seq.s32 s10, $0x1;
	s10 =	sld [smem:$0x3FB6];
	_ =	sdelay $0x3  }
0x34: {  	[smem:$0x3FB6] =	sst s10  }
0x35: {  	s10 =	sld [smem:$0x3FB5];
	_ =	sdelay $0x3  }
0x36: {  	p1 =	seq.s32 s10, $0x1;
	s10 =	sld [smem:$0x3FB6];
	_ =	sdelay $0x3  }
0x37: {  	[smem:$0x3FB6] =	sst s10  }
0x38: {  	s10 =	sld [smem:$0x3FB7]  }
0x39: {  	_ = 	snop;
	(pc) =	sbr.ind lr, $3  }
0x3a: {  	_ = 	snop  }
0x3b: {  	_ = 	snop  }
0x3c: {  	p2 =	seq.s32 s10, $0x1;
	s10 =	sld [smem:$0x3FB6]  }
0x3d: {  	_ =	shalt  }
0x3e: {  	_ =	shalt  }
0x3f: {  	_ =	shalt  }
0x40: {  	_ =	shalt  }
0x41: {  	_ =	shalt  }
0x42: {  	_ =	shalt  }
0x43: {  	_ =	shalt  }
0x44: {  	_ =	shalt  }
0x45: {  	_ =	shalt  }
0x46: {  	_ =	shalt  }
0x47: {  	_ =	shalt  }
0x48: {  	_ =	shalt  }
0x49: {  	_ =	shalt  }
0x4a: {  	_ =	shalt  }
0x4b: {  	_ =	shalt  }
0x4c: {  	_ =	shalt  }
0x4d: {  	_ =	shalt  }
0x4e: {  	_ =	shalt  }
0x4f: {  	_ =	shalt  }
0x50: {  	_ =	shalt  }
0x51: {  	_ =	shalt  }
0x52: {  	_ =	shalt  }
0x53: {  	_ =	shalt  }
0x54: {  	_ =	shalt  }
0x55: {  	_ =	shalt  }
0x56: {  	_ =	shalt  }
0x57: {  	_ =	shalt  }
0x58: {  	_ =	shalt  }
0x59: {  	_ =	shalt  }
0x5a: {  	_ =	shalt  }
0x5b: {  	_ =	shalt  }
0x5c: {  	_ =	shalt  }
0x5d: {  	_ =	shalt  }
0x5e: {  	_ =	shalt  }
0x5f: {  	_ =	shalt  }
0x60: {  	_ =	shalt  }
0x61: {  	_ =	shalt  }
0x62: {  	_ =	shalt  }
0x63: {  	_ =	shalt  }
0x64: {  	_ =	shalt  }
0x65: {  	_ =	shalt  }
0x66: {  	_ =	shalt  }
0x67: {  	_ =	shalt  }
0x68: {  	_ =	shalt  }
0x69: {  	_ =	shalt  }
0x6a: {  	_ =	shalt  }
0x6b: {  	_ =	shalt  }
0x6c: {  	_ =	shalt  }
0x6d: {  	_ =	shalt  }
0x6e: {  	_ =	shalt  }
0x6f: {  	_ =	shalt  }
0x70: {  	_ =	shalt  }
0x71: {  	_ =	shalt  }
0x72: {  	_ =	shalt  }
0x73: {  	_ =	shalt  }
0x74: {  	_ =	shalt  }
0x75: {  	_ =	shalt  }
0x76: {  	_ =	shalt  }
0x77: {  	_ =	shalt  }
0x78: {  	_ =	shalt  }
0x79: {  	_ =	shalt  }
0x7a: {  	_ =	shalt  }
0x7b: {  	_ =	shalt  }
0x7c: {  	_ =	shalt  }
0x7d: {  	_ =	shalt  }
0x7e: {  	_ =	shalt  }
0x7f: {  	_ =	shalt  }
0x80: {  	_ =	shalt  }
0x81: {  	_ =	shalt  }
0x82: {  	_ =	shalt  }
0x83: {  	_ =	shalt  }
0x84: {  	_ =	shalt  }
0x85: {  	_ =	shalt  }
0x86: {  	_ =	shalt  }
0x87: {  	_ =	shalt  }
.Lfunc_end0:
.L_simem_size_0:
called_computation_lowered:
.L_overlay_start_0:
0x88: {  	s2 =	sld [smem:$0x3FD9]  }
0x89: {  	s3 =	sld [smem:$0x3FFE];
	_ =	sdelay $0x1  }
0x8a: {  	s1 =	srdreg.scid  }
0x8b: {  	s0 =	sand.u32 $0x1, s1  }
0x8c: {  	s14 =	sshll.u32 s0, $0xA;
	s2 =	sadd.s32 s3, s2  }
0x8d: {  	s2 =	sadd.s32 s2, s14  }
0x8e: {  	[smem:$0x3FC2] =	sst s2  }
0x8f: {  	_ = 	snop  }
0x90: {  	s2 =	sld [smem:$0x3FD0];
	_ =	sdelay $0x2  }
0x91: {  	s4 =	simm.s32 $0xA;
	s5 =	simm.s32 $0x10;
	s15 =	sld [smem:$0x3FC6]  }
0x92: {  	[smem:s5], [sflag:s4] =	dma.local [hbm:s2], $0x1  }
0x93: {  	_ =	swait.eq [sflag:s4], $0x1  }
0x94: {  	[sflag:s4] =	ssyncset.done $0x0  }
0x95: {  	s16 =	sld [smem:$0x11];
	[sflag:s4] =	ssyncadd.s32 $0xFFFFFFFF  }
0x96: {  	s17 =	sld [smem:$0x12];
	(tm) =	ssettm $0x1  }
0x97: {  	s18 =	sld [smem:$0x3FFB];
	_ =	sdelay $0x3  }
0x98: {  	_ =	strace s18  }
0x99: {  	s5 =	sld [smem:$0x3FFC];
	_ =	sdelay $0x3  }
0x9a: {  	_ =	strace s5  }
0x9b: {  	s5 =	sld [smem:$0x3FFD];
	_ =	sdelay $0x3  }
0x9c: {  	_ =	strace s5  }
0x9d: {  	_ =	strace $0x8FFFFFFF  }
0x9e: {  	s19 =	sld [smem:$0x3FDB];
	_ =	sdelay $0x1  }
0x9f: {  	s6 =	simm.s32 $_scs_section_size  }
0xa0: {  	s7 =	simm.s32 $_size__tile_overlayer_lowered;
	s8 =	simm.s32 $_tile_overlayer_lowered  }
0xa1: {  	s22 =	simm.s32 $0x1BFF;
	s21 =	sshll.u32 s8, $0x1;
	s5 =	sadd.s32 s6, s19  }
0xa2: {  	s9 =	simm.s32 $0x0;
	s20 =	sshll.u32 s7, $0x1;
	s7 =	sadd.s32 s21, s5  }
0xa3: {  	[timem:s9], [sflag:s22] =	dma.local [hbm:s7], s20  }
0xa4: {  	_ =	swait.ge [sflag:s22], s20  }
0xa5: {  	s6 =	ssub.s32 $0x0, s20;
	[sflag:s22] =	ssyncset.done $0x0  }
0xa6: {  	[sflag:s22] =	ssyncadd.s32 s6;
	_ =	sdelay $0x1  }
0xa7: {  	s23 =	simm.s32 $0x1B8B  }
0xa8: {  	_ =	swait.ge [sflag:s23], $0x1  }
0xa9: {  	[sflag:s23] =	ssyncset.done $0x0  }
0xaa: {  	s25 =	simm.s32 $0x1B8E;
	s24 =	sld [smem:$0x3FFE];
	[sflag:s23] =	ssyncadd.s32 $0xFFFFFFFF  }
0xab: {  	s26 =	simm.s32 $execute0_lowered;
	[smem:$0x3FD2] =	sst s25  }
0xac: {  	s7 =	sshll.u32 s26, $0x1;
	_ =	strace $0x80000046;
	[dreg:$0x1] =	wrdreg $0xFFFFFFFF  }
0xad: {  	s28 =	simm.s32 $_size_execute0_lowered;
	s5 =	sadd.s32 s5, s7;
	[dreg:$0x0] =	wrdreg $0x0  }
0xae: {  	s7 =	sshll.u32 s28, $0x1;
	[dreg:$0x2] =	wrdreg s5  }
0xaf: {  	[dreg:$0x3] =	wrdreg s7  }
0xb0: {  	[dreg:$0x4] =	wrdreg $0xC0  }
0xb1: {  	_ =	task [dreg:s9], $0x5FFFF  }
0xb2: {  	[dreg:$0x1] =	wrdreg $0xFFFFFFFF  }
0xb3: {  	[dreg:$0x0] =	wrdreg $0x60  }
0xb4: {  	[dreg:$0x2] =	wrdreg s15  }
0xb5: {  	[dreg:$0x3] =	wrdreg s24  }
0xb6: {  	[dreg:$0x4] =	wrdreg s16  }
0xb7: {  	[dreg:$0x5] =	wrdreg s17  }
0xb8: {  	[dreg:$0x6] =	wrdreg $0x9  }
0xb9: {  	_ =	task.clear_ibuf [dreg:s9], $0x7FFFF;
	_ =	strace $0x90000046  }
0xba: {  	s29 =	simm.s32 $0x9;
	_ =	strace $0x80000048  }
0xbb: {  	_ =	swait.ge [sflag:s29], $0x1  }
0xbc: {  	[sflag:s29] =	ssyncadd.s32 $0xFFFFFFFF  }
0xbd: {  	_ =	strace $0x90000048  }
0xbe: {  	_ =	sfence  }
0xbf: {  	s30 =	sld [smem:$0x0];
	_ =	sdelay $0x2  }
0xc0: {  	s31 =	sshll.u32 s1, $0xD;
	s1 =	sshrl.u32 s1, $0x2  }
0xc1: {  	s3 =	sand.u32 $0x4000, s31;
	s1 =	sadd.s32 s1, s30  }
0xc2: {  	s0 =	sor.u32 s3, s0;
	s1 =	sshll.u32 s1, $0x11  }
0xc3: {  	s0 =	sor.u32 s1, s0  }
0xc4: {  	s0 =	sadd.s32 $0x8F2B, s0  }
0xc5: {  	[sflag:s0] =	ssyncadd.remote.s32 $0x1  }
0xc6: {  	_ =	sfence.sel $0xFFFF  }
0xc7: {  	[dreg:$0x0] =	wrdreg $0xFFFFFFFF;
	(pc) =	sbr.abs _section_cstart, $3  }
0xc8: {  	[dreg:$0x1] =	wrdreg $0xFFFFFFFF  }
0xc9: {  	_ =	task.clear_ibuf [dreg:s9], $0x2FFFF;
	_ =	strace $0x9FFFFFFF  }
0xca: {  	(tm) =	ssettm $0x7FFFFFFF  }
0xcb: {  	_ =	shalt  }
tec
execute0_lowered:
.L_overlay_start_1:
0x0: {  	(tag) =	ssettag $0x1  }
0x1: {  	s1 =	rddreg [dreg:$0x0]  }
0x2: {  	s0 =	rddreg [dreg:$0x1]  }
0x3: {  	s4 =	rddreg [dreg:$0x2]  }
0x4: {  	s5 =	rddreg [dreg:$0x3]  }
0x5: {  	s6 =	srdreg.scid;
	s2 =	stileid.u32;
	s3 =	simm.s32 $0x0  }
0x6: {  	s11 =	simm.s32 $0x880;
	s12 =	simm.s32 $0x1080;
	[smem:$0x7FF] =	sst s3  }
0x7: {  	s13 =	simm.s32 $0x1880;
	_ =	strace $0x80000047;
	[dreg:$0x7] =	wrdreg s11  }
0x8: {  	s15 =	simm.s32 $0x2080;
	s17 =	simm.s32 $0x2880;
	[dreg:$0x8] =	wrdreg s12  }
0x9: {  	s18 =	simm.s32 $0x3080;
	s19 =	simm.s32 $0x3880;
	[dreg:$0x9] =	wrdreg s13  }
0xa: {  	s20 =	simm.s32 $0x4080;
	s21 =	simm.s32 $0x4880;
	[dreg:$0xa] =	wrdreg s15  }
0xb: {  	s23 =	simm.s32 $0x5080;
	s24 =	simm.s32 $0x5880;
	[dreg:$0xb] =	wrdreg s17  }
0xc: {  	s26 =	simm.s32 $0x6080;
	s31 =	simm.s32 $0x6880;
	[dreg:$0xc] =	wrdreg s18  }
0xd: {  	s9 =	simm.s32 $0x7080;
	s28 =	simm.s32 $0x1;
	[dreg:$0xd] =	wrdreg s19  }
0xe: {  	s29 =	simm.s32 $0x2;
	s30 =	simm.s32 $0x0;
	[dreg:$0xe] =	wrdreg s20  }
0xf: {  	s6 =	sand.u32 $0x1, s6;
	s7 =	sshll.u32 s2, $0xF;
	[dreg:$0xf] =	wrdreg s21  }
0x10: {  	s14 =	sshll.u32 s2, $0xA;
	s4 =	sadd.s32 s7, s4;
	[dreg:$0x10] =	wrdreg s23  }
0x11: {  	s8 =	sshll.u32 s6, $0xE;
	s5 =	sadd.s32 s7, s5;
	[dreg:$0x11] =	wrdreg s24  }
0x12: {  	s16 =	sshll.u32 s6, $0x9;
	s6 =	ssub.s32 $0x2, s6;
	[dreg:$0x12] =	wrdreg s26  }
0x13: {  	[dreg:$0x13] =	wrdreg s31;
	s11 =	simm.s32 $0x8080;
	s12 =	simm.s32 $0x8880  }
0x14: {  	s13 =	simm.s32 $0x9080;
	s15 =	simm.s32 $0xA080;
	s17 =	simm.s32 $0xB080  }
0x15: {  	s18 =	simm.s32 $0xB880;
	s19 =	simm.s32 $0xC080;
	s20 =	simm.s32 $0xC880  }
0x16: {  	s21 =	simm.s32 $0xD080;
	s23 =	simm.s32 $0xE080;
	s24 =	simm.s32 $0xE880  }
0x17: {  	s26 =	simm.s32 $0xF880;
	s4 =	sadd.s32 s8, s4;
	s10 =	sadd.s32 s8, s5  }
0x18: {  	s7 =	sor.u32 s16, s14;
	s22 =	sshrl.u32 s6, $0x1;
	s8 =	simm.s32 $0x80  }
0x19: {  	s14 =	simm.s32 $0x9880;
	s16 =	simm.s32 $0xA880;
	[dreg:$0x5] =	wrdreg s4  }
0x1a: {  	[dreg:$0x6] =	wrdreg s10;
	s4 =	sadd.s32 $0x2200, s0;
	s7 =	sshrl.u32 s7, $0x3  }
0x1b: {  	v2 =	vlaneseq.u32;
	s6 =	ssub.s32 s6, s22;
	s10 =	simm.s32 $0x7880;
	s22 =	simm.s32 $0xD880  }
0x1c: {  	vm0 =	vmmov $0xffff;
	v1 =	vshrl.u32 v2, $0x3;
	s0 =	sadd.s32 s7, s0;
	s25 =	smax.u32 s6, $0x1;
	s7 =	simm.s32 $0x3  }
0x1d: {  	v0 =	vand.u32 $0x7, v2;
	v2 =	vor.u32 $0x8, v2;
	v1 =	vmul.u32 $0x8, v1;
	[dreg:$0x14] =	wrdreg s25;
	s6 =	sadd.s32 $0x42200, s0;
	s25 =	simm.s32 $0xF080  }
.LBB2_1:
0x1e: {  	s31 =	smov.u32 s6;
	s0 =	simm.s32 $0x0  }
.LBB2_2:
0x1f: {  	[tilespmem:s3], [sflag:$0x3] =	stream.linear.gather [hbm4b:s31+s3], $0x80, $0x38;
	[tilespmem:$0x10080] =	vst v63  }
0x20: {  	_ =	swait.ge [sflag:s7], $0x80  }
0x21: {  	[sflag:s7] =	ssyncset.done $0x0  }
0x22: {  	[sflag:s7] =	ssyncadd.s32 $0xFFFFFF80  }
0x23: {  	v3 =	vld [tilespmem:$0x0];
	_ =	sdelay $0x4  }
0x24: {  	v4 =	vshll.u32 v3, $0x1  }
0x25: {  	v3 =	vand.u32 $0x7, v3;
	v4 =	vand.u32 $0xFFFFFFF0, v4  }
0x26: {  	v3 =	vor.u32 v3, v4  }
0x27: {  	v4 =	vperm.xlane v3, v0;
	_ =	sdelay $0x1  }
0x28: {  	v3 =	vperm.xlane v3, v2;
	v4 =	vadd.s32 v1, v4;
	_ =	sdelay $0x1  }
0x29: {  	v3 =	vadd.s32 v1, v3;
	_ =	sdelay $0x2  }
0x2a: {  	[tilespmem:s8], [sflag:$0x1] =	stream.indirect_vreg.gather [hbm4b:s1+s3], $0x80, v4, vm0, $0xb8;
	[tilespmem:$0x10080] =	vst v63  }
0x2b: {  	s2 =	rddreg [dreg:$0x7]  }
0x2c: {  	[tilespmem:s2], [sflag:$0x1] =	stream.indirect_vreg.gather [hbm4b:s1+s3], $0x80, v3, vm0, $0xb8;
	[tilespmem:$0x10080] =	vst v63  }
0x2d: {  	v3 =	vld [tilespmem:$0x10];
	_ =	sdelay $0x4  }
0x2e: {  	v49 =	vshll.u32 v3, $0x1  }
0x2f: {  	v3 =	vand.u32 $0x7, v3;
	v4 =	vand.u32 $0xFFFFFFF0, v49  }
0x30: {  	v3 =	vor.u32 v3, v4  }
0x31: {  	v4 =	vperm.xlane v3, v0;
	_ =	sdelay $0x1  }
0x32: {  	v3 =	vperm.xlane v3, v2;
	v4 =	vadd.s32 v1, v4;
	_ =	sdelay $0x1  }
0x33: {  	v3 =	vadd.s32 v1, v3;
	_ =	sdelay $0x1  }
0x34: {  	s2 =	rddreg [dreg:$0x8]  }
0x35: {  	[tilespmem:s2], [sflag:$0x1] =	stream.indirect_vreg.gather [hbm4b:s1+s3], $0x80, v4, vm0, $0xb8;
	[tilespmem:$0x10080] =	vst v63  }
0x36: {  	s5 =	rddreg [dreg:$0x9]  }
0x37: {  	[tilespmem:s5], [sflag:$0x1] =	stream.indirect_vreg.gather [hbm4b:s1+s3], $0x80, v3, vm0, $0xb8;
	[tilespmem:$0x10080] =	vst v63  }
0x38: {  	v3 =	vld [tilespmem:$0x20];
	_ =	sdelay $0x4  }
0x39: {  	v50 =	vshll.u32 v3, $0x1  }
0x3a: {  	v3 =	vand.u32 $0x7, v3;
	v4 =	vand.u32 $0xFFFFFFF0, v50  }
0x3b: {  	v3 =	vor.u32 v3, v4  }
0x3c: {  	v4 =	vperm.xlane v3, v0;
	_ =	sdelay $0x1  }
0x3d: {  	v3 =	vperm.xlane v3, v2;
	v4 =	vadd.s32 v1, v4;
	_ =	sdelay $0x1  }
0x3e: {  	v3 =	vadd.s32 v1, v3;
	_ =	sdelay $0x1  }
0x3f: {  	s2 =	rddreg [dreg:$0xa]  }
0x40: {  	[tilespmem:s2], [sflag:$0x1] =	stream.indirect_vreg.gather [hbm4b:s1+s3], $0x80, v4, vm0, $0xb8;
	[tilespmem:$0x10080] =	vst v63  }
0x41: {  	s5 =	rddreg [dreg:$0xb]  }
0x42: {  	[tilespmem:s5], [sflag:$0x1] =	stream.indirect_vreg.gather [hbm4b:s1+s3], $0x80, v3, vm0, $0xb8;
	[tilespmem:$0x10080] =	vst v63  }
0x43: {  	v3 =	vld [tilespmem:$0x30];
	_ =	sdelay $0x4  }
0x44: {  	v51 =	vshll.u32 v3, $0x1  }
0x45: {  	v3 =	vand.u32 $0x7, v3;
	v4 =	vand.u32 $0xFFFFFFF0, v51  }
0x46: {  	v3 =	vor.u32 v3, v4  }
0x47: {  	v4 =	vperm.xlane v3, v0;
	_ =	sdelay $0x1  }
0x48: {  	v3 =	vperm.xlane v3, v2;
	v4 =	vadd.s32 v1, v4;
	_ =	sdelay $0x1  }
0x49: {  	v3 =	vadd.s32 v1, v3;
	_ =	sdelay $0x1  }
0x4a: {  	s2 =	rddreg [dreg:$0xc]  }
0x4b: {  	[tilespmem:s2], [sflag:$0x1] =	stream.indirect_vreg.gather [hbm4b:s1+s3], $0x80, v4, vm0, $0xb8;
	[tilespmem:$0x10080] =	vst v63  }
0x4c: {  	s5 =	rddreg [dreg:$0xd]  }
0x4d: {  	[tilespmem:s5], [sflag:$0x1] =	stream.indirect_vreg.gather [hbm4b:s1+s3], $0x80, v3, vm0, $0xb8;
	[tilespmem:$0x10080] =	vst v63  }
0x4e: {  	v3 =	vld [tilespmem:$0x40];
	_ =	sdelay $0x4  }
0x4f: {  	v52 =	vshll.u32 v3, $0x1  }
0x50: {  	v3 =	vand.u32 $0x7, v3;
	v4 =	vand.u32 $0xFFFFFFF0, v52  }
0x51: {  	v3 =	vor.u32 v3, v4  }
0x52: {  	v4 =	vperm.xlane v3, v0;
	_ =	sdelay $0x1  }
0x53: {  	v3 =	vperm.xlane v3, v2;
	v4 =	vadd.s32 v1, v4;
	_ =	sdelay $0x1  }
0x54: {  	v3 =	vadd.s32 v1, v3;
	_ =	sdelay $0x1  }
0x55: {  	s2 =	rddreg [dreg:$0xe]  }
0x56: {  	[tilespmem:s2], [sflag:$0x1] =	stream.indirect_vreg.gather [hbm4b:s1+s3], $0x80, v4, vm0, $0xb8;
	[tilespmem:$0x10080] =	vst v63  }
0x57: {  	s5 =	rddreg [dreg:$0xf]  }
0x58: {  	[tilespmem:s5], [sflag:$0x1] =	stream.indirect_vreg.gather [hbm4b:s1+s3], $0x80, v3, vm0, $0xb8;
	[tilespmem:$0x10080] =	vst v63  }
0x59: {  	v3 =	vld [tilespmem:$0x50];
	_ =	sdelay $0x4  }
0x5a: {  	v53 =	vshll.u32 v3, $0x1  }
0x5b: {  	v3 =	vand.u32 $0x7, v3;
	v4 =	vand.u32 $0xFFFFFFF0, v53  }
0x5c: {  	v3 =	vor.u32 v3, v4  }
0x5d: {  	v4 =	vperm.xlane v3, v0;
	_ =	sdelay $0x1  }
0x5e: {  	v3 =	vperm.xlane v3, v2;
	v4 =	vadd.s32 v1, v4;
	_ =	sdelay $0x1  }
0x5f: {  	v3 =	vadd.s32 v1, v3;
	_ =	sdelay $0x1  }
0x60: {  	s2 =	rddreg [dreg:$0x10]  }
0x61: {  	[tilespmem:s2], [sflag:$0x1] =	stream.indirect_vreg.gather [hbm4b:s1+s3], $0x80, v4, vm0, $0xb8;
	[tilespmem:$0x10080] =	vst v63  }
0x62: {  	s5 =	rddreg [dreg:$0x11]  }
0x63: {  	[tilespmem:s5], [sflag:$0x1] =	stream.indirect_vreg.gather [hbm4b:s1+s3], $0x80, v3, vm0, $0xb8;
	[tilespmem:$0x10080] =	vst v63  }
0x64: {  	v3 =	vld [tilespmem:$0x60];
	_ =	sdelay $0x4  }
0x65: {  	v54 =	vshll.u32 v3, $0x1  }
0x66: {  	v3 =	vand.u32 $0x7, v3;
	v4 =	vand.u32 $0xFFFFFFF0, v54  }
0x67: {  	v3 =	vor.u32 v3, v4  }
0x68: {  	v4 =	vperm.xlane v3, v0;
	_ =	sdelay $0x1  }
0x69: {  	v3 =	vperm.xlane v3, v2;
	v4 =	vadd.s32 v1, v4;
	_ =	sdelay $0x1  }
0x6a: {  	v3 =	vadd.s32 v1, v3;
	_ =	sdelay $0x1  }
0x6b: {  	s2 =	rddreg [dreg:$0x12]  }
0x6c: {  	[tilespmem:s2], [sflag:$0x1] =	stream.indirect_vreg.gather [hbm4b:s1+s3], $0x80, v4, vm0, $0xb8;
	[tilespmem:$0x10080] =	vst v63  }
0x6d: {  	s5 =	rddreg [dreg:$0x13]  }
0x6e: {  	[tilespmem:s5], [sflag:$0x1] =	stream.indirect_vreg.gather [hbm4b:s1+s3], $0x80, v3, vm0, $0xb8;
	[tilespmem:$0x10080] =	vst v63  }
0x6f: {  	v3 =	vld [tilespmem:$0x70];
	_ =	sdelay $0x4  }
0x70: {  	v55 =	vshll.u32 v3, $0x1  }
0x71: {  	v3 =	vand.u32 $0x7, v3;
	v4 =	vand.u32 $0xFFFFFFF0, v55  }
0x72: {  	v3 =	vor.u32 v3, v4  }
0x73: {  	v4 =	vperm.xlane v3, v0;
	_ =	sdelay $0x1  }
0x74: {  	v3 =	vperm.xlane v3, v2;
	v4 =	vadd.s32 v1, v4;
	_ =	sdelay $0x1  }
0x75: {  	v3 =	vadd.s32 v1, v3;
	_ =	sdelay $0x2  }
0x76: {  	[tilespmem:s9], [sflag:$0x1] =	stream.indirect_vreg.gather [hbm4b:s1+s3], $0x80, v4, vm0, $0xb8;
	[tilespmem:$0x10080] =	vst v63  }
0x77: {  	_ = 	snop  }
0x78: {  	[tilespmem:s10], [sflag:$0x1] =	stream.indirect_vreg.gather [hbm4b:s1+s3], $0x80, v3, vm0, $0xb8;
	[tilespmem:$0x10080] =	vst v63  }
0x79: {  	v3 =	vld [tilespmem:$0x0];
	_ =	sdelay $0x4  }
0x7a: {  	v56 =	vshll.u32 v3, $0x1  }
0x7b: {  	v3 =	vand.u32 $0x7, v3;
	v4 =	vand.u32 $0xFFFFFFF0, v56  }
0x7c: {  	v3 =	vor.u32 v3, v4  }
0x7d: {  	v4 =	vperm.xlane v3, v0;
	_ =	sdelay $0x1  }
0x7e: {  	v3 =	vperm.xlane v3, v2;
	v4 =	vadd.s32 v1, v4;
	_ =	sdelay $0x1  }
0x7f: {  	v3 =	vadd.s32 v1, v3;
	_ =	sdelay $0x2  }
0x80: {  	[tilespmem:s11], [sflag:$0x2] =	stream.indirect_vreg.gather [hbm4b:s4+s3], $0x80, v4, vm0, $0xb8;
	[tilespmem:$0x10080] =	vst v63  }
0x81: {  	_ = 	snop  }
0x82: {  	[tilespmem:s12], [sflag:$0x2] =	stream.indirect_vreg.gather [hbm4b:s4+s3], $0x80, v3, vm0, $0xb8;
	[tilespmem:$0x10080] =	vst v63  }
0x83: {  	v3 =	vld [tilespmem:$0x10];
	_ =	sdelay $0x4  }
0x84: {  	v57 =	vshll.u32 v3, $0x1  }
0x85: {  	v3 =	vand.u32 $0x7, v3;
	v4 =	vand.u32 $0xFFFFFFF0, v57  }
0x86: {  	v3 =	vor.u32 v3, v4  }
0x87: {  	v4 =	vperm.xlane v3, v0;
	_ =	sdelay $0x1  }
0x88: {  	v3 =	vperm.xlane v3, v2;
	v4 =	vadd.s32 v1, v4;
	_ =	sdelay $0x1  }
0x89: {  	v3 =	vadd.s32 v1, v3;
	_ =	sdelay $0x2  }
0x8a: {  	[tilespmem:s13], [sflag:$0x2] =	stream.indirect_vreg.gather [hbm4b:s4+s3], $0x80, v4, vm0, $0xb8;
	[tilespmem:$0x10080] =	vst v63  }
0x8b: {  	_ = 	snop  }
0x8c: {  	[tilespmem:s14], [sflag:$0x2] =	stream.indirect_vreg.gather [hbm4b:s4+s3], $0x80, v3, vm0, $0xb8;
	[tilespmem:$0x10080] =	vst v63  }
0x8d: {  	v3 =	vld [tilespmem:$0x20];
	_ =	sdelay $0x4  }
0x8e: {  	v58 =	vshll.u32 v3, $0x1  }
0x8f: {  	v3 =	vand.u32 $0x7, v3;
	v4 =	vand.u32 $0xFFFFFFF0, v58  }
0x90: {  	v3 =	vor.u32 v3, v4  }
0x91: {  	v4 =	vperm.xlane v3, v0;
	_ =	sdelay $0x1  }
0x92: {  	v3 =	vperm.xlane v3, v2;
	v4 =	vadd.s32 v1, v4;
	_ =	sdelay $0x1  }
0x93: {  	v3 =	vadd.s32 v1, v3;
	_ =	sdelay $0x2  }
0x94: {  	[tilespmem:s15], [sflag:$0x2] =	stream.indirect_vreg.gather [hbm4b:s4+s3], $0x80, v4, vm0, $0xb8;
	[tilespmem:$0x10080] =	vst v63  }
0x95: {  	_ = 	snop  }
0x96: {  	[tilespmem:s16], [sflag:$0x2] =	stream.indirect_vreg.gather [hbm4b:s4+s3], $0x80, v3, vm0, $0xb8;
	[tilespmem:$0x10080] =	vst v63  }
0x97: {  	v3 =	vld [tilespmem:$0x30];
	_ =	sdelay $0x4  }
0x98: {  	v59 =	vshll.u32 v3, $0x1  }
0x99: {  	v3 =	vand.u32 $0x7, v3;
	v4 =	vand.u32 $0xFFFFFFF0, v59  }
0x9a: {  	v3 =	vor.u32 v3, v4  }
0x9b: {  	v4 =	vperm.xlane v3, v0;
	_ =	sdelay $0x1  }
0x9c: {  	v3 =	vperm.xlane v3, v2;
	v4 =	vadd.s32 v1, v4;
	_ =	sdelay $0x1  }
0x9d: {  	v3 =	vadd.s32 v1, v3;
	_ =	sdelay $0x2  }
0x9e: {  	[tilespmem:s17], [sflag:$0x2] =	stream.indirect_vreg.gather [hbm4b:s4+s3], $0x80, v4, vm0, $0xb8;
	[tilespmem:$0x10080] =	vst v63  }
0x9f: {  	_ = 	snop  }
0xa0: {  	[tilespmem:s18], [sflag:$0x2] =	stream.indirect_vreg.gather [hbm4b:s4+s3], $0x80, v3, vm0, $0xb8;
	[tilespmem:$0x10080] =	vst v63  }
0xa1: {  	v3 =	vld [tilespmem:$0x40];
	_ =	sdelay $0x4  }
0xa2: {  	v60 =	vshll.u32 v3, $0x1  }
0xa3: {  	v3 =	vand.u32 $0x7, v3;
	v4 =	vand.u32 $0xFFFFFFF0, v60  }
0xa4: {  	v3 =	vor.u32 v3, v4  }
0xa5: {  	v4 =	vperm.xlane v3, v0;
	_ =	sdelay $0x1  }
0xa6: {  	v3 =	vperm.xlane v3, v2;
	v4 =	vadd.s32 v1, v4;
	_ =	sdelay $0x1  }
0xa7: {  	v3 =	vadd.s32 v1, v3;
	_ =	sdelay $0x2  }
0xa8: {  	[tilespmem:s19], [sflag:$0x2] =	stream.indirect_vreg.gather [hbm4b:s4+s3], $0x80, v4, vm0, $0xb8;
	[tilespmem:$0x10080] =	vst v63  }
0xa9: {  	_ = 	snop  }
0xaa: {  	[tilespmem:s20], [sflag:$0x2] =	stream.indirect_vreg.gather [hbm4b:s4+s3], $0x80, v3, vm0, $0xb8;
	[tilespmem:$0x10080] =	vst v63  }
0xab: {  	v3 =	vld [tilespmem:$0x50];
	_ =	sdelay $0x4  }
0xac: {  	v61 =	vshll.u32 v3, $0x1  }
0xad: {  	v3 =	vand.u32 $0x7, v3;
	v4 =	vand.u32 $0xFFFFFFF0, v61  }
0xae: {  	v3 =	vor.u32 v3, v4  }
0xaf: {  	v4 =	vperm.xlane v3, v0;
	_ =	sdelay $0x1  }
0xb0: {  	v3 =	vperm.xlane v3, v2;
	v4 =	vadd.s32 v1, v4;
	_ =	sdelay $0x1  }
0xb1: {  	v3 =	vadd.s32 v1, v3;
	_ =	sdelay $0x2  }
0xb2: {  	[tilespmem:s21], [sflag:$0x2] =	stream.indirect_vreg.gather [hbm4b:s4+s3], $0x80, v4, vm0, $0xb8;
	[tilespmem:$0x10080] =	vst v63  }
0xb3: {  	_ = 	snop  }
0xb4: {  	[tilespmem:s22], [sflag:$0x2] =	stream.indirect_vreg.gather [hbm4b:s4+s3], $0x80, v3, vm0, $0xb8;
	[tilespmem:$0x10080] =	vst v63  }
0xb5: {  	v3 =	vld [tilespmem:$0x60];
	_ =	sdelay $0x4  }
0xb6: {  	v62 =	vshll.u32 v3, $0x1  }
0xb7: {  	v3 =	vand.u32 $0x7, v3;
	v4 =	vand.u32 $0xFFFFFFF0, v62  }
0xb8: {  	v3 =	vor.u32 v3, v4  }
0xb9: {  	v4 =	vperm.xlane v3, v0;
	_ =	sdelay $0x1  }
0xba: {  	v3 =	vperm.xlane v3, v2;
	v4 =	vadd.s32 v1, v4;
	_ =	sdelay $0x1  }
0xbb: {  	v3 =	vadd.s32 v1, v3;
	_ =	sdelay $0x2  }
0xbc: {  	[tilespmem:s23], [sflag:$0x2] =	stream.indirect_vreg.gather [hbm4b:s4+s3], $0x80, v4, vm0, $0xb8;
	[tilespmem:$0x10080] =	vst v63  }
0xbd: {  	_ = 	snop  }
0xbe: {  	[tilespmem:s24], [sflag:$0x2] =	stream.indirect_vreg.gather [hbm4b:s4+s3], $0x80, v3, vm0, $0xb8;
	[tilespmem:$0x10080] =	vst v63  }
0xbf: {  	v3 =	vld [tilespmem:$0x70];
	_ =	sdelay $0x4  }
0xc0: {  	v63 =	vshll.u32 v3, $0x1  }
0xc1: {  	v3 =	vand.u32 $0x7, v3;
	v4 =	vand.u32 $0xFFFFFFF0, v63  }
0xc2: {  	v3 =	vor.u32 v3, v4  }
0xc3: {  	v4 =	vperm.xlane v3, v0;
	_ =	sdelay $0x1  }
0xc4: {  	v3 =	vperm.xlane v3, v2;
	v4 =	vadd.s32 v1, v4;
	_ =	sdelay $0x1  }
0xc5: {  	v3 =	vadd.s32 v1, v3;
	_ =	sdelay $0x2  }
0xc6: {  	[tilespmem:s25], [sflag:$0x2] =	stream.indirect_vreg.gather [hbm4b:s4+s3], $0x80, v4, vm0, $0xb8;
	[tilespmem:$0x10080] =	vst v63  }
0xc7: {  	_ = 	snop  }
0xc8: {  	[tilespmem:s26], [sflag:$0x2] =	stream.indirect_vreg.gather [hbm4b:s4+s3], $0x80, v3, vm0, $0xb8;
	[tilespmem:$0x10080] =	vst v63  }
0xc9: {  	_ =	swait.ge [sflag:s28], $0x8000  }
0xca: {  	[sflag:s28] =	ssyncset.done $0x0  }
0xcb: {  	[sflag:s28] =	ssyncadd.s32 $0xFFFF8000  }
0xcc: {  	_ =	swait.ge [sflag:s29], $0x8000  }
0xcd: {  	s5 =	rddreg [dreg:$0x5];
	[sflag:s29] =	ssyncset.done $0x0  }
0xce: {  	[sflag:s29] =	ssyncadd.s32 $0xFFFF8000;
	s2 =	sadd.s32 s0, s5  }
0xcf: {  	[hbm4b:s2+s3] =	stream.linear.scatter [tilespmem:s8], [sflag:$0x3], $0x8000, $0x38;
	[tilespmem:$0x10080] =	vst v63  }
0xd0: {  	_ =	swait.ge [sflag:s7], $0x8000  }
0xd1: {  	p0 =	sne.s32 s0, $0x3000;
	s5 =	rddreg [dreg:$0x6];
	[sflag:s7] =	ssyncset.done $0x0  }
.Ltmp0:
0xd2: {  	[sflag:s7] =	ssyncadd.s32 $0xFFFF8000;
	s2 =	sadd.s32 s0, s5;
	(pc) =	sbr.rel @p0 .LBB2_2-.Ltmp0, $4  }
0xd3: {  	[hbm4b:s2+s3] =	stream.linear.scatter [tilespmem:s11], [sflag:$0x3], $0x8000, $0x38;
	[tilespmem:$0x10080] =	vst v63  }
0xd4: {  	_ =	swait.ge [sflag:s7], $0x8000  }
0xd5: {  	[sflag:s7] =	ssyncset.done $0x0  }
0xd6: {  	s31 =	sadd.s32 $0x10, s31;
	s0 =	sadd.s32 $0x1000, s0;
	[sflag:s7] =	ssyncadd.s32 $0xFFFF8000  }
0xd7: {  	s30 =	sadd.s32 $0x1, s30;
	s0 =	rddreg [dreg:$0x14]  }
0xd8: {  	p0 =	sne.s32 s30, s0  }
.Ltmp1:
0xd9: {  	_ = 	snop;
	(pc) =	sbr.rel @p0 .LBB2_1-.Ltmp1, $1  }
0xda: {  	_ =	sdelay $0x3  }
0xdb: {  	_ =	sfence.sel $0x180000  }
0xdc: {  	[bflag:$0x0] =	sbarrier.arrive $0xFFFF  }
0xdd: {  	_ =	strace $0x90000047  }
0xde: {  	s0 =	stileid.u32;
	[bflag:$0x2] =	sbarrier.arrive $0xFFFF  }
0xdf: {  	p0 =	sne.s32 s0, $0x0;
	s0 =	rddreg [dreg:$0x4]  }
0xe0: {  	s0 =	sadd.s32 @!p0 $0x100000, s0  }
0xe1: {  	[sflag:s0] =	ssyncadd.tile.s32 @!p0 $0x1;
	_ =	shalt  }
.Lfunc_end2:
_tile_overlayer_lowered:
.L_overlay_start_2:
0xe2: {  	(tag) =	ssettag $0x2  }
0xe3: {  	s0 =	rddreg [dreg:$0x0];
	s2 =	stileid.u32  }
0xe4: {  	s1 =	rddreg [dreg:$0x1];
	p0 =	sne.s32 s2, $0x0  }
0xe5: {  	s3 =	rddreg [dreg:$0x2];
	[bflag:$0x3] =	sbarrier.arrive $0xFFFF;
	s2 =	simm.s32 @!p0 $0x1C03  }
0xe6: {  	[timem:s3], [sflag:s2] =	dma.local @!p0 [hbm:s0], s1  }
0xe7: {  	s0 =	simm.s32 @!p0 $0x3  }
0xe8: {  	_ =	swait.ge @!p0 [sflag:s0], s1  }
0xe9: {  	s1 =	ssub.s32 @!p0 $0x0, s1;
	[sflag:s0] =	ssyncset.done @!p0 $0x0  }
0xea: {  	[sflag:s0] =	ssyncadd.s32 @!p0 s1  }
0xeb: {  	[bflag:$0x3] =	sbarrier.arrive $0xFFFF  }
0xec: {  	_ =	shalt  }

</sc_bundles>
